<compile_context>
chip_gen: v7x
topology: tpu7x:2x2x1
jax: 0.10.2.dev20260603
libtpu: 0.0.44.dev20260713+nightly
codegen_flags: <defaults>
</compile_context>

<pallas_src>
import functools

import jax
import jax.numpy as jnp
from jax import lax
from jax.experimental import pallas as pl
from jax.experimental.pallas import tpu as pltpu
from jax.experimental.pallas import tpu_sc as plsc

N_NODES = 32000
N_EDGES = 1024000
N_GRAPHS = 32
NF, EF, UF, HID = 16, 8, 32, 64
OUT_COLS = 499500

_NC, _NS = 2, 16
_NW = _NC * _NS
_IW = 128
_EPW = N_EDGES // _NW
_RPW = _EPW // _IW
_NB = 10
_NG = _RPW // _NB
_EROWS = N_EDGES // _IW

_f32 = jnp.float32
_i32 = jnp.int32



def _sc_mesh():
    return plsc.VectorSubcoreMesh(core_axis_name="c", subcore_axis_name="s")


def _gather_rows_loop(tbl, idxv, out_hbm, rows, sem, r0):
    def grp(g, carry):
        cps = []
        for b in range(_NB):
            cps.append(pltpu.async_copy(tbl.at[idxv.at[g * _NB + b]],
                                        rows.at[b], sem))
        for cp in cps:
            cp.wait()
        pltpu.sync_copy(rows, out_hbm.at[pl.ds(r0 + g * _NB, _NB)])
        return carry
    lax.fori_loop(0, _NG, grp, 0)


def _make_gather():
    out_type = jax.ShapeDtypeStruct((2, _EROWS, _IW, NF), _f32)
    scratch = [pltpu.VMEM((_RPW, _IW), _i32),
               pltpu.VMEM((_NB, _IW, NF), _f32),
               pltpu.VMEM_SHARED((N_NODES, NF), _f32),
               pltpu.SemaphoreType.DMA]

    def body(x_r, src_r, dst_r, xg_o, idxv, rows, shx, sem):
        s = lax.axis_index("s")
        w = s * _NC + lax.axis_index("c")
        r0 = w * _RPW

        @pl.when(s == 0)
        def _():
            pltpu.sync_copy(x_r, shx)
        plsc.subcore_barrier()
        pltpu.sync_copy(src_r.at[w], idxv)
        _gather_rows_loop(shx, idxv, xg_o.at[0], rows, sem, r0)
        pltpu.sync_copy(dst_r.at[w], idxv)
        _gather_rows_loop(shx, idxv, xg_o.at[1], rows, sem, r0)

    return pl.kernel(body, out_type=out_type, mesh=_sc_mesh(),
                     scratch_types=scratch,
                     compiler_params=pltpu.CompilerParams(
                         use_tc_tiling_on_sc=False))


def _make_scatter():
    out_type = jax.ShapeDtypeStruct((_NC, N_NODES, 16), _f32)
    scratch = [pltpu.VMEM((_RPW, _IW), _i32),
               pltpu.VMEM((_NB, _IW, 16), _f32),
               pltpu.VMEM_SHARED((N_NODES, 16), _f32)]

    def body(vals_r, dst_r, zeros_r, out_r, idxv, valsb, shared):
        c = lax.axis_index("c")
        s = lax.axis_index("s")
        w = s * _NC + c
        r0 = w * _RPW

        @pl.when(s == 0)
        def _():
            pltpu.sync_copy(zeros_r, shared)
        plsc.subcore_barrier()

        pltpu.sync_copy(dst_r.at[w], idxv)

        def grp(g, carry):
            pltpu.sync_copy(vals_r.at[pl.ds(r0 + g * _NB, _NB)], valsb)
            for b in range(_NB):
                pltpu.sync_copy(valsb.at[b], shared.at[idxv.at[g * _NB + b]],
                                add=True)
            return carry
        lax.fori_loop(0, _NG, grp, 0)

        plsc.subcore_barrier()

        @pl.when(s == 0)
        def _():
            pltpu.sync_copy(shared, out_r.at[c])

    return pl.kernel(body, out_type=out_type, mesh=_sc_mesh(),
                     scratch_types=scratch,
                     compiler_params=pltpu.CompilerParams(
                         use_tc_tiling_on_sc=False))



_BE = 8192
_BN = 3200
_BC = 8192


def _dot(a, b):
    return jnp.dot(a, b, preferred_element_type=_f32)


_PK = 8
_PROWS = N_EDGES // _PK
_BPR = _BE // _PK


def _full(shape):
    nd = len(shape)
    return pl.BlockSpec(shape, lambda i, _n=nd: (0,) * _n)


def _edge1_body(xg, eap, srcp, wu, lo_r, hi_r, rep,
                wxd, we, b1, w2, b2, o):
    v = xg[...]
    xsd = jnp.concatenate([v[0], v[1]], axis=1)
    srcb = _dot(srcp[...], rep[...])
    oh = ((srcb >= lo_r[...]) & (srcb < hi_r[...])).astype(_f32)
    h = (_dot(xsd, wxd[...])
         + _dot(eap[...], we[...]) + _dot(oh, wu[...]) + b1[...])
    h = jnp.maximum(h, 0.0)
    o[...] = _dot(h, w2[...]) + b2[...]


def _edge23_body(xg, v1, srcp, wu, lo_r, hi_r, rep,
                 wxd, we, b1, w2, b2, o):
    v = xg[...]
    xsd = jnp.concatenate([v[0], v[1]], axis=1)
    srcb = _dot(srcp[...], rep[...])
    oh = ((srcb >= lo_r[...]) & (srcb < hi_r[...])).astype(_f32)
    e1 = jnp.maximum(v1[...], 0.0)
    h = (_dot(xsd, wxd[...])
         + _dot(e1, we[...]) + _dot(oh, wu[...]) + b1[...])
    h = jnp.maximum(h, 0.0)
    o[...] = _dot(h, w2[...]) + b2[...]


def _edge_call(body, extra, extra_spec, weights, xgp, srcp, wu, lo_r, hi_r,
               rep):
    wspecs = [_full(w.shape) for w in weights]
    return pl.pallas_call(
        body,
        grid=(N_EDGES // _BE,),
        in_specs=([pl.BlockSpec((2, _BPR, 128), lambda i: (0, i, 0)),
                   extra_spec,
                   pl.BlockSpec((_BPR, _PK), lambda i: (i, 0)),
                   _full(wu.shape), _full((1, 32 * _PK)),
                   _full((1, 32 * _PK)), _full((_PK, 32 * _PK))] + wspecs),
        out_specs=pl.BlockSpec((_BPR, 128), lambda i: (i, 0)),
        out_shape=jax.ShapeDtypeStruct((_PROWS, 128), _f32),
    )(xgp, extra, srcp, wu, lo_r, hi_r, rep, *weights)


def _uprep_body(u, w1u, Vc, Hc, Mc, lo, hi, rg, wu_o, lo_o, hi_o):
    uproj = _dot(u[...], w1u[...])
    wu_o[...] = _dot(_dot(Vc[...], uproj), Hc[...]) * Mc[...]
    lo_o[...] = _dot(lo[...].astype(_f32), rg[...])
    hi_o[...] = _dot(hi[...].astype(_f32), rg[...])


def _uprep_call(u_in, w1u, Vc, Hc, Mc, lo, hi, rg):
    hid = w1u.shape[1]
    return pl.pallas_call(
        _uprep_body,
        grid=(1,),
        in_specs=[_full(u_in.shape), _full(w1u.shape), _full(Vc.shape),
                  _full(Hc.shape), _full(Mc.shape), _full((1, N_GRAPHS)),
                  _full((1, N_GRAPHS)), _full(rg.shape)],
        out_specs=[_full((32 * _PK, _PK * hid)), _full((1, 32 * _PK)),
                   _full((1, 32 * _PK))],
        out_shape=[jax.ShapeDtypeStruct((32 * _PK, _PK * hid), _f32),
                   jax.ShapeDtypeStruct((1, 32 * _PK), _f32),
                   jax.ShapeDtypeStruct((1, 32 * _PK), _f32)],
    )(u_in, w1u, Vc, Hc, Mc, lo, hi, rg)


_BB = 3200


def _bounds_body(bcol, tri, lo_o, hi_o, C):
    i = pl.program_id(0)
    oh = (bcol[...] == lax.broadcasted_iota(_i32, (_BB, N_GRAPHS), 1)
          ).astype(_f32)

    @pl.when(i == 0)
    def _():
        C[...] = jnp.zeros_like(C)

    C[...] += jnp.sum(oh, axis=0, keepdims=True)

    @pl.when(i == pl.num_programs(0) - 1)
    def _():
        cnt = C[...]
        lo = _dot(cnt, tri[...])
        lo_o[...] = lo.astype(_i32)
        hi_o[...] = (lo + cnt).astype(_i32)


def _bounds_call(bcol):
    tri = (lax.broadcasted_iota(_i32, (N_GRAPHS, N_GRAPHS), 0)
           < lax.broadcasted_iota(_i32, (N_GRAPHS, N_GRAPHS), 1)).astype(_f32)
    return pl.pallas_call(
        _bounds_body,
        grid=(N_NODES // _BB,),
        in_specs=[pl.BlockSpec((_BB, 1), lambda i: (i, 0)),
                  _full((N_GRAPHS, N_GRAPHS))],
        out_specs=[_full((1, N_GRAPHS)), _full((1, N_GRAPHS))],
        out_shape=[jax.ShapeDtypeStruct((1, N_GRAPHS), _i32),
                   jax.ShapeDtypeStruct((1, N_GRAPHS), _i32)],
        scratch_shapes=[pltpu.VMEM((1, N_GRAPHS), _f32)],
    )(bcol, tri)


def _node1_body(xr, aggr, bcol, bt8, u,
                w1x, w1a, w1u, b1, w2, b2, wgu, wgx, bg1, wg2, bg2,
                x1_o, u1_o, S, C):
    i = pl.program_id(0)
    a2 = aggr[...]
    aggs = a2[0] + a2[1]
    deg = jnp.maximum(aggs[:, 8:9], 1.0)
    aggn = aggs / deg
    oh = (bcol[...] == lax.broadcasted_iota(_i32, (_BN, N_GRAPHS), 1)
          ).astype(_f32)
    uproj = _dot(u[...], w1u[...])
    h = (_dot(xr[...], w1x[...]) + _dot(aggn, w1a[...]) + _dot(oh, uproj)
         + b1[...])
    h = jnp.maximum(h, 0.0)
    x2 = _dot(h, w2[...]) + b2[...]
    x1_o[...] = jnp.maximum(x2, 0.0)

    ohT = (lax.broadcasted_iota(_i32, (N_GRAPHS, _BN), 0) == bt8[0:1, :]
           ).astype(_f32)

    @pl.when(i == 0)
    def _():
        S[...] = jnp.zeros_like(S)
        C[...] = jnp.zeros_like(C)

    S[...] += _dot(ohT, x2)
    C[...] += jnp.sum(ohT, axis=1, keepdims=True)

    @pl.when(i == pl.num_programs(0) - 1)
    def _():
        Sm = S[...] / jnp.maximum(C[...], 1.0)
        hg = jnp.maximum(_dot(u[...], wgu[...]) + _dot(Sm, wgx[...])
                         + bg1[...], 0.0)
        u1_o[...] = jnp.maximum(_dot(hg, wg2[...]) + bg2[...], 0.0)


def _node23_body(xr, agg1r, agg2r, bcol, bt8, u,
                 nx2, na2, nu2, nb2, nw2, nc2,
                 nx3, na3, nu3, nb3, nw3, nc3,
                 gu2, gx2, gb2, gw2, gc2,
                 gu3, gx3, gb3, gw3, gc3,
                 mu_o, lv_o, S2, S3, C):
    i = pl.program_id(0)
    a1 = agg1r[...]
    deg = jnp.maximum((a1[0] + a1[1])[:, 8:9], 1.0)
    a2 = agg2r[...]
    a = (a2[0] + a2[1]) / deg
    oh = (bcol[...] == lax.broadcasted_iota(_i32, (_BN, N_GRAPHS), 1)
          ).astype(_f32)
    ohT = (lax.broadcasted_iota(_i32, (N_GRAPHS, _BN), 0) == bt8[0:1, :]
           ).astype(_f32)
    xv = xr[...]
    uproj2 = _dot(u[...], nu2[...])
    h2 = jnp.maximum(_dot(xv, nx2[...]) + _dot(a, na2[...]) + _dot(oh, uproj2)
                     + nb2[...], 0.0)
    x2b = _dot(h2, nw2[...]) + nc2[...]
    uproj3 = _dot(u[...], nu3[...])
    h3 = jnp.maximum(_dot(xv, nx3[...]) + _dot(a, na3[...]) + _dot(oh, uproj3)
                     + nb3[...], 0.0)
    x3b = _dot(h3, nw3[...]) + nc3[...]

    @pl.when(i == 0)
    def _():
        S2[...] = jnp.zeros_like(S2)
        S3[...] = jnp.zeros_like(S3)
        C[...] = jnp.zeros_like(C)

    S2[...] += _dot(ohT, x2b)
    S3[...] += _dot(ohT, x3b)
    C[...] += jnp.sum(ohT, axis=1, keepdims=True)

    @pl.when(i == pl.num_programs(0) - 1)
    def _():
        cc = jnp.maximum(C[...], 1.0)
        Sm2 = S2[...] / cc
        hg2 = jnp.maximum(_dot(u[...], gu2[...]) + _dot(Sm2, gx2[...])
                          + gb2[...], 0.0)
        mu_o[...] = _dot(hg2, gw2[...]) + gc2[...]
        Sm3 = S3[...] / cc
        hg3 = jnp.maximum(_dot(u[...], gu3[...]) + _dot(Sm3, gx3[...])
                          + gb3[...], 0.0)
        lv_o[...] = _dot(hg3, gw3[...]) + gc3[...]


def _dec_body(mu, lv, ep, w1, b1, w2, b2, o):
    std = jnp.exp(0.5 * lv[...])
    z = mu[...] + ep[...] * std
    h = jnp.maximum(_dot(z, w1[...]) + b1[...], 0.0)
    o[...] = jax.nn.sigmoid(_dot(h, w2[...]) + b2[...])



def _split_edge_w(W1):
    return W1[0:NF], W1[NF:2 * NF], W1[2 * NF:2 * NF + EF], W1[2 * NF + EF:]


def kernel(x, edge_index, edge_attr, u, batch, eps, params):
    src = edge_index[0].reshape(_NW, _RPW, _IW)
    dst = edge_index[1].reshape(_NW, _RPW, _IW)
    zeros16 = jnp.zeros((N_NODES, 16), _f32)
    bcol = batch.reshape(N_NODES, 1)
    bt8 = jnp.broadcast_to(batch.reshape(1, N_NODES), (8, N_NODES))

    eyeP = jnp.eye(_PK, dtype=_f32)

    def bd(w):
        return jnp.kron(eyeP, w)

    def tile_row(b):
        return jnp.tile(b.reshape(1, -1), (1, _PK))

    (e1W1, e1b1), (e1W2, e1b2) = params['gc1']['edge']
    w1x1, w1d1, w1e1, w1u1 = _split_edge_w(e1W1)
    w2p1 = jnp.concatenate([e1W2, jnp.zeros((HID, 8), _f32)], axis=1)
    b2p1 = jnp.concatenate([e1b2, jnp.ones((1,), _f32),
                            jnp.zeros((7,), _f32)])
    ew1 = [jnp.concatenate([bd(w1x1), bd(w1d1)], axis=0), bd(w1e1),
           tile_row(e1b1), bd(w2p1), tile_row(b2p1)]

    (e2W1, e2b1), (e2W2, e2b2) = params['gc2']['edge']
    (e3W1, e3b1), (e3W2, e3b2) = params['gc3']['edge']
    x2s, d2s, ee2, uu2 = _split_edge_w(e2W1)
    x3s, d3s, ee3, uu3 = _split_edge_w(e3W1)
    z64 = jnp.zeros((HID, 8), _f32)
    w1x23 = jnp.concatenate([x2s, x3s], axis=1)
    w1d23 = jnp.concatenate([d2s, d3s], axis=1)
    w1e23 = jnp.concatenate([jnp.concatenate([ee2, ee3], axis=1),
                             jnp.zeros((8, 2 * HID), _f32)], axis=0)
    w1u23 = jnp.concatenate([uu2, uu3], axis=1)
    b123 = jnp.concatenate([e2b1, e3b1])
    w2bd23 = jnp.concatenate([jnp.concatenate([e2W2, z64], axis=1),
                              jnp.concatenate([z64, e3W2], axis=1)], axis=0)
    b223 = jnp.concatenate([e2b2, e3b2])
    ew23 = [jnp.concatenate([bd(w1x23), bd(w1d23)], axis=0), bd(w1e23),
            tile_row(b123), bd(w2bd23), tile_row(b223)]

    Vc = jnp.kron(jnp.eye(N_GRAPHS, dtype=_f32), jnp.ones((_PK, 1), _f32))
    H1c = jnp.kron(jnp.ones((1, _PK), _f32), jnp.eye(HID, dtype=_f32))
    M1c = jnp.kron(jnp.ones((N_GRAPHS, 1), _f32),
                   jnp.kron(eyeP, jnp.ones((1, HID), _f32)))
    H23c = jnp.kron(jnp.ones((1, _PK), _f32),
                    jnp.eye(2 * HID, dtype=_f32))
    M23c = jnp.kron(jnp.ones((N_GRAPHS, 1), _f32),
                    jnp.kron(eyeP, jnp.ones((1, 2 * HID), _f32)))
    RGc = jnp.kron(jnp.eye(N_GRAPHS, dtype=_f32), jnp.ones((1, _PK), _f32))
    REPc = jnp.kron(jnp.ones((1, N_GRAPHS), _f32), eyeP)

    def node_w(p):
        (W1, b1), (W2, b2) = p
        return (W1[0:NF], W1[NF:NF + EF], W1[NF + EF:],
                b1.reshape(1, HID), W2, b2.reshape(1, NF))

    def glob_w(p):
        (W1, b1), (W2, b2) = p
        return (W1[0:UF], W1[UF:], b1.reshape(1, HID), W2,
                b2.reshape(1, UF))

    z8 = jnp.zeros((8, HID), _f32)
    nx1, na1, nu1, nb1, nw1, nc1 = node_w(params['gc1']['node'])
    na1p = jnp.concatenate([na1, z8], axis=0)
    g1 = glob_w(params['gc1']['global'])

    nx2, na2, nu2, nb2, nw2, nc2 = node_w(params['gc2']['node'])
    na2p = jnp.concatenate([na2, z8], axis=0)
    nx3, na3, nu3, nb3, nw3, nc3 = node_w(params['gc3']['node'])
    na3p = jnp.concatenate([z8, na3], axis=0)
    g2 = glob_w(params['gc2']['global'])
    g3 = glob_w(params['gc3']['global'])

    fc1W, fc1b = params['fc1']
    fc2W, fc2b = params['fc2']

    lo, hi = _bounds_call(bcol)
    wu1, lo_r, hi_r = _uprep_call(u, w1u1, Vc, H1c, M1c, lo, hi, RGc)
    srcp = edge_index[0].astype(_f32).reshape(_PROWS, _PK)
    eap = edge_attr.reshape(_PROWS, EF * _PK)
    gather = _make_gather()
    scatter = _make_scatter()
    xg1 = gather(x, src, dst).reshape(2, _PROWS, 128)
    ea_spec = pl.BlockSpec((_BPR, EF * _PK), lambda i: (i, 0))
    vals1 = _edge_call(_edge1_body, eap, ea_spec, ew1, xg1, srcp,
                       wu1, lo_r, hi_r, REPc)
    agg1 = scatter(vals1.reshape(_EROWS, _IW, 16), dst, zeros16)

    nspecs = [pl.BlockSpec((_BN, NF), lambda i: (i, 0)),
              pl.BlockSpec((2, _BN, 16), lambda i: (0, i, 0)),
              pl.BlockSpec((_BN, 1), lambda i: (i, 0)),
              pl.BlockSpec((8, _BN), lambda i: (0, i))]
    w_b1 = [nx1, na1p, nu1, nb1, nw1, nc1] + list(g1)
    x1, u1 = pl.pallas_call(
        _node1_body,
        grid=(N_NODES // _BN,),
        in_specs=nspecs + [_full(u.shape)] + [_full(w.shape) for w in w_b1],
        out_specs=[pl.BlockSpec((_BN, NF), lambda i: (i, 0)),
                   _full((N_GRAPHS, UF))],
        out_shape=[jax.ShapeDtypeStruct((N_NODES, NF), _f32),
                   jax.ShapeDtypeStruct((N_GRAPHS, UF), _f32)],
        scratch_shapes=[pltpu.VMEM((N_GRAPHS, NF), _f32),
                        pltpu.VMEM((N_GRAPHS, 1), _f32)],
    )(x, agg1, bcol, bt8, u, *w_b1)

    wu23, _, _ = _uprep_call(u1, w1u23, Vc, H23c, M23c, lo, hi, RGc)
    xg2 = gather(x1, src, dst).reshape(2, _PROWS, 128)
    v1_spec = pl.BlockSpec((_BPR, 128), lambda i: (i, 0))
    vals2 = _edge_call(_edge23_body, vals1, v1_spec, ew23, xg2, srcp,
                       wu23, lo_r, hi_r, REPc)
    agg2 = scatter(vals2.reshape(_EROWS, _IW, 16), dst, zeros16)

    w_b2 = [nx2, na2p, nu2, nb2, nw2, nc2,
            nx3, na3p, nu3, nb3, nw3, nc3] + list(g2) + list(g3)
    n2specs = [pl.BlockSpec((_BN, NF), lambda i: (i, 0)),
               pl.BlockSpec((2, _BN, 16), lambda i: (0, i, 0)),
               pl.BlockSpec((2, _BN, 16), lambda i: (0, i, 0)),
               pl.BlockSpec((_BN, 1), lambda i: (i, 0)),
               pl.BlockSpec((8, _BN), lambda i: (0, i))]
    mu, logvar = pl.pallas_call(
        _node23_body,
        grid=(N_NODES // _BN,),
        in_specs=n2specs + [_full(u.shape)] + [_full(w.shape) for w in w_b2],
        out_specs=[_full((N_GRAPHS, UF)), _full((N_GRAPHS, UF))],
        out_shape=[jax.ShapeDtypeStruct((N_GRAPHS, UF), _f32),
                   jax.ShapeDtypeStruct((N_GRAPHS, UF), _f32)],
        scratch_shapes=[pltpu.VMEM((N_GRAPHS, NF), _f32),
                        pltpu.VMEM((N_GRAPHS, NF), _f32),
                        pltpu.VMEM((N_GRAPHS, 1), _f32)],
    )(x1, agg1, agg2, bcol, bt8, u1, *w_b2)

    out = pl.pallas_call(
        _dec_body,
        grid=(pl.cdiv(OUT_COLS, _BC),),
        in_specs=[_full((N_GRAPHS, UF)), _full((N_GRAPHS, UF)),
                  _full((N_GRAPHS, UF)), _full(fc1W.shape),
                  _full((1, 100)),
                  pl.BlockSpec((100, _BC), lambda i: (0, i)),
                  pl.BlockSpec((1, _BC), lambda i: (0, i))],
        out_specs=pl.BlockSpec((N_GRAPHS, _BC), lambda i: (0, i)),
        out_shape=jax.ShapeDtypeStruct((N_GRAPHS, OUT_COLS), _f32),
    )(mu, logvar, eps, fc1W, fc1b.reshape(1, 100), fc2W,
      fc2b.reshape(1, OUT_COLS))

    return out, mu, logvar

# --- scband reference (transcript-rebuilt; emitter-appended) ---
"""Pipeline reference for scband-mp-vae-7078106104498 (READ-ONLY COPY).

The authoritative reference and input builder live on the scoring server;
editing this copy changes nothing except your own understanding.
"""

import jax, jax.numpy as jnp
import numpy as np

N_NODES = 32000
N_EDGES = 1024000
N_GRAPHS = 32
NF, EF, UF, H = 16, 8, 32, 64
N_PER = 1000
OUT_DIM = (N_PER * N_PER - N_PER) // 2


def _lin_init(key, i, o):
    return (jax.random.normal(key, (i, o), jnp.float32) / np.sqrt(i), jnp.zeros((o,), jnp.float32))


def _mlp_init(key, i, h, o):
    k1, k2 = jax.random.split(key)
    return (_lin_init(k1, i, h), _lin_init(k2, h, o))


def _mlp(x, p):
    (W1, b1), (W2, b2) = p
    return jax.nn.relu(x @ W1 + b1) @ W2 + b2


def _meta_params(key):
    k1, k2, k3 = jax.random.split(key, 3)
    return {
        'edge': _mlp_init(k1, 2 * NF + EF + UF, H, EF),
        'node': _mlp_init(k2, NF + EF + UF, H, NF),
        'global': _mlp_init(k3, UF + NF, H, UF),
    }


def _seg_mean(vals, ids, n):
    s = jax.ops.segment_sum(vals, ids, num_segments=n)
    c = jax.ops.segment_sum(jnp.ones((vals.shape[0], 1), vals.dtype), ids, num_segments=n)
    return s / jnp.maximum(c, 1.0)


def _meta_layer(p, x, edge_index, edge_attr, u, batch):
    src, dst = edge_index[0], edge_index[1]
    e_in = jnp.concatenate([x[src], x[dst], edge_attr, u[batch[src]]], axis=1)
    e2 = _mlp(e_in, p['edge'])
    agg = _seg_mean(e2, dst, x.shape[0])
    n_in = jnp.concatenate([x, agg, u[batch]], axis=1)
    x2 = _mlp(n_in, p['node'])
    g_in = jnp.concatenate([u, _seg_mean(x2, batch, u.shape[0])], axis=1)
    u2 = _mlp(g_in, p['global'])
    return x2, e2, u2


def setup_inputs(seed: int = 0):
    key = jax.random.key(seed)
    ks = jax.random.split(key, 12)
    x = jax.random.normal(ks[0], (N_NODES, NF), jnp.float32)
    edge_index = jax.random.randint(ks[1], (2, N_EDGES), 0, N_NODES, jnp.int32)
    edge_attr = jax.random.normal(ks[2], (N_EDGES, EF), jnp.float32)
    u = jax.random.normal(ks[3], (N_GRAPHS, UF), jnp.float32)
    batch = jnp.sort(jax.random.randint(ks[4], (N_NODES,), 0, N_GRAPHS, jnp.int32))
    eps = jax.random.normal(ks[5], (N_GRAPHS, UF), jnp.float32)
    params = {
        'gc1': _meta_params(ks[6]),
        'gc2': _meta_params(ks[7]),
        'gc3': _meta_params(ks[8]),
        'fc1': _lin_init(ks[9], UF, 100),
        'fc2': _lin_init(ks[10], 100, OUT_DIM),
    }
    return {'x': x, 'edge_index': edge_index, 'edge_attr': edge_attr, 'u': u, 'batch': batch, 'eps': eps, 'params': params}


def reference(x, edge_index, edge_attr, u, batch, eps, params):
    x1, e1, u1 = _meta_layer(params['gc1'], x, edge_index, edge_attr, u, batch)
    x1 = jax.nn.relu(x1)
    e1 = jax.nn.relu(e1)
    u1 = jax.nn.relu(u1)
    _, _, mu = _meta_layer(params['gc2'], x1, edge_index, e1, u1, batch)
    _, _, logvar = _meta_layer(params['gc3'], x1, edge_index, e1, u1, batch)
    std = jnp.exp(0.5 * logvar)
    z = mu + eps * std
    W1, b1 = params['fc1']
    W2, b2 = params['fc2']
    h = jax.nn.relu(z @ W1 + b1)
    out = jax.nn.sigmoid(h @ W2 + b2)
    return (out, mu, logvar)

if __name__ == "__main__":
    import jax
    _d = setup_inputs()
    print(jax.jit(kernel)(*tuple(_d.values())))

</pallas_src>

<mosaic_0001>
#map = affine_map<(d0, d1) -> (0, 0, 0)>
#map1 = affine_map<(d0, d1) -> (0, 0)>
module attributes {stable_mosaic.version = 14 : i64} {
  func.func @body(%arg0: i32, %arg1: i32, %arg2: memref<8000x128x16xf32, #tpu.memory_space<hbm>>, %arg3: memref<32x250x128xi32, #tpu.memory_space<hbm>>, %arg4: memref<32000x16xf32, #tpu.memory_space<hbm>>, %arg5: memref<2x32000x16xf32, #tpu.memory_space<hbm>>, %arg6: memref<250x128xi32, #tpu.memory_space<vmem>>, %arg7: memref<10x128x16xf32, #tpu.memory_space<vmem>>, %arg8: memref<32000x16xf32, #tpu.memory_space<vmem_shared>>) attributes {dimension_semantics = [#tpu.dimension_semantics<core_parallel>, #tpu.dimension_semantics<subcore_parallel>], iteration_bounds = array<i64: 2, 16>, scalar_prefetch = 0 : i64, scratch_operands = 3 : i64, tpu.core_type = #tpu.core_type<sc_vector_subcore>, window_params = [{transform_indices = #map}, {transform_indices = #map}, {transform_indices = #map1}, {transform_indices = #map}]} {
    %mul3A = arith.constant 2 : i32
    %mul3A_0 = arith.muli %arg1, %mul3A : i32
    %add3A = arith.addi %mul3A_0, %arg0 : i32
    %mul3A_1 = arith.constant 250 : i32
    %mul3A_2 = arith.muli %add3A, %mul3A_1 : i32
    %eq3A = arith.constant 0 : i32
    %eq3A_3 = arith.cmpi eq, %arg1, %eq3A : i32
    %convert_element_type3A = arith.extui %eq3A_3 : i1 to i32
    %cond3A = arith.constant 0 : i32
    %cond3A_4 = arith.cmpi ne, %convert_element_type3A, %cond3A : i32
    scf.if %cond3A_4 {
      "tpu.region"() ({
        %run_scoped3A = tpu.sem_alloc : memref<!tpu.dma_semaphore, #tpu.memory_space<semaphore_mem>>
        tpu.enqueue_dma source(%arg4 : memref<32000x16xf32, #tpu.memory_space<hbm>>) target(%arg8 : memref<32000x16xf32, #tpu.memory_space<vmem_shared>>) target_semaphore(%run_scoped3A : memref<!tpu.dma_semaphore, #tpu.memory_space<semaphore_mem>>)
        tpu.wait_dma2 semaphore(%run_scoped3A : memref<!tpu.dma_semaphore, #tpu.memory_space<semaphore_mem>>) src(%arg4 : memref<32000x16xf32, #tpu.memory_space<hbm>>) dst(%arg8 : memref<32000x16xf32, #tpu.memory_space<vmem_shared>>)
        tpu.yield
      }) : () -> ()
    } else {
    }
    %barrier3A = arith.constant 0 : index
    tpu.barrier barrier_id(%barrier3A)
    "tpu.region"() ({
      %run_scoped3A = tpu.sem_alloc : memref<!tpu.dma_semaphore, #tpu.memory_space<semaphore_mem>>
      %dma_start3A = arith.constant 0 : i32
      %dma_start3A_16 = arith.constant 0 : i32
      %dma_start3A_17 = tpu.memref_slice %arg3[%add3A, %dma_start3A, %dma_start3A_16] : memref<32x250x128xi32, #tpu.memory_space<hbm>> -> memref<1x250x128xi32, #tpu.memory_space<hbm>>
      %dma_start3A_18 = tpu.memref_squeeze %dma_start3A_17 : memref<1x250x128xi32, #tpu.memory_space<hbm>> -> memref<250x128xi32, #tpu.memory_space<hbm>>
      %dma_start3A_19 = arith.constant 0 : i32
      %dma_start3A_20 = arith.constant 0 : i32
      %dma_start3A_21 = tpu.memref_slice %arg3[%add3A, %dma_start3A_19, %dma_start3A_20] : memref<32x250x128xi32, #tpu.memory_space<hbm>> -> memref<1x250x128xi32, #tpu.memory_space<hbm>>
      %dma_start3A_22 = tpu.memref_squeeze %dma_start3A_21 : memref<1x250x128xi32, #tpu.memory_space<hbm>> -> memref<250x128xi32, #tpu.memory_space<hbm>>
      tpu.enqueue_dma source(%dma_start3A_22 : memref<250x128xi32, #tpu.memory_space<hbm>>) target(%arg6 : memref<250x128xi32, #tpu.memory_space<vmem>>) target_semaphore(%run_scoped3A : memref<!tpu.dma_semaphore, #tpu.memory_space<semaphore_mem>>)
      %dma_wait3A = arith.constant 0 : i32
      %dma_wait3A_23 = arith.constant 0 : i32
      %dma_wait3A_24 = tpu.memref_slice %arg3[%add3A, %dma_wait3A, %dma_wait3A_23] : memref<32x250x128xi32, #tpu.memory_space<hbm>> -> memref<1x250x128xi32, #tpu.memory_space<hbm>>
      %dma_wait3A_25 = tpu.memref_squeeze %dma_wait3A_24 : memref<1x250x128xi32, #tpu.memory_space<hbm>> -> memref<250x128xi32, #tpu.memory_space<hbm>>
      %dma_wait3A_26 = arith.constant 0 : i32
      %dma_wait3A_27 = arith.constant 0 : i32
      %dma_wait3A_28 = tpu.memref_slice %arg3[%add3A, %dma_wait3A_26, %dma_wait3A_27] : memref<32x250x128xi32, #tpu.memory_space<hbm>> -> memref<1x250x128xi32, #tpu.memory_space<hbm>>
      %dma_wait3A_29 = tpu.memref_squeeze %dma_wait3A_28 : memref<1x250x128xi32, #tpu.memory_space<hbm>> -> memref<250x128xi32, #tpu.memory_space<hbm>>
      tpu.wait_dma2 semaphore(%run_scoped3A : memref<!tpu.dma_semaphore, #tpu.memory_space<semaphore_mem>>) src(%dma_wait3A_29 : memref<250x128xi32, #tpu.memory_space<hbm>>) dst(%arg6 : memref<250x128xi32, #tpu.memory_space<vmem>>)
      tpu.yield
    }) : () -> ()
    %scan3A = arith.constant 0 : i32
    %scan3A_5 = arith.constant 0 : i32
    %scan3A_6 = arith.constant 25 : i32
    %scan3A_7 = arith.addi %scan3A_5, %scan3A_6 : i32
    %scan3A_8 = arith.constant 1 : i32
    scf.for %scan3A_16 = %scan3A_5 to %scan3A_7 step %scan3A_8  : i32 {
      %mul3A_17 = arith.constant 10 : i32
      %mul3A_18 = arith.muli %scan3A_16, %mul3A_17 : i32
      %add3A_19 = arith.addi %mul3A_2, %mul3A_18 : i32
      "tpu.region"() ({
        %run_scoped3A_69 = tpu.sem_alloc : memref<!tpu.dma_semaphore, #tpu.memory_space<semaphore_mem>>
        %dma_start3A = arith.constant 0 : i32
        %dma_start3A_70 = arith.constant 0 : i32
        %dma_start3A_71 = tpu.memref_slice %arg2[%add3A_19, %dma_start3A, %dma_start3A_70] : memref<8000x128x16xf32, #tpu.memory_space<hbm>> -> memref<10x128x16xf32, #tpu.memory_space<hbm>>
        %dma_start3A_72 = arith.constant 0 : i32
        %dma_start3A_73 = arith.constant 0 : i32
        %dma_start3A_74 = tpu.memref_slice %arg2[%add3A_19, %dma_start3A_72, %dma_start3A_73] : memref<8000x128x16xf32, #tpu.memory_space<hbm>> -> memref<10x128x16xf32, #tpu.memory_space<hbm>>
        tpu.enqueue_dma source(%dma_start3A_74 : memref<10x128x16xf32, #tpu.memory_space<hbm>>) target(%arg7 : memref<10x128x16xf32, #tpu.memory_space<vmem>>) target_semaphore(%run_scoped3A_69 : memref<!tpu.dma_semaphore, #tpu.memory_space<semaphore_mem>>)
        %dma_wait3A = arith.constant 0 : i32
        %dma_wait3A_75 = arith.constant 0 : i32
        %dma_wait3A_76 = tpu.memref_slice %arg2[%add3A_19, %dma_wait3A, %dma_wait3A_75] : memref<8000x128x16xf32, #tpu.memory_space<hbm>> -> memref<10x128x16xf32, #tpu.memory_space<hbm>>
        %dma_wait3A_77 = arith.constant 0 : i32
        %dma_wait3A_78 = arith.constant 0 : i32
        %dma_wait3A_79 = tpu.memref_slice %arg2[%add3A_19, %dma_wait3A_77, %dma_wait3A_78] : memref<8000x128x16xf32, #tpu.memory_space<hbm>> -> memref<10x128x16xf32, #tpu.memory_space<hbm>>
        tpu.wait_dma2 semaphore(%run_scoped3A_69 : memref<!tpu.dma_semaphore, #tpu.memory_space<semaphore_mem>>) src(%dma_wait3A_79 : memref<10x128x16xf32, #tpu.memory_space<hbm>>) dst(%arg7 : memref<10x128x16xf32, #tpu.memory_space<vmem>>)
        tpu.yield
      }) : () -> ()
      %mul3A_20 = arith.constant 10 : i32
      %mul3A_21 = arith.muli %scan3A_16, %mul3A_20 : i32
      %add3A_22 = arith.constant 0 : i32
      %add3A_23 = arith.addi %mul3A_21, %add3A_22 : i32
      %run_scoped3A = arith.constant 0 : i32
      "tpu.region"() ({
        %run_scoped3A_69 = tpu.sem_alloc : memref<!tpu.dma_semaphore, #tpu.memory_space<semaphore_mem>>
        %dma_start3A = arith.constant 0 : i32
        %dma_start3A_70 = arith.constant 0 : i32
        %dma_start3A_71 = tpu.memref_slice %arg7[%run_scoped3A, %dma_start3A, %dma_start3A_70] : memref<10x128x16xf32, #tpu.memory_space<vmem>> -> memref<1x128x16xf32, #tpu.memory_space<vmem>>
        %dma_start3A_72 = tpu.memref_squeeze %dma_start3A_71 : memref<1x128x16xf32, #tpu.memory_space<vmem>> -> memref<128x16xf32, #tpu.memory_space<vmem>>
        %dma_start3A_73 = arith.constant 0 : i32
        %dma_start3A_74 = tpu.memref_slice %arg6[%add3A_23, %dma_start3A_73] : memref<250x128xi32, #tpu.memory_space<vmem>> -> memref<1x128xi32, #tpu.memory_space<vmem>>
        %dma_start3A_75 = tpu.memref_squeeze %dma_start3A_74 : memref<1x128xi32, #tpu.memory_space<vmem>> -> memref<128xi32, #tpu.memory_space<vmem>>
        %dma_start3A_76 = arith.constant 0 : i32
        %dma_start3A_77 = arith.constant 0 : i32
        %dma_start3A_78 = tpu.memref_slice %arg8[%dma_start3A_76, %dma_start3A_77] : memref<32000x16xf32, #tpu.memory_space<vmem_shared>> -> memref<32000x16xf32, #tpu.memory_space<vmem_shared>>
        tpu.enqueue_indirect_dma source(%dma_start3A_72 : memref<128x16xf32, #tpu.memory_space<vmem>>) target(%dma_start3A_78 : memref<32000x16xf32, #tpu.memory_space<vmem_shared>>) offsets(%dma_start3A_75 : memref<128xi32, #tpu.memory_space<vmem>>) semaphore(%run_scoped3A_69 : memref<!tpu.dma_semaphore, #tpu.memory_space<semaphore_mem>>) {add = true}
        %dma_wait3A = arith.constant 0 : i32
        %dma_wait3A_79 = arith.constant 0 : i32
        %dma_wait3A_80 = tpu.memref_slice %arg7[%run_scoped3A, %dma_wait3A, %dma_wait3A_79] : memref<10x128x16xf32, #tpu.memory_space<vmem>> -> memref<1x128x16xf32, #tpu.memory_space<vmem>>
        %dma_wait3A_81 = tpu.memref_squeeze %dma_wait3A_80 : memref<1x128x16xf32, #tpu.memory_space<vmem>> -> memref<128x16xf32, #tpu.memory_space<vmem>>
        %dma_wait3A_82 = arith.constant 0 : i32
        %dma_wait3A_83 = tpu.memref_slice %arg6[%add3A_23, %dma_wait3A_82] : memref<250x128xi32, #tpu.memory_space<vmem>> -> memref<1x128xi32, #tpu.memory_space<vmem>>
        %dma_wait3A_84 = tpu.memref_squeeze %dma_wait3A_83 : memref<1x128xi32, #tpu.memory_space<vmem>> -> memref<128xi32, #tpu.memory_space<vmem>>
        %dma_wait3A_85 = arith.constant 0 : i32
        %dma_wait3A_86 = arith.constant 0 : i32
        %dma_wait3A_87 = tpu.memref_slice %arg8[%dma_wait3A_85, %dma_wait3A_86] : memref<32000x16xf32, #tpu.memory_space<vmem_shared>> -> memref<32000x16xf32, #tpu.memory_space<vmem_shared>>
        tpu.wait_indirect_dma semaphore(%run_scoped3A_69 : memref<!tpu.dma_semaphore, #tpu.memory_space<semaphore_mem>>) src(%dma_wait3A_81 : memref<128x16xf32, #tpu.memory_space<vmem>>) dst(%dma_wait3A_87 : memref<32000x16xf32, #tpu.memory_space<vmem_shared>>)
        tpu.yield
      }) : () -> ()
      %mul3A_24 = arith.constant 10 : i32
      %mul3A_25 = arith.muli %scan3A_16, %mul3A_24 : i32
      %add3A_26 = arith.constant 1 : i32
      %add3A_27 = arith.addi %mul3A_25, %add3A_26 : i32
      %run_scoped3A_28 = arith.constant 1 : i32
      "tpu.region"() ({
        %run_scoped3A_69 = tpu.sem_alloc : memref<!tpu.dma_semaphore, #tpu.memory_space<semaphore_mem>>
        %dma_start3A = arith.constant 0 : i32
        %dma_start3A_70 = arith.constant 0 : i32
        %dma_start3A_71 = tpu.memref_slice %arg7[%run_scoped3A_28, %dma_start3A, %dma_start3A_70] : memref<10x128x16xf32, #tpu.memory_space<vmem>> -> memref<1x128x16xf32, #tpu.memory_space<vmem>>
        %dma_start3A_72 = tpu.memref_squeeze %dma_start3A_71 : memref<1x128x16xf32, #tpu.memory_space<vmem>> -> memref<128x16xf32, #tpu.memory_space<vmem>>
        %dma_start3A_73 = arith.constant 0 : i32
        %dma_start3A_74 = tpu.memref_slice %arg6[%add3A_27, %dma_start3A_73] : memref<250x128xi32, #tpu.memory_space<vmem>> -> memref<1x128xi32, #tpu.memory_space<vmem>>
        %dma_start3A_75 = tpu.memref_squeeze %dma_start3A_74 : memref<1x128xi32, #tpu.memory_space<vmem>> -> memref<128xi32, #tpu.memory_space<vmem>>
        %dma_start3A_76 = arith.constant 0 : i32
        %dma_start3A_77 = arith.constant 0 : i32
        %dma_start3A_78 = tpu.memref_slice %arg8[%dma_start3A_76, %dma_start3A_77] : memref<32000x16xf32, #tpu.memory_space<vmem_shared>> -> memref<32000x16xf32, #tpu.memory_space<vmem_shared>>
        tpu.enqueue_indirect_dma source(%dma_start3A_72 : memref<128x16xf32, #tpu.memory_space<vmem>>) target(%dma_start3A_78 : memref<32000x16xf32, #tpu.memory_space<vmem_shared>>) offsets(%dma_start3A_75 : memref<128xi32, #tpu.memory_space<vmem>>) semaphore(%run_scoped3A_69 : memref<!tpu.dma_semaphore, #tpu.memory_space<semaphore_mem>>) {add = true}
        %dma_wait3A = arith.constant 0 : i32
        %dma_wait3A_79 = arith.constant 0 : i32
        %dma_wait3A_80 = tpu.memref_slice %arg7[%run_scoped3A_28, %dma_wait3A, %dma_wait3A_79] : memref<10x128x16xf32, #tpu.memory_space<vmem>> -> memref<1x128x16xf32, #tpu.memory_space<vmem>>
        %dma_wait3A_81 = tpu.memref_squeeze %dma_wait3A_80 : memref<1x128x16xf32, #tpu.memory_space<vmem>> -> memref<128x16xf32, #tpu.memory_space<vmem>>
        %dma_wait3A_82 = arith.constant 0 : i32
        %dma_wait3A_83 = tpu.memref_slice %arg6[%add3A_27, %dma_wait3A_82] : memref<250x128xi32, #tpu.memory_space<vmem>> -> memref<1x128xi32, #tpu.memory_space<vmem>>
        %dma_wait3A_84 = tpu.memref_squeeze %dma_wait3A_83 : memref<1x128xi32, #tpu.memory_space<vmem>> -> memref<128xi32, #tpu.memory_space<vmem>>
        %dma_wait3A_85 = arith.constant 0 : i32
        %dma_wait3A_86 = arith.constant 0 : i32
        %dma_wait3A_87 = tpu.memref_slice %arg8[%dma_wait3A_85, %dma_wait3A_86] : memref<32000x16xf32, #tpu.memory_space<vmem_shared>> -> memref<32000x16xf32, #tpu.memory_space<vmem_shared>>
        tpu.wait_indirect_dma semaphore(%run_scoped3A_69 : memref<!tpu.dma_semaphore, #tpu.memory_space<semaphore_mem>>) src(%dma_wait3A_81 : memref<128x16xf32, #tpu.memory_space<vmem>>) dst(%dma_wait3A_87 : memref<32000x16xf32, #tpu.memory_space<vmem_shared>>)
        tpu.yield
      }) : () -> ()
      %mul3A_29 = arith.constant 10 : i32
      %mul3A_30 = arith.muli %scan3A_16, %mul3A_29 : i32
      %add3A_31 = arith.constant 2 : i32
      %add3A_32 = arith.addi %mul3A_30, %add3A_31 : i32
      %run_scoped3A_33 = arith.constant 2 : i32
      "tpu.region"() ({
        %run_scoped3A_69 = tpu.sem_alloc : memref<!tpu.dma_semaphore, #tpu.memory_space<semaphore_mem>>
        %dma_start3A = arith.constant 0 : i32
        %dma_start3A_70 = arith.constant 0 : i32
        %dma_start3A_71 = tpu.memref_slice %arg7[%run_scoped3A_33, %dma_start3A, %dma_start3A_70] : memref<10x128x16xf32, #tpu.memory_space<vmem>> -> memref<1x128x16xf32, #tpu.memory_space<vmem>>
        %dma_start3A_72 = tpu.memref_squeeze %dma_start3A_71 : memref<1x128x16xf32, #tpu.memory_space<vmem>> -> memref<128x16xf32, #tpu.memory_space<vmem>>
        %dma_start3A_73 = arith.constant 0 : i32
        %dma_start3A_74 = tpu.memref_slice %arg6[%add3A_32, %dma_start3A_73] : memref<250x128xi32, #tpu.memory_space<vmem>> -> memref<1x128xi32, #tpu.memory_space<vmem>>
        %dma_start3A_75 = tpu.memref_squeeze %dma_start3A_74 : memref<1x128xi32, #tpu.memory_space<vmem>> -> memref<128xi32, #tpu.memory_space<vmem>>
        %dma_start3A_76 = arith.constant 0 : i32
        %dma_start3A_77 = arith.constant 0 : i32
        %dma_start3A_78 = tpu.memref_slice %arg8[%dma_start3A_76, %dma_start3A_77] : memref<32000x16xf32, #tpu.memory_space<vmem_shared>> -> memref<32000x16xf32, #tpu.memory_space<vmem_shared>>
        tpu.enqueue_indirect_dma source(%dma_start3A_72 : memref<128x16xf32, #tpu.memory_space<vmem>>) target(%dma_start3A_78 : memref<32000x16xf32, #tpu.memory_space<vmem_shared>>) offsets(%dma_start3A_75 : memref<128xi32, #tpu.memory_space<vmem>>) semaphore(%run_scoped3A_69 : memref<!tpu.dma_semaphore, #tpu.memory_space<semaphore_mem>>) {add = true}
        %dma_wait3A = arith.constant 0 : i32
        %dma_wait3A_79 = arith.constant 0 : i32
        %dma_wait3A_80 = tpu.memref_slice %arg7[%run_scoped3A_33, %dma_wait3A, %dma_wait3A_79] : memref<10x128x16xf32, #tpu.memory_space<vmem>> -> memref<1x128x16xf32, #tpu.memory_space<vmem>>
        %dma_wait3A_81 = tpu.memref_squeeze %dma_wait3A_80 : memref<1x128x16xf32, #tpu.memory_space<vmem>> -> memref<128x16xf32, #tpu.memory_space<vmem>>
        %dma_wait3A_82 = arith.constant 0 : i32
        %dma_wait3A_83 = tpu.memref_slice %arg6[%add3A_32, %dma_wait3A_82] : memref<250x128xi32, #tpu.memory_space<vmem>> -> memref<1x128xi32, #tpu.memory_space<vmem>>
        %dma_wait3A_84 = tpu.memref_squeeze %dma_wait3A_83 : memref<1x128xi32, #tpu.memory_space<vmem>> -> memref<128xi32, #tpu.memory_space<vmem>>
        %dma_wait3A_85 = arith.constant 0 : i32
        %dma_wait3A_86 = arith.constant 0 : i32
        %dma_wait3A_87 = tpu.memref_slice %arg8[%dma_wait3A_85, %dma_wait3A_86] : memref<32000x16xf32, #tpu.memory_space<vmem_shared>> -> memref<32000x16xf32, #tpu.memory_space<vmem_shared>>
        tpu.wait_indirect_dma semaphore(%run_scoped3A_69 : memref<!tpu.dma_semaphore, #tpu.memory_space<semaphore_mem>>) src(%dma_wait3A_81 : memref<128x16xf32, #tpu.memory_space<vmem>>) dst(%dma_wait3A_87 : memref<32000x16xf32, #tpu.memory_space<vmem_shared>>)
        tpu.yield
      }) : () -> ()
      %mul3A_34 = arith.constant 10 : i32
      %mul3A_35 = arith.muli %scan3A_16, %mul3A_34 : i32
      %add3A_36 = arith.constant 3 : i32
      %add3A_37 = arith.addi %mul3A_35, %add3A_36 : i32
      %run_scoped3A_38 = arith.constant 3 : i32
      "tpu.region"() ({
        %run_scoped3A_69 = tpu.sem_alloc : memref<!tpu.dma_semaphore, #tpu.memory_space<semaphore_mem>>
        %dma_start3A = arith.constant 0 : i32
        %dma_start3A_70 = arith.constant 0 : i32
        %dma_start3A_71 = tpu.memref_slice %arg7[%run_scoped3A_38, %dma_start3A, %dma_start3A_70] : memref<10x128x16xf32, #tpu.memory_space<vmem>> -> memref<1x128x16xf32, #tpu.memory_space<vmem>>
        %dma_start3A_72 = tpu.memref_squeeze %dma_start3A_71 : memref<1x128x16xf32, #tpu.memory_space<vmem>> -> memref<128x16xf32, #tpu.memory_space<vmem>>
        %dma_start3A_73 = arith.constant 0 : i32
        %dma_start3A_74 = tpu.memref_slice %arg6[%add3A_37, %dma_start3A_73] : memref<250x128xi32, #tpu.memory_space<vmem>> -> memref<1x128xi32, #tpu.memory_space<vmem>>
        %dma_start3A_75 = tpu.memref_squeeze %dma_start3A_74 : memref<1x128xi32, #tpu.memory_space<vmem>> -> memref<128xi32, #tpu.memory_space<vmem>>
        %dma_start3A_76 = arith.constant 0 : i32
        %dma_start3A_77 = arith.constant 0 : i32
        %dma_start3A_78 = tpu.memref_slice %arg8[%dma_start3A_76, %dma_start3A_77] : memref<32000x16xf32, #tpu.memory_space<vmem_shared>> -> memref<32000x16xf32, #tpu.memory_space<vmem_shared>>
        tpu.enqueue_indirect_dma source(%dma_start3A_72 : memref<128x16xf32, #tpu.memory_space<vmem>>) target(%dma_start3A_78 : memref<32000x16xf32, #tpu.memory_space<vmem_shared>>) offsets(%dma_start3A_75 : memref<128xi32, #tpu.memory_space<vmem>>) semaphore(%run_scoped3A_69 : memref<!tpu.dma_semaphore, #tpu.memory_space<semaphore_mem>>) {add = true}
        %dma_wait3A = arith.constant 0 : i32
        %dma_wait3A_79 = arith.constant 0 : i32
        %dma_wait3A_80 = tpu.memref_slice %arg7[%run_scoped3A_38, %dma_wait3A, %dma_wait3A_79] : memref<10x128x16xf32, #tpu.memory_space<vmem>> -> memref<1x128x16xf32, #tpu.memory_space<vmem>>
        %dma_wait3A_81 = tpu.memref_squeeze %dma_wait3A_80 : memref<1x128x16xf32, #tpu.memory_space<vmem>> -> memref<128x16xf32, #tpu.memory_space<vmem>>
        %dma_wait3A_82 = arith.constant 0 : i32
        %dma_wait3A_83 = tpu.memref_slice %arg6[%add3A_37, %dma_wait3A_82] : memref<250x128xi32, #tpu.memory_space<vmem>> -> memref<1x128xi32, #tpu.memory_space<vmem>>
        %dma_wait3A_84 = tpu.memref_squeeze %dma_wait3A_83 : memref<1x128xi32, #tpu.memory_space<vmem>> -> memref<128xi32, #tpu.memory_space<vmem>>
        %dma_wait3A_85 = arith.constant 0 : i32
        %dma_wait3A_86 = arith.constant 0 : i32
        %dma_wait3A_87 = tpu.memref_slice %arg8[%dma_wait3A_85, %dma_wait3A_86] : memref<32000x16xf32, #tpu.memory_space<vmem_shared>> -> memref<32000x16xf32, #tpu.memory_space<vmem_shared>>
        tpu.wait_indirect_dma semaphore(%run_scoped3A_69 : memref<!tpu.dma_semaphore, #tpu.memory_space<semaphore_mem>>) src(%dma_wait3A_81 : memref<128x16xf32, #tpu.memory_space<vmem>>) dst(%dma_wait3A_87 : memref<32000x16xf32, #tpu.memory_space<vmem_shared>>)
        tpu.yield
      }) : () -> ()
      %mul3A_39 = arith.constant 10 : i32
      %mul3A_40 = arith.muli %scan3A_16, %mul3A_39 : i32
      %add3A_41 = arith.constant 4 : i32
      %add3A_42 = arith.addi %mul3A_40, %add3A_41 : i32
      %run_scoped3A_43 = arith.constant 4 : i32
      "tpu.region"() ({
        %run_scoped3A_69 = tpu.sem_alloc : memref<!tpu.dma_semaphore, #tpu.memory_space<semaphore_mem>>
        %dma_start3A = arith.constant 0 : i32
        %dma_start3A_70 = arith.constant 0 : i32
        %dma_start3A_71 = tpu.memref_slice %arg7[%run_scoped3A_43, %dma_start3A, %dma_start3A_70] : memref<10x128x16xf32, #tpu.memory_space<vmem>> -> memref<1x128x16xf32, #tpu.memory_space<vmem>>
        %dma_start3A_72 = tpu.memref_squeeze %dma_start3A_71 : memref<1x128x16xf32, #tpu.memory_space<vmem>> -> memref<128x16xf32, #tpu.memory_space<vmem>>
        %dma_start3A_73 = arith.constant 0 : i32
        %dma_start3A_74 = tpu.memref_slice %arg6[%add3A_42, %dma_start3A_73] : memref<250x128xi32, #tpu.memory_space<vmem>> -> memref<1x128xi32, #tpu.memory_space<vmem>>
        %dma_start3A_75 = tpu.memref_squeeze %dma_start3A_74 : memref<1x128xi32, #tpu.memory_space<vmem>> -> memref<128xi32, #tpu.memory_space<vmem>>
        %dma_start3A_76 = arith.constant 0 : i32
        %dma_start3A_77 = arith.constant 0 : i32
        %dma_start3A_78 = tpu.memref_slice %arg8[%dma_start3A_76, %dma_start3A_77] : memref<32000x16xf32, #tpu.memory_space<vmem_shared>> -> memref<32000x16xf32, #tpu.memory_space<vmem_shared>>
        tpu.enqueue_indirect_dma source(%dma_start3A_72 : memref<128x16xf32, #tpu.memory_space<vmem>>) target(%dma_start3A_78 : memref<32000x16xf32, #tpu.memory_space<vmem_shared>>) offsets(%dma_start3A_75 : memref<128xi32, #tpu.memory_space<vmem>>) semaphore(%run_scoped3A_69 : memref<!tpu.dma_semaphore, #tpu.memory_space<semaphore_mem>>) {add = true}
        %dma_wait3A = arith.constant 0 : i32
        %dma_wait3A_79 = arith.constant 0 : i32
        %dma_wait3A_80 = tpu.memref_slice %arg7[%run_scoped3A_43, %dma_wait3A, %dma_wait3A_79] : memref<10x128x16xf32, #tpu.memory_space<vmem>> -> memref<1x128x16xf32, #tpu.memory_space<vmem>>
        %dma_wait3A_81 = tpu.memref_squeeze %dma_wait3A_80 : memref<1x128x16xf32, #tpu.memory_space<vmem>> -> memref<128x16xf32, #tpu.memory_space<vmem>>
        %dma_wait3A_82 = arith.constant 0 : i32
        %dma_wait3A_83 = tpu.memref_slice %arg6[%add3A_42, %dma_wait3A_82] : memref<250x128xi32, #tpu.memory_space<vmem>> -> memref<1x128xi32, #tpu.memory_space<vmem>>
        %dma_wait3A_84 = tpu.memref_squeeze %dma_wait3A_83 : memref<1x128xi32, #tpu.memory_space<vmem>> -> memref<128xi32, #tpu.memory_space<vmem>>
        %dma_wait3A_85 = arith.constant 0 : i32
        %dma_wait3A_86 = arith.constant 0 : i32
        %dma_wait3A_87 = tpu.memref_slice %arg8[%dma_wait3A_85, %dma_wait3A_86] : memref<32000x16xf32, #tpu.memory_space<vmem_shared>> -> memref<32000x16xf32, #tpu.memory_space<vmem_shared>>
        tpu.wait_indirect_dma semaphore(%run_scoped3A_69 : memref<!tpu.dma_semaphore, #tpu.memory_space<semaphore_mem>>) src(%dma_wait3A_81 : memref<128x16xf32, #tpu.memory_space<vmem>>) dst(%dma_wait3A_87 : memref<32000x16xf32, #tpu.memory_space<vmem_shared>>)
        tpu.yield
      }) : () -> ()
      %mul3A_44 = arith.constant 10 : i32
      %mul3A_45 = arith.muli %scan3A_16, %mul3A_44 : i32
      %add3A_46 = arith.constant 5 : i32
      %add3A_47 = arith.addi %mul3A_45, %add3A_46 : i32
      %run_scoped3A_48 = arith.constant 5 : i32
      "tpu.region"() ({
        %run_scoped3A_69 = tpu.sem_alloc : memref<!tpu.dma_semaphore, #tpu.memory_space<semaphore_mem>>
        %dma_start3A = arith.constant 0 : i32
        %dma_start3A_70 = arith.constant 0 : i32
        %dma_start3A_71 = tpu.memref_slice %arg7[%run_scoped3A_48, %dma_start3A, %dma_start3A_70] : memref<10x128x16xf32, #tpu.memory_space<vmem>> -> memref<1x128x16xf32, #tpu.memory_space<vmem>>
        %dma_start3A_72 = tpu.memref_squeeze %dma_start3A_71 : memref<1x128x16xf32, #tpu.memory_space<vmem>> -> memref<128x16xf32, #tpu.memory_space<vmem>>
        %dma_start3A_73 = arith.constant 0 : i32
        %dma_start3A_74 = tpu.memref_slice %arg6[%add3A_47, %dma_start3A_73] : memref<250x128xi32, #tpu.memory_space<vmem>> -> memref<1x128xi32, #tpu.memory_space<vmem>>
        %dma_start3A_75 = tpu.memref_squeeze %dma_start3A_74 : memref<1x128xi32, #tpu.memory_space<vmem>> -> memref<128xi32, #tpu.memory_space<vmem>>
        %dma_start3A_76 = arith.constant 0 : i32
        %dma_start3A_77 = arith.constant 0 : i32
        %dma_start3A_78 = tpu.memref_slice %arg8[%dma_start3A_76, %dma_start3A_77] : memref<32000x16xf32, #tpu.memory_space<vmem_shared>> -> memref<32000x16xf32, #tpu.memory_space<vmem_shared>>
        tpu.enqueue_indirect_dma source(%dma_start3A_72 : memref<128x16xf32, #tpu.memory_space<vmem>>) target(%dma_start3A_78 : memref<32000x16xf32, #tpu.memory_space<vmem_shared>>) offsets(%dma_start3A_75 : memref<128xi32, #tpu.memory_space<vmem>>) semaphore(%run_scoped3A_69 : memref<!tpu.dma_semaphore, #tpu.memory_space<semaphore_mem>>) {add = true}
        %dma_wait3A = arith.constant 0 : i32
        %dma_wait3A_79 = arith.constant 0 : i32
        %dma_wait3A_80 = tpu.memref_slice %arg7[%run_scoped3A_48, %dma_wait3A, %dma_wait3A_79] : memref<10x128x16xf32, #tpu.memory_space<vmem>> -> memref<1x128x16xf32, #tpu.memory_space<vmem>>
        %dma_wait3A_81 = tpu.memref_squeeze %dma_wait3A_80 : memref<1x128x16xf32, #tpu.memory_space<vmem>> -> memref<128x16xf32, #tpu.memory_space<vmem>>
        %dma_wait3A_82 = arith.constant 0 : i32
        %dma_wait3A_83 = tpu.memref_slice %arg6[%add3A_47, %dma_wait3A_82] : memref<250x128xi32, #tpu.memory_space<vmem>> -> memref<1x128xi32, #tpu.memory_space<vmem>>
        %dma_wait3A_84 = tpu.memref_squeeze %dma_wait3A_83 : memref<1x128xi32, #tpu.memory_space<vmem>> -> memref<128xi32, #tpu.memory_space<vmem>>
        %dma_wait3A_85 = arith.constant 0 : i32
        %dma_wait3A_86 = arith.constant 0 : i32
        %dma_wait3A_87 = tpu.memref_slice %arg8[%dma_wait3A_85, %dma_wait3A_86] : memref<32000x16xf32, #tpu.memory_space<vmem_shared>> -> memref<32000x16xf32, #tpu.memory_space<vmem_shared>>
        tpu.wait_indirect_dma semaphore(%run_scoped3A_69 : memref<!tpu.dma_semaphore, #tpu.memory_space<semaphore_mem>>) src(%dma_wait3A_81 : memref<128x16xf32, #tpu.memory_space<vmem>>) dst(%dma_wait3A_87 : memref<32000x16xf32, #tpu.memory_space<vmem_shared>>)
        tpu.yield
      }) : () -> ()
      %mul3A_49 = arith.constant 10 : i32
      %mul3A_50 = arith.muli %scan3A_16, %mul3A_49 : i32
      %add3A_51 = arith.constant 6 : i32
      %add3A_52 = arith.addi %mul3A_50, %add3A_51 : i32
      %run_scoped3A_53 = arith.constant 6 : i32
      "tpu.region"() ({
        %run_scoped3A_69 = tpu.sem_alloc : memref<!tpu.dma_semaphore, #tpu.memory_space<semaphore_mem>>
        %dma_start3A = arith.constant 0 : i32
        %dma_start3A_70 = arith.constant 0 : i32
        %dma_start3A_71 = tpu.memref_slice %arg7[%run_scoped3A_53, %dma_start3A, %dma_start3A_70] : memref<10x128x16xf32, #tpu.memory_space<vmem>> -> memref<1x128x16xf32, #tpu.memory_space<vmem>>
        %dma_start3A_72 = tpu.memref_squeeze %dma_start3A_71 : memref<1x128x16xf32, #tpu.memory_space<vmem>> -> memref<128x16xf32, #tpu.memory_space<vmem>>
        %dma_start3A_73 = arith.constant 0 : i32
        %dma_start3A_74 = tpu.memref_slice %arg6[%add3A_52, %dma_start3A_73] : memref<250x128xi32, #tpu.memory_space<vmem>> -> memref<1x128xi32, #tpu.memory_space<vmem>>
        %dma_start3A_75 = tpu.memref_squeeze %dma_start3A_74 : memref<1x128xi32, #tpu.memory_space<vmem>> -> memref<128xi32, #tpu.memory_space<vmem>>
        %dma_start3A_76 = arith.constant 0 : i32
        %dma_start3A_77 = arith.constant 0 : i32
        %dma_start3A_78 = tpu.memref_slice %arg8[%dma_start3A_76, %dma_start3A_77] : memref<32000x16xf32, #tpu.memory_space<vmem_shared>> -> memref<32000x16xf32, #tpu.memory_space<vmem_shared>>
        tpu.enqueue_indirect_dma source(%dma_start3A_72 : memref<128x16xf32, #tpu.memory_space<vmem>>) target(%dma_start3A_78 : memref<32000x16xf32, #tpu.memory_space<vmem_shared>>) offsets(%dma_start3A_75 : memref<128xi32, #tpu.memory_space<vmem>>) semaphore(%run_scoped3A_69 : memref<!tpu.dma_semaphore, #tpu.memory_space<semaphore_mem>>) {add = true}
        %dma_wait3A = arith.constant 0 : i32
        %dma_wait3A_79 = arith.constant 0 : i32
        %dma_wait3A_80 = tpu.memref_slice %arg7[%run_scoped3A_53, %dma_wait3A, %dma_wait3A_79] : memref<10x128x16xf32, #tpu.memory_space<vmem>> -> memref<1x128x16xf32, #tpu.memory_space<vmem>>
        %dma_wait3A_81 = tpu.memref_squeeze %dma_wait3A_80 : memref<1x128x16xf32, #tpu.memory_space<vmem>> -> memref<128x16xf32, #tpu.memory_space<vmem>>
        %dma_wait3A_82 = arith.constant 0 : i32
        %dma_wait3A_83 = tpu.memref_slice %arg6[%add3A_52, %dma_wait3A_82] : memref<250x128xi32, #tpu.memory_space<vmem>> -> memref<1x128xi32, #tpu.memory_space<vmem>>
        %dma_wait3A_84 = tpu.memref_squeeze %dma_wait3A_83 : memref<1x128xi32, #tpu.memory_space<vmem>> -> memref<128xi32, #tpu.memory_space<vmem>>
        %dma_wait3A_85 = arith.constant 0 : i32
        %dma_wait3A_86 = arith.constant 0 : i32
        %dma_wait3A_87 = tpu.memref_slice %arg8[%dma_wait3A_85, %dma_wait3A_86] : memref<32000x16xf32, #tpu.memory_space<vmem_shared>> -> memref<32000x16xf32, #tpu.memory_space<vmem_shared>>
        tpu.wait_indirect_dma semaphore(%run_scoped3A_69 : memref<!tpu.dma_semaphore, #tpu.memory_space<semaphore_mem>>) src(%dma_wait3A_81 : memref<128x16xf32, #tpu.memory_space<vmem>>) dst(%dma_wait3A_87 : memref<32000x16xf32, #tpu.memory_space<vmem_shared>>)
        tpu.yield
      }) : () -> ()
      %mul3A_54 = arith.constant 10 : i32
      %mul3A_55 = arith.muli %scan3A_16, %mul3A_54 : i32
      %add3A_56 = arith.constant 7 : i32
      %add3A_57 = arith.addi %mul3A_55, %add3A_56 : i32
      %run_scoped3A_58 = arith.constant 7 : i32
      "tpu.region"() ({
        %run_scoped3A_69 = tpu.sem_alloc : memref<!tpu.dma_semaphore, #tpu.memory_space<semaphore_mem>>
        %dma_start3A = arith.constant 0 : i32
        %dma_start3A_70 = arith.constant 0 : i32
        %dma_start3A_71 = tpu.memref_slice %arg7[%run_scoped3A_58, %dma_start3A, %dma_start3A_70] : memref<10x128x16xf32, #tpu.memory_space<vmem>> -> memref<1x128x16xf32, #tpu.memory_space<vmem>>
        %dma_start3A_72 = tpu.memref_squeeze %dma_start3A_71 : memref<1x128x16xf32, #tpu.memory_space<vmem>> -> memref<128x16xf32, #tpu.memory_space<vmem>>
        %dma_start3A_73 = arith.constant 0 : i32
        %dma_start3A_74 = tpu.memref_slice %arg6[%add3A_57, %dma_start3A_73] : memref<250x128xi32, #tpu.memory_space<vmem>> -> memref<1x128xi32, #tpu.memory_space<vmem>>
        %dma_start3A_75 = tpu.memref_squeeze %dma_start3A_74 : memref<1x128xi32, #tpu.memory_space<vmem>> -> memref<128xi32, #tpu.memory_space<vmem>>
        %dma_start3A_76 = arith.constant 0 : i32
        %dma_start3A_77 = arith.constant 0 : i32
        %dma_start3A_78 = tpu.memref_slice %arg8[%dma_start3A_76, %dma_start3A_77] : memref<32000x16xf32, #tpu.memory_space<vmem_shared>> -> memref<32000x16xf32, #tpu.memory_space<vmem_shared>>
        tpu.enqueue_indirect_dma source(%dma_start3A_72 : memref<128x16xf32, #tpu.memory_space<vmem>>) target(%dma_start3A_78 : memref<32000x16xf32, #tpu.memory_space<vmem_shared>>) offsets(%dma_start3A_75 : memref<128xi32, #tpu.memory_space<vmem>>) semaphore(%run_scoped3A_69 : memref<!tpu.dma_semaphore, #tpu.memory_space<semaphore_mem>>) {add = true}
        %dma_wait3A = arith.constant 0 : i32
        %dma_wait3A_79 = arith.constant 0 : i32
        %dma_wait3A_80 = tpu.memref_slice %arg7[%run_scoped3A_58, %dma_wait3A, %dma_wait3A_79] : memref<10x128x16xf32, #tpu.memory_space<vmem>> -> memref<1x128x16xf32, #tpu.memory_space<vmem>>
        %dma_wait3A_81 = tpu.memref_squeeze %dma_wait3A_80 : memref<1x128x16xf32, #tpu.memory_space<vmem>> -> memref<128x16xf32, #tpu.memory_space<vmem>>
        %dma_wait3A_82 = arith.constant 0 : i32
        %dma_wait3A_83 = tpu.memref_slice %arg6[%add3A_57, %dma_wait3A_82] : memref<250x128xi32, #tpu.memory_space<vmem>> -> memref<1x128xi32, #tpu.memory_space<vmem>>
        %dma_wait3A_84 = tpu.memref_squeeze %dma_wait3A_83 : memref<1x128xi32, #tpu.memory_space<vmem>> -> memref<128xi32, #tpu.memory_space<vmem>>
        %dma_wait3A_85 = arith.constant 0 : i32
        %dma_wait3A_86 = arith.constant 0 : i32
        %dma_wait3A_87 = tpu.memref_slice %arg8[%dma_wait3A_85, %dma_wait3A_86] : memref<32000x16xf32, #tpu.memory_space<vmem_shared>> -> memref<32000x16xf32, #tpu.memory_space<vmem_shared>>
        tpu.wait_indirect_dma semaphore(%run_scoped3A_69 : memref<!tpu.dma_semaphore, #tpu.memory_space<semaphore_mem>>) src(%dma_wait3A_81 : memref<128x16xf32, #tpu.memory_space<vmem>>) dst(%dma_wait3A_87 : memref<32000x16xf32, #tpu.memory_space<vmem_shared>>)
        tpu.yield
      }) : () -> ()
      %mul3A_59 = arith.constant 10 : i32
      %mul3A_60 = arith.muli %scan3A_16, %mul3A_59 : i32
      %add3A_61 = arith.constant 8 : i32
      %add3A_62 = arith.addi %mul3A_60, %add3A_61 : i32
      %run_scoped3A_63 = arith.constant 8 : i32
      "tpu.region"() ({
        %run_scoped3A_69 = tpu.sem_alloc : memref<!tpu.dma_semaphore, #tpu.memory_space<semaphore_mem>>
        %dma_start3A = arith.constant 0 : i32
        %dma_start3A_70 = arith.constant 0 : i32
        %dma_start3A_71 = tpu.memref_slice %arg7[%run_scoped3A_63, %dma_start3A, %dma_start3A_70] : memref<10x128x16xf32, #tpu.memory_space<vmem>> -> memref<1x128x16xf32, #tpu.memory_space<vmem>>
        %dma_start3A_72 = tpu.memref_squeeze %dma_start3A_71 : memref<1x128x16xf32, #tpu.memory_space<vmem>> -> memref<128x16xf32, #tpu.memory_space<vmem>>
        %dma_start3A_73 = arith.constant 0 : i32
        %dma_start3A_74 = tpu.memref_slice %arg6[%add3A_62, %dma_start3A_73] : memref<250x128xi32, #tpu.memory_space<vmem>> -> memref<1x128xi32, #tpu.memory_space<vmem>>
        %dma_start3A_75 = tpu.memref_squeeze %dma_start3A_74 : memref<1x128xi32, #tpu.memory_space<vmem>> -> memref<128xi32, #tpu.memory_space<vmem>>
        %dma_start3A_76 = arith.constant 0 : i32
        %dma_start3A_77 = arith.constant 0 : i32
        %dma_start3A_78 = tpu.memref_slice %arg8[%dma_start3A_76, %dma_start3A_77] : memref<32000x16xf32, #tpu.memory_space<vmem_shared>> -> memref<32000x16xf32, #tpu.memory_space<vmem_shared>>
        tpu.enqueue_indirect_dma source(%dma_start3A_72 : memref<128x16xf32, #tpu.memory_space<vmem>>) target(%dma_start3A_78 : memref<32000x16xf32, #tpu.memory_space<vmem_shared>>) offsets(%dma_start3A_75 : memref<128xi32, #tpu.memory_space<vmem>>) semaphore(%run_scoped3A_69 : memref<!tpu.dma_semaphore, #tpu.memory_space<semaphore_mem>>) {add = true}
        %dma_wait3A = arith.constant 0 : i32
        %dma_wait3A_79 = arith.constant 0 : i32
        %dma_wait3A_80 = tpu.memref_slice %arg7[%run_scoped3A_63, %dma_wait3A, %dma_wait3A_79] : memref<10x128x16xf32, #tpu.memory_space<vmem>> -> memref<1x128x16xf32, #tpu.memory_space<vmem>>
        %dma_wait3A_81 = tpu.memref_squeeze %dma_wait3A_80 : memref<1x128x16xf32, #tpu.memory_space<vmem>> -> memref<128x16xf32, #tpu.memory_space<vmem>>
        %dma_wait3A_82 = arith.constant 0 : i32
        %dma_wait3A_83 = tpu.memref_slice %arg6[%add3A_62, %dma_wait3A_82] : memref<250x128xi32, #tpu.memory_space<vmem>> -> memref<1x128xi32, #tpu.memory_space<vmem>>
        %dma_wait3A_84 = tpu.memref_squeeze %dma_wait3A_83 : memref<1x128xi32, #tpu.memory_space<vmem>> -> memref<128xi32, #tpu.memory_space<vmem>>
        %dma_wait3A_85 = arith.constant 0 : i32
        %dma_wait3A_86 = arith.constant 0 : i32
        %dma_wait3A_87 = tpu.memref_slice %arg8[%dma_wait3A_85, %dma_wait3A_86] : memref<32000x16xf32, #tpu.memory_space<vmem_shared>> -> memref<32000x16xf32, #tpu.memory_space<vmem_shared>>
        tpu.wait_indirect_dma semaphore(%run_scoped3A_69 : memref<!tpu.dma_semaphore, #tpu.memory_space<semaphore_mem>>) src(%dma_wait3A_81 : memref<128x16xf32, #tpu.memory_space<vmem>>) dst(%dma_wait3A_87 : memref<32000x16xf32, #tpu.memory_space<vmem_shared>>)
        tpu.yield
      }) : () -> ()
      %mul3A_64 = arith.constant 10 : i32
      %mul3A_65 = arith.muli %scan3A_16, %mul3A_64 : i32
      %add3A_66 = arith.constant 9 : i32
      %add3A_67 = arith.addi %mul3A_65, %add3A_66 : i32
      %run_scoped3A_68 = arith.constant 9 : i32
      "tpu.region"() ({
        %run_scoped3A_69 = tpu.sem_alloc : memref<!tpu.dma_semaphore, #tpu.memory_space<semaphore_mem>>
        %dma_start3A = arith.constant 0 : i32
        %dma_start3A_70 = arith.constant 0 : i32
        %dma_start3A_71 = tpu.memref_slice %arg7[%run_scoped3A_68, %dma_start3A, %dma_start3A_70] : memref<10x128x16xf32, #tpu.memory_space<vmem>> -> memref<1x128x16xf32, #tpu.memory_space<vmem>>
        %dma_start3A_72 = tpu.memref_squeeze %dma_start3A_71 : memref<1x128x16xf32, #tpu.memory_space<vmem>> -> memref<128x16xf32, #tpu.memory_space<vmem>>
        %dma_start3A_73 = arith.constant 0 : i32
        %dma_start3A_74 = tpu.memref_slice %arg6[%add3A_67, %dma_start3A_73] : memref<250x128xi32, #tpu.memory_space<vmem>> -> memref<1x128xi32, #tpu.memory_space<vmem>>
        %dma_start3A_75 = tpu.memref_squeeze %dma_start3A_74 : memref<1x128xi32, #tpu.memory_space<vmem>> -> memref<128xi32, #tpu.memory_space<vmem>>
        %dma_start3A_76 = arith.constant 0 : i32
        %dma_start3A_77 = arith.constant 0 : i32
        %dma_start3A_78 = tpu.memref_slice %arg8[%dma_start3A_76, %dma_start3A_77] : memref<32000x16xf32, #tpu.memory_space<vmem_shared>> -> memref<32000x16xf32, #tpu.memory_space<vmem_shared>>
        tpu.enqueue_indirect_dma source(%dma_start3A_72 : memref<128x16xf32, #tpu.memory_space<vmem>>) target(%dma_start3A_78 : memref<32000x16xf32, #tpu.memory_space<vmem_shared>>) offsets(%dma_start3A_75 : memref<128xi32, #tpu.memory_space<vmem>>) semaphore(%run_scoped3A_69 : memref<!tpu.dma_semaphore, #tpu.memory_space<semaphore_mem>>) {add = true}
        %dma_wait3A = arith.constant 0 : i32
        %dma_wait3A_79 = arith.constant 0 : i32
        %dma_wait3A_80 = tpu.memref_slice %arg7[%run_scoped3A_68, %dma_wait3A, %dma_wait3A_79] : memref<10x128x16xf32, #tpu.memory_space<vmem>> -> memref<1x128x16xf32, #tpu.memory_space<vmem>>
        %dma_wait3A_81 = tpu.memref_squeeze %dma_wait3A_80 : memref<1x128x16xf32, #tpu.memory_space<vmem>> -> memref<128x16xf32, #tpu.memory_space<vmem>>
        %dma_wait3A_82 = arith.constant 0 : i32
        %dma_wait3A_83 = tpu.memref_slice %arg6[%add3A_67, %dma_wait3A_82] : memref<250x128xi32, #tpu.memory_space<vmem>> -> memref<1x128xi32, #tpu.memory_space<vmem>>
        %dma_wait3A_84 = tpu.memref_squeeze %dma_wait3A_83 : memref<1x128xi32, #tpu.memory_space<vmem>> -> memref<128xi32, #tpu.memory_space<vmem>>
        %dma_wait3A_85 = arith.constant 0 : i32
        %dma_wait3A_86 = arith.constant 0 : i32
        %dma_wait3A_87 = tpu.memref_slice %arg8[%dma_wait3A_85, %dma_wait3A_86] : memref<32000x16xf32, #tpu.memory_space<vmem_shared>> -> memref<32000x16xf32, #tpu.memory_space<vmem_shared>>
        tpu.wait_indirect_dma semaphore(%run_scoped3A_69 : memref<!tpu.dma_semaphore, #tpu.memory_space<semaphore_mem>>) src(%dma_wait3A_81 : memref<128x16xf32, #tpu.memory_space<vmem>>) dst(%dma_wait3A_87 : memref<32000x16xf32, #tpu.memory_space<vmem_shared>>)
        tpu.yield
      }) : () -> ()
    }
    %scan3A_9 = arith.constant 25 : i32
    %barrier3A_10 = arith.constant 0 : index
    tpu.barrier barrier_id(%barrier3A_10)
    %eq3A_11 = arith.constant 0 : i32
    %eq3A_12 = arith.cmpi eq, %arg1, %eq3A_11 : i32
    %convert_element_type3A_13 = arith.extui %eq3A_12 : i1 to i32
    %cond3A_14 = arith.constant 0 : i32
    %cond3A_15 = arith.cmpi ne, %convert_element_type3A_13, %cond3A_14 : i32
    scf.if %cond3A_15 {
      "tpu.region"() ({
        %run_scoped3A = tpu.sem_alloc : memref<!tpu.dma_semaphore, #tpu.memory_space<semaphore_mem>>
        %dma_start3A = arith.constant 0 : i32
        %dma_start3A_16 = arith.constant 0 : i32
        %dma_start3A_17 = tpu.memref_slice %arg5[%arg0, %dma_start3A, %dma_start3A_16] : memref<2x32000x16xf32, #tpu.memory_space<hbm>> -> memref<1x32000x16xf32, #tpu.memory_space<hbm>>
        %dma_start3A_18 = tpu.memref_squeeze %dma_start3A_17 : memref<1x32000x16xf32, #tpu.memory_space<hbm>> -> memref<32000x16xf32, #tpu.memory_space<hbm>>
        tpu.enqueue_dma source(%arg8 : memref<32000x16xf32, #tpu.memory_space<vmem_shared>>) target(%dma_start3A_18 : memref<32000x16xf32, #tpu.memory_space<hbm>>) target_semaphore(%run_scoped3A : memref<!tpu.dma_semaphore, #tpu.memory_space<semaphore_mem>>)
        %dma_wait3A = arith.constant 0 : i32
        %dma_wait3A_19 = arith.constant 0 : i32
        %dma_wait3A_20 = tpu.memref_slice %arg5[%arg0, %dma_wait3A, %dma_wait3A_19] : memref<2x32000x16xf32, #tpu.memory_space<hbm>> -> memref<1x32000x16xf32, #tpu.memory_space<hbm>>
        %dma_wait3A_21 = tpu.memref_squeeze %dma_wait3A_20 : memref<1x32000x16xf32, #tpu.memory_space<hbm>> -> memref<32000x16xf32, #tpu.memory_space<hbm>>
        tpu.wait_dma2 semaphore(%run_scoped3A : memref<!tpu.dma_semaphore, #tpu.memory_space<semaphore_mem>>) src(%arg8 : memref<32000x16xf32, #tpu.memory_space<vmem_shared>>) dst(%dma_wait3A_21 : memref<32000x16xf32, #tpu.memory_space<hbm>>)
        tpu.yield
      }) : () -> ()
    } else {
    }
    return
  }
}

#map = affine_map<(d0, d1) -> (0, 0)>
#map1 = affine_map<(d0, d1) -> (0, 0, 0)>
#map2 = affine_map<(d0, d1) -> (0, 0, 0, 0)>
module attributes {stable_mosaic.version = 14 : i64} {
  func.func @body(%arg0: i32, %arg1: i32, %arg2: memref<32000x16xf32, #tpu.memory_space<hbm>>, %arg3: memref<32x250x128xi32, #tpu.memory_space<hbm>>, %arg4: memref<32x250x128xi32, #tpu.memory_space<hbm>>, %arg5: memref<2x8000x128x16xf32, #tpu.memory_space<hbm>>, %arg6: memref<250x128xi32, #tpu.memory_space<vmem>>, %arg7: memref<10x128x16xf32, #tpu.memory_space<vmem>>, %arg8: memref<32000x16xf32, #tpu.memory_space<vmem_shared>>, %arg9: memref<!tpu.dma_semaphore, #tpu.memory_space<semaphore_mem>>) attributes {dimension_semantics = [#tpu.dimension_semantics<core_parallel>, #tpu.dimension_semantics<subcore_parallel>], iteration_bounds = array<i64: 2, 16>, scalar_prefetch = 0 : i64, scratch_operands = 4 : i64, tpu.core_type = #tpu.core_type<sc_vector_subcore>, window_params = [{transform_indices = #map}, {transform_indices = #map1}, {transform_indices = #map1}, {transform_indices = #map2}]} {
    %mul3A = arith.constant 2 : i32
    %mul3A_0 = arith.muli %arg1, %mul3A : i32
    %add3A = arith.addi %mul3A_0, %arg0 : i32
    %mul3A_1 = arith.constant 250 : i32
    %mul3A_2 = arith.muli %add3A, %mul3A_1 : i32
    %eq3A = arith.constant 0 : i32
    %eq3A_3 = arith.cmpi eq, %arg1, %eq3A : i32
    %convert_element_type3A = arith.extui %eq3A_3 : i1 to i32
    %cond3A = arith.constant 0 : i32
    %cond3A_4 = arith.cmpi ne, %convert_element_type3A, %cond3A : i32
    scf.if %cond3A_4 {
      "tpu.region"() ({
        %run_scoped3A = tpu.sem_alloc : memref<!tpu.dma_semaphore, #tpu.memory_space<semaphore_mem>>
        tpu.enqueue_dma source(%arg2 : memref<32000x16xf32, #tpu.memory_space<hbm>>) target(%arg8 : memref<32000x16xf32, #tpu.memory_space<vmem_shared>>) target_semaphore(%run_scoped3A : memref<!tpu.dma_semaphore, #tpu.memory_space<semaphore_mem>>)
        tpu.wait_dma2 semaphore(%run_scoped3A : memref<!tpu.dma_semaphore, #tpu.memory_space<semaphore_mem>>) src(%arg2 : memref<32000x16xf32, #tpu.memory_space<hbm>>) dst(%arg8 : memref<32000x16xf32, #tpu.memory_space<vmem_shared>>)
        tpu.yield
      }) : () -> ()
    } else {
    }
    %barrier3A = arith.constant 0 : index
    tpu.barrier barrier_id(%barrier3A)
    "tpu.region"() ({
      %run_scoped3A = tpu.sem_alloc : memref<!tpu.dma_semaphore, #tpu.memory_space<semaphore_mem>>
      %dma_start3A = arith.constant 0 : i32
      %dma_start3A_18 = arith.constant 0 : i32
      %dma_start3A_19 = tpu.memref_slice %arg3[%add3A, %dma_start3A, %dma_start3A_18] : memref<32x250x128xi32, #tpu.memory_space<hbm>> -> memref<1x250x128xi32, #tpu.memory_space<hbm>>
      %dma_start3A_20 = tpu.memref_squeeze %dma_start3A_19 : memref<1x250x128xi32, #tpu.memory_space<hbm>> -> memref<250x128xi32, #tpu.memory_space<hbm>>
      %dma_start3A_21 = arith.constant 0 : i32
      %dma_start3A_22 = arith.constant 0 : i32
      %dma_start3A_23 = tpu.memref_slice %arg3[%add3A, %dma_start3A_21, %dma_start3A_22] : memref<32x250x128xi32, #tpu.memory_space<hbm>> -> memref<1x250x128xi32, #tpu.memory_space<hbm>>
      %dma_start3A_24 = tpu.memref_squeeze %dma_start3A_23 : memref<1x250x128xi32, #tpu.memory_space<hbm>> -> memref<250x128xi32, #tpu.memory_space<hbm>>
      tpu.enqueue_dma source(%dma_start3A_24 : memref<250x128xi32, #tpu.memory_space<hbm>>) target(%arg6 : memref<250x128xi32, #tpu.memory_space<vmem>>) target_semaphore(%run_scoped3A : memref<!tpu.dma_semaphore, #tpu.memory_space<semaphore_mem>>)
      %dma_wait3A = arith.constant 0 : i32
      %dma_wait3A_25 = arith.constant 0 : i32
      %dma_wait3A_26 = tpu.memref_slice %arg3[%add3A, %dma_wait3A, %dma_wait3A_25] : memref<32x250x128xi32, #tpu.memory_space<hbm>> -> memref<1x250x128xi32, #tpu.memory_space<hbm>>
      %dma_wait3A_27 = tpu.memref_squeeze %dma_wait3A_26 : memref<1x250x128xi32, #tpu.memory_space<hbm>> -> memref<250x128xi32, #tpu.memory_space<hbm>>
      %dma_wait3A_28 = arith.constant 0 : i32
      %dma_wait3A_29 = arith.constant 0 : i32
      %dma_wait3A_30 = tpu.memref_slice %arg3[%add3A, %dma_wait3A_28, %dma_wait3A_29] : memref<32x250x128xi32, #tpu.memory_space<hbm>> -> memref<1x250x128xi32, #tpu.memory_space<hbm>>
      %dma_wait3A_31 = tpu.memref_squeeze %dma_wait3A_30 : memref<1x250x128xi32, #tpu.memory_space<hbm>> -> memref<250x128xi32, #tpu.memory_space<hbm>>
      tpu.wait_dma2 semaphore(%run_scoped3A : memref<!tpu.dma_semaphore, #tpu.memory_space<semaphore_mem>>) src(%dma_wait3A_31 : memref<250x128xi32, #tpu.memory_space<hbm>>) dst(%arg6 : memref<250x128xi32, #tpu.memory_space<vmem>>)
      tpu.yield
    }) : () -> ()
    %scan3A = arith.constant 0 : i32
    %scan3A_5 = arith.constant 0 : i32
    %scan3A_6 = arith.constant 0 : i32
    %scan3A_7 = arith.constant 25 : i32
    %scan3A_8 = arith.addi %scan3A_6, %scan3A_7 : i32
    %scan3A_9 = arith.constant 1 : i32
    scf.for %scan3A_18 = %scan3A_6 to %scan3A_8 step %scan3A_9  : i32 {
      %mul3A_19 = arith.constant 10 : i32
      %mul3A_20 = arith.muli %scan3A_18, %mul3A_19 : i32
      %add3A_21 = arith.constant 0 : i32
      %add3A_22 = arith.addi %mul3A_20, %add3A_21 : i32
      %dma_start3A = arith.constant 0 : i32
      %dma_start3A_23 = arith.constant 0 : i32
      %dma_start3A_24 = arith.constant 0 : i32
      %dma_start3A_25 = tpu.memref_slice %arg7[%dma_start3A, %dma_start3A_23, %dma_start3A_24] : memref<10x128x16xf32, #tpu.memory_space<vmem>> -> memref<1x128x16xf32, #tpu.memory_space<vmem>>
      %dma_start3A_26 = tpu.memref_squeeze %dma_start3A_25 : memref<1x128x16xf32, #tpu.memory_space<vmem>> -> memref<128x16xf32, #tpu.memory_space<vmem>>
      %dma_start3A_27 = arith.constant 0 : i32
      %dma_start3A_28 = tpu.memref_slice %arg6[%add3A_22, %dma_start3A_27] : memref<250x128xi32, #tpu.memory_space<vmem>> -> memref<1x128xi32, #tpu.memory_space<vmem>>
      %dma_start3A_29 = tpu.memref_squeeze %dma_start3A_28 : memref<1x128xi32, #tpu.memory_space<vmem>> -> memref<128xi32, #tpu.memory_space<vmem>>
      %dma_start3A_30 = arith.constant 0 : i32
      %dma_start3A_31 = arith.constant 0 : i32
      %dma_start3A_32 = tpu.memref_slice %arg8[%dma_start3A_30, %dma_start3A_31] : memref<32000x16xf32, #tpu.memory_space<vmem_shared>> -> memref<32000x16xf32, #tpu.memory_space<vmem_shared>>
      tpu.enqueue_indirect_dma source(%dma_start3A_32 : memref<32000x16xf32, #tpu.memory_space<vmem_shared>>) target(%dma_start3A_26 : memref<128x16xf32, #tpu.memory_space<vmem>>) offsets(%dma_start3A_29 : memref<128xi32, #tpu.memory_space<vmem>>) semaphore(%arg9 : memref<!tpu.dma_semaphore, #tpu.memory_space<semaphore_mem>>)
      %mul3A_33 = arith.constant 10 : i32
      %mul3A_34 = arith.muli %scan3A_18, %mul3A_33 : i32
      %add3A_35 = arith.constant 1 : i32
      %add3A_36 = arith.addi %mul3A_34, %add3A_35 : i32
      %dma_start3A_37 = arith.constant 1 : i32
      %dma_start3A_38 = arith.constant 0 : i32
      %dma_start3A_39 = arith.constant 0 : i32
      %dma_start3A_40 = tpu.memref_slice %arg7[%dma_start3A_37, %dma_start3A_38, %dma_start3A_39] : memref<10x128x16xf32, #tpu.memory_space<vmem>> -> memref<1x128x16xf32, #tpu.memory_space<vmem>>
      %dma_start3A_41 = tpu.memref_squeeze %dma_start3A_40 : memref<1x128x16xf32, #tpu.memory_space<vmem>> -> memref<128x16xf32, #tpu.memory_space<vmem>>
      %dma_start3A_42 = arith.constant 0 : i32
      %dma_start3A_43 = tpu.memref_slice %arg6[%add3A_36, %dma_start3A_42] : memref<250x128xi32, #tpu.memory_space<vmem>> -> memref<1x128xi32, #tpu.memory_space<vmem>>
      %dma_start3A_44 = tpu.memref_squeeze %dma_start3A_43 : memref<1x128xi32, #tpu.memory_space<vmem>> -> memref<128xi32, #tpu.memory_space<vmem>>
      %dma_start3A_45 = arith.constant 0 : i32
      %dma_start3A_46 = arith.constant 0 : i32
      %dma_start3A_47 = tpu.memref_slice %arg8[%dma_start3A_45, %dma_start3A_46] : memref<32000x16xf32, #tpu.memory_space<vmem_shared>> -> memref<32000x16xf32, #tpu.memory_space<vmem_shared>>
      tpu.enqueue_indirect_dma source(%dma_start3A_47 : memref<32000x16xf32, #tpu.memory_space<vmem_shared>>) target(%dma_start3A_41 : memref<128x16xf32, #tpu.memory_space<vmem>>) offsets(%dma_start3A_44 : memref<128xi32, #tpu.memory_space<vmem>>) semaphore(%arg9 : memref<!tpu.dma_semaphore, #tpu.memory_space<semaphore_mem>>)
      %mul3A_48 = arith.constant 10 : i32
      %mul3A_49 = arith.muli %scan3A_18, %mul3A_48 : i32
      %add3A_50 = arith.constant 2 : i32
      %add3A_51 = arith.addi %mul3A_49, %add3A_50 : i32
      %dma_start3A_52 = arith.constant 2 : i32
      %dma_start3A_53 = arith.constant 0 : i32
      %dma_start3A_54 = arith.constant 0 : i32
      %dma_start3A_55 = tpu.memref_slice %arg7[%dma_start3A_52, %dma_start3A_53, %dma_start3A_54] : memref<10x128x16xf32, #tpu.memory_space<vmem>> -> memref<1x128x16xf32, #tpu.memory_space<vmem>>
      %dma_start3A_56 = tpu.memref_squeeze %dma_start3A_55 : memref<1x128x16xf32, #tpu.memory_space<vmem>> -> memref<128x16xf32, #tpu.memory_space<vmem>>
      %dma_start3A_57 = arith.constant 0 : i32
      %dma_start3A_58 = tpu.memref_slice %arg6[%add3A_51, %dma_start3A_57] : memref<250x128xi32, #tpu.memory_space<vmem>> -> memref<1x128xi32, #tpu.memory_space<vmem>>
      %dma_start3A_59 = tpu.memref_squeeze %dma_start3A_58 : memref<1x128xi32, #tpu.memory_space<vmem>> -> memref<128xi32, #tpu.memory_space<vmem>>
      %dma_start3A_60 = arith.constant 0 : i32
      %dma_start3A_61 = arith.constant 0 : i32
      %dma_start3A_62 = tpu.memref_slice %arg8[%dma_start3A_60, %dma_start3A_61] : memref<32000x16xf32, #tpu.memory_space<vmem_shared>> -> memref<32000x16xf32, #tpu.memory_space<vmem_shared>>
      tpu.enqueue_indirect_dma source(%dma_start3A_62 : memref<32000x16xf32, #tpu.memory_space<vmem_shared>>) target(%dma_start3A_56 : memref<128x16xf32, #tpu.memory_space<vmem>>) offsets(%dma_start3A_59 : memref<128xi32, #tpu.memory_space<vmem>>) semaphore(%arg9 : memref<!tpu.dma_semaphore, #tpu.memory_space<semaphore_mem>>)
      %mul3A_63 = arith.constant 10 : i32
      %mul3A_64 = arith.muli %scan3A_18, %mul3A_63 : i32
      %add3A_65 = arith.constant 3 : i32
      %add3A_66 = arith.addi %mul3A_64, %add3A_65 : i32
      %dma_start3A_67 = arith.constant 3 : i32
      %dma_start3A_68 = arith.constant 0 : i32
      %dma_start3A_69 = arith.constant 0 : i32
      %dma_start3A_70 = tpu.memref_slice %arg7[%dma_start3A_67, %dma_start3A_68, %dma_start3A_69] : memref<10x128x16xf32, #tpu.memory_space<vmem>> -> memref<1x128x16xf32, #tpu.memory_space<vmem>>
      %dma_start3A_71 = tpu.memref_squeeze %dma_start3A_70 : memref<1x128x16xf32, #tpu.memory_space<vmem>> -> memref<128x16xf32, #tpu.memory_space<vmem>>
      %dma_start3A_72 = arith.constant 0 : i32
      %dma_start3A_73 = tpu.memref_slice %arg6[%add3A_66, %dma_start3A_72] : memref<250x128xi32, #tpu.memory_space<vmem>> -> memref<1x128xi32, #tpu.memory_space<vmem>>
      %dma_start3A_74 = tpu.memref_squeeze %dma_start3A_73 : memref<1x128xi32, #tpu.memory_space<vmem>> -> memref<128xi32, #tpu.memory_space<vmem>>
      %dma_start3A_75 = arith.constant 0 : i32
      %dma_start3A_76 = arith.constant 0 : i32
      %dma_start3A_77 = tpu.memref_slice %arg8[%dma_start3A_75, %dma_start3A_76] : memref<32000x16xf32, #tpu.memory_space<vmem_shared>> -> memref<32000x16xf32, #tpu.memory_space<vmem_shared>>
      tpu.enqueue_indirect_dma source(%dma_start3A_77 : memref<32000x16xf32, #tpu.memory_space<vmem_shared>>) target(%dma_start3A_71 : memref<128x16xf32, #tpu.memory_space<vmem>>) offsets(%dma_start3A_74 : memref<128xi32, #tpu.memory_space<vmem>>) semaphore(%arg9 : memref<!tpu.dma_semaphore, #tpu.memory_space<semaphore_mem>>)
      %mul3A_78 = arith.constant 10 : i32
      %mul3A_79 = arith.muli %scan3A_18, %mul3A_78 : i32
      %add3A_80 = arith.constant 4 : i32
      %add3A_81 = arith.addi %mul3A_79, %add3A_80 : i32
      %dma_start3A_82 = arith.constant 4 : i32
      %dma_start3A_83 = arith.constant 0 : i32
      %dma_start3A_84 = arith.constant 0 : i32
      %dma_start3A_85 = tpu.memref_slice %arg7[%dma_start3A_82, %dma_start3A_83, %dma_start3A_84] : memref<10x128x16xf32, #tpu.memory_space<vmem>> -> memref<1x128x16xf32, #tpu.memory_space<vmem>>
      %dma_start3A_86 = tpu.memref_squeeze %dma_start3A_85 : memref<1x128x16xf32, #tpu.memory_space<vmem>> -> memref<128x16xf32, #tpu.memory_space<vmem>>
      %dma_start3A_87 = arith.constant 0 : i32
      %dma_start3A_88 = tpu.memref_slice %arg6[%add3A_81, %dma_start3A_87] : memref<250x128xi32, #tpu.memory_space<vmem>> -> memref<1x128xi32, #tpu.memory_space<vmem>>
      %dma_start3A_89 = tpu.memref_squeeze %dma_start3A_88 : memref<1x128xi32, #tpu.memory_space<vmem>> -> memref<128xi32, #tpu.memory_space<vmem>>
      %dma_start3A_90 = arith.constant 0 : i32
      %dma_start3A_91 = arith.constant 0 : i32
      %dma_start3A_92 = tpu.memref_slice %arg8[%dma_start3A_90, %dma_start3A_91] : memref<32000x16xf32, #tpu.memory_space<vmem_shared>> -> memref<32000x16xf32, #tpu.memory_space<vmem_shared>>
      tpu.enqueue_indirect_dma source(%dma_start3A_92 : memref<32000x16xf32, #tpu.memory_space<vmem_shared>>) target(%dma_start3A_86 : memref<128x16xf32, #tpu.memory_space<vmem>>) offsets(%dma_start3A_89 : memref<128xi32, #tpu.memory_space<vmem>>) semaphore(%arg9 : memref<!tpu.dma_semaphore, #tpu.memory_space<semaphore_mem>>)
      %mul3A_93 = arith.constant 10 : i32
      %mul3A_94 = arith.muli %scan3A_18, %mul3A_93 : i32
      %add3A_95 = arith.constant 5 : i32
      %add3A_96 = arith.addi %mul3A_94, %add3A_95 : i32
      %dma_start3A_97 = arith.constant 5 : i32
      %dma_start3A_98 = arith.constant 0 : i32
      %dma_start3A_99 = arith.constant 0 : i32
      %dma_start3A_100 = tpu.memref_slice %arg7[%dma_start3A_97, %dma_start3A_98, %dma_start3A_99] : memref<10x128x16xf32, #tpu.memory_space<vmem>> -> memref<1x128x16xf32, #tpu.memory_space<vmem>>
      %dma_start3A_101 = tpu.memref_squeeze %dma_start3A_100 : memref<1x128x16xf32, #tpu.memory_space<vmem>> -> memref<128x16xf32, #tpu.memory_space<vmem>>
      %dma_start3A_102 = arith.constant 0 : i32
      %dma_start3A_103 = tpu.memref_slice %arg6[%add3A_96, %dma_start3A_102] : memref<250x128xi32, #tpu.memory_space<vmem>> -> memref<1x128xi32, #tpu.memory_space<vmem>>
      %dma_start3A_104 = tpu.memref_squeeze %dma_start3A_103 : memref<1x128xi32, #tpu.memory_space<vmem>> -> memref<128xi32, #tpu.memory_space<vmem>>
      %dma_start3A_105 = arith.constant 0 : i32
      %dma_start3A_106 = arith.constant 0 : i32
      %dma_start3A_107 = tpu.memref_slice %arg8[%dma_start3A_105, %dma_start3A_106] : memref<32000x16xf32, #tpu.memory_space<vmem_shared>> -> memref<32000x16xf32, #tpu.memory_space<vmem_shared>>
      tpu.enqueue_indirect_dma source(%dma_start3A_107 : memref<32000x16xf32, #tpu.memory_space<vmem_shared>>) target(%dma_start3A_101 : memref<128x16xf32, #tpu.memory_space<vmem>>) offsets(%dma_start3A_104 : memref<128xi32, #tpu.memory_space<vmem>>) semaphore(%arg9 : memref<!tpu.dma_semaphore, #tpu.memory_space<semaphore_mem>>)
      %mul3A_108 = arith.constant 10 : i32
      %mul3A_109 = arith.muli %scan3A_18, %mul3A_108 : i32
      %add3A_110 = arith.constant 6 : i32
      %add3A_111 = arith.addi %mul3A_109, %add3A_110 : i32
      %dma_start3A_112 = arith.constant 6 : i32
      %dma_start3A_113 = arith.constant 0 : i32
      %dma_start3A_114 = arith.constant 0 : i32
      %dma_start3A_115 = tpu.memref_slice %arg7[%dma_start3A_112, %dma_start3A_113, %dma_start3A_114] : memref<10x128x16xf32, #tpu.memory_space<vmem>> -> memref<1x128x16xf32, #tpu.memory_space<vmem>>
      %dma_start3A_116 = tpu.memref_squeeze %dma_start3A_115 : memref<1x128x16xf32, #tpu.memory_space<vmem>> -> memref<128x16xf32, #tpu.memory_space<vmem>>
      %dma_start3A_117 = arith.constant 0 : i32
      %dma_start3A_118 = tpu.memref_slice %arg6[%add3A_111, %dma_start3A_117] : memref<250x128xi32, #tpu.memory_space<vmem>> -> memref<1x128xi32, #tpu.memory_space<vmem>>
      %dma_start3A_119 = tpu.memref_squeeze %dma_start3A_118 : memref<1x128xi32, #tpu.memory_space<vmem>> -> memref<128xi32, #tpu.memory_space<vmem>>
      %dma_start3A_120 = arith.constant 0 : i32
      %dma_start3A_121 = arith.constant 0 : i32
      %dma_start3A_122 = tpu.memref_slice %arg8[%dma_start3A_120, %dma_start3A_121] : memref<32000x16xf32, #tpu.memory_space<vmem_shared>> -> memref<32000x16xf32, #tpu.memory_space<vmem_shared>>
      tpu.enqueue_indirect_dma source(%dma_start3A_122 : memref<32000x16xf32, #tpu.memory_space<vmem_shared>>) target(%dma_start3A_116 : memref<128x16xf32, #tpu.memory_space<vmem>>) offsets(%dma_start3A_119 : memref<128xi32, #tpu.memory_space<vmem>>) semaphore(%arg9 : memref<!tpu.dma_semaphore, #tpu.memory_space<semaphore_mem>>)
      %mul3A_123 = arith.constant 10 : i32
      %mul3A_124 = arith.muli %scan3A_18, %mul3A_123 : i32
      %add3A_125 = arith.constant 7 : i32
      %add3A_126 = arith.addi %mul3A_124, %add3A_125 : i32
      %dma_start3A_127 = arith.constant 7 : i32
      %dma_start3A_128 = arith.constant 0 : i32
      %dma_start3A_129 = arith.constant 0 : i32
      %dma_start3A_130 = tpu.memref_slice %arg7[%dma_start3A_127, %dma_start3A_128, %dma_start3A_129] : memref<10x128x16xf32, #tpu.memory_space<vmem>> -> memref<1x128x16xf32, #tpu.memory_space<vmem>>
      %dma_start3A_131 = tpu.memref_squeeze %dma_start3A_130 : memref<1x128x16xf32, #tpu.memory_space<vmem>> -> memref<128x16xf32, #tpu.memory_space<vmem>>
      %dma_start3A_132 = arith.constant 0 : i32
      %dma_start3A_133 = tpu.memref_slice %arg6[%add3A_126, %dma_start3A_132] : memref<250x128xi32, #tpu.memory_space<vmem>> -> memref<1x128xi32, #tpu.memory_space<vmem>>
      %dma_start3A_134 = tpu.memref_squeeze %dma_start3A_133 : memref<1x128xi32, #tpu.memory_space<vmem>> -> memref<128xi32, #tpu.memory_space<vmem>>
      %dma_start3A_135 = arith.constant 0 : i32
      %dma_start3A_136 = arith.constant 0 : i32
      %dma_start3A_137 = tpu.memref_slice %arg8[%dma_start3A_135, %dma_start3A_136] : memref<32000x16xf32, #tpu.memory_space<vmem_shared>> -> memref<32000x16xf32, #tpu.memory_space<vmem_shared>>
      tpu.enqueue_indirect_dma source(%dma_start3A_137 : memref<32000x16xf32, #tpu.memory_space<vmem_shared>>) target(%dma_start3A_131 : memref<128x16xf32, #tpu.memory_space<vmem>>) offsets(%dma_start3A_134 : memref<128xi32, #tpu.memory_space<vmem>>) semaphore(%arg9 : memref<!tpu.dma_semaphore, #tpu.memory_space<semaphore_mem>>)
      %mul3A_138 = arith.constant 10 : i32
      %mul3A_139 = arith.muli %scan3A_18, %mul3A_138 : i32
      %add3A_140 = arith.constant 8 : i32
      %add3A_141 = arith.addi %mul3A_139, %add3A_140 : i32
      %dma_start3A_142 = arith.constant 8 : i32
      %dma_start3A_143 = arith.constant 0 : i32
      %dma_start3A_144 = arith.constant 0 : i32
      %dma_start3A_145 = tpu.memref_slice %arg7[%dma_start3A_142, %dma_start3A_143, %dma_start3A_144] : memref<10x128x16xf32, #tpu.memory_space<vmem>> -> memref<1x128x16xf32, #tpu.memory_space<vmem>>
      %dma_start3A_146 = tpu.memref_squeeze %dma_start3A_145 : memref<1x128x16xf32, #tpu.memory_space<vmem>> -> memref<128x16xf32, #tpu.memory_space<vmem>>
      %dma_start3A_147 = arith.constant 0 : i32
      %dma_start3A_148 = tpu.memref_slice %arg6[%add3A_141, %dma_start3A_147] : memref<250x128xi32, #tpu.memory_space<vmem>> -> memref<1x128xi32, #tpu.memory_space<vmem>>
      %dma_start3A_149 = tpu.memref_squeeze %dma_start3A_148 : memref<1x128xi32, #tpu.memory_space<vmem>> -> memref<128xi32, #tpu.memory_space<vmem>>
      %dma_start3A_150 = arith.constant 0 : i32
      %dma_start3A_151 = arith.constant 0 : i32
      %dma_start3A_152 = tpu.memref_slice %arg8[%dma_start3A_150, %dma_start3A_151] : memref<32000x16xf32, #tpu.memory_space<vmem_shared>> -> memref<32000x16xf32, #tpu.memory_space<vmem_shared>>
      tpu.enqueue_indirect_dma source(%dma_start3A_152 : memref<32000x16xf32, #tpu.memory_space<vmem_shared>>) target(%dma_start3A_146 : memref<128x16xf32, #tpu.memory_space<vmem>>) offsets(%dma_start3A_149 : memref<128xi32, #tpu.memory_space<vmem>>) semaphore(%arg9 : memref<!tpu.dma_semaphore, #tpu.memory_space<semaphore_mem>>)
      %mul3A_153 = arith.constant 10 : i32
      %mul3A_154 = arith.muli %scan3A_18, %mul3A_153 : i32
      %add3A_155 = arith.constant 9 : i32
      %add3A_156 = arith.addi %mul3A_154, %add3A_155 : i32
      %dma_start3A_157 = arith.constant 9 : i32
      %dma_start3A_158 = arith.constant 0 : i32
      %dma_start3A_159 = arith.constant 0 : i32
      %dma_start3A_160 = tpu.memref_slice %arg7[%dma_start3A_157, %dma_start3A_158, %dma_start3A_159] : memref<10x128x16xf32, #tpu.memory_space<vmem>> -> memref<1x128x16xf32, #tpu.memory_space<vmem>>
      %dma_start3A_161 = tpu.memref_squeeze %dma_start3A_160 : memref<1x128x16xf32, #tpu.memory_space<vmem>> -> memref<128x16xf32, #tpu.memory_space<vmem>>
      %dma_start3A_162 = arith.constant 0 : i32
      %dma_start3A_163 = tpu.memref_slice %arg6[%add3A_156, %dma_start3A_162] : memref<250x128xi32, #tpu.memory_space<vmem>> -> memref<1x128xi32, #tpu.memory_space<vmem>>
      %dma_start3A_164 = tpu.memref_squeeze %dma_start3A_163 : memref<1x128xi32, #tpu.memory_space<vmem>> -> memref<128xi32, #tpu.memory_space<vmem>>
      %dma_start3A_165 = arith.constant 0 : i32
      %dma_start3A_166 = arith.constant 0 : i32
      %dma_start3A_167 = tpu.memref_slice %arg8[%dma_start3A_165, %dma_start3A_166] : memref<32000x16xf32, #tpu.memory_space<vmem_shared>> -> memref<32000x16xf32, #tpu.memory_space<vmem_shared>>
      tpu.enqueue_indirect_dma source(%dma_start3A_167 : memref<32000x16xf32, #tpu.memory_space<vmem_shared>>) target(%dma_start3A_161 : memref<128x16xf32, #tpu.memory_space<vmem>>) offsets(%dma_start3A_164 : memref<128xi32, #tpu.memory_space<vmem>>) semaphore(%arg9 : memref<!tpu.dma_semaphore, #tpu.memory_space<semaphore_mem>>)
      %dma_wait3A = arith.constant 0 : i32
      %dma_wait3A_168 = arith.constant 0 : i32
      %dma_wait3A_169 = arith.constant 0 : i32
      %dma_wait3A_170 = tpu.memref_slice %arg7[%dma_wait3A, %dma_wait3A_168, %dma_wait3A_169] : memref<10x128x16xf32, #tpu.memory_space<vmem>> -> memref<1x128x16xf32, #tpu.memory_space<vmem>>
      %dma_wait3A_171 = tpu.memref_squeeze %dma_wait3A_170 : memref<1x128x16xf32, #tpu.memory_space<vmem>> -> memref<128x16xf32, #tpu.memory_space<vmem>>
      %dma_wait3A_172 = arith.constant 0 : i32
      %dma_wait3A_173 = tpu.memref_slice %arg6[%add3A_22, %dma_wait3A_172] : memref<250x128xi32, #tpu.memory_space<vmem>> -> memref<1x128xi32, #tpu.memory_space<vmem>>
      %dma_wait3A_174 = tpu.memref_squeeze %dma_wait3A_173 : memref<1x128xi32, #tpu.memory_space<vmem>> -> memref<128xi32, #tpu.memory_space<vmem>>
      %dma_wait3A_175 = arith.constant 0 : i32
      %dma_wait3A_176 = arith.constant 0 : i32
      %dma_wait3A_177 = tpu.memref_slice %arg8[%dma_wait3A_175, %dma_wait3A_176] : memref<32000x16xf32, #tpu.memory_space<vmem_shared>> -> memref<32000x16xf32, #tpu.memory_space<vmem_shared>>
      tpu.wait_indirect_dma semaphore(%arg9 : memref<!tpu.dma_semaphore, #tpu.memory_space<semaphore_mem>>) src(%dma_wait3A_177 : memref<32000x16xf32, #tpu.memory_space<vmem_shared>>) dst(%dma_wait3A_171 : memref<128x16xf32, #tpu.memory_space<vmem>>)
      %dma_wait3A_178 = arith.constant 1 : i32
      %dma_wait3A_179 = arith.constant 0 : i32
      %dma_wait3A_180 = arith.constant 0 : i32
      %dma_wait3A_181 = tpu.memref_slice %arg7[%dma_wait3A_178, %dma_wait3A_179, %dma_wait3A_180] : memref<10x128x16xf32, #tpu.memory_space<vmem>> -> memref<1x128x16xf32, #tpu.memory_space<vmem>>
      %dma_wait3A_182 = tpu.memref_squeeze %dma_wait3A_181 : memref<1x128x16xf32, #tpu.memory_space<vmem>> -> memref<128x16xf32, #tpu.memory_space<vmem>>
      %dma_wait3A_183 = arith.constant 0 : i32
      %dma_wait3A_184 = tpu.memref_slice %arg6[%add3A_36, %dma_wait3A_183] : memref<250x128xi32, #tpu.memory_space<vmem>> -> memref<1x128xi32, #tpu.memory_space<vmem>>
      %dma_wait3A_185 = tpu.memref_squeeze %dma_wait3A_184 : memref<1x128xi32, #tpu.memory_space<vmem>> -> memref<128xi32, #tpu.memory_space<vmem>>
      %dma_wait3A_186 = arith.constant 0 : i32
      %dma_wait3A_187 = arith.constant 0 : i32
      %dma_wait3A_188 = tpu.memref_slice %arg8[%dma_wait3A_186, %dma_wait3A_187] : memref<32000x16xf32, #tpu.memory_space<vmem_shared>> -> memref<32000x16xf32, #tpu.memory_space<vmem_shared>>
      tpu.wait_indirect_dma semaphore(%arg9 : memref<!tpu.dma_semaphore, #tpu.memory_space<semaphore_mem>>) src(%dma_wait3A_188 : memref<32000x16xf32, #tpu.memory_space<vmem_shared>>) dst(%dma_wait3A_182 : memref<128x16xf32, #tpu.memory_space<vmem>>)
      %dma_wait3A_189 = arith.constant 2 : i32
      %dma_wait3A_190 = arith.constant 0 : i32
      %dma_wait3A_191 = arith.constant 0 : i32
      %dma_wait3A_192 = tpu.memref_slice %arg7[%dma_wait3A_189, %dma_wait3A_190, %dma_wait3A_191] : memref<10x128x16xf32, #tpu.memory_space<vmem>> -> memref<1x128x16xf32, #tpu.memory_space<vmem>>
      %dma_wait3A_193 = tpu.memref_squeeze %dma_wait3A_192 : memref<1x128x16xf32, #tpu.memory_space<vmem>> -> memref<128x16xf32, #tpu.memory_space<vmem>>
      %dma_wait3A_194 = arith.constant 0 : i32
      %dma_wait3A_195 = tpu.memref_slice %arg6[%add3A_51, %dma_wait3A_194] : memref<250x128xi32, #tpu.memory_space<vmem>> -> memref<1x128xi32, #tpu.memory_space<vmem>>
      %dma_wait3A_196 = tpu.memref_squeeze %dma_wait3A_195 : memref<1x128xi32, #tpu.memory_space<vmem>> -> memref<128xi32, #tpu.memory_space<vmem>>
      %dma_wait3A_197 = arith.constant 0 : i32
      %dma_wait3A_198 = arith.constant 0 : i32
      %dma_wait3A_199 = tpu.memref_slice %arg8[%dma_wait3A_197, %dma_wait3A_198] : memref<32000x16xf32, #tpu.memory_space<vmem_shared>> -> memref<32000x16xf32, #tpu.memory_space<vmem_shared>>
      tpu.wait_indirect_dma semaphore(%arg9 : memref<!tpu.dma_semaphore, #tpu.memory_space<semaphore_mem>>) src(%dma_wait3A_199 : memref<32000x16xf32, #tpu.memory_space<vmem_shared>>) dst(%dma_wait3A_193 : memref<128x16xf32, #tpu.memory_space<vmem>>)
      %dma_wait3A_200 = arith.constant 3 : i32
      %dma_wait3A_201 = arith.constant 0 : i32
      %dma_wait3A_202 = arith.constant 0 : i32
      %dma_wait3A_203 = tpu.memref_slice %arg7[%dma_wait3A_200, %dma_wait3A_201, %dma_wait3A_202] : memref<10x128x16xf32, #tpu.memory_space<vmem>> -> memref<1x128x16xf32, #tpu.memory_space<vmem>>
      %dma_wait3A_204 = tpu.memref_squeeze %dma_wait3A_203 : memref<1x128x16xf32, #tpu.memory_space<vmem>> -> memref<128x16xf32, #tpu.memory_space<vmem>>
      %dma_wait3A_205 = arith.constant 0 : i32
      %dma_wait3A_206 = tpu.memref_slice %arg6[%add3A_66, %dma_wait3A_205] : memref<250x128xi32, #tpu.memory_space<vmem>> -> memref<1x128xi32, #tpu.memory_space<vmem>>
      %dma_wait3A_207 = tpu.memref_squeeze %dma_wait3A_206 : memref<1x128xi32, #tpu.memory_space<vmem>> -> memref<128xi32, #tpu.memory_space<vmem>>
      %dma_wait3A_208 = arith.constant 0 : i32
      %dma_wait3A_209 = arith.constant 0 : i32
      %dma_wait3A_210 = tpu.memref_slice %arg8[%dma_wait3A_208, %dma_wait3A_209] : memref<32000x16xf32, #tpu.memory_space<vmem_shared>> -> memref<32000x16xf32, #tpu.memory_space<vmem_shared>>
      tpu.wait_indirect_dma semaphore(%arg9 : memref<!tpu.dma_semaphore, #tpu.memory_space<semaphore_mem>>) src(%dma_wait3A_210 : memref<32000x16xf32, #tpu.memory_space<vmem_shared>>) dst(%dma_wait3A_204 : memref<128x16xf32, #tpu.memory_space<vmem>>)
      %dma_wait3A_211 = arith.constant 4 : i32
      %dma_wait3A_212 = arith.constant 0 : i32
      %dma_wait3A_213 = arith.constant 0 : i32
      %dma_wait3A_214 = tpu.memref_slice %arg7[%dma_wait3A_211, %dma_wait3A_212, %dma_wait3A_213] : memref<10x128x16xf32, #tpu.memory_space<vmem>> -> memref<1x128x16xf32, #tpu.memory_space<vmem>>
      %dma_wait3A_215 = tpu.memref_squeeze %dma_wait3A_214 : memref<1x128x16xf32, #tpu.memory_space<vmem>> -> memref<128x16xf32, #tpu.memory_space<vmem>>
      %dma_wait3A_216 = arith.constant 0 : i32
      %dma_wait3A_217 = tpu.memref_slice %arg6[%add3A_81, %dma_wait3A_216] : memref<250x128xi32, #tpu.memory_space<vmem>> -> memref<1x128xi32, #tpu.memory_space<vmem>>
      %dma_wait3A_218 = tpu.memref_squeeze %dma_wait3A_217 : memref<1x128xi32, #tpu.memory_space<vmem>> -> memref<128xi32, #tpu.memory_space<vmem>>
      %dma_wait3A_219 = arith.constant 0 : i32
      %dma_wait3A_220 = arith.constant 0 : i32
      %dma_wait3A_221 = tpu.memref_slice %arg8[%dma_wait3A_219, %dma_wait3A_220] : memref<32000x16xf32, #tpu.memory_space<vmem_shared>> -> memref<32000x16xf32, #tpu.memory_space<vmem_shared>>
      tpu.wait_indirect_dma semaphore(%arg9 : memref<!tpu.dma_semaphore, #tpu.memory_space<semaphore_mem>>) src(%dma_wait3A_221 : memref<32000x16xf32, #tpu.memory_space<vmem_shared>>) dst(%dma_wait3A_215 : memref<128x16xf32, #tpu.memory_space<vmem>>)
      %dma_wait3A_222 = arith.constant 5 : i32
      %dma_wait3A_223 = arith.constant 0 : i32
      %dma_wait3A_224 = arith.constant 0 : i32
      %dma_wait3A_225 = tpu.memref_slice %arg7[%dma_wait3A_222, %dma_wait3A_223, %dma_wait3A_224] : memref<10x128x16xf32, #tpu.memory_space<vmem>> -> memref<1x128x16xf32, #tpu.memory_space<vmem>>
      %dma_wait3A_226 = tpu.memref_squeeze %dma_wait3A_225 : memref<1x128x16xf32, #tpu.memory_space<vmem>> -> memref<128x16xf32, #tpu.memory_space<vmem>>
      %dma_wait3A_227 = arith.constant 0 : i32
      %dma_wait3A_228 = tpu.memref_slice %arg6[%add3A_96, %dma_wait3A_227] : memref<250x128xi32, #tpu.memory_space<vmem>> -> memref<1x128xi32, #tpu.memory_space<vmem>>
      %dma_wait3A_229 = tpu.memref_squeeze %dma_wait3A_228 : memref<1x128xi32, #tpu.memory_space<vmem>> -> memref<128xi32, #tpu.memory_space<vmem>>
      %dma_wait3A_230 = arith.constant 0 : i32
      %dma_wait3A_231 = arith.constant 0 : i32
      %dma_wait3A_232 = tpu.memref_slice %arg8[%dma_wait3A_230, %dma_wait3A_231] : memref<32000x16xf32, #tpu.memory_space<vmem_shared>> -> memref<32000x16xf32, #tpu.memory_space<vmem_shared>>
      tpu.wait_indirect_dma semaphore(%arg9 : memref<!tpu.dma_semaphore, #tpu.memory_space<semaphore_mem>>) src(%dma_wait3A_232 : memref<32000x16xf32, #tpu.memory_space<vmem_shared>>) dst(%dma_wait3A_226 : memref<128x16xf32, #tpu.memory_space<vmem>>)
      %dma_wait3A_233 = arith.constant 6 : i32
      %dma_wait3A_234 = arith.constant 0 : i32
      %dma_wait3A_235 = arith.constant 0 : i32
      %dma_wait3A_236 = tpu.memref_slice %arg7[%dma_wait3A_233, %dma_wait3A_234, %dma_wait3A_235] : memref<10x128x16xf32, #tpu.memory_space<vmem>> -> memref<1x128x16xf32, #tpu.memory_space<vmem>>
      %dma_wait3A_237 = tpu.memref_squeeze %dma_wait3A_236 : memref<1x128x16xf32, #tpu.memory_space<vmem>> -> memref<128x16xf32, #tpu.memory_space<vmem>>
      %dma_wait3A_238 = arith.constant 0 : i32
      %dma_wait3A_239 = tpu.memref_slice %arg6[%add3A_111, %dma_wait3A_238] : memref<250x128xi32, #tpu.memory_space<vmem>> -> memref<1x128xi32, #tpu.memory_space<vmem>>
      %dma_wait3A_240 = tpu.memref_squeeze %dma_wait3A_239 : memref<1x128xi32, #tpu.memory_space<vmem>> -> memref<128xi32, #tpu.memory_space<vmem>>
      %dma_wait3A_241 = arith.constant 0 : i32
      %dma_wait3A_242 = arith.constant 0 : i32
      %dma_wait3A_243 = tpu.memref_slice %arg8[%dma_wait3A_241, %dma_wait3A_242] : memref<32000x16xf32, #tpu.memory_space<vmem_shared>> -> memref<32000x16xf32, #tpu.memory_space<vmem_shared>>
      tpu.wait_indirect_dma semaphore(%arg9 : memref<!tpu.dma_semaphore, #tpu.memory_space<semaphore_mem>>) src(%dma_wait3A_243 : memref<32000x16xf32, #tpu.memory_space<vmem_shared>>) dst(%dma_wait3A_237 : memref<128x16xf32, #tpu.memory_space<vmem>>)
      %dma_wait3A_244 = arith.constant 7 : i32
      %dma_wait3A_245 = arith.constant 0 : i32
      %dma_wait3A_246 = arith.constant 0 : i32
      %dma_wait3A_247 = tpu.memref_slice %arg7[%dma_wait3A_244, %dma_wait3A_245, %dma_wait3A_246] : memref<10x128x16xf32, #tpu.memory_space<vmem>> -> memref<1x128x16xf32, #tpu.memory_space<vmem>>
      %dma_wait3A_248 = tpu.memref_squeeze %dma_wait3A_247 : memref<1x128x16xf32, #tpu.memory_space<vmem>> -> memref<128x16xf32, #tpu.memory_space<vmem>>
      %dma_wait3A_249 = arith.constant 0 : i32
      %dma_wait3A_250 = tpu.memref_slice %arg6[%add3A_126, %dma_wait3A_249] : memref<250x128xi32, #tpu.memory_space<vmem>> -> memref<1x128xi32, #tpu.memory_space<vmem>>
      %dma_wait3A_251 = tpu.memref_squeeze %dma_wait3A_250 : memref<1x128xi32, #tpu.memory_space<vmem>> -> memref<128xi32, #tpu.memory_space<vmem>>
      %dma_wait3A_252 = arith.constant 0 : i32
      %dma_wait3A_253 = arith.constant 0 : i32
      %dma_wait3A_254 = tpu.memref_slice %arg8[%dma_wait3A_252, %dma_wait3A_253] : memref<32000x16xf32, #tpu.memory_space<vmem_shared>> -> memref<32000x16xf32, #tpu.memory_space<vmem_shared>>
      tpu.wait_indirect_dma semaphore(%arg9 : memref<!tpu.dma_semaphore, #tpu.memory_space<semaphore_mem>>) src(%dma_wait3A_254 : memref<32000x16xf32, #tpu.memory_space<vmem_shared>>) dst(%dma_wait3A_248 : memref<128x16xf32, #tpu.memory_space<vmem>>)
      %dma_wait3A_255 = arith.constant 8 : i32
      %dma_wait3A_256 = arith.constant 0 : i32
      %dma_wait3A_257 = arith.constant 0 : i32
      %dma_wait3A_258 = tpu.memref_slice %arg7[%dma_wait3A_255, %dma_wait3A_256, %dma_wait3A_257] : memref<10x128x16xf32, #tpu.memory_space<vmem>> -> memref<1x128x16xf32, #tpu.memory_space<vmem>>
      %dma_wait3A_259 = tpu.memref_squeeze %dma_wait3A_258 : memref<1x128x16xf32, #tpu.memory_space<vmem>> -> memref<128x16xf32, #tpu.memory_space<vmem>>
      %dma_wait3A_260 = arith.constant 0 : i32
      %dma_wait3A_261 = tpu.memref_slice %arg6[%add3A_141, %dma_wait3A_260] : memref<250x128xi32, #tpu.memory_space<vmem>> -> memref<1x128xi32, #tpu.memory_space<vmem>>
      %dma_wait3A_262 = tpu.memref_squeeze %dma_wait3A_261 : memref<1x128xi32, #tpu.memory_space<vmem>> -> memref<128xi32, #tpu.memory_space<vmem>>
      %dma_wait3A_263 = arith.constant 0 : i32
      %dma_wait3A_264 = arith.constant 0 : i32
      %dma_wait3A_265 = tpu.memref_slice %arg8[%dma_wait3A_263, %dma_wait3A_264] : memref<32000x16xf32, #tpu.memory_space<vmem_shared>> -> memref<32000x16xf32, #tpu.memory_space<vmem_shared>>
      tpu.wait_indirect_dma semaphore(%arg9 : memref<!tpu.dma_semaphore, #tpu.memory_space<semaphore_mem>>) src(%dma_wait3A_265 : memref<32000x16xf32, #tpu.memory_space<vmem_shared>>) dst(%dma_wait3A_259 : memref<128x16xf32, #tpu.memory_space<vmem>>)
      %dma_wait3A_266 = arith.constant 9 : i32
      %dma_wait3A_267 = arith.constant 0 : i32
      %dma_wait3A_268 = arith.constant 0 : i32
      %dma_wait3A_269 = tpu.memref_slice %arg7[%dma_wait3A_266, %dma_wait3A_267, %dma_wait3A_268] : memref<10x128x16xf32, #tpu.memory_space<vmem>> -> memref<1x128x16xf32, #tpu.memory_space<vmem>>
      %dma_wait3A_270 = tpu.memref_squeeze %dma_wait3A_269 : memref<1x128x16xf32, #tpu.memory_space<vmem>> -> memref<128x16xf32, #tpu.memory_space<vmem>>
      %dma_wait3A_271 = arith.constant 0 : i32
      %dma_wait3A_272 = tpu.memref_slice %arg6[%add3A_156, %dma_wait3A_271] : memref<250x128xi32, #tpu.memory_space<vmem>> -> memref<1x128xi32, #tpu.memory_space<vmem>>
      %dma_wait3A_273 = tpu.memref_squeeze %dma_wait3A_272 : memref<1x128xi32, #tpu.memory_space<vmem>> -> memref<128xi32, #tpu.memory_space<vmem>>
      %dma_wait3A_274 = arith.constant 0 : i32
      %dma_wait3A_275 = arith.constant 0 : i32
      %dma_wait3A_276 = tpu.memref_slice %arg8[%dma_wait3A_274, %dma_wait3A_275] : memref<32000x16xf32, #tpu.memory_space<vmem_shared>> -> memref<32000x16xf32, #tpu.memory_space<vmem_shared>>
      tpu.wait_indirect_dma semaphore(%arg9 : memref<!tpu.dma_semaphore, #tpu.memory_space<semaphore_mem>>) src(%dma_wait3A_276 : memref<32000x16xf32, #tpu.memory_space<vmem_shared>>) dst(%dma_wait3A_270 : memref<128x16xf32, #tpu.memory_space<vmem>>)
      %mul3A_277 = arith.constant 10 : i32
      %mul3A_278 = arith.muli %scan3A_18, %mul3A_277 : i32
      %add3A_279 = arith.addi %mul3A_2, %mul3A_278 : i32
      "tpu.region"() ({
        %run_scoped3A = tpu.sem_alloc : memref<!tpu.dma_semaphore, #tpu.memory_space<semaphore_mem>>
        %dma_start3A_280 = arith.constant 0 : i32
        %dma_start3A_281 = arith.constant 0 : i32
        %dma_start3A_282 = arith.constant 0 : i32
        %dma_start3A_283 = tpu.memref_slice %arg5[%scan3A_5, %dma_start3A_280, %dma_start3A_281, %dma_start3A_282] : memref<2x8000x128x16xf32, #tpu.memory_space<hbm>> -> memref<1x8000x128x16xf32, #tpu.memory_space<hbm>>
        %dma_start3A_284 = tpu.memref_squeeze %dma_start3A_283 : memref<1x8000x128x16xf32, #tpu.memory_space<hbm>> -> memref<8000x128x16xf32, #tpu.memory_space<hbm>>
        %dma_start3A_285 = arith.constant 0 : i32
        %dma_start3A_286 = arith.constant 0 : i32
        %dma_start3A_287 = tpu.memref_slice %dma_start3A_284[%add3A_279, %dma_start3A_285, %dma_start3A_286] : memref<8000x128x16xf32, #tpu.memory_space<hbm>> -> memref<10x128x16xf32, #tpu.memory_space<hbm>>
        %dma_start3A_288 = arith.constant 0 : i32
        %dma_start3A_289 = arith.constant 0 : i32
        %dma_start3A_290 = arith.constant 0 : i32
        %dma_start3A_291 = tpu.memref_slice %arg5[%scan3A_5, %dma_start3A_288, %dma_start3A_289, %dma_start3A_290] : memref<2x8000x128x16xf32, #tpu.memory_space<hbm>> -> memref<1x8000x128x16xf32, #tpu.memory_space<hbm>>
        %dma_start3A_292 = tpu.memref_squeeze %dma_start3A_291 : memref<1x8000x128x16xf32, #tpu.memory_space<hbm>> -> memref<8000x128x16xf32, #tpu.memory_space<hbm>>
        %dma_start3A_293 = arith.constant 0 : i32
        %dma_start3A_294 = arith.constant 0 : i32
        %dma_start3A_295 = tpu.memref_slice %dma_start3A_292[%add3A_279, %dma_start3A_293, %dma_start3A_294] : memref<8000x128x16xf32, #tpu.memory_space<hbm>> -> memref<10x128x16xf32, #tpu.memory_space<hbm>>
        tpu.enqueue_dma source(%arg7 : memref<10x128x16xf32, #tpu.memory_space<vmem>>) target(%dma_start3A_295 : memref<10x128x16xf32, #tpu.memory_space<hbm>>) target_semaphore(%run_scoped3A : memref<!tpu.dma_semaphore, #tpu.memory_space<semaphore_mem>>)
        %dma_wait3A_296 = arith.constant 0 : i32
        %dma_wait3A_297 = arith.constant 0 : i32
        %dma_wait3A_298 = arith.constant 0 : i32
        %dma_wait3A_299 = tpu.memref_slice %arg5[%scan3A_5, %dma_wait3A_296, %dma_wait3A_297, %dma_wait3A_298] : memref<2x8000x128x16xf32, #tpu.memory_space<hbm>> -> memref<1x8000x128x16xf32, #tpu.memory_space<hbm>>
        %dma_wait3A_300 = tpu.memref_squeeze %dma_wait3A_299 : memref<1x8000x128x16xf32, #tpu.memory_space<hbm>> -> memref<8000x128x16xf32, #tpu.memory_space<hbm>>
        %dma_wait3A_301 = arith.constant 0 : i32
        %dma_wait3A_302 = arith.constant 0 : i32
        %dma_wait3A_303 = tpu.memref_slice %dma_wait3A_300[%add3A_279, %dma_wait3A_301, %dma_wait3A_302] : memref<8000x128x16xf32, #tpu.memory_space<hbm>> -> memref<10x128x16xf32, #tpu.memory_space<hbm>>
        %dma_wait3A_304 = arith.constant 0 : i32
        %dma_wait3A_305 = arith.constant 0 : i32
        %dma_wait3A_306 = arith.constant 0 : i32
        %dma_wait3A_307 = tpu.memref_slice %arg5[%scan3A_5, %dma_wait3A_304, %dma_wait3A_305, %dma_wait3A_306] : memref<2x8000x128x16xf32, #tpu.memory_space<hbm>> -> memref<1x8000x128x16xf32, #tpu.memory_space<hbm>>
        %dma_wait3A_308 = tpu.memref_squeeze %dma_wait3A_307 : memref<1x8000x128x16xf32, #tpu.memory_space<hbm>> -> memref<8000x128x16xf32, #tpu.memory_space<hbm>>
        %dma_wait3A_309 = arith.constant 0 : i32
        %dma_wait3A_310 = arith.constant 0 : i32
        %dma_wait3A_311 = tpu.memref_slice %dma_wait3A_308[%add3A_279, %dma_wait3A_309, %dma_wait3A_310] : memref<8000x128x16xf32, #tpu.memory_space<hbm>> -> memref<10x128x16xf32, #tpu.memory_space<hbm>>
        tpu.wait_dma2 semaphore(%run_scoped3A : memref<!tpu.dma_semaphore, #tpu.memory_space<semaphore_mem>>) src(%arg7 : memref<10x128x16xf32, #tpu.memory_space<vmem>>) dst(%dma_wait3A_311 : memref<10x128x16xf32, #tpu.memory_space<hbm>>)
        tpu.yield
      }) : () -> ()
    }
    %scan3A_10 = arith.constant 25 : i32
    "tpu.region"() ({
      %run_scoped3A = tpu.sem_alloc : memref<!tpu.dma_semaphore, #tpu.memory_space<semaphore_mem>>
      %dma_start3A = arith.constant 0 : i32
      %dma_start3A_18 = arith.constant 0 : i32
      %dma_start3A_19 = tpu.memref_slice %arg4[%add3A, %dma_start3A, %dma_start3A_18] : memref<32x250x128xi32, #tpu.memory_space<hbm>> -> memref<1x250x128xi32, #tpu.memory_space<hbm>>
      %dma_start3A_20 = tpu.memref_squeeze %dma_start3A_19 : memref<1x250x128xi32, #tpu.memory_space<hbm>> -> memref<250x128xi32, #tpu.memory_space<hbm>>
      %dma_start3A_21 = arith.constant 0 : i32
      %dma_start3A_22 = arith.constant 0 : i32
      %dma_start3A_23 = tpu.memref_slice %arg4[%add3A, %dma_start3A_21, %dma_start3A_22] : memref<32x250x128xi32, #tpu.memory_space<hbm>> -> memref<1x250x128xi32, #tpu.memory_space<hbm>>
      %dma_start3A_24 = tpu.memref_squeeze %dma_start3A_23 : memref<1x250x128xi32, #tpu.memory_space<hbm>> -> memref<250x128xi32, #tpu.memory_space<hbm>>
      tpu.enqueue_dma source(%dma_start3A_24 : memref<250x128xi32, #tpu.memory_space<hbm>>) target(%arg6 : memref<250x128xi32, #tpu.memory_space<vmem>>) target_semaphore(%run_scoped3A : memref<!tpu.dma_semaphore, #tpu.memory_space<semaphore_mem>>)
      %dma_wait3A = arith.constant 0 : i32
      %dma_wait3A_25 = arith.constant 0 : i32
      %dma_wait3A_26 = tpu.memref_slice %arg4[%add3A, %dma_wait3A, %dma_wait3A_25] : memref<32x250x128xi32, #tpu.memory_space<hbm>> -> memref<1x250x128xi32, #tpu.memory_space<hbm>>
      %dma_wait3A_27 = tpu.memref_squeeze %dma_wait3A_26 : memref<1x250x128xi32, #tpu.memory_space<hbm>> -> memref<250x128xi32, #tpu.memory_space<hbm>>
      %dma_wait3A_28 = arith.constant 0 : i32
      %dma_wait3A_29 = arith.constant 0 : i32
      %dma_wait3A_30 = tpu.memref_slice %arg4[%add3A, %dma_wait3A_28, %dma_wait3A_29] : memref<32x250x128xi32, #tpu.memory_space<hbm>> -> memref<1x250x128xi32, #tpu.memory_space<hbm>>
      %dma_wait3A_31 = tpu.memref_squeeze %dma_wait3A_30 : memref<1x250x128xi32, #tpu.memory_space<hbm>> -> memref<250x128xi32, #tpu.memory_space<hbm>>
      tpu.wait_dma2 semaphore(%run_scoped3A : memref<!tpu.dma_semaphore, #tpu.memory_space<semaphore_mem>>) src(%dma_wait3A_31 : memref<250x128xi32, #tpu.memory_space<hbm>>) dst(%arg6 : memref<250x128xi32, #tpu.memory_space<vmem>>)
      tpu.yield
    }) : () -> ()
    %scan3A_11 = arith.constant 0 : i32
    %scan3A_12 = arith.constant 1 : i32
    %scan3A_13 = arith.constant 0 : i32
    %scan3A_14 = arith.constant 25 : i32
    %scan3A_15 = arith.addi %scan3A_13, %scan3A_14 : i32
    %scan3A_16 = arith.constant 1 : i32
    scf.for %scan3A_18 = %scan3A_13 to %scan3A_15 step %scan3A_16  : i32 {
      %mul3A_19 = arith.constant 10 : i32
      %mul3A_20 = arith.muli %scan3A_18, %mul3A_19 : i32
      %add3A_21 = arith.constant 0 : i32
      %add3A_22 = arith.addi %mul3A_20, %add3A_21 : i32
      %dma_start3A = arith.constant 0 : i32
      %dma_start3A_23 = arith.constant 0 : i32
      %dma_start3A_24 = arith.constant 0 : i32
      %dma_start3A_25 = tpu.memref_slice %arg7[%dma_start3A, %dma_start3A_23, %dma_start3A_24] : memref<10x128x16xf32, #tpu.memory_space<vmem>> -> memref<1x128x16xf32, #tpu.memory_space<vmem>>
      %dma_start3A_26 = tpu.memref_squeeze %dma_start3A_25 : memref<1x128x16xf32, #tpu.memory_space<vmem>> -> memref<128x16xf32, #tpu.memory_space<vmem>>
      %dma_start3A_27 = arith.constant 0 : i32
      %dma_start3A_28 = tpu.memref_slice %arg6[%add3A_22, %dma_start3A_27] : memref<250x128xi32, #tpu.memory_space<vmem>> -> memref<1x128xi32, #tpu.memory_space<vmem>>
      %dma_start3A_29 = tpu.memref_squeeze %dma_start3A_28 : memref<1x128xi32, #tpu.memory_space<vmem>> -> memref<128xi32, #tpu.memory_space<vmem>>
      %dma_start3A_30 = arith.constant 0 : i32
      %dma_start3A_31 = arith.constant 0 : i32
      %dma_start3A_32 = tpu.memref_slice %arg8[%dma_start3A_30, %dma_start3A_31] : memref<32000x16xf32, #tpu.memory_space<vmem_shared>> -> memref<32000x16xf32, #tpu.memory_space<vmem_shared>>
      tpu.enqueue_indirect_dma source(%dma_start3A_32 : memref<32000x16xf32, #tpu.memory_space<vmem_shared>>) target(%dma_start3A_26 : memref<128x16xf32, #tpu.memory_space<vmem>>) offsets(%dma_start3A_29 : memref<128xi32, #tpu.memory_space<vmem>>) semaphore(%arg9 : memref<!tpu.dma_semaphore, #tpu.memory_space<semaphore_mem>>)
      %mul3A_33 = arith.constant 10 : i32
      %mul3A_34 = arith.muli %scan3A_18, %mul3A_33 : i32
      %add3A_35 = arith.constant 1 : i32
      %add3A_36 = arith.addi %mul3A_34, %add3A_35 : i32
      %dma_start3A_37 = arith.constant 1 : i32
      %dma_start3A_38 = arith.constant 0 : i32
      %dma_start3A_39 = arith.constant 0 : i32
      %dma_start3A_40 = tpu.memref_slice %arg7[%dma_start3A_37, %dma_start3A_38, %dma_start3A_39] : memref<10x128x16xf32, #tpu.memory_space<vmem>> -> memref<1x128x16xf32, #tpu.memory_space<vmem>>
      %dma_start3A_41 = tpu.memref_squeeze %dma_start3A_40 : memref<1x128x16xf32, #tpu.memory_space<vmem>> -> memref<128x16xf32, #tpu.memory_space<vmem>>
      %dma_start3A_42 = arith.constant 0 : i32
      %dma_start3A_43 = tpu.memref_slice %arg6[%add3A_36, %dma_start3A_42] : memref<250x128xi32, #tpu.memory_space<vmem>> -> memref<1x128xi32, #tpu.memory_space<vmem>>
      %dma_start3A_44 = tpu.memref_squeeze %dma_start3A_43 : memref<1x128xi32, #tpu.memory_space<vmem>> -> memref<128xi32, #tpu.memory_space<vmem>>
      %dma_start3A_45 = arith.constant 0 : i32
      %dma_start3A_46 = arith.constant 0 : i32
      %dma_start3A_47 = tpu.memref_slice %arg8[%dma_start3A_45, %dma_start3A_46] : memref<32000x16xf32, #tpu.memory_space<vmem_shared>> -> memref<32000x16xf32, #tpu.memory_space<vmem_shared>>
      tpu.enqueue_indirect_dma source(%dma_start3A_47 : memref<32000x16xf32, #tpu.memory_space<vmem_shared>>) target(%dma_start3A_41 : memref<128x16xf32, #tpu.memory_space<vmem>>) offsets(%dma_start3A_44 : memref<128xi32, #tpu.memory_space<vmem>>) semaphore(%arg9 : memref<!tpu.dma_semaphore, #tpu.memory_space<semaphore_mem>>)
      %mul3A_48 = arith.constant 10 : i32
      %mul3A_49 = arith.muli %scan3A_18, %mul3A_48 : i32
      %add3A_50 = arith.constant 2 : i32
      %add3A_51 = arith.addi %mul3A_49, %add3A_50 : i32
      %dma_start3A_52 = arith.constant 2 : i32
      %dma_start3A_53 = arith.constant 0 : i32
      %dma_start3A_54 = arith.constant 0 : i32
      %dma_start3A_55 = tpu.memref_slice %arg7[%dma_start3A_52, %dma_start3A_53, %dma_start3A_54] : memref<10x128x16xf32, #tpu.memory_space<vmem>> -> memref<1x128x16xf32, #tpu.memory_space<vmem>>
      %dma_start3A_56 = tpu.memref_squeeze %dma_start3A_55 : memref<1x128x16xf32, #tpu.memory_space<vmem>> -> memref<128x16xf32, #tpu.memory_space<vmem>>
      %dma_start3A_57 = arith.constant 0 : i32
      %dma_start3A_58 = tpu.memref_slice %arg6[%add3A_51, %dma_start3A_57] : memref<250x128xi32, #tpu.memory_space<vmem>> -> memref<1x128xi32, #tpu.memory_space<vmem>>
      %dma_start3A_59 = tpu.memref_squeeze %dma_start3A_58 : memref<1x128xi32, #tpu.memory_space<vmem>> -> memref<128xi32, #tpu.memory_space<vmem>>
      %dma_start3A_60 = arith.constant 0 : i32
      %dma_start3A_61 = arith.constant 0 : i32
      %dma_start3A_62 = tpu.memref_slice %arg8[%dma_start3A_60, %dma_start3A_61] : memref<32000x16xf32, #tpu.memory_space<vmem_shared>> -> memref<32000x16xf32, #tpu.memory_space<vmem_shared>>
      tpu.enqueue_indirect_dma source(%dma_start3A_62 : memref<32000x16xf32, #tpu.memory_space<vmem_shared>>) target(%dma_start3A_56 : memref<128x16xf32, #tpu.memory_space<vmem>>) offsets(%dma_start3A_59 : memref<128xi32, #tpu.memory_space<vmem>>) semaphore(%arg9 : memref<!tpu.dma_semaphore, #tpu.memory_space<semaphore_mem>>)
      %mul3A_63 = arith.constant 10 : i32
      %mul3A_64 = arith.muli %scan3A_18, %mul3A_63 : i32
      %add3A_65 = arith.constant 3 : i32
      %add3A_66 = arith.addi %mul3A_64, %add3A_65 : i32
      %dma_start3A_67 = arith.constant 3 : i32
      %dma_start3A_68 = arith.constant 0 : i32
      %dma_start3A_69 = arith.constant 0 : i32
      %dma_start3A_70 = tpu.memref_slice %arg7[%dma_start3A_67, %dma_start3A_68, %dma_start3A_69] : memref<10x128x16xf32, #tpu.memory_space<vmem>> -> memref<1x128x16xf32, #tpu.memory_space<vmem>>
      %dma_start3A_71 = tpu.memref_squeeze %dma_start3A_70 : memref<1x128x16xf32, #tpu.memory_space<vmem>> -> memref<128x16xf32, #tpu.memory_space<vmem>>
      %dma_start3A_72 = arith.constant 0 : i32
      %dma_start3A_73 = tpu.memref_slice %arg6[%add3A_66, %dma_start3A_72] : memref<250x128xi32, #tpu.memory_space<vmem>> -> memref<1x128xi32, #tpu.memory_space<vmem>>
      %dma_start3A_74 = tpu.memref_squeeze %dma_start3A_73 : memref<1x128xi32, #tpu.memory_space<vmem>> -> memref<128xi32, #tpu.memory_space<vmem>>
      %dma_start3A_75 = arith.constant 0 : i32
      %dma_start3A_76 = arith.constant 0 : i32
      %dma_start3A_77 = tpu.memref_slice %arg8[%dma_start3A_75, %dma_start3A_76] : memref<32000x16xf32, #tpu.memory_space<vmem_shared>> -> memref<32000x16xf32, #tpu.memory_space<vmem_shared>>
      tpu.enqueue_indirect_dma source(%dma_start3A_77 : memref<32000x16xf32, #tpu.memory_space<vmem_shared>>) target(%dma_start3A_71 : memref<128x16xf32, #tpu.memory_space<vmem>>) offsets(%dma_start3A_74 : memref<128xi32, #tpu.memory_space<vmem>>) semaphore(%arg9 : memref<!tpu.dma_semaphore, #tpu.memory_space<semaphore_mem>>)
      %mul3A_78 = arith.constant 10 : i32
      %mul3A_79 = arith.muli %scan3A_18, %mul3A_78 : i32
      %add3A_80 = arith.constant 4 : i32
      %add3A_81 = arith.addi %mul3A_79, %add3A_80 : i32
      %dma_start3A_82 = arith.constant 4 : i32
      %dma_start3A_83 = arith.constant 0 : i32
      %dma_start3A_84 = arith.constant 0 : i32
      %dma_start3A_85 = tpu.memref_slice %arg7[%dma_start3A_82, %dma_start3A_83, %dma_start3A_84] : memref<10x128x16xf32, #tpu.memory_space<vmem>> -> memref<1x128x16xf32, #tpu.memory_space<vmem>>
      %dma_start3A_86 = tpu.memref_squeeze %dma_start3A_85 : memref<1x128x16xf32, #tpu.memory_space<vmem>> -> memref<128x16xf32, #tpu.memory_space<vmem>>
      %dma_start3A_87 = arith.constant 0 : i32
      %dma_start3A_88 = tpu.memref_slice %arg6[%add3A_81, %dma_start3A_87] : memref<250x128xi32, #tpu.memory_space<vmem>> -> memref<1x128xi32, #tpu.memory_space<vmem>>
      %dma_start3A_89 = tpu.memref_squeeze %dma_start3A_88 : memref<1x128xi32, #tpu.memory_space<vmem>> -> memref<128xi32, #tpu.memory_space<vmem>>
      %dma_start3A_90 = arith.constant 0 : i32
      %dma_start3A_91 = arith.constant 0 : i32
      %dma_start3A_92 = tpu.memref_slice %arg8[%dma_start3A_90, %dma_start3A_91] : memref<32000x16xf32, #tpu.memory_space<vmem_shared>> -> memref<32000x16xf32, #tpu.memory_space<vmem_shared>>
      tpu.enqueue_indirect_dma source(%dma_start3A_92 : memref<32000x16xf32, #tpu.memory_space<vmem_shared>>) target(%dma_start3A_86 : memref<128x16xf32, #tpu.memory_space<vmem>>) offsets(%dma_start3A_89 : memref<128xi32, #tpu.memory_space<vmem>>) semaphore(%arg9 : memref<!tpu.dma_semaphore, #tpu.memory_space<semaphore_mem>>)
      %mul3A_93 = arith.constant 10 : i32
      %mul3A_94 = arith.muli %scan3A_18, %mul3A_93 : i32
      %add3A_95 = arith.constant 5 : i32
      %add3A_96 = arith.addi %mul3A_94, %add3A_95 : i32
      %dma_start3A_97 = arith.constant 5 : i32
      %dma_start3A_98 = arith.constant 0 : i32
      %dma_start3A_99 = arith.constant 0 : i32
      %dma_start3A_100 = tpu.memref_slice %arg7[%dma_start3A_97, %dma_start3A_98, %dma_start3A_99] : memref<10x128x16xf32, #tpu.memory_space<vmem>> -> memref<1x128x16xf32, #tpu.memory_space<vmem>>
      %dma_start3A_101 = tpu.memref_squeeze %dma_start3A_100 : memref<1x128x16xf32, #tpu.memory_space<vmem>> -> memref<128x16xf32, #tpu.memory_space<vmem>>
      %dma_start3A_102 = arith.constant 0 : i32
      %dma_start3A_103 = tpu.memref_slice %arg6[%add3A_96, %dma_start3A_102] : memref<250x128xi32, #tpu.memory_space<vmem>> -> memref<1x128xi32, #tpu.memory_space<vmem>>
      %dma_start3A_104 = tpu.memref_squeeze %dma_start3A_103 : memref<1x128xi32, #tpu.memory_space<vmem>> -> memref<128xi32, #tpu.memory_space<vmem>>
      %dma_start3A_105 = arith.constant 0 : i32
      %dma_start3A_106 = arith.constant 0 : i32
      %dma_start3A_107 = tpu.memref_slice %arg8[%dma_start3A_105, %dma_start3A_106] : memref<32000x16xf32, #tpu.memory_space<vmem_shared>> -> memref<32000x16xf32, #tpu.memory_space<vmem_shared>>
      tpu.enqueue_indirect_dma source(%dma_start3A_107 : memref<32000x16xf32, #tpu.memory_space<vmem_shared>>) target(%dma_start3A_101 : memref<128x16xf32, #tpu.memory_space<vmem>>) offsets(%dma_start3A_104 : memref<128xi32, #tpu.memory_space<vmem>>) semaphore(%arg9 : memref<!tpu.dma_semaphore, #tpu.memory_space<semaphore_mem>>)
      %mul3A_108 = arith.constant 10 : i32
      %mul3A_109 = arith.muli %scan3A_18, %mul3A_108 : i32
      %add3A_110 = arith.constant 6 : i32
      %add3A_111 = arith.addi %mul3A_109, %add3A_110 : i32
      %dma_start3A_112 = arith.constant 6 : i32
      %dma_start3A_113 = arith.constant 0 : i32
      %dma_start3A_114 = arith.constant 0 : i32
      %dma_start3A_115 = tpu.memref_slice %arg7[%dma_start3A_112, %dma_start3A_113, %dma_start3A_114] : memref<10x128x16xf32, #tpu.memory_space<vmem>> -> memref<1x128x16xf32, #tpu.memory_space<vmem>>
      %dma_start3A_116 = tpu.memref_squeeze %dma_start3A_115 : memref<1x128x16xf32, #tpu.memory_space<vmem>> -> memref<128x16xf32, #tpu.memory_space<vmem>>
      %dma_start3A_117 = arith.constant 0 : i32
      %dma_start3A_118 = tpu.memref_slice %arg6[%add3A_111, %dma_start3A_117] : memref<250x128xi32, #tpu.memory_space<vmem>> -> memref<1x128xi32, #tpu.memory_space<vmem>>
      %dma_start3A_119 = tpu.memref_squeeze %dma_start3A_118 : memref<1x128xi32, #tpu.memory_space<vmem>> -> memref<128xi32, #tpu.memory_space<vmem>>
      %dma_start3A_120 = arith.constant 0 : i32
      %dma_start3A_121 = arith.constant 0 : i32
      %dma_start3A_122 = tpu.memref_slice %arg8[%dma_start3A_120, %dma_start3A_121] : memref<32000x16xf32, #tpu.memory_space<vmem_shared>> -> memref<32000x16xf32, #tpu.memory_space<vmem_shared>>
      tpu.enqueue_indirect_dma source(%dma_start3A_122 : memref<32000x16xf32, #tpu.memory_space<vmem_shared>>) target(%dma_start3A_116 : memref<128x16xf32, #tpu.memory_space<vmem>>) offsets(%dma_start3A_119 : memref<128xi32, #tpu.memory_space<vmem>>) semaphore(%arg9 : memref<!tpu.dma_semaphore, #tpu.memory_space<semaphore_mem>>)
      %mul3A_123 = arith.constant 10 : i32
      %mul3A_124 = arith.muli %scan3A_18, %mul3A_123 : i32
      %add3A_125 = arith.constant 7 : i32
      %add3A_126 = arith.addi %mul3A_124, %add3A_125 : i32
      %dma_start3A_127 = arith.constant 7 : i32
      %dma_start3A_128 = arith.constant 0 : i32
      %dma_start3A_129 = arith.constant 0 : i32
      %dma_start3A_130 = tpu.memref_slice %arg7[%dma_start3A_127, %dma_start3A_128, %dma_start3A_129] : memref<10x128x16xf32, #tpu.memory_space<vmem>> -> memref<1x128x16xf32, #tpu.memory_space<vmem>>
      %dma_start3A_131 = tpu.memref_squeeze %dma_start3A_130 : memref<1x128x16xf32, #tpu.memory_space<vmem>> -> memref<128x16xf32, #tpu.memory_space<vmem>>
      %dma_start3A_132 = arith.constant 0 : i32
      %dma_start3A_133 = tpu.memref_slice %arg6[%add3A_126, %dma_start3A_132] : memref<250x128xi32, #tpu.memory_space<vmem>> -> memref<1x128xi32, #tpu.memory_space<vmem>>
      %dma_start3A_134 = tpu.memref_squeeze %dma_start3A_133 : memref<1x128xi32, #tpu.memory_space<vmem>> -> memref<128xi32, #tpu.memory_space<vmem>>
      %dma_start3A_135 = arith.constant 0 : i32
      %dma_start3A_136 = arith.constant 0 : i32
      %dma_start3A_137 = tpu.memref_slice %arg8[%dma_start3A_135, %dma_start3A_136] : memref<32000x16xf32, #tpu.memory_space<vmem_shared>> -> memref<32000x16xf32, #tpu.memory_space<vmem_shared>>
      tpu.enqueue_indirect_dma source(%dma_start3A_137 : memref<32000x16xf32, #tpu.memory_space<vmem_shared>>) target(%dma_start3A_131 : memref<128x16xf32, #tpu.memory_space<vmem>>) offsets(%dma_start3A_134 : memref<128xi32, #tpu.memory_space<vmem>>) semaphore(%arg9 : memref<!tpu.dma_semaphore, #tpu.memory_space<semaphore_mem>>)
      %mul3A_138 = arith.constant 10 : i32
      %mul3A_139 = arith.muli %scan3A_18, %mul3A_138 : i32
      %add3A_140 = arith.constant 8 : i32
      %add3A_141 = arith.addi %mul3A_139, %add3A_140 : i32
      %dma_start3A_142 = arith.constant 8 : i32
      %dma_start3A_143 = arith.constant 0 : i32
      %dma_start3A_144 = arith.constant 0 : i32
      %dma_start3A_145 = tpu.memref_slice %arg7[%dma_start3A_142, %dma_start3A_143, %dma_start3A_144] : memref<10x128x16xf32, #tpu.memory_space<vmem>> -> memref<1x128x16xf32, #tpu.memory_space<vmem>>
      %dma_start3A_146 = tpu.memref_squeeze %dma_start3A_145 : memref<1x128x16xf32, #tpu.memory_space<vmem>> -> memref<128x16xf32, #tpu.memory_space<vmem>>
      %dma_start3A_147 = arith.constant 0 : i32
      %dma_start3A_148 = tpu.memref_slice %arg6[%add3A_141, %dma_start3A_147] : memref<250x128xi32, #tpu.memory_space<vmem>> -> memref<1x128xi32, #tpu.memory_space<vmem>>
      %dma_start3A_149 = tpu.memref_squeeze %dma_start3A_148 : memref<1x128xi32, #tpu.memory_space<vmem>> -> memref<128xi32, #tpu.memory_space<vmem>>
      %dma_start3A_150 = arith.constant 0 : i32
      %dma_start3A_151 = arith.constant 0 : i32
      %dma_start3A_152 = tpu.memref_slice %arg8[%dma_start3A_150, %dma_start3A_151] : memref<32000x16xf32, #tpu.memory_space<vmem_shared>> -> memref<32000x16xf32, #tpu.memory_space<vmem_shared>>
      tpu.enqueue_indirect_dma source(%dma_start3A_152 : memref<32000x16xf32, #tpu.memory_space<vmem_shared>>) target(%dma_start3A_146 : memref<128x16xf32, #tpu.memory_space<vmem>>) offsets(%dma_start3A_149 : memref<128xi32, #tpu.memory_space<vmem>>) semaphore(%arg9 : memref<!tpu.dma_semaphore, #tpu.memory_space<semaphore_mem>>)
      %mul3A_153 = arith.constant 10 : i32
      %mul3A_154 = arith.muli %scan3A_18, %mul3A_153 : i32
      %add3A_155 = arith.constant 9 : i32
      %add3A_156 = arith.addi %mul3A_154, %add3A_155 : i32
      %dma_start3A_157 = arith.constant 9 : i32
      %dma_start3A_158 = arith.constant 0 : i32
      %dma_start3A_159 = arith.constant 0 : i32
      %dma_start3A_160 = tpu.memref_slice %arg7[%dma_start3A_157, %dma_start3A_158, %dma_start3A_159] : memref<10x128x16xf32, #tpu.memory_space<vmem>> -> memref<1x128x16xf32, #tpu.memory_space<vmem>>
      %dma_start3A_161 = tpu.memref_squeeze %dma_start3A_160 : memref<1x128x16xf32, #tpu.memory_space<vmem>> -> memref<128x16xf32, #tpu.memory_space<vmem>>
      %dma_start3A_162 = arith.constant 0 : i32
      %dma_start3A_163 = tpu.memref_slice %arg6[%add3A_156, %dma_start3A_162] : memref<250x128xi32, #tpu.memory_space<vmem>> -> memref<1x128xi32, #tpu.memory_space<vmem>>
      %dma_start3A_164 = tpu.memref_squeeze %dma_start3A_163 : memref<1x128xi32, #tpu.memory_space<vmem>> -> memref<128xi32, #tpu.memory_space<vmem>>
      %dma_start3A_165 = arith.constant 0 : i32
      %dma_start3A_166 = arith.constant 0 : i32
      %dma_start3A_167 = tpu.memref_slice %arg8[%dma_start3A_165, %dma_start3A_166] : memref<32000x16xf32, #tpu.memory_space<vmem_shared>> -> memref<32000x16xf32, #tpu.memory_space<vmem_shared>>
      tpu.enqueue_indirect_dma source(%dma_start3A_167 : memref<32000x16xf32, #tpu.memory_space<vmem_shared>>) target(%dma_start3A_161 : memref<128x16xf32, #tpu.memory_space<vmem>>) offsets(%dma_start3A_164 : memref<128xi32, #tpu.memory_space<vmem>>) semaphore(%arg9 : memref<!tpu.dma_semaphore, #tpu.memory_space<semaphore_mem>>)
      %dma_wait3A = arith.constant 0 : i32
      %dma_wait3A_168 = arith.constant 0 : i32
      %dma_wait3A_169 = arith.constant 0 : i32
      %dma_wait3A_170 = tpu.memref_slice %arg7[%dma_wait3A, %dma_wait3A_168, %dma_wait3A_169] : memref<10x128x16xf32, #tpu.memory_space<vmem>> -> memref<1x128x16xf32, #tpu.memory_space<vmem>>
      %dma_wait3A_171 = tpu.memref_squeeze %dma_wait3A_170 : memref<1x128x16xf32, #tpu.memory_space<vmem>> -> memref<128x16xf32, #tpu.memory_space<vmem>>
      %dma_wait3A_172 = arith.constant 0 : i32
      %dma_wait3A_173 = tpu.memref_slice %arg6[%add3A_22, %dma_wait3A_172] : memref<250x128xi32, #tpu.memory_space<vmem>> -> memref<1x128xi32, #tpu.memory_space<vmem>>
      %dma_wait3A_174 = tpu.memref_squeeze %dma_wait3A_173 : memref<1x128xi32, #tpu.memory_space<vmem>> -> memref<128xi32, #tpu.memory_space<vmem>>
      %dma_wait3A_175 = arith.constant 0 : i32
      %dma_wait3A_176 = arith.constant 0 : i32
      %dma_wait3A_177 = tpu.memref_slice %arg8[%dma_wait3A_175, %dma_wait3A_176] : memref<32000x16xf32, #tpu.memory_space<vmem_shared>> -> memref<32000x16xf32, #tpu.memory_space<vmem_shared>>
      tpu.wait_indirect_dma semaphore(%arg9 : memref<!tpu.dma_semaphore, #tpu.memory_space<semaphore_mem>>) src(%dma_wait3A_177 : memref<32000x16xf32, #tpu.memory_space<vmem_shared>>) dst(%dma_wait3A_171 : memref<128x16xf32, #tpu.memory_space<vmem>>)
      %dma_wait3A_178 = arith.constant 1 : i32
      %dma_wait3A_179 = arith.constant 0 : i32
      %dma_wait3A_180 = arith.constant 0 : i32
      %dma_wait3A_181 = tpu.memref_slice %arg7[%dma_wait3A_178, %dma_wait3A_179, %dma_wait3A_180] : memref<10x128x16xf32, #tpu.memory_space<vmem>> -> memref<1x128x16xf32, #tpu.memory_space<vmem>>
      %dma_wait3A_182 = tpu.memref_squeeze %dma_wait3A_181 : memref<1x128x16xf32, #tpu.memory_space<vmem>> -> memref<128x16xf32, #tpu.memory_space<vmem>>
      %dma_wait3A_183 = arith.constant 0 : i32
      %dma_wait3A_184 = tpu.memref_slice %arg6[%add3A_36, %dma_wait3A_183] : memref<250x128xi32, #tpu.memory_space<vmem>> -> memref<1x128xi32, #tpu.memory_space<vmem>>
      %dma_wait3A_185 = tpu.memref_squeeze %dma_wait3A_184 : memref<1x128xi32, #tpu.memory_space<vmem>> -> memref<128xi32, #tpu.memory_space<vmem>>
      %dma_wait3A_186 = arith.constant 0 : i32
      %dma_wait3A_187 = arith.constant 0 : i32
      %dma_wait3A_188 = tpu.memref_slice %arg8[%dma_wait3A_186, %dma_wait3A_187] : memref<32000x16xf32, #tpu.memory_space<vmem_shared>> -> memref<32000x16xf32, #tpu.memory_space<vmem_shared>>
      tpu.wait_indirect_dma semaphore(%arg9 : memref<!tpu.dma_semaphore, #tpu.memory_space<semaphore_mem>>) src(%dma_wait3A_188 : memref<32000x16xf32, #tpu.memory_space<vmem_shared>>) dst(%dma_wait3A_182 : memref<128x16xf32, #tpu.memory_space<vmem>>)
      %dma_wait3A_189 = arith.constant 2 : i32
      %dma_wait3A_190 = arith.constant 0 : i32
      %dma_wait3A_191 = arith.constant 0 : i32
      %dma_wait3A_192 = tpu.memref_slice %arg7[%dma_wait3A_189, %dma_wait3A_190, %dma_wait3A_191] : memref<10x128x16xf32, #tpu.memory_space<vmem>> -> memref<1x128x16xf32, #tpu.memory_space<vmem>>
      %dma_wait3A_193 = tpu.memref_squeeze %dma_wait3A_192 : memref<1x128x16xf32, #tpu.memory_space<vmem>> -> memref<128x16xf32, #tpu.memory_space<vmem>>
      %dma_wait3A_194 = arith.constant 0 : i32
      %dma_wait3A_195 = tpu.memref_slice %arg6[%add3A_51, %dma_wait3A_194] : memref<250x128xi32, #tpu.memory_space<vmem>> -> memref<1x128xi32, #tpu.memory_space<vmem>>
      %dma_wait3A_196 = tpu.memref_squeeze %dma_wait3A_195 : memref<1x128xi32, #tpu.memory_space<vmem>> -> memref<128xi32, #tpu.memory_space<vmem>>
      %dma_wait3A_197 = arith.constant 0 : i32
      %dma_wait3A_198 = arith.constant 0 : i32
      %dma_wait3A_199 = tpu.memref_slice %arg8[%dma_wait3A_197, %dma_wait3A_198] : memref<32000x16xf32, #tpu.memory_space<vmem_shared>> -> memref<32000x16xf32, #tpu.memory_space<vmem_shared>>
      tpu.wait_indirect_dma semaphore(%arg9 : memref<!tpu.dma_semaphore, #tpu.memory_space<semaphore_mem>>) src(%dma_wait3A_199 : memref<32000x16xf32, #tpu.memory_space<vmem_shared>>) dst(%dma_wait3A_193 : memref<128x16xf32, #tpu.memory_space<vmem>>)
      %dma_wait3A_200 = arith.constant 3 : i32
      %dma_wait3A_201 = arith.constant 0 : i32
      %dma_wait3A_202 = arith.constant 0 : i32
      %dma_wait3A_203 = tpu.memref_slice %arg7[%dma_wait3A_200, %dma_wait3A_201, %dma_wait3A_202] : memref<10x128x16xf32, #tpu.memory_space<vmem>> -> memref<1x128x16xf32, #tpu.memory_space<vmem>>
      %dma_wait3A_204 = tpu.memref_squeeze %dma_wait3A_203 : memref<1x128x16xf32, #tpu.memory_space<vmem>> -> memref<128x16xf32, #tpu.memory_space<vmem>>
      %dma_wait3A_205 = arith.constant 0 : i32
      %dma_wait3A_206 = tpu.memref_slice %arg6[%add3A_66, %dma_wait3A_205] : memref<250x128xi32, #tpu.memory_space<vmem>> -> memref<1x128xi32, #tpu.memory_space<vmem>>
      %dma_wait3A_207 = tpu.memref_squeeze %dma_wait3A_206 : memref<1x128xi32, #tpu.memory_space<vmem>> -> memref<128xi32, #tpu.memory_space<vmem>>
      %dma_wait3A_208 = arith.constant 0 : i32
      %dma_wait3A_209 = arith.constant 0 : i32
      %dma_wait3A_210 = tpu.memref_slice %arg8[%dma_wait3A_208, %dma_wait3A_209] : memref<32000x16xf32, #tpu.memory_space<vmem_shared>> -> memref<32000x16xf32, #tpu.memory_space<vmem_shared>>
      tpu.wait_indirect_dma semaphore(%arg9 : memref<!tpu.dma_semaphore, #tpu.memory_space<semaphore_mem>>) src(%dma_wait3A_210 : memref<32000x16xf32, #tpu.memory_space<vmem_shared>>) dst(%dma_wait3A_204 : memref<128x16xf32, #tpu.memory_space<vmem>>)
      %dma_wait3A_211 = arith.constant 4 : i32
      %dma_wait3A_212 = arith.constant 0 : i32
      %dma_wait3A_213 = arith.constant 0 : i32
      %dma_wait3A_214 = tpu.memref_slice %arg7[%dma_wait3A_211, %dma_wait3A_212, %dma_wait3A_213] : memref<10x128x16xf32, #tpu.memory_space<vmem>> -> memref<1x128x16xf32, #tpu.memory_space<vmem>>
      %dma_wait3A_215 = tpu.memref_squeeze %dma_wait3A_214 : memref<1x128x16xf32, #tpu.memory_space<vmem>> -> memref<128x16xf32, #tpu.memory_space<vmem>>
      %dma_wait3A_216 = arith.constant 0 : i32
      %dma_wait3A_217 = tpu.memref_slice %arg6[%add3A_81, %dma_wait3A_216] : memref<250x128xi32, #tpu.memory_space<vmem>> -> memref<1x128xi32, #tpu.memory_space<vmem>>
      %dma_wait3A_218 = tpu.memref_squeeze %dma_wait3A_217 : memref<1x128xi32, #tpu.memory_space<vmem>> -> memref<128xi32, #tpu.memory_space<vmem>>
      %dma_wait3A_219 = arith.constant 0 : i32
      %dma_wait3A_220 = arith.constant 0 : i32
      %dma_wait3A_221 = tpu.memref_slice %arg8[%dma_wait3A_219, %dma_wait3A_220] : memref<32000x16xf32, #tpu.memory_space<vmem_shared>> -> memref<32000x16xf32, #tpu.memory_space<vmem_shared>>
      tpu.wait_indirect_dma semaphore(%arg9 : memref<!tpu.dma_semaphore, #tpu.memory_space<semaphore_mem>>) src(%dma_wait3A_221 : memref<32000x16xf32, #tpu.memory_space<vmem_shared>>) dst(%dma_wait3A_215 : memref<128x16xf32, #tpu.memory_space<vmem>>)
      %dma_wait3A_222 = arith.constant 5 : i32
      %dma_wait3A_223 = arith.constant 0 : i32
      %dma_wait3A_224 = arith.constant 0 : i32
      %dma_wait3A_225 = tpu.memref_slice %arg7[%dma_wait3A_222, %dma_wait3A_223, %dma_wait3A_224] : memref<10x128x16xf32, #tpu.memory_space<vmem>> -> memref<1x128x16xf32, #tpu.memory_space<vmem>>
      %dma_wait3A_226 = tpu.memref_squeeze %dma_wait3A_225 : memref<1x128x16xf32, #tpu.memory_space<vmem>> -> memref<128x16xf32, #tpu.memory_space<vmem>>
      %dma_wait3A_227 = arith.constant 0 : i32
      %dma_wait3A_228 = tpu.memref_slice %arg6[%add3A_96, %dma_wait3A_227] : memref<250x128xi32, #tpu.memory_space<vmem>> -> memref<1x128xi32, #tpu.memory_space<vmem>>
      %dma_wait3A_229 = tpu.memref_squeeze %dma_wait3A_228 : memref<1x128xi32, #tpu.memory_space<vmem>> -> memref<128xi32, #tpu.memory_space<vmem>>
      %dma_wait3A_230 = arith.constant 0 : i32
      %dma_wait3A_231 = arith.constant 0 : i32
      %dma_wait3A_232 = tpu.memref_slice %arg8[%dma_wait3A_230, %dma_wait3A_231] : memref<32000x16xf32, #tpu.memory_space<vmem_shared>> -> memref<32000x16xf32, #tpu.memory_space<vmem_shared>>
      tpu.wait_indirect_dma semaphore(%arg9 : memref<!tpu.dma_semaphore, #tpu.memory_space<semaphore_mem>>) src(%dma_wait3A_232 : memref<32000x16xf32, #tpu.memory_space<vmem_shared>>) dst(%dma_wait3A_226 : memref<128x16xf32, #tpu.memory_space<vmem>>)
      %dma_wait3A_233 = arith.constant 6 : i32
      %dma_wait3A_234 = arith.constant 0 : i32
      %dma_wait3A_235 = arith.constant 0 : i32
      %dma_wait3A_236 = tpu.memref_slice %arg7[%dma_wait3A_233, %dma_wait3A_234, %dma_wait3A_235] : memref<10x128x16xf32, #tpu.memory_space<vmem>> -> memref<1x128x16xf32, #tpu.memory_space<vmem>>
      %dma_wait3A_237 = tpu.memref_squeeze %dma_wait3A_236 : memref<1x128x16xf32, #tpu.memory_space<vmem>> -> memref<128x16xf32, #tpu.memory_space<vmem>>
      %dma_wait3A_238 = arith.constant 0 : i32
      %dma_wait3A_239 = tpu.memref_slice %arg6[%add3A_111, %dma_wait3A_238] : memref<250x128xi32, #tpu.memory_space<vmem>> -> memref<1x128xi32, #tpu.memory_space<vmem>>
      %dma_wait3A_240 = tpu.memref_squeeze %dma_wait3A_239 : memref<1x128xi32, #tpu.memory_space<vmem>> -> memref<128xi32, #tpu.memory_space<vmem>>
      %dma_wait3A_241 = arith.constant 0 : i32
      %dma_wait3A_242 = arith.constant 0 : i32
      %dma_wait3A_243 = tpu.memref_slice %arg8[%dma_wait3A_241, %dma_wait3A_242] : memref<32000x16xf32, #tpu.memory_space<vmem_shared>> -> memref<32000x16xf32, #tpu.memory_space<vmem_shared>>
      tpu.wait_indirect_dma semaphore(%arg9 : memref<!tpu.dma_semaphore, #tpu.memory_space<semaphore_mem>>) src(%dma_wait3A_243 : memref<32000x16xf32, #tpu.memory_space<vmem_shared>>) dst(%dma_wait3A_237 : memref<128x16xf32, #tpu.memory_space<vmem>>)
      %dma_wait3A_244 = arith.constant 7 : i32
      %dma_wait3A_245 = arith.constant 0 : i32
      %dma_wait3A_246 = arith.constant 0 : i32
      %dma_wait3A_247 = tpu.memref_slice %arg7[%dma_wait3A_244, %dma_wait3A_245, %dma_wait3A_246] : memref<10x128x16xf32, #tpu.memory_space<vmem>> -> memref<1x128x16xf32, #tpu.memory_space<vmem>>
      %dma_wait3A_248 = tpu.memref_squeeze %dma_wait3A_247 : memref<1x128x16xf32, #tpu.memory_space<vmem>> -> memref<128x16xf32, #tpu.memory_space<vmem>>
      %dma_wait3A_249 = arith.constant 0 : i32
      %dma_wait3A_250 = tpu.memref_slice %arg6[%add3A_126, %dma_wait3A_249] : memref<250x128xi32, #tpu.memory_space<vmem>> -> memref<1x128xi32, #tpu.memory_space<vmem>>
      %dma_wait3A_251 = tpu.memref_squeeze %dma_wait3A_250 : memref<1x128xi32, #tpu.memory_space<vmem>> -> memref<128xi32, #tpu.memory_space<vmem>>
      %dma_wait3A_252 = arith.constant 0 : i32
      %dma_wait3A_253 = arith.constant 0 : i32
      %dma_wait3A_254 = tpu.memref_slice %arg8[%dma_wait3A_252, %dma_wait3A_253] : memref<32000x16xf32, #tpu.memory_space<vmem_shared>> -> memref<32000x16xf32, #tpu.memory_space<vmem_shared>>
      tpu.wait_indirect_dma semaphore(%arg9 : memref<!tpu.dma_semaphore, #tpu.memory_space<semaphore_mem>>) src(%dma_wait3A_254 : memref<32000x16xf32, #tpu.memory_space<vmem_shared>>) dst(%dma_wait3A_248 : memref<128x16xf32, #tpu.memory_space<vmem>>)
      %dma_wait3A_255 = arith.constant 8 : i32
      %dma_wait3A_256 = arith.constant 0 : i32
      %dma_wait3A_257 = arith.constant 0 : i32
      %dma_wait3A_258 = tpu.memref_slice %arg7[%dma_wait3A_255, %dma_wait3A_256, %dma_wait3A_257] : memref<10x128x16xf32, #tpu.memory_space<vmem>> -> memref<1x128x16xf32, #tpu.memory_space<vmem>>
      %dma_wait3A_259 = tpu.memref_squeeze %dma_wait3A_258 : memref<1x128x16xf32, #tpu.memory_space<vmem>> -> memref<128x16xf32, #tpu.memory_space<vmem>>
      %dma_wait3A_260 = arith.constant 0 : i32
      %dma_wait3A_261 = tpu.memref_slice %arg6[%add3A_141, %dma_wait3A_260] : memref<250x128xi32, #tpu.memory_space<vmem>> -> memref<1x128xi32, #tpu.memory_space<vmem>>
      %dma_wait3A_262 = tpu.memref_squeeze %dma_wait3A_261 : memref<1x128xi32, #tpu.memory_space<vmem>> -> memref<128xi32, #tpu.memory_space<vmem>>
      %dma_wait3A_263 = arith.constant 0 : i32
      %dma_wait3A_264 = arith.constant 0 : i32
      %dma_wait3A_265 = tpu.memref_slice %arg8[%dma_wait3A_263, %dma_wait3A_264] : memref<32000x16xf32, #tpu.memory_space<vmem_shared>> -> memref<32000x16xf32, #tpu.memory_space<vmem_shared>>
      tpu.wait_indirect_dma semaphore(%arg9 : memref<!tpu.dma_semaphore, #tpu.memory_space<semaphore_mem>>) src(%dma_wait3A_265 : memref<32000x16xf32, #tpu.memory_space<vmem_shared>>) dst(%dma_wait3A_259 : memref<128x16xf32, #tpu.memory_space<vmem>>)
      %dma_wait3A_266 = arith.constant 9 : i32
      %dma_wait3A_267 = arith.constant 0 : i32
      %dma_wait3A_268 = arith.constant 0 : i32
      %dma_wait3A_269 = tpu.memref_slice %arg7[%dma_wait3A_266, %dma_wait3A_267, %dma_wait3A_268] : memref<10x128x16xf32, #tpu.memory_space<vmem>> -> memref<1x128x16xf32, #tpu.memory_space<vmem>>
      %dma_wait3A_270 = tpu.memref_squeeze %dma_wait3A_269 : memref<1x128x16xf32, #tpu.memory_space<vmem>> -> memref<128x16xf32, #tpu.memory_space<vmem>>
      %dma_wait3A_271 = arith.constant 0 : i32
      %dma_wait3A_272 = tpu.memref_slice %arg6[%add3A_156, %dma_wait3A_271] : memref<250x128xi32, #tpu.memory_space<vmem>> -> memref<1x128xi32, #tpu.memory_space<vmem>>
      %dma_wait3A_273 = tpu.memref_squeeze %dma_wait3A_272 : memref<1x128xi32, #tpu.memory_space<vmem>> -> memref<128xi32, #tpu.memory_space<vmem>>
      %dma_wait3A_274 = arith.constant 0 : i32
      %dma_wait3A_275 = arith.constant 0 : i32
      %dma_wait3A_276 = tpu.memref_slice %arg8[%dma_wait3A_274, %dma_wait3A_275] : memref<32000x16xf32, #tpu.memory_space<vmem_shared>> -> memref<32000x16xf32, #tpu.memory_space<vmem_shared>>
      tpu.wait_indirect_dma semaphore(%arg9 : memref<!tpu.dma_semaphore, #tpu.memory_space<semaphore_mem>>) src(%dma_wait3A_276 : memref<32000x16xf32, #tpu.memory_space<vmem_shared>>) dst(%dma_wait3A_270 : memref<128x16xf32, #tpu.memory_space<vmem>>)
      %mul3A_277 = arith.constant 10 : i32
      %mul3A_278 = arith.muli %scan3A_18, %mul3A_277 : i32
      %add3A_279 = arith.addi %mul3A_2, %mul3A_278 : i32
      "tpu.region"() ({
        %run_scoped3A = tpu.sem_alloc : memref<!tpu.dma_semaphore, #tpu.memory_space<semaphore_mem>>
        %dma_start3A_280 = arith.constant 0 : i32
        %dma_start3A_281 = arith.constant 0 : i32
        %dma_start3A_282 = arith.constant 0 : i32
        %dma_start3A_283 = tpu.memref_slice %arg5[%scan3A_12, %dma_start3A_280, %dma_start3A_281, %dma_start3A_282] : memref<2x8000x128x16xf32, #tpu.memory_space<hbm>> -> memref<1x8000x128x16xf32, #tpu.memory_space<hbm>>
        %dma_start3A_284 = tpu.memref_squeeze %dma_start3A_283 : memref<1x8000x128x16xf32, #tpu.memory_space<hbm>> -> memref<8000x128x16xf32, #tpu.memory_space<hbm>>
        %dma_start3A_285 = arith.constant 0 : i32
        %dma_start3A_286 = arith.constant 0 : i32
        %dma_start3A_287 = tpu.memref_slice %dma_start3A_284[%add3A_279, %dma_start3A_285, %dma_start3A_286] : memref<8000x128x16xf32, #tpu.memory_space<hbm>> -> memref<10x128x16xf32, #tpu.memory_space<hbm>>
        %dma_start3A_288 = arith.constant 0 : i32
        %dma_start3A_289 = arith.constant 0 : i32
        %dma_start3A_290 = arith.constant 0 : i32
        %dma_start3A_291 = tpu.memref_slice %arg5[%scan3A_12, %dma_start3A_288, %dma_start3A_289, %dma_start3A_290] : memref<2x8000x128x16xf32, #tpu.memory_space<hbm>> -> memref<1x8000x128x16xf32, #tpu.memory_space<hbm>>
        %dma_start3A_292 = tpu.memref_squeeze %dma_start3A_291 : memref<1x8000x128x16xf32, #tpu.memory_space<hbm>> -> memref<8000x128x16xf32, #tpu.memory_space<hbm>>
        %dma_start3A_293 = arith.constant 0 : i32
        %dma_start3A_294 = arith.constant 0 : i32
        %dma_start3A_295 = tpu.memref_slice %dma_start3A_292[%add3A_279, %dma_start3A_293, %dma_start3A_294] : memref<8000x128x16xf32, #tpu.memory_space<hbm>> -> memref<10x128x16xf32, #tpu.memory_space<hbm>>
        tpu.enqueue_dma source(%arg7 : memref<10x128x16xf32, #tpu.memory_space<vmem>>) target(%dma_start3A_295 : memref<10x128x16xf32, #tpu.memory_space<hbm>>) target_semaphore(%run_scoped3A : memref<!tpu.dma_semaphore, #tpu.memory_space<semaphore_mem>>)
        %dma_wait3A_296 = arith.constant 0 : i32
        %dma_wait3A_297 = arith.constant 0 : i32
        %dma_wait3A_298 = arith.constant 0 : i32
        %dma_wait3A_299 = tpu.memref_slice %arg5[%scan3A_12, %dma_wait3A_296, %dma_wait3A_297, %dma_wait3A_298] : memref<2x8000x128x16xf32, #tpu.memory_space<hbm>> -> memref<1x8000x128x16xf32, #tpu.memory_space<hbm>>
        %dma_wait3A_300 = tpu.memref_squeeze %dma_wait3A_299 : memref<1x8000x128x16xf32, #tpu.memory_space<hbm>> -> memref<8000x128x16xf32, #tpu.memory_space<hbm>>
        %dma_wait3A_301 = arith.constant 0 : i32
        %dma_wait3A_302 = arith.constant 0 : i32
        %dma_wait3A_303 = tpu.memref_slice %dma_wait3A_300[%add3A_279, %dma_wait3A_301, %dma_wait3A_302] : memref<8000x128x16xf32, #tpu.memory_space<hbm>> -> memref<10x128x16xf32, #tpu.memory_space<hbm>>
        %dma_wait3A_304 = arith.constant 0 : i32
        %dma_wait3A_305 = arith.constant 0 : i32
        %dma_wait3A_306 = arith.constant 0 : i32
        %dma_wait3A_307 = tpu.memref_slice %arg5[%scan3A_12, %dma_wait3A_304, %dma_wait3A_305, %dma_wait3A_306] : memref<2x8000x128x16xf32, #tpu.memory_space<hbm>> -> memref<1x8000x128x16xf32, #tpu.memory_space<hbm>>
        %dma_wait3A_308 = tpu.memref_squeeze %dma_wait3A_307 : memref<1x8000x128x16xf32, #tpu.memory_space<hbm>> -> memref<8000x128x16xf32, #tpu.memory_space<hbm>>
        %dma_wait3A_309 = arith.constant 0 : i32
        %dma_wait3A_310 = arith.constant 0 : i32
        %dma_wait3A_311 = tpu.memref_slice %dma_wait3A_308[%add3A_279, %dma_wait3A_309, %dma_wait3A_310] : memref<8000x128x16xf32, #tpu.memory_space<hbm>> -> memref<10x128x16xf32, #tpu.memory_space<hbm>>
        tpu.wait_dma2 semaphore(%run_scoped3A : memref<!tpu.dma_semaphore, #tpu.memory_space<semaphore_mem>>) src(%arg7 : memref<10x128x16xf32, #tpu.memory_space<vmem>>) dst(%dma_wait3A_311 : memref<10x128x16xf32, #tpu.memory_space<hbm>>)
        tpu.yield
      }) : () -> ()
    }
    %scan3A_17 = arith.constant 25 : i32
    return
  }
}

#map = affine_map<(d0, d1) -> (0, 0)>
#map1 = affine_map<(d0, d1) -> (0, 0, 0)>
#map2 = affine_map<(d0, d1) -> (0, 0, 0, 0)>
module attributes {stable_mosaic.version = 14 : i64} {
  func.func @body(%arg0: i32, %arg1: i32, %arg2: memref<32000x16xf32, #tpu.memory_space<hbm>>, %arg3: memref<32x250x128xi32, #tpu.memory_space<hbm>>, %arg4: memref<32x250x128xi32, #tpu.memory_space<hbm>>, %arg5: memref<2x8000x128x16xf32, #tpu.memory_space<hbm>>, %arg6: memref<250x128xi32, #tpu.memory_space<vmem>>, %arg7: memref<10x128x16xf32, #tpu.memory_space<vmem>>, %arg8: memref<32000x16xf32, #tpu.memory_space<vmem_shared>>, %arg9: memref<!tpu.dma_semaphore, #tpu.memory_space<semaphore_mem>>) attributes {dimension_semantics = [#tpu.dimension_semantics<core_parallel>, #tpu.dimension_semantics<subcore_parallel>], iteration_bounds = array<i64: 2, 16>, scalar_prefetch = 0 : i64, scratch_operands = 4 : i64, tpu.core_type = #tpu.core_type<sc_vector_subcore>, window_params = [{transform_indices = #map}, {transform_indices = #map1}, {transform_indices = #map1}, {transform_indices = #map2}]} {
    %mul3A = arith.constant 2 : i32
    %mul3A_0 = arith.muli %arg1, %mul3A : i32
    %add3A = arith.addi %mul3A_0, %arg0 : i32
    %mul3A_1 = arith.constant 250 : i32
    %mul3A_2 = arith.muli %add3A, %mul3A_1 : i32
    %eq3A = arith.constant 0 : i32
    %eq3A_3 = arith.cmpi eq, %arg1, %eq3A : i32
    %convert_element_type3A = arith.extui %eq3A_3 : i1 to i32
    %cond3A = arith.constant 0 : i32
    %cond3A_4 = arith.cmpi ne, %convert_element_type3A, %cond3A : i32
    scf.if %cond3A_4 {
      "tpu.region"() ({
        %run_scoped3A = tpu.sem_alloc : memref<!tpu.dma_semaphore, #tpu.memory_space<semaphore_mem>>
        tpu.enqueue_dma source(%arg2 : memref<32000x16xf32, #tpu.memory_space<hbm>>) target(%arg8 : memref<32000x16xf32, #tpu.memory_space<vmem_shared>>) target_semaphore(%run_scoped3A : memref<!tpu.dma_semaphore, #tpu.memory_space<semaphore_mem>>)
        tpu.wait_dma2 semaphore(%run_scoped3A : memref<!tpu.dma_semaphore, #tpu.memory_space<semaphore_mem>>) src(%arg2 : memref<32000x16xf32, #tpu.memory_space<hbm>>) dst(%arg8 : memref<32000x16xf32, #tpu.memory_space<vmem_shared>>)
        tpu.yield
      }) : () -> ()
    } else {
    }
    %barrier3A = arith.constant 0 : index
    tpu.barrier barrier_id(%barrier3A)
    "tpu.region"() ({
      %run_scoped3A = tpu.sem_alloc : memref<!tpu.dma_semaphore, #tpu.memory_space<semaphore_mem>>
      %dma_start3A = arith.constant 0 : i32
      %dma_start3A_18 = arith.constant 0 : i32
      %dma_start3A_19 = tpu.memref_slice %arg3[%add3A, %dma_start3A, %dma_start3A_18] : memref<32x250x128xi32, #tpu.memory_space<hbm>> -> memref<1x250x128xi32, #tpu.memory_space<hbm>>
      %dma_start3A_20 = tpu.memref_squeeze %dma_start3A_19 : memref<1x250x128xi32, #tpu.memory_space<hbm>> -> memref<250x128xi32, #tpu.memory_space<hbm>>
      %dma_start3A_21 = arith.constant 0 : i32
      %dma_start3A_22 = arith.constant 0 : i32
      %dma_start3A_23 = tpu.memref_slice %arg3[%add3A, %dma_start3A_21, %dma_start3A_22] : memref<32x250x128xi32, #tpu.memory_space<hbm>> -> memref<1x250x128xi32, #tpu.memory_space<hbm>>
      %dma_start3A_24 = tpu.memref_squeeze %dma_start3A_23 : memref<1x250x128xi32, #tpu.memory_space<hbm>> -> memref<250x128xi32, #tpu.memory_space<hbm>>
      tpu.enqueue_dma source(%dma_start3A_24 : memref<250x128xi32, #tpu.memory_space<hbm>>) target(%arg6 : memref<250x128xi32, #tpu.memory_space<vmem>>) target_semaphore(%run_scoped3A : memref<!tpu.dma_semaphore, #tpu.memory_space<semaphore_mem>>)
      %dma_wait3A = arith.constant 0 : i32
      %dma_wait3A_25 = arith.constant 0 : i32
      %dma_wait3A_26 = tpu.memref_slice %arg3[%add3A, %dma_wait3A, %dma_wait3A_25] : memref<32x250x128xi32, #tpu.memory_space<hbm>> -> memref<1x250x128xi32, #tpu.memory_space<hbm>>
      %dma_wait3A_27 = tpu.memref_squeeze %dma_wait3A_26 : memref<1x250x128xi32, #tpu.memory_space<hbm>> -> memref<250x128xi32, #tpu.memory_space<hbm>>
      %dma_wait3A_28 = arith.constant 0 : i32
      %dma_wait3A_29 = arith.constant 0 : i32
      %dma_wait3A_30 = tpu.memref_slice %arg3[%add3A, %dma_wait3A_28, %dma_wait3A_29] : memref<32x250x128xi32, #tpu.memory_space<hbm>> -> memref<1x250x128xi32, #tpu.memory_space<hbm>>
      %dma_wait3A_31 = tpu.memref_squeeze %dma_wait3A_30 : memref<1x250x128xi32, #tpu.memory_space<hbm>> -> memref<250x128xi32, #tpu.memory_space<hbm>>
      tpu.wait_dma2 semaphore(%run_scoped3A : memref<!tpu.dma_semaphore, #tpu.memory_space<semaphore_mem>>) src(%dma_wait3A_31 : memref<250x128xi32, #tpu.memory_space<hbm>>) dst(%arg6 : memref<250x128xi32, #tpu.memory_space<vmem>>)
      tpu.yield
    }) : () -> ()
    %scan3A = arith.constant 0 : i32
    %scan3A_5 = arith.constant 0 : i32
    %scan3A_6 = arith.constant 0 : i32
    %scan3A_7 = arith.constant 25 : i32
    %scan3A_8 = arith.addi %scan3A_6, %scan3A_7 : i32
    %scan3A_9 = arith.constant 1 : i32
    scf.for %scan3A_18 = %scan3A_6 to %scan3A_8 step %scan3A_9  : i32 {
      %mul3A_19 = arith.constant 10 : i32
      %mul3A_20 = arith.muli %scan3A_18, %mul3A_19 : i32
      %add3A_21 = arith.constant 0 : i32
      %add3A_22 = arith.addi %mul3A_20, %add3A_21 : i32
      %dma_start3A = arith.constant 0 : i32
      %dma_start3A_23 = arith.constant 0 : i32
      %dma_start3A_24 = arith.constant 0 : i32
      %dma_start3A_25 = tpu.memref_slice %arg7[%dma_start3A, %dma_start3A_23, %dma_start3A_24] : memref<10x128x16xf32, #tpu.memory_space<vmem>> -> memref<1x128x16xf32, #tpu.memory_space<vmem>>
      %dma_start3A_26 = tpu.memref_squeeze %dma_start3A_25 : memref<1x128x16xf32, #tpu.memory_space<vmem>> -> memref<128x16xf32, #tpu.memory_space<vmem>>
      %dma_start3A_27 = arith.constant 0 : i32
      %dma_start3A_28 = tpu.memref_slice %arg6[%add3A_22, %dma_start3A_27] : memref<250x128xi32, #tpu.memory_space<vmem>> -> memref<1x128xi32, #tpu.memory_space<vmem>>
      %dma_start3A_29 = tpu.memref_squeeze %dma_start3A_28 : memref<1x128xi32, #tpu.memory_space<vmem>> -> memref<128xi32, #tpu.memory_space<vmem>>
      %dma_start3A_30 = arith.constant 0 : i32
      %dma_start3A_31 = arith.constant 0 : i32
      %dma_start3A_32 = tpu.memref_slice %arg8[%dma_start3A_30, %dma_start3A_31] : memref<32000x16xf32, #tpu.memory_space<vmem_shared>> -> memref<32000x16xf32, #tpu.memory_space<vmem_shared>>
      tpu.enqueue_indirect_dma source(%dma_start3A_32 : memref<32000x16xf32, #tpu.memory_space<vmem_shared>>) target(%dma_start3A_26 : memref<128x16xf32, #tpu.memory_space<vmem>>) offsets(%dma_start3A_29 : memref<128xi32, #tpu.memory_space<vmem>>) semaphore(%arg9 : memref<!tpu.dma_semaphore, #tpu.memory_space<semaphore_mem>>)
      %mul3A_33 = arith.constant 10 : i32
      %mul3A_34 = arith.muli %scan3A_18, %mul3A_33 : i32
      %add3A_35 = arith.constant 1 : i32
      %add3A_36 = arith.addi %mul3A_34, %add3A_35 : i32
      %dma_start3A_37 = arith.constant 1 : i32
      %dma_start3A_38 = arith.constant 0 : i32
      %dma_start3A_39 = arith.constant 0 : i32
      %dma_start3A_40 = tpu.memref_slice %arg7[%dma_start3A_37, %dma_start3A_38, %dma_start3A_39] : memref<10x128x16xf32, #tpu.memory_space<vmem>> -> memref<1x128x16xf32, #tpu.memory_space<vmem>>
      %dma_start3A_41 = tpu.memref_squeeze %dma_start3A_40 : memref<1x128x16xf32, #tpu.memory_space<vmem>> -> memref<128x16xf32, #tpu.memory_space<vmem>>
      %dma_start3A_42 = arith.constant 0 : i32
      %dma_start3A_43 = tpu.memref_slice %arg6[%add3A_36, %dma_start3A_42] : memref<250x128xi32, #tpu.memory_space<vmem>> -> memref<1x128xi32, #tpu.memory_space<vmem>>
      %dma_start3A_44 = tpu.memref_squeeze %dma_start3A_43 : memref<1x128xi32, #tpu.memory_space<vmem>> -> memref<128xi32, #tpu.memory_space<vmem>>
      %dma_start3A_45 = arith.constant 0 : i32
      %dma_start3A_46 = arith.constant 0 : i32
      %dma_start3A_47 = tpu.memref_slice %arg8[%dma_start3A_45, %dma_start3A_46] : memref<32000x16xf32, #tpu.memory_space<vmem_shared>> -> memref<32000x16xf32, #tpu.memory_space<vmem_shared>>
      tpu.enqueue_indirect_dma source(%dma_start3A_47 : memref<32000x16xf32, #tpu.memory_space<vmem_shared>>) target(%dma_start3A_41 : memref<128x16xf32, #tpu.memory_space<vmem>>) offsets(%dma_start3A_44 : memref<128xi32, #tpu.memory_space<vmem>>) semaphore(%arg9 : memref<!tpu.dma_semaphore, #tpu.memory_space<semaphore_mem>>)
      %mul3A_48 = arith.constant 10 : i32
      %mul3A_49 = arith.muli %scan3A_18, %mul3A_48 : i32
      %add3A_50 = arith.constant 2 : i32
      %add3A_51 = arith.addi %mul3A_49, %add3A_50 : i32
      %dma_start3A_52 = arith.constant 2 : i32
      %dma_start3A_53 = arith.constant 0 : i32
      %dma_start3A_54 = arith.constant 0 : i32
      %dma_start3A_55 = tpu.memref_slice %arg7[%dma_start3A_52, %dma_start3A_53, %dma_start3A_54] : memref<10x128x16xf32, #tpu.memory_space<vmem>> -> memref<1x128x16xf32, #tpu.memory_space<vmem>>
      %dma_start3A_56 = tpu.memref_squeeze %dma_start3A_55 : memref<1x128x16xf32, #tpu.memory_space<vmem>> -> memref<128x16xf32, #tpu.memory_space<vmem>>
      %dma_start3A_57 = arith.constant 0 : i32
      %dma_start3A_58 = tpu.memref_slice %arg6[%add3A_51, %dma_start3A_57] : memref<250x128xi32, #tpu.memory_space<vmem>> -> memref<1x128xi32, #tpu.memory_space<vmem>>
      %dma_start3A_59 = tpu.memref_squeeze %dma_start3A_58 : memref<1x128xi32, #tpu.memory_space<vmem>> -> memref<128xi32, #tpu.memory_space<vmem>>
      %dma_start3A_60 = arith.constant 0 : i32
      %dma_start3A_61 = arith.constant 0 : i32
      %dma_start3A_62 = tpu.memref_slice %arg8[%dma_start3A_60, %dma_start3A_61] : memref<32000x16xf32, #tpu.memory_space<vmem_shared>> -> memref<32000x16xf32, #tpu.memory_space<vmem_shared>>
      tpu.enqueue_indirect_dma source(%dma_start3A_62 : memref<32000x16xf32, #tpu.memory_space<vmem_shared>>) target(%dma_start3A_56 : memref<128x16xf32, #tpu.memory_space<vmem>>) offsets(%dma_start3A_59 : memref<128xi32, #tpu.memory_space<vmem>>) semaphore(%arg9 : memref<!tpu.dma_semaphore, #tpu.memory_space<semaphore_mem>>)
      %mul3A_63 = arith.constant 10 : i32
      %mul3A_64 = arith.muli %scan3A_18, %mul3A_63 : i32
      %add3A_65 = arith.constant 3 : i32
      %add3A_66 = arith.addi %mul3A_64, %add3A_65 : i32
      %dma_start3A_67 = arith.constant 3 : i32
      %dma_start3A_68 = arith.constant 0 : i32
      %dma_start3A_69 = arith.constant 0 : i32
      %dma_start3A_70 = tpu.memref_slice %arg7[%dma_start3A_67, %dma_start3A_68, %dma_start3A_69] : memref<10x128x16xf32, #tpu.memory_space<vmem>> -> memref<1x128x16xf32, #tpu.memory_space<vmem>>
      %dma_start3A_71 = tpu.memref_squeeze %dma_start3A_70 : memref<1x128x16xf32, #tpu.memory_space<vmem>> -> memref<128x16xf32, #tpu.memory_space<vmem>>
      %dma_start3A_72 = arith.constant 0 : i32
      %dma_start3A_73 = tpu.memref_slice %arg6[%add3A_66, %dma_start3A_72] : memref<250x128xi32, #tpu.memory_space<vmem>> -> memref<1x128xi32, #tpu.memory_space<vmem>>
      %dma_start3A_74 = tpu.memref_squeeze %dma_start3A_73 : memref<1x128xi32, #tpu.memory_space<vmem>> -> memref<128xi32, #tpu.memory_space<vmem>>
      %dma_start3A_75 = arith.constant 0 : i32
      %dma_start3A_76 = arith.constant 0 : i32
      %dma_start3A_77 = tpu.memref_slice %arg8[%dma_start3A_75, %dma_start3A_76] : memref<32000x16xf32, #tpu.memory_space<vmem_shared>> -> memref<32000x16xf32, #tpu.memory_space<vmem_shared>>
      tpu.enqueue_indirect_dma source(%dma_start3A_77 : memref<32000x16xf32, #tpu.memory_space<vmem_shared>>) target(%dma_start3A_71 : memref<128x16xf32, #tpu.memory_space<vmem>>) offsets(%dma_start3A_74 : memref<128xi32, #tpu.memory_space<vmem>>) semaphore(%arg9 : memref<!tpu.dma_semaphore, #tpu.memory_space<semaphore_mem>>)
      %mul3A_78 = arith.constant 10 : i32
      %mul3A_79 = arith.muli %scan3A_18, %mul3A_78 : i32
      %add3A_80 = arith.constant 4 : i32
      %add3A_81 = arith.addi %mul3A_79, %add3A_80 : i32
      %dma_start3A_82 = arith.constant 4 : i32
      %dma_start3A_83 = arith.constant 0 : i32
      %dma_start3A_84 = arith.constant 0 : i32
      %dma_start3A_85 = tpu.memref_slice %arg7[%dma_start3A_82, %dma_start3A_83, %dma_start3A_84] : memref<10x128x16xf32, #tpu.memory_space<vmem>> -> memref<1x128x16xf32, #tpu.memory_space<vmem>>
      %dma_start3A_86 = tpu.memref_squeeze %dma_start3A_85 : memref<1x128x16xf32, #tpu.memory_space<vmem>> -> memref<128x16xf32, #tpu.memory_space<vmem>>
      %dma_start3A_87 = arith.constant 0 : i32
      %dma_start3A_88 = tpu.memref_slice %arg6[%add3A_81, %dma_start3A_87] : memref<250x128xi32, #tpu.memory_space<vmem>> -> memref<1x128xi32, #tpu.memory_space<vmem>>
      %dma_start3A_89 = tpu.memref_squeeze %dma_start3A_88 : memref<1x128xi32, #tpu.memory_space<vmem>> -> memref<128xi32, #tpu.memory_space<vmem>>
      %dma_start3A_90 = arith.constant 0 : i32
      %dma_start3A_91 = arith.constant 0 : i32
      %dma_start3A_92 = tpu.memref_slice %arg8[%dma_start3A_90, %dma_start3A_91] : memref<32000x16xf32, #tpu.memory_space<vmem_shared>> -> memref<32000x16xf32, #tpu.memory_space<vmem_shared>>
      tpu.enqueue_indirect_dma source(%dma_start3A_92 : memref<32000x16xf32, #tpu.memory_space<vmem_shared>>) target(%dma_start3A_86 : memref<128x16xf32, #tpu.memory_space<vmem>>) offsets(%dma_start3A_89 : memref<128xi32, #tpu.memory_space<vmem>>) semaphore(%arg9 : memref<!tpu.dma_semaphore, #tpu.memory_space<semaphore_mem>>)
      %mul3A_93 = arith.constant 10 : i32
      %mul3A_94 = arith.muli %scan3A_18, %mul3A_93 : i32
      %add3A_95 = arith.constant 5 : i32
      %add3A_96 = arith.addi %mul3A_94, %add3A_95 : i32
      %dma_start3A_97 = arith.constant 5 : i32
      %dma_start3A_98 = arith.constant 0 : i32
      %dma_start3A_99 = arith.constant 0 : i32
      %dma_start3A_100 = tpu.memref_slice %arg7[%dma_start3A_97, %dma_start3A_98, %dma_start3A_99] : memref<10x128x16xf32, #tpu.memory_space<vmem>> -> memref<1x128x16xf32, #tpu.memory_space<vmem>>
      %dma_start3A_101 = tpu.memref_squeeze %dma_start3A_100 : memref<1x128x16xf32, #tpu.memory_space<vmem>> -> memref<128x16xf32, #tpu.memory_space<vmem>>
      %dma_start3A_102 = arith.constant 0 : i32
      %dma_start3A_103 = tpu.memref_slice %arg6[%add3A_96, %dma_start3A_102] : memref<250x128xi32, #tpu.memory_space<vmem>> -> memref<1x128xi32, #tpu.memory_space<vmem>>
      %dma_start3A_104 = tpu.memref_squeeze %dma_start3A_103 : memref<1x128xi32, #tpu.memory_space<vmem>> -> memref<128xi32, #tpu.memory_space<vmem>>
      %dma_start3A_105 = arith.constant 0 : i32
      %dma_start3A_106 = arith.constant 0 : i32
      %dma_start3A_107 = tpu.memref_slice %arg8[%dma_start3A_105, %dma_start3A_106] : memref<32000x16xf32, #tpu.memory_space<vmem_shared>> -> memref<32000x16xf32, #tpu.memory_space<vmem_shared>>
      tpu.enqueue_indirect_dma source(%dma_start3A_107 : memref<32000x16xf32, #tpu.memory_space<vmem_shared>>) target(%dma_start3A_101 : memref<128x16xf32, #tpu.memory_space<vmem>>) offsets(%dma_start3A_104 : memref<128xi32, #tpu.memory_space<vmem>>) semaphore(%arg9 : memref<!tpu.dma_semaphore, #tpu.memory_space<semaphore_mem>>)
      %mul3A_108 = arith.constant 10 : i32
      %mul3A_109 = arith.muli %scan3A_18, %mul3A_108 : i32
      %add3A_110 = arith.constant 6 : i32
      %add3A_111 = arith.addi %mul3A_109, %add3A_110 : i32
      %dma_start3A_112 = arith.constant 6 : i32
      %dma_start3A_113 = arith.constant 0 : i32
      %dma_start3A_114 = arith.constant 0 : i32
      %dma_start3A_115 = tpu.memref_slice %arg7[%dma_start3A_112, %dma_start3A_113, %dma_start3A_114] : memref<10x128x16xf32, #tpu.memory_space<vmem>> -> memref<1x128x16xf32, #tpu.memory_space<vmem>>
      %dma_start3A_116 = tpu.memref_squeeze %dma_start3A_115 : memref<1x128x16xf32, #tpu.memory_space<vmem>> -> memref<128x16xf32, #tpu.memory_space<vmem>>
      %dma_start3A_117 = arith.constant 0 : i32
      %dma_start3A_118 = tpu.memref_slice %arg6[%add3A_111, %dma_start3A_117] : memref<250x128xi32, #tpu.memory_space<vmem>> -> memref<1x128xi32, #tpu.memory_space<vmem>>
      %dma_start3A_119 = tpu.memref_squeeze %dma_start3A_118 : memref<1x128xi32, #tpu.memory_space<vmem>> -> memref<128xi32, #tpu.memory_space<vmem>>
      %dma_start3A_120 = arith.constant 0 : i32
      %dma_start3A_121 = arith.constant 0 : i32
      %dma_start3A_122 = tpu.memref_slice %arg8[%dma_start3A_120, %dma_start3A_121] : memref<32000x16xf32, #tpu.memory_space<vmem_shared>> -> memref<32000x16xf32, #tpu.memory_space<vmem_shared>>
      tpu.enqueue_indirect_dma source(%dma_start3A_122 : memref<32000x16xf32, #tpu.memory_space<vmem_shared>>) target(%dma_start3A_116 : memref<128x16xf32, #tpu.memory_space<vmem>>) offsets(%dma_start3A_119 : memref<128xi32, #tpu.memory_space<vmem>>) semaphore(%arg9 : memref<!tpu.dma_semaphore, #tpu.memory_space<semaphore_mem>>)
      %mul3A_123 = arith.constant 10 : i32
      %mul3A_124 = arith.muli %scan3A_18, %mul3A_123 : i32
      %add3A_125 = arith.constant 7 : i32
      %add3A_126 = arith.addi %mul3A_124, %add3A_125 : i32
      %dma_start3A_127 = arith.constant 7 : i32
      %dma_start3A_128 = arith.constant 0 : i32
      %dma_start3A_129 = arith.constant 0 : i32
      %dma_start3A_130 = tpu.memref_slice %arg7[%dma_start3A_127, %dma_start3A_128, %dma_start3A_129] : memref<10x128x16xf32, #tpu.memory_space<vmem>> -> memref<1x128x16xf32, #tpu.memory_space<vmem>>
      %dma_start3A_131 = tpu.memref_squeeze %dma_start3A_130 : memref<1x128x16xf32, #tpu.memory_space<vmem>> -> memref<128x16xf32, #tpu.memory_space<vmem>>
      %dma_start3A_132 = arith.constant 0 : i32
      %dma_start3A_133 = tpu.memref_slice %arg6[%add3A_126, %dma_start3A_132] : memref<250x128xi32, #tpu.memory_space<vmem>> -> memref<1x128xi32, #tpu.memory_space<vmem>>
      %dma_start3A_134 = tpu.memref_squeeze %dma_start3A_133 : memref<1x128xi32, #tpu.memory_space<vmem>> -> memref<128xi32, #tpu.memory_space<vmem>>
      %dma_start3A_135 = arith.constant 0 : i32
      %dma_start3A_136 = arith.constant 0 : i32
      %dma_start3A_137 = tpu.memref_slice %arg8[%dma_start3A_135, %dma_start3A_136] : memref<32000x16xf32, #tpu.memory_space<vmem_shared>> -> memref<32000x16xf32, #tpu.memory_space<vmem_shared>>
      tpu.enqueue_indirect_dma source(%dma_start3A_137 : memref<32000x16xf32, #tpu.memory_space<vmem_shared>>) target(%dma_start3A_131 : memref<128x16xf32, #tpu.memory_space<vmem>>) offsets(%dma_start3A_134 : memref<128xi32, #tpu.memory_space<vmem>>) semaphore(%arg9 : memref<!tpu.dma_semaphore, #tpu.memory_space<semaphore_mem>>)
      %mul3A_138 = arith.constant 10 : i32
      %mul3A_139 = arith.muli %scan3A_18, %mul3A_138 : i32
      %add3A_140 = arith.constant 8 : i32
      %add3A_141 = arith.addi %mul3A_139, %add3A_140 : i32
      %dma_start3A_142 = arith.constant 8 : i32
      %dma_start3A_143 = arith.constant 0 : i32
      %dma_start3A_144 = arith.constant 0 : i32
      %dma_start3A_145 = tpu.memref_slice %arg7[%dma_start3A_142, %dma_start3A_143, %dma_start3A_144] : memref<10x128x16xf32, #tpu.memory_space<vmem>> -> memref<1x128x16xf32, #tpu.memory_space<vmem>>
      %dma_start3A_146 = tpu.memref_squeeze %dma_start3A_145 : memref<1x128x16xf32, #tpu.memory_space<vmem>> -> memref<128x16xf32, #tpu.memory_space<vmem>>
      %dma_start3A_147 = arith.constant 0 : i32
      %dma_start3A_148 = tpu.memref_slice %arg6[%add3A_141, %dma_start3A_147] : memref<250x128xi32, #tpu.memory_space<vmem>> -> memref<1x128xi32, #tpu.memory_space<vmem>>
      %dma_start3A_149 = tpu.memref_squeeze %dma_start3A_148 : memref<1x128xi32, #tpu.memory_space<vmem>> -> memref<128xi32, #tpu.memory_space<vmem>>
      %dma_start3A_150 = arith.constant 0 : i32
      %dma_start3A_151 = arith.constant 0 : i32
      %dma_start3A_152 = tpu.memref_slice %arg8[%dma_start3A_150, %dma_start3A_151] : memref<32000x16xf32, #tpu.memory_space<vmem_shared>> -> memref<32000x16xf32, #tpu.memory_space<vmem_shared>>
      tpu.enqueue_indirect_dma source(%dma_start3A_152 : memref<32000x16xf32, #tpu.memory_space<vmem_shared>>) target(%dma_start3A_146 : memref<128x16xf32, #tpu.memory_space<vmem>>) offsets(%dma_start3A_149 : memref<128xi32, #tpu.memory_space<vmem>>) semaphore(%arg9 : memref<!tpu.dma_semaphore, #tpu.memory_space<semaphore_mem>>)
      %mul3A_153 = arith.constant 10 : i32
      %mul3A_154 = arith.muli %scan3A_18, %mul3A_153 : i32
      %add3A_155 = arith.constant 9 : i32
      %add3A_156 = arith.addi %mul3A_154, %add3A_155 : i32
      %dma_start3A_157 = arith.constant 9 : i32
      %dma_start3A_158 = arith.constant 0 : i32
      %dma_start3A_159 = arith.constant 0 : i32
      %dma_start3A_160 = tpu.memref_slice %arg7[%dma_start3A_157, %dma_start3A_158, %dma_start3A_159] : memref<10x128x16xf32, #tpu.memory_space<vmem>> -> memref<1x128x16xf32, #tpu.memory_space<vmem>>
      %dma_start3A_161 = tpu.memref_squeeze %dma_start3A_160 : memref<1x128x16xf32, #tpu.memory_space<vmem>> -> memref<128x16xf32, #tpu.memory_space<vmem>>
      %dma_start3A_162 = arith.constant 0 : i32
      %dma_start3A_163 = tpu.memref_slice %arg6[%add3A_156, %dma_start3A_162] : memref<250x128xi32, #tpu.memory_space<vmem>> -> memref<1x128xi32, #tpu.memory_space<vmem>>
      %dma_start3A_164 = tpu.memref_squeeze %dma_start3A_163 : memref<1x128xi32, #tpu.memory_space<vmem>> -> memref<128xi32, #tpu.memory_space<vmem>>
      %dma_start3A_165 = arith.constant 0 : i32
      %dma_start3A_166 = arith.constant 0 : i32
      %dma_start3A_167 = tpu.memref_slice %arg8[%dma_start3A_165, %dma_start3A_166] : memref<32000x16xf32, #tpu.memory_space<vmem_shared>> -> memref<32000x16xf32, #tpu.memory_space<vmem_shared>>
      tpu.enqueue_indirect_dma source(%dma_start3A_167 : memref<32000x16xf32, #tpu.memory_space<vmem_shared>>) target(%dma_start3A_161 : memref<128x16xf32, #tpu.memory_space<vmem>>) offsets(%dma_start3A_164 : memref<128xi32, #tpu.memory_space<vmem>>) semaphore(%arg9 : memref<!tpu.dma_semaphore, #tpu.memory_space<semaphore_mem>>)
      %dma_wait3A = arith.constant 0 : i32
      %dma_wait3A_168 = arith.constant 0 : i32
      %dma_wait3A_169 = arith.constant 0 : i32
      %dma_wait3A_170 = tpu.memref_slice %arg7[%dma_wait3A, %dma_wait3A_168, %dma_wait3A_169] : memref<10x128x16xf32, #tpu.memory_space<vmem>> -> memref<1x128x16xf32, #tpu.memory_space<vmem>>
      %dma_wait3A_171 = tpu.memref_squeeze %dma_wait3A_170 : memref<1x128x16xf32, #tpu.memory_space<vmem>> -> memref<128x16xf32, #tpu.memory_space<vmem>>
      %dma_wait3A_172 = arith.constant 0 : i32
      %dma_wait3A_173 = tpu.memref_slice %arg6[%add3A_22, %dma_wait3A_172] : memref<250x128xi32, #tpu.memory_space<vmem>> -> memref<1x128xi32, #tpu.memory_space<vmem>>
      %dma_wait3A_174 = tpu.memref_squeeze %dma_wait3A_173 : memref<1x128xi32, #tpu.memory_space<vmem>> -> memref<128xi32, #tpu.memory_space<vmem>>
      %dma_wait3A_175 = arith.constant 0 : i32
      %dma_wait3A_176 = arith.constant 0 : i32
      %dma_wait3A_177 = tpu.memref_slice %arg8[%dma_wait3A_175, %dma_wait3A_176] : memref<32000x16xf32, #tpu.memory_space<vmem_shared>> -> memref<32000x16xf32, #tpu.memory_space<vmem_shared>>
      tpu.wait_indirect_dma semaphore(%arg9 : memref<!tpu.dma_semaphore, #tpu.memory_space<semaphore_mem>>) src(%dma_wait3A_177 : memref<32000x16xf32, #tpu.memory_space<vmem_shared>>) dst(%dma_wait3A_171 : memref<128x16xf32, #tpu.memory_space<vmem>>)
      %dma_wait3A_178 = arith.constant 1 : i32
      %dma_wait3A_179 = arith.constant 0 : i32
      %dma_wait3A_180 = arith.constant 0 : i32
      %dma_wait3A_181 = tpu.memref_slice %arg7[%dma_wait3A_178, %dma_wait3A_179, %dma_wait3A_180] : memref<10x128x16xf32, #tpu.memory_space<vmem>> -> memref<1x128x16xf32, #tpu.memory_space<vmem>>
      %dma_wait3A_182 = tpu.memref_squeeze %dma_wait3A_181 : memref<1x128x16xf32, #tpu.memory_space<vmem>> -> memref<128x16xf32, #tpu.memory_space<vmem>>
      %dma_wait3A_183 = arith.constant 0 : i32
      %dma_wait3A_184 = tpu.memref_slice %arg6[%add3A_36, %dma_wait3A_183] : memref<250x128xi32, #tpu.memory_space<vmem>> -> memref<1x128xi32, #tpu.memory_space<vmem>>
      %dma_wait3A_185 = tpu.memref_squeeze %dma_wait3A_184 : memref<1x128xi32, #tpu.memory_space<vmem>> -> memref<128xi32, #tpu.memory_space<vmem>>
      %dma_wait3A_186 = arith.constant 0 : i32
      %dma_wait3A_187 = arith.constant 0 : i32
      %dma_wait3A_188 = tpu.memref_slice %arg8[%dma_wait3A_186, %dma_wait3A_187] : memref<32000x16xf32, #tpu.memory_space<vmem_shared>> -> memref<32000x16xf32, #tpu.memory_space<vmem_shared>>
      tpu.wait_indirect_dma semaphore(%arg9 : memref<!tpu.dma_semaphore, #tpu.memory_space<semaphore_mem>>) src(%dma_wait3A_188 : memref<32000x16xf32, #tpu.memory_space<vmem_shared>>) dst(%dma_wait3A_182 : memref<128x16xf32, #tpu.memory_space<vmem>>)
      %dma_wait3A_189 = arith.constant 2 : i32
      %dma_wait3A_190 = arith.constant 0 : i32
      %dma_wait3A_191 = arith.constant 0 : i32
      %dma_wait3A_192 = tpu.memref_slice %arg7[%dma_wait3A_189, %dma_wait3A_190, %dma_wait3A_191] : memref<10x128x16xf32, #tpu.memory_space<vmem>> -> memref<1x128x16xf32, #tpu.memory_space<vmem>>
      %dma_wait3A_193 = tpu.memref_squeeze %dma_wait3A_192 : memref<1x128x16xf32, #tpu.memory_space<vmem>> -> memref<128x16xf32, #tpu.memory_space<vmem>>
      %dma_wait3A_194 = arith.constant 0 : i32
      %dma_wait3A_195 = tpu.memref_slice %arg6[%add3A_51, %dma_wait3A_194] : memref<250x128xi32, #tpu.memory_space<vmem>> -> memref<1x128xi32, #tpu.memory_space<vmem>>
      %dma_wait3A_196 = tpu.memref_squeeze %dma_wait3A_195 : memref<1x128xi32, #tpu.memory_space<vmem>> -> memref<128xi32, #tpu.memory_space<vmem>>
      %dma_wait3A_197 = arith.constant 0 : i32
      %dma_wait3A_198 = arith.constant 0 : i32
      %dma_wait3A_199 = tpu.memref_slice %arg8[%dma_wait3A_197, %dma_wait3A_198] : memref<32000x16xf32, #tpu.memory_space<vmem_shared>> -> memref<32000x16xf32, #tpu.memory_space<vmem_shared>>
      tpu.wait_indirect_dma semaphore(%arg9 : memref<!tpu.dma_semaphore, #tpu.memory_space<semaphore_mem>>) src(%dma_wait3A_199 : memref<32000x16xf32, #tpu.memory_space<vmem_shared>>) dst(%dma_wait3A_193 : memref<128x16xf32, #tpu.memory_space<vmem>>)
      %dma_wait3A_200 = arith.constant 3 : i32
      %dma_wait3A_201 = arith.constant 0 : i32
      %dma_wait3A_202 = arith.constant 0 : i32
      %dma_wait3A_203 = tpu.memref_slice %arg7[%dma_wait3A_200, %dma_wait3A_201, %dma_wait3A_202] : memref<10x128x16xf32, #tpu.memory_space<vmem>> -> memref<1x128x16xf32, #tpu.memory_space<vmem>>
      %dma_wait3A_204 = tpu.memref_squeeze %dma_wait3A_203 : memref<1x128x16xf32, #tpu.memory_space<vmem>> -> memref<128x16xf32, #tpu.memory_space<vmem>>
      %dma_wait3A_205 = arith.constant 0 : i32
      %dma_wait3A_206 = tpu.memref_slice %arg6[%add3A_66, %dma_wait3A_205] : memref<250x128xi32, #tpu.memory_space<vmem>> -> memref<1x128xi32, #tpu.memory_space<vmem>>
      %dma_wait3A_207 = tpu.memref_squeeze %dma_wait3A_206 : memref<1x128xi32, #tpu.memory_space<vmem>> -> memref<128xi32, #tpu.memory_space<vmem>>
      %dma_wait3A_208 = arith.constant 0 : i32
      %dma_wait3A_209 = arith.constant 0 : i32
      %dma_wait3A_210 = tpu.memref_slice %arg8[%dma_wait3A_208, %dma_wait3A_209] : memref<32000x16xf32, #tpu.memory_space<vmem_shared>> -> memref<32000x16xf32, #tpu.memory_space<vmem_shared>>
      tpu.wait_indirect_dma semaphore(%arg9 : memref<!tpu.dma_semaphore, #tpu.memory_space<semaphore_mem>>) src(%dma_wait3A_210 : memref<32000x16xf32, #tpu.memory_space<vmem_shared>>) dst(%dma_wait3A_204 : memref<128x16xf32, #tpu.memory_space<vmem>>)
      %dma_wait3A_211 = arith.constant 4 : i32
      %dma_wait3A_212 = arith.constant 0 : i32
      %dma_wait3A_213 = arith.constant 0 : i32
      %dma_wait3A_214 = tpu.memref_slice %arg7[%dma_wait3A_211, %dma_wait3A_212, %dma_wait3A_213] : memref<10x128x16xf32, #tpu.memory_space<vmem>> -> memref<1x128x16xf32, #tpu.memory_space<vmem>>
      %dma_wait3A_215 = tpu.memref_squeeze %dma_wait3A_214 : memref<1x128x16xf32, #tpu.memory_space<vmem>> -> memref<128x16xf32, #tpu.memory_space<vmem>>
      %dma_wait3A_216 = arith.constant 0 : i32
      %dma_wait3A_217 = tpu.memref_slice %arg6[%add3A_81, %dma_wait3A_216] : memref<250x128xi32, #tpu.memory_space<vmem>> -> memref<1x128xi32, #tpu.memory_space<vmem>>
      %dma_wait3A_218 = tpu.memref_squeeze %dma_wait3A_217 : memref<1x128xi32, #tpu.memory_space<vmem>> -> memref<128xi32, #tpu.memory_space<vmem>>
      %dma_wait3A_219 = arith.constant 0 : i32
      %dma_wait3A_220 = arith.constant 0 : i32
      %dma_wait3A_221 = tpu.memref_slice %arg8[%dma_wait3A_219, %dma_wait3A_220] : memref<32000x16xf32, #tpu.memory_space<vmem_shared>> -> memref<32000x16xf32, #tpu.memory_space<vmem_shared>>
      tpu.wait_indirect_dma semaphore(%arg9 : memref<!tpu.dma_semaphore, #tpu.memory_space<semaphore_mem>>) src(%dma_wait3A_221 : memref<32000x16xf32, #tpu.memory_space<vmem_shared>>) dst(%dma_wait3A_215 : memref<128x16xf32, #tpu.memory_space<vmem>>)
      %dma_wait3A_222 = arith.constant 5 : i32
      %dma_wait3A_223 = arith.constant 0 : i32
      %dma_wait3A_224 = arith.constant 0 : i32
      %dma_wait3A_225 = tpu.memref_slice %arg7[%dma_wait3A_222, %dma_wait3A_223, %dma_wait3A_224] : memref<10x128x16xf32, #tpu.memory_space<vmem>> -> memref<1x128x16xf32, #tpu.memory_space<vmem>>
      %dma_wait3A_226 = tpu.memref_squeeze %dma_wait3A_225 : memref<1x128x16xf32, #tpu.memory_space<vmem>> -> memref<128x16xf32, #tpu.memory_space<vmem>>
      %dma_wait3A_227 = arith.constant 0 : i32
      %dma_wait3A_228 = tpu.memref_slice %arg6[%add3A_96, %dma_wait3A_227] : memref<250x128xi32, #tpu.memory_space<vmem>> -> memref<1x128xi32, #tpu.memory_space<vmem>>
      %dma_wait3A_229 = tpu.memref_squeeze %dma_wait3A_228 : memref<1x128xi32, #tpu.memory_space<vmem>> -> memref<128xi32, #tpu.memory_space<vmem>>
      %dma_wait3A_230 = arith.constant 0 : i32
      %dma_wait3A_231 = arith.constant 0 : i32
      %dma_wait3A_232 = tpu.memref_slice %arg8[%dma_wait3A_230, %dma_wait3A_231] : memref<32000x16xf32, #tpu.memory_space<vmem_shared>> -> memref<32000x16xf32, #tpu.memory_space<vmem_shared>>
      tpu.wait_indirect_dma semaphore(%arg9 : memref<!tpu.dma_semaphore, #tpu.memory_space<semaphore_mem>>) src(%dma_wait3A_232 : memref<32000x16xf32, #tpu.memory_space<vmem_shared>>) dst(%dma_wait3A_226 : memref<128x16xf32, #tpu.memory_space<vmem>>)
      %dma_wait3A_233 = arith.constant 6 : i32
      %dma_wait3A_234 = arith.constant 0 : i32
      %dma_wait3A_235 = arith.constant 0 : i32
      %dma_wait3A_236 = tpu.memref_slice %arg7[%dma_wait3A_233, %dma_wait3A_234, %dma_wait3A_235] : memref<10x128x16xf32, #tpu.memory_space<vmem>> -> memref<1x128x16xf32, #tpu.memory_space<vmem>>
      %dma_wait3A_237 = tpu.memref_squeeze %dma_wait3A_236 : memref<1x128x16xf32, #tpu.memory_space<vmem>> -> memref<128x16xf32, #tpu.memory_space<vmem>>
      %dma_wait3A_238 = arith.constant 0 : i32
      %dma_wait3A_239 = tpu.memref_slice %arg6[%add3A_111, %dma_wait3A_238] : memref<250x128xi32, #tpu.memory_space<vmem>> -> memref<1x128xi32, #tpu.memory_space<vmem>>
      %dma_wait3A_240 = tpu.memref_squeeze %dma_wait3A_239 : memref<1x128xi32, #tpu.memory_space<vmem>> -> memref<128xi32, #tpu.memory_space<vmem>>
      %dma_wait3A_241 = arith.constant 0 : i32
      %dma_wait3A_242 = arith.constant 0 : i32
      %dma_wait3A_243 = tpu.memref_slice %arg8[%dma_wait3A_241, %dma_wait3A_242] : memref<32000x16xf32, #tpu.memory_space<vmem_shared>> -> memref<32000x16xf32, #tpu.memory_space<vmem_shared>>
      tpu.wait_indirect_dma semaphore(%arg9 : memref<!tpu.dma_semaphore, #tpu.memory_space<semaphore_mem>>) src(%dma_wait3A_243 : memref<32000x16xf32, #tpu.memory_space<vmem_shared>>) dst(%dma_wait3A_237 : memref<128x16xf32, #tpu.memory_space<vmem>>)
      %dma_wait3A_244 = arith.constant 7 : i32
      %dma_wait3A_245 = arith.constant 0 : i32
      %dma_wait3A_246 = arith.constant 0 : i32
      %dma_wait3A_247 = tpu.memref_slice %arg7[%dma_wait3A_244, %dma_wait3A_245, %dma_wait3A_246] : memref<10x128x16xf32, #tpu.memory_space<vmem>> -> memref<1x128x16xf32, #tpu.memory_space<vmem>>
      %dma_wait3A_248 = tpu.memref_squeeze %dma_wait3A_247 : memref<1x128x16xf32, #tpu.memory_space<vmem>> -> memref<128x16xf32, #tpu.memory_space<vmem>>
      %dma_wait3A_249 = arith.constant 0 : i32
      %dma_wait3A_250 = tpu.memref_slice %arg6[%add3A_126, %dma_wait3A_249] : memref<250x128xi32, #tpu.memory_space<vmem>> -> memref<1x128xi32, #tpu.memory_space<vmem>>
      %dma_wait3A_251 = tpu.memref_squeeze %dma_wait3A_250 : memref<1x128xi32, #tpu.memory_space<vmem>> -> memref<128xi32, #tpu.memory_space<vmem>>
      %dma_wait3A_252 = arith.constant 0 : i32
      %dma_wait3A_253 = arith.constant 0 : i32
      %dma_wait3A_254 = tpu.memref_slice %arg8[%dma_wait3A_252, %dma_wait3A_253] : memref<32000x16xf32, #tpu.memory_space<vmem_shared>> -> memref<32000x16xf32, #tpu.memory_space<vmem_shared>>
      tpu.wait_indirect_dma semaphore(%arg9 : memref<!tpu.dma_semaphore, #tpu.memory_space<semaphore_mem>>) src(%dma_wait3A_254 : memref<32000x16xf32, #tpu.memory_space<vmem_shared>>) dst(%dma_wait3A_248 : memref<128x16xf32, #tpu.memory_space<vmem>>)
      %dma_wait3A_255 = arith.constant 8 : i32
      %dma_wait3A_256 = arith.constant 0 : i32
      %dma_wait3A_257 = arith.constant 0 : i32
      %dma_wait3A_258 = tpu.memref_slice %arg7[%dma_wait3A_255, %dma_wait3A_256, %dma_wait3A_257] : memref<10x128x16xf32, #tpu.memory_space<vmem>> -> memref<1x128x16xf32, #tpu.memory_space<vmem>>
      %dma_wait3A_259 = tpu.memref_squeeze %dma_wait3A_258 : memref<1x128x16xf32, #tpu.memory_space<vmem>> -> memref<128x16xf32, #tpu.memory_space<vmem>>
      %dma_wait3A_260 = arith.constant 0 : i32
      %dma_wait3A_261 = tpu.memref_slice %arg6[%add3A_141, %dma_wait3A_260] : memref<250x128xi32, #tpu.memory_space<vmem>> -> memref<1x128xi32, #tpu.memory_space<vmem>>
      %dma_wait3A_262 = tpu.memref_squeeze %dma_wait3A_261 : memref<1x128xi32, #tpu.memory_space<vmem>> -> memref<128xi32, #tpu.memory_space<vmem>>
      %dma_wait3A_263 = arith.constant 0 : i32
      %dma_wait3A_264 = arith.constant 0 : i32
      %dma_wait3A_265 = tpu.memref_slice %arg8[%dma_wait3A_263, %dma_wait3A_264] : memref<32000x16xf32, #tpu.memory_space<vmem_shared>> -> memref<32000x16xf32, #tpu.memory_space<vmem_shared>>
      tpu.wait_indirect_dma semaphore(%arg9 : memref<!tpu.dma_semaphore, #tpu.memory_space<semaphore_mem>>) src(%dma_wait3A_265 : memref<32000x16xf32, #tpu.memory_space<vmem_shared>>) dst(%dma_wait3A_259 : memref<128x16xf32, #tpu.memory_space<vmem>>)
      %dma_wait3A_266 = arith.constant 9 : i32
      %dma_wait3A_267 = arith.constant 0 : i32
      %dma_wait3A_268 = arith.constant 0 : i32
      %dma_wait3A_269 = tpu.memref_slice %arg7[%dma_wait3A_266, %dma_wait3A_267, %dma_wait3A_268] : memref<10x128x16xf32, #tpu.memory_space<vmem>> -> memref<1x128x16xf32, #tpu.memory_space<vmem>>
      %dma_wait3A_270 = tpu.memref_squeeze %dma_wait3A_269 : memref<1x128x16xf32, #tpu.memory_space<vmem>> -> memref<128x16xf32, #tpu.memory_space<vmem>>
      %dma_wait3A_271 = arith.constant 0 : i32
      %dma_wait3A_272 = tpu.memref_slice %arg6[%add3A_156, %dma_wait3A_271] : memref<250x128xi32, #tpu.memory_space<vmem>> -> memref<1x128xi32, #tpu.memory_space<vmem>>
      %dma_wait3A_273 = tpu.memref_squeeze %dma_wait3A_272 : memref<1x128xi32, #tpu.memory_space<vmem>> -> memref<128xi32, #tpu.memory_space<vmem>>
      %dma_wait3A_274 = arith.constant 0 : i32
      %dma_wait3A_275 = arith.constant 0 : i32
      %dma_wait3A_276 = tpu.memref_slice %arg8[%dma_wait3A_274, %dma_wait3A_275] : memref<32000x16xf32, #tpu.memory_space<vmem_shared>> -> memref<32000x16xf32, #tpu.memory_space<vmem_shared>>
      tpu.wait_indirect_dma semaphore(%arg9 : memref<!tpu.dma_semaphore, #tpu.memory_space<semaphore_mem>>) src(%dma_wait3A_276 : memref<32000x16xf32, #tpu.memory_space<vmem_shared>>) dst(%dma_wait3A_270 : memref<128x16xf32, #tpu.memory_space<vmem>>)
      %mul3A_277 = arith.constant 10 : i32
      %mul3A_278 = arith.muli %scan3A_18, %mul3A_277 : i32
      %add3A_279 = arith.addi %mul3A_2, %mul3A_278 : i32
      "tpu.region"() ({
        %run_scoped3A = tpu.sem_alloc : memref<!tpu.dma_semaphore, #tpu.memory_space<semaphore_mem>>
        %dma_start3A_280 = arith.constant 0 : i32
        %dma_start3A_281 = arith.constant 0 : i32
        %dma_start3A_282 = arith.constant 0 : i32
        %dma_start3A_283 = tpu.memref_slice %arg5[%scan3A_5, %dma_start3A_280, %dma_start3A_281, %dma_start3A_282] : memref<2x8000x128x16xf32, #tpu.memory_space<hbm>> -> memref<1x8000x128x16xf32, #tpu.memory_space<hbm>>
        %dma_start3A_284 = tpu.memref_squeeze %dma_start3A_283 : memref<1x8000x128x16xf32, #tpu.memory_space<hbm>> -> memref<8000x128x16xf32, #tpu.memory_space<hbm>>
        %dma_start3A_285 = arith.constant 0 : i32
        %dma_start3A_286 = arith.constant 0 : i32
        %dma_start3A_287 = tpu.memref_slice %dma_start3A_284[%add3A_279, %dma_start3A_285, %dma_start3A_286] : memref<8000x128x16xf32, #tpu.memory_space<hbm>> -> memref<10x128x16xf32, #tpu.memory_space<hbm>>
        %dma_start3A_288 = arith.constant 0 : i32
        %dma_start3A_289 = arith.constant 0 : i32
        %dma_start3A_290 = arith.constant 0 : i32
        %dma_start3A_291 = tpu.memref_slice %arg5[%scan3A_5, %dma_start3A_288, %dma_start3A_289, %dma_start3A_290] : memref<2x8000x128x16xf32, #tpu.memory_space<hbm>> -> memref<1x8000x128x16xf32, #tpu.memory_space<hbm>>
        %dma_start3A_292 = tpu.memref_squeeze %dma_start3A_291 : memref<1x8000x128x16xf32, #tpu.memory_space<hbm>> -> memref<8000x128x16xf32, #tpu.memory_space<hbm>>
        %dma_start3A_293 = arith.constant 0 : i32
        %dma_start3A_294 = arith.constant 0 : i32
        %dma_start3A_295 = tpu.memref_slice %dma_start3A_292[%add3A_279, %dma_start3A_293, %dma_start3A_294] : memref<8000x128x16xf32, #tpu.memory_space<hbm>> -> memref<10x128x16xf32, #tpu.memory_space<hbm>>
        tpu.enqueue_dma source(%arg7 : memref<10x128x16xf32, #tpu.memory_space<vmem>>) target(%dma_start3A_295 : memref<10x128x16xf32, #tpu.memory_space<hbm>>) target_semaphore(%run_scoped3A : memref<!tpu.dma_semaphore, #tpu.memory_space<semaphore_mem>>)
        %dma_wait3A_296 = arith.constant 0 : i32
        %dma_wait3A_297 = arith.constant 0 : i32
        %dma_wait3A_298 = arith.constant 0 : i32
        %dma_wait3A_299 = tpu.memref_slice %arg5[%scan3A_5, %dma_wait3A_296, %dma_wait3A_297, %dma_wait3A_298] : memref<2x8000x128x16xf32, #tpu.memory_space<hbm>> -> memref<1x8000x128x16xf32, #tpu.memory_space<hbm>>
        %dma_wait3A_300 = tpu.memref_squeeze %dma_wait3A_299 : memref<1x8000x128x16xf32, #tpu.memory_space<hbm>> -> memref<8000x128x16xf32, #tpu.memory_space<hbm>>
        %dma_wait3A_301 = arith.constant 0 : i32
        %dma_wait3A_302 = arith.constant 0 : i32
        %dma_wait3A_303 = tpu.memref_slice %dma_wait3A_300[%add3A_279, %dma_wait3A_301, %dma_wait3A_302] : memref<8000x128x16xf32, #tpu.memory_space<hbm>> -> memref<10x128x16xf32, #tpu.memory_space<hbm>>
        %dma_wait3A_304 = arith.constant 0 : i32
        %dma_wait3A_305 = arith.constant 0 : i32
        %dma_wait3A_306 = arith.constant 0 : i32
        %dma_wait3A_307 = tpu.memref_slice %arg5[%scan3A_5, %dma_wait3A_304, %dma_wait3A_305, %dma_wait3A_306] : memref<2x8000x128x16xf32, #tpu.memory_space<hbm>> -> memref<1x8000x128x16xf32, #tpu.memory_space<hbm>>
        %dma_wait3A_308 = tpu.memref_squeeze %dma_wait3A_307 : memref<1x8000x128x16xf32, #tpu.memory_space<hbm>> -> memref<8000x128x16xf32, #tpu.memory_space<hbm>>
        %dma_wait3A_309 = arith.constant 0 : i32
        %dma_wait3A_310 = arith.constant 0 : i32
        %dma_wait3A_311 = tpu.memref_slice %dma_wait3A_308[%add3A_279, %dma_wait3A_309, %dma_wait3A_310] : memref<8000x128x16xf32, #tpu.memory_space<hbm>> -> memref<10x128x16xf32, #tpu.memory_space<hbm>>
        tpu.wait_dma2 semaphore(%run_scoped3A : memref<!tpu.dma_semaphore, #tpu.memory_space<semaphore_mem>>) src(%arg7 : memref<10x128x16xf32, #tpu.memory_space<vmem>>) dst(%dma_wait3A_311 : memref<10x128x16xf32, #tpu.memory_space<hbm>>)
        tpu.yield
      }) : () -> ()
    }
    %scan3A_10 = arith.constant 25 : i32
    "tpu.region"() ({
      %run_scoped3A = tpu.sem_alloc : memref<!tpu.dma_semaphore, #tpu.memory_space<semaphore_mem>>
      %dma_start3A = arith.constant 0 : i32
      %dma_start3A_18 = arith.constant 0 : i32
      %dma_start3A_19 = tpu.memref_slice %arg4[%add3A, %dma_start3A, %dma_start3A_18] : memref<32x250x128xi32, #tpu.memory_space<hbm>> -> memref<1x250x128xi32, #tpu.memory_space<hbm>>
      %dma_start3A_20 = tpu.memref_squeeze %dma_start3A_19 : memref<1x250x128xi32, #tpu.memory_space<hbm>> -> memref<250x128xi32, #tpu.memory_space<hbm>>
      %dma_start3A_21 = arith.constant 0 : i32
      %dma_start3A_22 = arith.constant 0 : i32
      %dma_start3A_23 = tpu.memref_slice %arg4[%add3A, %dma_start3A_21, %dma_start3A_22] : memref<32x250x128xi32, #tpu.memory_space<hbm>> -> memref<1x250x128xi32, #tpu.memory_space<hbm>>
      %dma_start3A_24 = tpu.memref_squeeze %dma_start3A_23 : memref<1x250x128xi32, #tpu.memory_space<hbm>> -> memref<250x128xi32, #tpu.memory_space<hbm>>
      tpu.enqueue_dma source(%dma_start3A_24 : memref<250x128xi32, #tpu.memory_space<hbm>>) target(%arg6 : memref<250x128xi32, #tpu.memory_space<vmem>>) target_semaphore(%run_scoped3A : memref<!tpu.dma_semaphore, #tpu.memory_space<semaphore_mem>>)
      %dma_wait3A = arith.constant 0 : i32
      %dma_wait3A_25 = arith.constant 0 : i32
      %dma_wait3A_26 = tpu.memref_slice %arg4[%add3A, %dma_wait3A, %dma_wait3A_25] : memref<32x250x128xi32, #tpu.memory_space<hbm>> -> memref<1x250x128xi32, #tpu.memory_space<hbm>>
      %dma_wait3A_27 = tpu.memref_squeeze %dma_wait3A_26 : memref<1x250x128xi32, #tpu.memory_space<hbm>> -> memref<250x128xi32, #tpu.memory_space<hbm>>
      %dma_wait3A_28 = arith.constant 0 : i32
      %dma_wait3A_29 = arith.constant 0 : i32
      %dma_wait3A_30 = tpu.memref_slice %arg4[%add3A, %dma_wait3A_28, %dma_wait3A_29] : memref<32x250x128xi32, #tpu.memory_space<hbm>> -> memref<1x250x128xi32, #tpu.memory_space<hbm>>
      %dma_wait3A_31 = tpu.memref_squeeze %dma_wait3A_30 : memref<1x250x128xi32, #tpu.memory_space<hbm>> -> memref<250x128xi32, #tpu.memory_space<hbm>>
      tpu.wait_dma2 semaphore(%run_scoped3A : memref<!tpu.dma_semaphore, #tpu.memory_space<semaphore_mem>>) src(%dma_wait3A_31 : memref<250x128xi32, #tpu.memory_space<hbm>>) dst(%arg6 : memref<250x128xi32, #tpu.memory_space<vmem>>)
      tpu.yield
    }) : () -> ()
    %scan3A_11 = arith.constant 0 : i32
    %scan3A_12 = arith.constant 1 : i32
    %scan3A_13 = arith.constant 0 : i32
    %scan3A_14 = arith.constant 25 : i32
    %scan3A_15 = arith.addi %scan3A_13, %scan3A_14 : i32
    %scan3A_16 = arith.constant 1 : i32
    scf.for %scan3A_18 = %scan3A_13 to %scan3A_15 step %scan3A_16  : i32 {
      %mul3A_19 = arith.constant 10 : i32
      %mul3A_20 = arith.muli %scan3A_18, %mul3A_19 : i32
      %add3A_21 = arith.constant 0 : i32
      %add3A_22 = arith.addi %mul3A_20, %add3A_21 : i32
      %dma_start3A = arith.constant 0 : i32
      %dma_start3A_23 = arith.constant 0 : i32
      %dma_start3A_24 = arith.constant 0 : i32
      %dma_start3A_25 = tpu.memref_slice %arg7[%dma_start3A, %dma_start3A_23, %dma_start3A_24] : memref<10x128x16xf32, #tpu.memory_space<vmem>> -> memref<1x128x16xf32, #tpu.memory_space<vmem>>
      %dma_start3A_26 = tpu.memref_squeeze %dma_start3A_25 : memref<1x128x16xf32, #tpu.memory_space<vmem>> -> memref<128x16xf32, #tpu.memory_space<vmem>>
      %dma_start3A_27 = arith.constant 0 : i32
      %dma_start3A_28 = tpu.memref_slice %arg6[%add3A_22, %dma_start3A_27] : memref<250x128xi32, #tpu.memory_space<vmem>> -> memref<1x128xi32, #tpu.memory_space<vmem>>
      %dma_start3A_29 = tpu.memref_squeeze %dma_start3A_28 : memref<1x128xi32, #tpu.memory_space<vmem>> -> memref<128xi32, #tpu.memory_space<vmem>>
      %dma_start3A_30 = arith.constant 0 : i32
      %dma_start3A_31 = arith.constant 0 : i32
      %dma_start3A_32 = tpu.memref_slice %arg8[%dma_start3A_30, %dma_start3A_31] : memref<32000x16xf32, #tpu.memory_space<vmem_shared>> -> memref<32000x16xf32, #tpu.memory_space<vmem_shared>>
      tpu.enqueue_indirect_dma source(%dma_start3A_32 : memref<32000x16xf32, #tpu.memory_space<vmem_shared>>) target(%dma_start3A_26 : memref<128x16xf32, #tpu.memory_space<vmem>>) offsets(%dma_start3A_29 : memref<128xi32, #tpu.memory_space<vmem>>) semaphore(%arg9 : memref<!tpu.dma_semaphore, #tpu.memory_space<semaphore_mem>>)
      %mul3A_33 = arith.constant 10 : i32
      %mul3A_34 = arith.muli %scan3A_18, %mul3A_33 : i32
      %add3A_35 = arith.constant 1 : i32
      %add3A_36 = arith.addi %mul3A_34, %add3A_35 : i32
      %dma_start3A_37 = arith.constant 1 : i32
      %dma_start3A_38 = arith.constant 0 : i32
      %dma_start3A_39 = arith.constant 0 : i32
      %dma_start3A_40 = tpu.memref_slice %arg7[%dma_start3A_37, %dma_start3A_38, %dma_start3A_39] : memref<10x128x16xf32, #tpu.memory_space<vmem>> -> memref<1x128x16xf32, #tpu.memory_space<vmem>>
      %dma_start3A_41 = tpu.memref_squeeze %dma_start3A_40 : memref<1x128x16xf32, #tpu.memory_space<vmem>> -> memref<128x16xf32, #tpu.memory_space<vmem>>
      %dma_start3A_42 = arith.constant 0 : i32
      %dma_start3A_43 = tpu.memref_slice %arg6[%add3A_36, %dma_start3A_42] : memref<250x128xi32, #tpu.memory_space<vmem>> -> memref<1x128xi32, #tpu.memory_space<vmem>>
      %dma_start3A_44 = tpu.memref_squeeze %dma_start3A_43 : memref<1x128xi32, #tpu.memory_space<vmem>> -> memref<128xi32, #tpu.memory_space<vmem>>
      %dma_start3A_45 = arith.constant 0 : i32
      %dma_start3A_46 = arith.constant 0 : i32
      %dma_start3A_47 = tpu.memref_slice %arg8[%dma_start3A_45, %dma_start3A_46] : memref<32000x16xf32, #tpu.memory_space<vmem_shared>> -> memref<32000x16xf32, #tpu.memory_space<vmem_shared>>
      tpu.enqueue_indirect_dma source(%dma_start3A_47 : memref<32000x16xf32, #tpu.memory_space<vmem_shared>>) target(%dma_start3A_41 : memref<128x16xf32, #tpu.memory_space<vmem>>) offsets(%dma_start3A_44 : memref<128xi32, #tpu.memory_space<vmem>>) semaphore(%arg9 : memref<!tpu.dma_semaphore, #tpu.memory_space<semaphore_mem>>)
      %mul3A_48 = arith.constant 10 : i32
      %mul3A_49 = arith.muli %scan3A_18, %mul3A_48 : i32
      %add3A_50 = arith.constant 2 : i32
      %add3A_51 = arith.addi %mul3A_49, %add3A_50 : i32
      %dma_start3A_52 = arith.constant 2 : i32
      %dma_start3A_53 = arith.constant 0 : i32
      %dma_start3A_54 = arith.constant 0 : i32
      %dma_start3A_55 = tpu.memref_slice %arg7[%dma_start3A_52, %dma_start3A_53, %dma_start3A_54] : memref<10x128x16xf32, #tpu.memory_space<vmem>> -> memref<1x128x16xf32, #tpu.memory_space<vmem>>
      %dma_start3A_56 = tpu.memref_squeeze %dma_start3A_55 : memref<1x128x16xf32, #tpu.memory_space<vmem>> -> memref<128x16xf32, #tpu.memory_space<vmem>>
      %dma_start3A_57 = arith.constant 0 : i32
      %dma_start3A_58 = tpu.memref_slice %arg6[%add3A_51, %dma_start3A_57] : memref<250x128xi32, #tpu.memory_space<vmem>> -> memref<1x128xi32, #tpu.memory_space<vmem>>
      %dma_start3A_59 = tpu.memref_squeeze %dma_start3A_58 : memref<1x128xi32, #tpu.memory_space<vmem>> -> memref<128xi32, #tpu.memory_space<vmem>>
      %dma_start3A_60 = arith.constant 0 : i32
      %dma_start3A_61 = arith.constant 0 : i32
      %dma_start3A_62 = tpu.memref_slice %arg8[%dma_start3A_60, %dma_start3A_61] : memref<32000x16xf32, #tpu.memory_space<vmem_shared>> -> memref<32000x16xf32, #tpu.memory_space<vmem_shared>>
      tpu.enqueue_indirect_dma source(%dma_start3A_62 : memref<32000x16xf32, #tpu.memory_space<vmem_shared>>) target(%dma_start3A_56 : memref<128x16xf32, #tpu.memory_space<vmem>>) offsets(%dma_start3A_59 : memref<128xi32, #tpu.memory_space<vmem>>) semaphore(%arg9 : memref<!tpu.dma_semaphore, #tpu.memory_space<semaphore_mem>>)
      %mul3A_63 = arith.constant 10 : i32
      %mul3A_64 = arith.muli %scan3A_18, %mul3A_63 : i32
      %add3A_65 = arith.constant 3 : i32
      %add3A_66 = arith.addi %mul3A_64, %add3A_65 : i32
      %dma_start3A_67 = arith.constant 3 : i32
      %dma_start3A_68 = arith.constant 0 : i32
      %dma_start3A_69 = arith.constant 0 : i32
      %dma_start3A_70 = tpu.memref_slice %arg7[%dma_start3A_67, %dma_start3A_68, %dma_start3A_69] : memref<10x128x16xf32, #tpu.memory_space<vmem>> -> memref<1x128x16xf32, #tpu.memory_space<vmem>>
      %dma_start3A_71 = tpu.memref_squeeze %dma_start3A_70 : memref<1x128x16xf32, #tpu.memory_space<vmem>> -> memref<128x16xf32, #tpu.memory_space<vmem>>
      %dma_start3A_72 = arith.constant 0 : i32
      %dma_start3A_73 = tpu.memref_slice %arg6[%add3A_66, %dma_start3A_72] : memref<250x128xi32, #tpu.memory_space<vmem>> -> memref<1x128xi32, #tpu.memory_space<vmem>>
      %dma_start3A_74 = tpu.memref_squeeze %dma_start3A_73 : memref<1x128xi32, #tpu.memory_space<vmem>> -> memref<128xi32, #tpu.memory_space<vmem>>
      %dma_start3A_75 = arith.constant 0 : i32
      %dma_start3A_76 = arith.constant 0 : i32
      %dma_start3A_77 = tpu.memref_slice %arg8[%dma_start3A_75, %dma_start3A_76] : memref<32000x16xf32, #tpu.memory_space<vmem_shared>> -> memref<32000x16xf32, #tpu.memory_space<vmem_shared>>
      tpu.enqueue_indirect_dma source(%dma_start3A_77 : memref<32000x16xf32, #tpu.memory_space<vmem_shared>>) target(%dma_start3A_71 : memref<128x16xf32, #tpu.memory_space<vmem>>) offsets(%dma_start3A_74 : memref<128xi32, #tpu.memory_space<vmem>>) semaphore(%arg9 : memref<!tpu.dma_semaphore, #tpu.memory_space<semaphore_mem>>)
      %mul3A_78 = arith.constant 10 : i32
      %mul3A_79 = arith.muli %scan3A_18, %mul3A_78 : i32
      %add3A_80 = arith.constant 4 : i32
      %add3A_81 = arith.addi %mul3A_79, %add3A_80 : i32
      %dma_start3A_82 = arith.constant 4 : i32
      %dma_start3A_83 = arith.constant 0 : i32
      %dma_start3A_84 = arith.constant 0 : i32
      %dma_start3A_85 = tpu.memref_slice %arg7[%dma_start3A_82, %dma_start3A_83, %dma_start3A_84] : memref<10x128x16xf32, #tpu.memory_space<vmem>> -> memref<1x128x16xf32, #tpu.memory_space<vmem>>
      %dma_start3A_86 = tpu.memref_squeeze %dma_start3A_85 : memref<1x128x16xf32, #tpu.memory_space<vmem>> -> memref<128x16xf32, #tpu.memory_space<vmem>>
      %dma_start3A_87 = arith.constant 0 : i32
      %dma_start3A_88 = tpu.memref_slice %arg6[%add3A_81, %dma_start3A_87] : memref<250x128xi32, #tpu.memory_space<vmem>> -> memref<1x128xi32, #tpu.memory_space<vmem>>
      %dma_start3A_89 = tpu.memref_squeeze %dma_start3A_88 : memref<1x128xi32, #tpu.memory_space<vmem>> -> memref<128xi32, #tpu.memory_space<vmem>>
      %dma_start3A_90 = arith.constant 0 : i32
      %dma_start3A_91 = arith.constant 0 : i32
      %dma_start3A_92 = tpu.memref_slice %arg8[%dma_start3A_90, %dma_start3A_91] : memref<32000x16xf32, #tpu.memory_space<vmem_shared>> -> memref<32000x16xf32, #tpu.memory_space<vmem_shared>>
      tpu.enqueue_indirect_dma source(%dma_start3A_92 : memref<32000x16xf32, #tpu.memory_space<vmem_shared>>) target(%dma_start3A_86 : memref<128x16xf32, #tpu.memory_space<vmem>>) offsets(%dma_start3A_89 : memref<128xi32, #tpu.memory_space<vmem>>) semaphore(%arg9 : memref<!tpu.dma_semaphore, #tpu.memory_space<semaphore_mem>>)
      %mul3A_93 = arith.constant 10 : i32
      %mul3A_94 = arith.muli %scan3A_18, %mul3A_93 : i32
      %add3A_95 = arith.constant 5 : i32
      %add3A_96 = arith.addi %mul3A_94, %add3A_95 : i32
      %dma_start3A_97 = arith.constant 5 : i32
      %dma_start3A_98 = arith.constant 0 : i32
      %dma_start3A_99 = arith.constant 0 : i32
      %dma_start3A_100 = tpu.memref_slice %arg7[%dma_start3A_97, %dma_start3A_98, %dma_start3A_99] : memref<10x128x16xf32, #tpu.memory_space<vmem>> -> memref<1x128x16xf32, #tpu.memory_space<vmem>>
      %dma_start3A_101 = tpu.memref_squeeze %dma_start3A_100 : memref<1x128x16xf32, #tpu.memory_space<vmem>> -> memref<128x16xf32, #tpu.memory_space<vmem>>
      %dma_start3A_102 = arith.constant 0 : i32
      %dma_start3A_103 = tpu.memref_slice %arg6[%add3A_96, %dma_start3A_102] : memref<250x128xi32, #tpu.memory_space<vmem>> -> memref<1x128xi32, #tpu.memory_space<vmem>>
      %dma_start3A_104 = tpu.memref_squeeze %dma_start3A_103 : memref<1x128xi32, #tpu.memory_space<vmem>> -> memref<128xi32, #tpu.memory_space<vmem>>
      %dma_start3A_105 = arith.constant 0 : i32
      %dma_start3A_106 = arith.constant 0 : i32
      %dma_start3A_107 = tpu.memref_slice %arg8[%dma_start3A_105, %dma_start3A_106] : memref<32000x16xf32, #tpu.memory_space<vmem_shared>> -> memref<32000x16xf32, #tpu.memory_space<vmem_shared>>
      tpu.enqueue_indirect_dma source(%dma_start3A_107 : memref<32000x16xf32, #tpu.memory_space<vmem_shared>>) target(%dma_start3A_101 : memref<128x16xf32, #tpu.memory_space<vmem>>) offsets(%dma_start3A_104 : memref<128xi32, #tpu.memory_space<vmem>>) semaphore(%arg9 : memref<!tpu.dma_semaphore, #tpu.memory_space<semaphore_mem>>)
      %mul3A_108 = arith.constant 10 : i32
      %mul3A_109 = arith.muli %scan3A_18, %mul3A_108 : i32
      %add3A_110 = arith.constant 6 : i32
      %add3A_111 = arith.addi %mul3A_109, %add3A_110 : i32
      %dma_start3A_112 = arith.constant 6 : i32
      %dma_start3A_113 = arith.constant 0 : i32
      %dma_start3A_114 = arith.constant 0 : i32
      %dma_start3A_115 = tpu.memref_slice %arg7[%dma_start3A_112, %dma_start3A_113, %dma_start3A_114] : memref<10x128x16xf32, #tpu.memory_space<vmem>> -> memref<1x128x16xf32, #tpu.memory_space<vmem>>
      %dma_start3A_116 = tpu.memref_squeeze %dma_start3A_115 : memref<1x128x16xf32, #tpu.memory_space<vmem>> -> memref<128x16xf32, #tpu.memory_space<vmem>>
      %dma_start3A_117 = arith.constant 0 : i32
      %dma_start3A_118 = tpu.memref_slice %arg6[%add3A_111, %dma_start3A_117] : memref<250x128xi32, #tpu.memory_space<vmem>> -> memref<1x128xi32, #tpu.memory_space<vmem>>
      %dma_start3A_119 = tpu.memref_squeeze %dma_start3A_118 : memref<1x128xi32, #tpu.memory_space<vmem>> -> memref<128xi32, #tpu.memory_space<vmem>>
      %dma_start3A_120 = arith.constant 0 : i32
      %dma_start3A_121 = arith.constant 0 : i32
      %dma_start3A_122 = tpu.memref_slice %arg8[%dma_start3A_120, %dma_start3A_121] : memref<32000x16xf32, #tpu.memory_space<vmem_shared>> -> memref<32000x16xf32, #tpu.memory_space<vmem_shared>>
      tpu.enqueue_indirect_dma source(%dma_start3A_122 : memref<32000x16xf32, #tpu.memory_space<vmem_shared>>) target(%dma_start3A_116 : memref<128x16xf32, #tpu.memory_space<vmem>>) offsets(%dma_start3A_119 : memref<128xi32, #tpu.memory_space<vmem>>) semaphore(%arg9 : memref<!tpu.dma_semaphore, #tpu.memory_space<semaphore_mem>>)
      %mul3A_123 = arith.constant 10 : i32
      %mul3A_124 = arith.muli %scan3A_18, %mul3A_123 : i32
      %add3A_125 = arith.constant 7 : i32
      %add3A_126 = arith.addi %mul3A_124, %add3A_125 : i32
      %dma_start3A_127 = arith.constant 7 : i32
      %dma_start3A_128 = arith.constant 0 : i32
      %dma_start3A_129 = arith.constant 0 : i32
      %dma_start3A_130 = tpu.memref_slice %arg7[%dma_start3A_127, %dma_start3A_128, %dma_start3A_129] : memref<10x128x16xf32, #tpu.memory_space<vmem>> -> memref<1x128x16xf32, #tpu.memory_space<vmem>>
      %dma_start3A_131 = tpu.memref_squeeze %dma_start3A_130 : memref<1x128x16xf32, #tpu.memory_space<vmem>> -> memref<128x16xf32, #tpu.memory_space<vmem>>
      %dma_start3A_132 = arith.constant 0 : i32
      %dma_start3A_133 = tpu.memref_slice %arg6[%add3A_126, %dma_start3A_132] : memref<250x128xi32, #tpu.memory_space<vmem>> -> memref<1x128xi32, #tpu.memory_space<vmem>>
      %dma_start3A_134 = tpu.memref_squeeze %dma_start3A_133 : memref<1x128xi32, #tpu.memory_space<vmem>> -> memref<128xi32, #tpu.memory_space<vmem>>
      %dma_start3A_135 = arith.constant 0 : i32
      %dma_start3A_136 = arith.constant 0 : i32
      %dma_start3A_137 = tpu.memref_slice %arg8[%dma_start3A_135, %dma_start3A_136] : memref<32000x16xf32, #tpu.memory_space<vmem_shared>> -> memref<32000x16xf32, #tpu.memory_space<vmem_shared>>
      tpu.enqueue_indirect_dma source(%dma_start3A_137 : memref<32000x16xf32, #tpu.memory_space<vmem_shared>>) target(%dma_start3A_131 : memref<128x16xf32, #tpu.memory_space<vmem>>) offsets(%dma_start3A_134 : memref<128xi32, #tpu.memory_space<vmem>>) semaphore(%arg9 : memref<!tpu.dma_semaphore, #tpu.memory_space<semaphore_mem>>)
      %mul3A_138 = arith.constant 10 : i32
      %mul3A_139 = arith.muli %scan3A_18, %mul3A_138 : i32
      %add3A_140 = arith.constant 8 : i32
      %add3A_141 = arith.addi %mul3A_139, %add3A_140 : i32
      %dma_start3A_142 = arith.constant 8 : i32
      %dma_start3A_143 = arith.constant 0 : i32
      %dma_start3A_144 = arith.constant 0 : i32
      %dma_start3A_145 = tpu.memref_slice %arg7[%dma_start3A_142, %dma_start3A_143, %dma_start3A_144] : memref<10x128x16xf32, #tpu.memory_space<vmem>> -> memref<1x128x16xf32, #tpu.memory_space<vmem>>
      %dma_start3A_146 = tpu.memref_squeeze %dma_start3A_145 : memref<1x128x16xf32, #tpu.memory_space<vmem>> -> memref<128x16xf32, #tpu.memory_space<vmem>>
      %dma_start3A_147 = arith.constant 0 : i32
      %dma_start3A_148 = tpu.memref_slice %arg6[%add3A_141, %dma_start3A_147] : memref<250x128xi32, #tpu.memory_space<vmem>> -> memref<1x128xi32, #tpu.memory_space<vmem>>
      %dma_start3A_149 = tpu.memref_squeeze %dma_start3A_148 : memref<1x128xi32, #tpu.memory_space<vmem>> -> memref<128xi32, #tpu.memory_space<vmem>>
      %dma_start3A_150 = arith.constant 0 : i32
      %dma_start3A_151 = arith.constant 0 : i32
      %dma_start3A_152 = tpu.memref_slice %arg8[%dma_start3A_150, %dma_start3A_151] : memref<32000x16xf32, #tpu.memory_space<vmem_shared>> -> memref<32000x16xf32, #tpu.memory_space<vmem_shared>>
      tpu.enqueue_indirect_dma source(%dma_start3A_152 : memref<32000x16xf32, #tpu.memory_space<vmem_shared>>) target(%dma_start3A_146 : memref<128x16xf32, #tpu.memory_space<vmem>>) offsets(%dma_start3A_149 : memref<128xi32, #tpu.memory_space<vmem>>) semaphore(%arg9 : memref<!tpu.dma_semaphore, #tpu.memory_space<semaphore_mem>>)
      %mul3A_153 = arith.constant 10 : i32
      %mul3A_154 = arith.muli %scan3A_18, %mul3A_153 : i32
      %add3A_155 = arith.constant 9 : i32
      %add3A_156 = arith.addi %mul3A_154, %add3A_155 : i32
      %dma_start3A_157 = arith.constant 9 : i32
      %dma_start3A_158 = arith.constant 0 : i32
      %dma_start3A_159 = arith.constant 0 : i32
      %dma_start3A_160 = tpu.memref_slice %arg7[%dma_start3A_157, %dma_start3A_158, %dma_start3A_159] : memref<10x128x16xf32, #tpu.memory_space<vmem>> -> memref<1x128x16xf32, #tpu.memory_space<vmem>>
      %dma_start3A_161 = tpu.memref_squeeze %dma_start3A_160 : memref<1x128x16xf32, #tpu.memory_space<vmem>> -> memref<128x16xf32, #tpu.memory_space<vmem>>
      %dma_start3A_162 = arith.constant 0 : i32
      %dma_start3A_163 = tpu.memref_slice %arg6[%add3A_156, %dma_start3A_162] : memref<250x128xi32, #tpu.memory_space<vmem>> -> memref<1x128xi32, #tpu.memory_space<vmem>>
      %dma_start3A_164 = tpu.memref_squeeze %dma_start3A_163 : memref<1x128xi32, #tpu.memory_space<vmem>> -> memref<128xi32, #tpu.memory_space<vmem>>
      %dma_start3A_165 = arith.constant 0 : i32
      %dma_start3A_166 = arith.constant 0 : i32
      %dma_start3A_167 = tpu.memref_slice %arg8[%dma_start3A_165, %dma_start3A_166] : memref<32000x16xf32, #tpu.memory_space<vmem_shared>> -> memref<32000x16xf32, #tpu.memory_space<vmem_shared>>
      tpu.enqueue_indirect_dma source(%dma_start3A_167 : memref<32000x16xf32, #tpu.memory_space<vmem_shared>>) target(%dma_start3A_161 : memref<128x16xf32, #tpu.memory_space<vmem>>) offsets(%dma_start3A_164 : memref<128xi32, #tpu.memory_space<vmem>>) semaphore(%arg9 : memref<!tpu.dma_semaphore, #tpu.memory_space<semaphore_mem>>)
      %dma_wait3A = arith.constant 0 : i32
      %dma_wait3A_168 = arith.constant 0 : i32
      %dma_wait3A_169 = arith.constant 0 : i32
      %dma_wait3A_170 = tpu.memref_slice %arg7[%dma_wait3A, %dma_wait3A_168, %dma_wait3A_169] : memref<10x128x16xf32, #tpu.memory_space<vmem>> -> memref<1x128x16xf32, #tpu.memory_space<vmem>>
      %dma_wait3A_171 = tpu.memref_squeeze %dma_wait3A_170 : memref<1x128x16xf32, #tpu.memory_space<vmem>> -> memref<128x16xf32, #tpu.memory_space<vmem>>
      %dma_wait3A_172 = arith.constant 0 : i32
      %dma_wait3A_173 = tpu.memref_slice %arg6[%add3A_22, %dma_wait3A_172] : memref<250x128xi32, #tpu.memory_space<vmem>> -> memref<1x128xi32, #tpu.memory_space<vmem>>
      %dma_wait3A_174 = tpu.memref_squeeze %dma_wait3A_173 : memref<1x128xi32, #tpu.memory_space<vmem>> -> memref<128xi32, #tpu.memory_space<vmem>>
      %dma_wait3A_175 = arith.constant 0 : i32
      %dma_wait3A_176 = arith.constant 0 : i32
      %dma_wait3A_177 = tpu.memref_slice %arg8[%dma_wait3A_175, %dma_wait3A_176] : memref<32000x16xf32, #tpu.memory_space<vmem_shared>> -> memref<32000x16xf32, #tpu.memory_space<vmem_shared>>
      tpu.wait_indirect_dma semaphore(%arg9 : memref<!tpu.dma_semaphore, #tpu.memory_space<semaphore_mem>>) src(%dma_wait3A_177 : memref<32000x16xf32, #tpu.memory_space<vmem_shared>>) dst(%dma_wait3A_171 : memref<128x16xf32, #tpu.memory_space<vmem>>)
      %dma_wait3A_178 = arith.constant 1 : i32
      %dma_wait3A_179 = arith.constant 0 : i32
      %dma_wait3A_180 = arith.constant 0 : i32
      %dma_wait3A_181 = tpu.memref_slice %arg7[%dma_wait3A_178, %dma_wait3A_179, %dma_wait3A_180] : memref<10x128x16xf32, #tpu.memory_space<vmem>> -> memref<1x128x16xf32, #tpu.memory_space<vmem>>
      %dma_wait3A_182 = tpu.memref_squeeze %dma_wait3A_181 : memref<1x128x16xf32, #tpu.memory_space<vmem>> -> memref<128x16xf32, #tpu.memory_space<vmem>>
      %dma_wait3A_183 = arith.constant 0 : i32
      %dma_wait3A_184 = tpu.memref_slice %arg6[%add3A_36, %dma_wait3A_183] : memref<250x128xi32, #tpu.memory_space<vmem>> -> memref<1x128xi32, #tpu.memory_space<vmem>>
      %dma_wait3A_185 = tpu.memref_squeeze %dma_wait3A_184 : memref<1x128xi32, #tpu.memory_space<vmem>> -> memref<128xi32, #tpu.memory_space<vmem>>
      %dma_wait3A_186 = arith.constant 0 : i32
      %dma_wait3A_187 = arith.constant 0 : i32
      %dma_wait3A_188 = tpu.memref_slice %arg8[%dma_wait3A_186, %dma_wait3A_187] : memref<32000x16xf32, #tpu.memory_space<vmem_shared>> -> memref<32000x16xf32, #tpu.memory_space<vmem_shared>>
      tpu.wait_indirect_dma semaphore(%arg9 : memref<!tpu.dma_semaphore, #tpu.memory_space<semaphore_mem>>) src(%dma_wait3A_188 : memref<32000x16xf32, #tpu.memory_space<vmem_shared>>) dst(%dma_wait3A_182 : memref<128x16xf32, #tpu.memory_space<vmem>>)
      %dma_wait3A_189 = arith.constant 2 : i32
      %dma_wait3A_190 = arith.constant 0 : i32
      %dma_wait3A_191 = arith.constant 0 : i32
      %dma_wait3A_192 = tpu.memref_slice %arg7[%dma_wait3A_189, %dma_wait3A_190, %dma_wait3A_191] : memref<10x128x16xf32, #tpu.memory_space<vmem>> -> memref<1x128x16xf32, #tpu.memory_space<vmem>>
      %dma_wait3A_193 = tpu.memref_squeeze %dma_wait3A_192 : memref<1x128x16xf32, #tpu.memory_space<vmem>> -> memref<128x16xf32, #tpu.memory_space<vmem>>
      %dma_wait3A_194 = arith.constant 0 : i32
      %dma_wait3A_195 = tpu.memref_slice %arg6[%add3A_51, %dma_wait3A_194] : memref<250x128xi32, #tpu.memory_space<vmem>> -> memref<1x128xi32, #tpu.memory_space<vmem>>
      %dma_wait3A_196 = tpu.memref_squeeze %dma_wait3A_195 : memref<1x128xi32, #tpu.memory_space<vmem>> -> memref<128xi32, #tpu.memory_space<vmem>>
      %dma_wait3A_197 = arith.constant 0 : i32
      %dma_wait3A_198 = arith.constant 0 : i32
      %dma_wait3A_199 = tpu.memref_slice %arg8[%dma_wait3A_197, %dma_wait3A_198] : memref<32000x16xf32, #tpu.memory_space<vmem_shared>> -> memref<32000x16xf32, #tpu.memory_space<vmem_shared>>
      tpu.wait_indirect_dma semaphore(%arg9 : memref<!tpu.dma_semaphore, #tpu.memory_space<semaphore_mem>>) src(%dma_wait3A_199 : memref<32000x16xf32, #tpu.memory_space<vmem_shared>>) dst(%dma_wait3A_193 : memref<128x16xf32, #tpu.memory_space<vmem>>)
      %dma_wait3A_200 = arith.constant 3 : i32
      %dma_wait3A_201 = arith.constant 0 : i32
      %dma_wait3A_202 = arith.constant 0 : i32
      %dma_wait3A_203 = tpu.memref_slice %arg7[%dma_wait3A_200, %dma_wait3A_201, %dma_wait3A_202] : memref<10x128x16xf32, #tpu.memory_space<vmem>> -> memref<1x128x16xf32, #tpu.memory_space<vmem>>
      %dma_wait3A_204 = tpu.memref_squeeze %dma_wait3A_203 : memref<1x128x16xf32, #tpu.memory_space<vmem>> -> memref<128x16xf32, #tpu.memory_space<vmem>>
      %dma_wait3A_205 = arith.constant 0 : i32
      %dma_wait3A_206 = tpu.memref_slice %arg6[%add3A_66, %dma_wait3A_205] : memref<250x128xi32, #tpu.memory_space<vmem>> -> memref<1x128xi32, #tpu.memory_space<vmem>>
      %dma_wait3A_207 = tpu.memref_squeeze %dma_wait3A_206 : memref<1x128xi32, #tpu.memory_space<vmem>> -> memref<128xi32, #tpu.memory_space<vmem>>
      %dma_wait3A_208 = arith.constant 0 : i32
      %dma_wait3A_209 = arith.constant 0 : i32
      %dma_wait3A_210 = tpu.memref_slice %arg8[%dma_wait3A_208, %dma_wait3A_209] : memref<32000x16xf32, #tpu.memory_space<vmem_shared>> -> memref<32000x16xf32, #tpu.memory_space<vmem_shared>>
      tpu.wait_indirect_dma semaphore(%arg9 : memref<!tpu.dma_semaphore, #tpu.memory_space<semaphore_mem>>) src(%dma_wait3A_210 : memref<32000x16xf32, #tpu.memory_space<vmem_shared>>) dst(%dma_wait3A_204 : memref<128x16xf32, #tpu.memory_space<vmem>>)
      %dma_wait3A_211 = arith.constant 4 : i32
      %dma_wait3A_212 = arith.constant 0 : i32
      %dma_wait3A_213 = arith.constant 0 : i32
      %dma_wait3A_214 = tpu.memref_slice %arg7[%dma_wait3A_211, %dma_wait3A_212, %dma_wait3A_213] : memref<10x128x16xf32, #tpu.memory_space<vmem>> -> memref<1x128x16xf32, #tpu.memory_space<vmem>>
      %dma_wait3A_215 = tpu.memref_squeeze %dma_wait3A_214 : memref<1x128x16xf32, #tpu.memory_space<vmem>> -> memref<128x16xf32, #tpu.memory_space<vmem>>
      %dma_wait3A_216 = arith.constant 0 : i32
      %dma_wait3A_217 = tpu.memref_slice %arg6[%add3A_81, %dma_wait3A_216] : memref<250x128xi32, #tpu.memory_space<vmem>> -> memref<1x128xi32, #tpu.memory_space<vmem>>
      %dma_wait3A_218 = tpu.memref_squeeze %dma_wait3A_217 : memref<1x128xi32, #tpu.memory_space<vmem>> -> memref<128xi32, #tpu.memory_space<vmem>>
      %dma_wait3A_219 = arith.constant 0 : i32
      %dma_wait3A_220 = arith.constant 0 : i32
      %dma_wait3A_221 = tpu.memref_slice %arg8[%dma_wait3A_219, %dma_wait3A_220] : memref<32000x16xf32, #tpu.memory_space<vmem_shared>> -> memref<32000x16xf32, #tpu.memory_space<vmem_shared>>
      tpu.wait_indirect_dma semaphore(%arg9 : memref<!tpu.dma_semaphore, #tpu.memory_space<semaphore_mem>>) src(%dma_wait3A_221 : memref<32000x16xf32, #tpu.memory_space<vmem_shared>>) dst(%dma_wait3A_215 : memref<128x16xf32, #tpu.memory_space<vmem>>)
      %dma_wait3A_222 = arith.constant 5 : i32
      %dma_wait3A_223 = arith.constant 0 : i32
      %dma_wait3A_224 = arith.constant 0 : i32
      %dma_wait3A_225 = tpu.memref_slice %arg7[%dma_wait3A_222, %dma_wait3A_223, %dma_wait3A_224] : memref<10x128x16xf32, #tpu.memory_space<vmem>> -> memref<1x128x16xf32, #tpu.memory_space<vmem>>
      %dma_wait3A_226 = tpu.memref_squeeze %dma_wait3A_225 : memref<1x128x16xf32, #tpu.memory_space<vmem>> -> memref<128x16xf32, #tpu.memory_space<vmem>>
      %dma_wait3A_227 = arith.constant 0 : i32
      %dma_wait3A_228 = tpu.memref_slice %arg6[%add3A_96, %dma_wait3A_227] : memref<250x128xi32, #tpu.memory_space<vmem>> -> memref<1x128xi32, #tpu.memory_space<vmem>>
      %dma_wait3A_229 = tpu.memref_squeeze %dma_wait3A_228 : memref<1x128xi32, #tpu.memory_space<vmem>> -> memref<128xi32, #tpu.memory_space<vmem>>
      %dma_wait3A_230 = arith.constant 0 : i32
      %dma_wait3A_231 = arith.constant 0 : i32
      %dma_wait3A_232 = tpu.memref_slice %arg8[%dma_wait3A_230, %dma_wait3A_231] : memref<32000x16xf32, #tpu.memory_space<vmem_shared>> -> memref<32000x16xf32, #tpu.memory_space<vmem_shared>>
      tpu.wait_indirect_dma semaphore(%arg9 : memref<!tpu.dma_semaphore, #tpu.memory_space<semaphore_mem>>) src(%dma_wait3A_232 : memref<32000x16xf32, #tpu.memory_space<vmem_shared>>) dst(%dma_wait3A_226 : memref<128x16xf32, #tpu.memory_space<vmem>>)
      %dma_wait3A_233 = arith.constant 6 : i32
      %dma_wait3A_234 = arith.constant 0 : i32
      %dma_wait3A_235 = arith.constant 0 : i32
      %dma_wait3A_236 = tpu.memref_slice %arg7[%dma_wait3A_233, %dma_wait3A_234, %dma_wait3A_235] : memref<10x128x16xf32, #tpu.memory_space<vmem>> -> memref<1x128x16xf32, #tpu.memory_space<vmem>>
      %dma_wait3A_237 = tpu.memref_squeeze %dma_wait3A_236 : memref<1x128x16xf32, #tpu.memory_space<vmem>> -> memref<128x16xf32, #tpu.memory_space<vmem>>
      %dma_wait3A_238 = arith.constant 0 : i32
      %dma_wait3A_239 = tpu.memref_slice %arg6[%add3A_111, %dma_wait3A_238] : memref<250x128xi32, #tpu.memory_space<vmem>> -> memref<1x128xi32, #tpu.memory_space<vmem>>
      %dma_wait3A_240 = tpu.memref_squeeze %dma_wait3A_239 : memref<1x128xi32, #tpu.memory_space<vmem>> -> memref<128xi32, #tpu.memory_space<vmem>>
      %dma_wait3A_241 = arith.constant 0 : i32
      %dma_wait3A_242 = arith.constant 0 : i32
      %dma_wait3A_243 = tpu.memref_slice %arg8[%dma_wait3A_241, %dma_wait3A_242] : memref<32000x16xf32, #tpu.memory_space<vmem_shared>> -> memref<32000x16xf32, #tpu.memory_space<vmem_shared>>
      tpu.wait_indirect_dma semaphore(%arg9 : memref<!tpu.dma_semaphore, #tpu.memory_space<semaphore_mem>>) src(%dma_wait3A_243 : memref<32000x16xf32, #tpu.memory_space<vmem_shared>>) dst(%dma_wait3A_237 : memref<128x16xf32, #tpu.memory_space<vmem>>)
      %dma_wait3A_244 = arith.constant 7 : i32
      %dma_wait3A_245 = arith.constant 0 : i32
      %dma_wait3A_246 = arith.constant 0 : i32
      %dma_wait3A_247 = tpu.memref_slice %arg7[%dma_wait3A_244, %dma_wait3A_245, %dma_wait3A_246] : memref<10x128x16xf32, #tpu.memory_space<vmem>> -> memref<1x128x16xf32, #tpu.memory_space<vmem>>
      %dma_wait3A_248 = tpu.memref_squeeze %dma_wait3A_247 : memref<1x128x16xf32, #tpu.memory_space<vmem>> -> memref<128x16xf32, #tpu.memory_space<vmem>>
      %dma_wait3A_249 = arith.constant 0 : i32
      %dma_wait3A_250 = tpu.memref_slice %arg6[%add3A_126, %dma_wait3A_249] : memref<250x128xi32, #tpu.memory_space<vmem>> -> memref<1x128xi32, #tpu.memory_space<vmem>>
      %dma_wait3A_251 = tpu.memref_squeeze %dma_wait3A_250 : memref<1x128xi32, #tpu.memory_space<vmem>> -> memref<128xi32, #tpu.memory_space<vmem>>
      %dma_wait3A_252 = arith.constant 0 : i32
      %dma_wait3A_253 = arith.constant 0 : i32
      %dma_wait3A_254 = tpu.memref_slice %arg8[%dma_wait3A_252, %dma_wait3A_253] : memref<32000x16xf32, #tpu.memory_space<vmem_shared>> -> memref<32000x16xf32, #tpu.memory_space<vmem_shared>>
      tpu.wait_indirect_dma semaphore(%arg9 : memref<!tpu.dma_semaphore, #tpu.memory_space<semaphore_mem>>) src(%dma_wait3A_254 : memref<32000x16xf32, #tpu.memory_space<vmem_shared>>) dst(%dma_wait3A_248 : memref<128x16xf32, #tpu.memory_space<vmem>>)
      %dma_wait3A_255 = arith.constant 8 : i32
      %dma_wait3A_256 = arith.constant 0 : i32
      %dma_wait3A_257 = arith.constant 0 : i32
      %dma_wait3A_258 = tpu.memref_slice %arg7[%dma_wait3A_255, %dma_wait3A_256, %dma_wait3A_257] : memref<10x128x16xf32, #tpu.memory_space<vmem>> -> memref<1x128x16xf32, #tpu.memory_space<vmem>>
      %dma_wait3A_259 = tpu.memref_squeeze %dma_wait3A_258 : memref<1x128x16xf32, #tpu.memory_space<vmem>> -> memref<128x16xf32, #tpu.memory_space<vmem>>
      %dma_wait3A_260 = arith.constant 0 : i32
      %dma_wait3A_261 = tpu.memref_slice %arg6[%add3A_141, %dma_wait3A_260] : memref<250x128xi32, #tpu.memory_space<vmem>> -> memref<1x128xi32, #tpu.memory_space<vmem>>
      %dma_wait3A_262 = tpu.memref_squeeze %dma_wait3A_261 : memref<1x128xi32, #tpu.memory_space<vmem>> -> memref<128xi32, #tpu.memory_space<vmem>>
      %dma_wait3A_263 = arith.constant 0 : i32
      %dma_wait3A_264 = arith.constant 0 : i32
      %dma_wait3A_265 = tpu.memref_slice %arg8[%dma_wait3A_263, %dma_wait3A_264] : memref<32000x16xf32, #tpu.memory_space<vmem_shared>> -> memref<32000x16xf32, #tpu.memory_space<vmem_shared>>
      tpu.wait_indirect_dma semaphore(%arg9 : memref<!tpu.dma_semaphore, #tpu.memory_space<semaphore_mem>>) src(%dma_wait3A_265 : memref<32000x16xf32, #tpu.memory_space<vmem_shared>>) dst(%dma_wait3A_259 : memref<128x16xf32, #tpu.memory_space<vmem>>)
      %dma_wait3A_266 = arith.constant 9 : i32
      %dma_wait3A_267 = arith.constant 0 : i32
      %dma_wait3A_268 = arith.constant 0 : i32
      %dma_wait3A_269 = tpu.memref_slice %arg7[%dma_wait3A_266, %dma_wait3A_267, %dma_wait3A_268] : memref<10x128x16xf32, #tpu.memory_space<vmem>> -> memref<1x128x16xf32, #tpu.memory_space<vmem>>
      %dma_wait3A_270 = tpu.memref_squeeze %dma_wait3A_269 : memref<1x128x16xf32, #tpu.memory_space<vmem>> -> memref<128x16xf32, #tpu.memory_space<vmem>>
      %dma_wait3A_271 = arith.constant 0 : i32
      %dma_wait3A_272 = tpu.memref_slice %arg6[%add3A_156, %dma_wait3A_271] : memref<250x128xi32, #tpu.memory_space<vmem>> -> memref<1x128xi32, #tpu.memory_space<vmem>>
      %dma_wait3A_273 = tpu.memref_squeeze %dma_wait3A_272 : memref<1x128xi32, #tpu.memory_space<vmem>> -> memref<128xi32, #tpu.memory_space<vmem>>
      %dma_wait3A_274 = arith.constant 0 : i32
      %dma_wait3A_275 = arith.constant 0 : i32
      %dma_wait3A_276 = tpu.memref_slice %arg8[%dma_wait3A_274, %dma_wait3A_275] : memref<32000x16xf32, #tpu.memory_space<vmem_shared>> -> memref<32000x16xf32, #tpu.memory_space<vmem_shared>>
      tpu.wait_indirect_dma semaphore(%arg9 : memref<!tpu.dma_semaphore, #tpu.memory_space<semaphore_mem>>) src(%dma_wait3A_276 : memref<32000x16xf32, #tpu.memory_space<vmem_shared>>) dst(%dma_wait3A_270 : memref<128x16xf32, #tpu.memory_space<vmem>>)
      %mul3A_277 = arith.constant 10 : i32
      %mul3A_278 = arith.muli %scan3A_18, %mul3A_277 : i32
      %add3A_279 = arith.addi %mul3A_2, %mul3A_278 : i32
      "tpu.region"() ({
        %run_scoped3A = tpu.sem_alloc : memref<!tpu.dma_semaphore, #tpu.memory_space<semaphore_mem>>
        %dma_start3A_280 = arith.constant 0 : i32
        %dma_start3A_281 = arith.constant 0 : i32
        %dma_start3A_282 = arith.constant 0 : i32
        %dma_start3A_283 = tpu.memref_slice %arg5[%scan3A_12, %dma_start3A_280, %dma_start3A_281, %dma_start3A_282] : memref<2x8000x128x16xf32, #tpu.memory_space<hbm>> -> memref<1x8000x128x16xf32, #tpu.memory_space<hbm>>
        %dma_start3A_284 = tpu.memref_squeeze %dma_start3A_283 : memref<1x8000x128x16xf32, #tpu.memory_space<hbm>> -> memref<8000x128x16xf32, #tpu.memory_space<hbm>>
        %dma_start3A_285 = arith.constant 0 : i32
        %dma_start3A_286 = arith.constant 0 : i32
        %dma_start3A_287 = tpu.memref_slice %dma_start3A_284[%add3A_279, %dma_start3A_285, %dma_start3A_286] : memref<8000x128x16xf32, #tpu.memory_space<hbm>> -> memref<10x128x16xf32, #tpu.memory_space<hbm>>
        %dma_start3A_288 = arith.constant 0 : i32
        %dma_start3A_289 = arith.constant 0 : i32
        %dma_start3A_290 = arith.constant 0 : i32
        %dma_start3A_291 = tpu.memref_slice %arg5[%scan3A_12, %dma_start3A_288, %dma_start3A_289, %dma_start3A_290] : memref<2x8000x128x16xf32, #tpu.memory_space<hbm>> -> memref<1x8000x128x16xf32, #tpu.memory_space<hbm>>
        %dma_start3A_292 = tpu.memref_squeeze %dma_start3A_291 : memref<1x8000x128x16xf32, #tpu.memory_space<hbm>> -> memref<8000x128x16xf32, #tpu.memory_space<hbm>>
        %dma_start3A_293 = arith.constant 0 : i32
        %dma_start3A_294 = arith.constant 0 : i32
        %dma_start3A_295 = tpu.memref_slice %dma_start3A_292[%add3A_279, %dma_start3A_293, %dma_start3A_294] : memref<8000x128x16xf32, #tpu.memory_space<hbm>> -> memref<10x128x16xf32, #tpu.memory_space<hbm>>
        tpu.enqueue_dma source(%arg7 : memref<10x128x16xf32, #tpu.memory_space<vmem>>) target(%dma_start3A_295 : memref<10x128x16xf32, #tpu.memory_space<hbm>>) target_semaphore(%run_scoped3A : memref<!tpu.dma_semaphore, #tpu.memory_space<semaphore_mem>>)
        %dma_wait3A_296 = arith.constant 0 : i32
        %dma_wait3A_297 = arith.constant 0 : i32
        %dma_wait3A_298 = arith.constant 0 : i32
        %dma_wait3A_299 = tpu.memref_slice %arg5[%scan3A_12, %dma_wait3A_296, %dma_wait3A_297, %dma_wait3A_298] : memref<2x8000x128x16xf32, #tpu.memory_space<hbm>> -> memref<1x8000x128x16xf32, #tpu.memory_space<hbm>>
        %dma_wait3A_300 = tpu.memref_squeeze %dma_wait3A_299 : memref<1x8000x128x16xf32, #tpu.memory_space<hbm>> -> memref<8000x128x16xf32, #tpu.memory_space<hbm>>
        %dma_wait3A_301 = arith.constant 0 : i32
        %dma_wait3A_302 = arith.constant 0 : i32
        %dma_wait3A_303 = tpu.memref_slice %dma_wait3A_300[%add3A_279, %dma_wait3A_301, %dma_wait3A_302] : memref<8000x128x16xf32, #tpu.memory_space<hbm>> -> memref<10x128x16xf32, #tpu.memory_space<hbm>>
        %dma_wait3A_304 = arith.constant 0 : i32
        %dma_wait3A_305 = arith.constant 0 : i32
        %dma_wait3A_306 = arith.constant 0 : i32
        %dma_wait3A_307 = tpu.memref_slice %arg5[%scan3A_12, %dma_wait3A_304, %dma_wait3A_305, %dma_wait3A_306] : memref<2x8000x128x16xf32, #tpu.memory_space<hbm>> -> memref<1x8000x128x16xf32, #tpu.memory_space<hbm>>
        %dma_wait3A_308 = tpu.memref_squeeze %dma_wait3A_307 : memref<1x8000x128x16xf32, #tpu.memory_space<hbm>> -> memref<8000x128x16xf32, #tpu.memory_space<hbm>>
        %dma_wait3A_309 = arith.constant 0 : i32
        %dma_wait3A_310 = arith.constant 0 : i32
        %dma_wait3A_311 = tpu.memref_slice %dma_wait3A_308[%add3A_279, %dma_wait3A_309, %dma_wait3A_310] : memref<8000x128x16xf32, #tpu.memory_space<hbm>> -> memref<10x128x16xf32, #tpu.memory_space<hbm>>
        tpu.wait_dma2 semaphore(%run_scoped3A : memref<!tpu.dma_semaphore, #tpu.memory_space<semaphore_mem>>) src(%arg7 : memref<10x128x16xf32, #tpu.memory_space<vmem>>) dst(%dma_wait3A_311 : memref<10x128x16xf32, #tpu.memory_space<hbm>>)
        tpu.yield
      }) : () -> ()
    }
    %scan3A_17 = arith.constant 25 : i32
    return
  }
}

#map = affine_map<(d0, d1) -> (0, 0, 0)>
#map1 = affine_map<(d0, d1) -> (0, 0)>
module attributes {stable_mosaic.version = 14 : i64} {
  func.func @body(%arg0: i32, %arg1: i32, %arg2: memref<8000x128x16xf32, #tpu.memory_space<hbm>>, %arg3: memref<32x250x128xi32, #tpu.memory_space<hbm>>, %arg4: memref<32000x16xf32, #tpu.memory_space<hbm>>, %arg5: memref<2x32000x16xf32, #tpu.memory_space<hbm>>, %arg6: memref<250x128xi32, #tpu.memory_space<vmem>>, %arg7: memref<10x128x16xf32, #tpu.memory_space<vmem>>, %arg8: memref<32000x16xf32, #tpu.memory_space<vmem_shared>>) attributes {dimension_semantics = [#tpu.dimension_semantics<core_parallel>, #tpu.dimension_semantics<subcore_parallel>], iteration_bounds = array<i64: 2, 16>, scalar_prefetch = 0 : i64, scratch_operands = 3 : i64, tpu.core_type = #tpu.core_type<sc_vector_subcore>, window_params = [{transform_indices = #map}, {transform_indices = #map}, {transform_indices = #map1}, {transform_indices = #map}]} {
    %mul3A = arith.constant 2 : i32
    %mul3A_0 = arith.muli %arg1, %mul3A : i32
    %add3A = arith.addi %mul3A_0, %arg0 : i32
    %mul3A_1 = arith.constant 250 : i32
    %mul3A_2 = arith.muli %add3A, %mul3A_1 : i32
    %eq3A = arith.constant 0 : i32
    %eq3A_3 = arith.cmpi eq, %arg1, %eq3A : i32
    %convert_element_type3A = arith.extui %eq3A_3 : i1 to i32
    %cond3A = arith.constant 0 : i32
    %cond3A_4 = arith.cmpi ne, %convert_element_type3A, %cond3A : i32
    scf.if %cond3A_4 {
      "tpu.region"() ({
        %run_scoped3A = tpu.sem_alloc : memref<!tpu.dma_semaphore, #tpu.memory_space<semaphore_mem>>
        tpu.enqueue_dma source(%arg4 : memref<32000x16xf32, #tpu.memory_space<hbm>>) target(%arg8 : memref<32000x16xf32, #tpu.memory_space<vmem_shared>>) target_semaphore(%run_scoped3A : memref<!tpu.dma_semaphore, #tpu.memory_space<semaphore_mem>>)
        tpu.wait_dma2 semaphore(%run_scoped3A : memref<!tpu.dma_semaphore, #tpu.memory_space<semaphore_mem>>) src(%arg4 : memref<32000x16xf32, #tpu.memory_space<hbm>>) dst(%arg8 : memref<32000x16xf32, #tpu.memory_space<vmem_shared>>)
        tpu.yield
      }) : () -> ()
    } else {
    }
    %barrier3A = arith.constant 0 : index
    tpu.barrier barrier_id(%barrier3A)
    "tpu.region"() ({
      %run_scoped3A = tpu.sem_alloc : memref<!tpu.dma_semaphore, #tpu.memory_space<semaphore_mem>>
      %dma_start3A = arith.constant 0 : i32
      %dma_start3A_16 = arith.constant 0 : i32
      %dma_start3A_17 = tpu.memref_slice %arg3[%add3A, %dma_start3A, %dma_start3A_16] : memref<32x250x128xi32, #tpu.memory_space<hbm>> -> memref<1x250x128xi32, #tpu.memory_space<hbm>>
      %dma_start3A_18 = tpu.memref_squeeze %dma_start3A_17 : memref<1x250x128xi32, #tpu.memory_space<hbm>> -> memref<250x128xi32, #tpu.memory_space<hbm>>
      %dma_start3A_19 = arith.constant 0 : i32
      %dma_start3A_20 = arith.constant 0 : i32
      %dma_start3A_21 = tpu.memref_slice %arg3[%add3A, %dma_start3A_19, %dma_start3A_20] : memref<32x250x128xi32, #tpu.memory_space<hbm>> -> memref<1x250x128xi32, #tpu.memory_space<hbm>>
      %dma_start3A_22 = tpu.memref_squeeze %dma_start3A_21 : memref<1x250x128xi32, #tpu.memory_space<hbm>> -> memref<250x128xi32, #tpu.memory_space<hbm>>
      tpu.enqueue_dma source(%dma_start3A_22 : memref<250x128xi32, #tpu.memory_space<hbm>>) target(%arg6 : memref<250x128xi32, #tpu.memory_space<vmem>>) target_semaphore(%run_scoped3A : memref<!tpu.dma_semaphore, #tpu.memory_space<semaphore_mem>>)
      %dma_wait3A = arith.constant 0 : i32
      %dma_wait3A_23 = arith.constant 0 : i32
      %dma_wait3A_24 = tpu.memref_slice %arg3[%add3A, %dma_wait3A, %dma_wait3A_23] : memref<32x250x128xi32, #tpu.memory_space<hbm>> -> memref<1x250x128xi32, #tpu.memory_space<hbm>>
      %dma_wait3A_25 = tpu.memref_squeeze %dma_wait3A_24 : memref<1x250x128xi32, #tpu.memory_space<hbm>> -> memref<250x128xi32, #tpu.memory_space<hbm>>
      %dma_wait3A_26 = arith.constant 0 : i32
      %dma_wait3A_27 = arith.constant 0 : i32
      %dma_wait3A_28 = tpu.memref_slice %arg3[%add3A, %dma_wait3A_26, %dma_wait3A_27] : memref<32x250x128xi32, #tpu.memory_space<hbm>> -> memref<1x250x128xi32, #tpu.memory_space<hbm>>
      %dma_wait3A_29 = tpu.memref_squeeze %dma_wait3A_28 : memref<1x250x128xi32, #tpu.memory_space<hbm>> -> memref<250x128xi32, #tpu.memory_space<hbm>>
      tpu.wait_dma2 semaphore(%run_scoped3A : memref<!tpu.dma_semaphore, #tpu.memory_space<semaphore_mem>>) src(%dma_wait3A_29 : memref<250x128xi32, #tpu.memory_space<hbm>>) dst(%arg6 : memref<250x128xi32, #tpu.memory_space<vmem>>)
      tpu.yield
    }) : () -> ()
    %scan3A = arith.constant 0 : i32
    %scan3A_5 = arith.constant 0 : i32
    %scan3A_6 = arith.constant 25 : i32
    %scan3A_7 = arith.addi %scan3A_5, %scan3A_6 : i32
    %scan3A_8 = arith.constant 1 : i32
    scf.for %scan3A_16 = %scan3A_5 to %scan3A_7 step %scan3A_8  : i32 {
      %mul3A_17 = arith.constant 10 : i32
      %mul3A_18 = arith.muli %scan3A_16, %mul3A_17 : i32
      %add3A_19 = arith.addi %mul3A_2, %mul3A_18 : i32
      "tpu.region"() ({
        %run_scoped3A_69 = tpu.sem_alloc : memref<!tpu.dma_semaphore, #tpu.memory_space<semaphore_mem>>
        %dma_start3A = arith.constant 0 : i32
        %dma_start3A_70 = arith.constant 0 : i32
        %dma_start3A_71 = tpu.memref_slice %arg2[%add3A_19, %dma_start3A, %dma_start3A_70] : memref<8000x128x16xf32, #tpu.memory_space<hbm>> -> memref<10x128x16xf32, #tpu.memory_space<hbm>>
        %dma_start3A_72 = arith.constant 0 : i32
        %dma_start3A_73 = arith.constant 0 : i32
        %dma_start3A_74 = tpu.memref_slice %arg2[%add3A_19, %dma_start3A_72, %dma_start3A_73] : memref<8000x128x16xf32, #tpu.memory_space<hbm>> -> memref<10x128x16xf32, #tpu.memory_space<hbm>>
        tpu.enqueue_dma source(%dma_start3A_74 : memref<10x128x16xf32, #tpu.memory_space<hbm>>) target(%arg7 : memref<10x128x16xf32, #tpu.memory_space<vmem>>) target_semaphore(%run_scoped3A_69 : memref<!tpu.dma_semaphore, #tpu.memory_space<semaphore_mem>>)
        %dma_wait3A = arith.constant 0 : i32
        %dma_wait3A_75 = arith.constant 0 : i32
        %dma_wait3A_76 = tpu.memref_slice %arg2[%add3A_19, %dma_wait3A, %dma_wait3A_75] : memref<8000x128x16xf32, #tpu.memory_space<hbm>> -> memref<10x128x16xf32, #tpu.memory_space<hbm>>
        %dma_wait3A_77 = arith.constant 0 : i32
        %dma_wait3A_78 = arith.constant 0 : i32
        %dma_wait3A_79 = tpu.memref_slice %arg2[%add3A_19, %dma_wait3A_77, %dma_wait3A_78] : memref<8000x128x16xf32, #tpu.memory_space<hbm>> -> memref<10x128x16xf32, #tpu.memory_space<hbm>>
        tpu.wait_dma2 semaphore(%run_scoped3A_69 : memref<!tpu.dma_semaphore, #tpu.memory_space<semaphore_mem>>) src(%dma_wait3A_79 : memref<10x128x16xf32, #tpu.memory_space<hbm>>) dst(%arg7 : memref<10x128x16xf32, #tpu.memory_space<vmem>>)
        tpu.yield
      }) : () -> ()
      %mul3A_20 = arith.constant 10 : i32
      %mul3A_21 = arith.muli %scan3A_16, %mul3A_20 : i32
      %add3A_22 = arith.constant 0 : i32
      %add3A_23 = arith.addi %mul3A_21, %add3A_22 : i32
      %run_scoped3A = arith.constant 0 : i32
      "tpu.region"() ({
        %run_scoped3A_69 = tpu.sem_alloc : memref<!tpu.dma_semaphore, #tpu.memory_space<semaphore_mem>>
        %dma_start3A = arith.constant 0 : i32
        %dma_start3A_70 = arith.constant 0 : i32
        %dma_start3A_71 = tpu.memref_slice %arg7[%run_scoped3A, %dma_start3A, %dma_start3A_70] : memref<10x128x16xf32, #tpu.memory_space<vmem>> -> memref<1x128x16xf32, #tpu.memory_space<vmem>>
        %dma_start3A_72 = tpu.memref_squeeze %dma_start3A_71 : memref<1x128x16xf32, #tpu.memory_space<vmem>> -> memref<128x16xf32, #tpu.memory_space<vmem>>
        %dma_start3A_73 = arith.constant 0 : i32
        %dma_start3A_74 = tpu.memref_slice %arg6[%add3A_23, %dma_start3A_73] : memref<250x128xi32, #tpu.memory_space<vmem>> -> memref<1x128xi32, #tpu.memory_space<vmem>>
        %dma_start3A_75 = tpu.memref_squeeze %dma_start3A_74 : memref<1x128xi32, #tpu.memory_space<vmem>> -> memref<128xi32, #tpu.memory_space<vmem>>
        %dma_start3A_76 = arith.constant 0 : i32
        %dma_start3A_77 = arith.constant 0 : i32
        %dma_start3A_78 = tpu.memref_slice %arg8[%dma_start3A_76, %dma_start3A_77] : memref<32000x16xf32, #tpu.memory_space<vmem_shared>> -> memref<32000x16xf32, #tpu.memory_space<vmem_shared>>
        tpu.enqueue_indirect_dma source(%dma_start3A_72 : memref<128x16xf32, #tpu.memory_space<vmem>>) target(%dma_start3A_78 : memref<32000x16xf32, #tpu.memory_space<vmem_shared>>) offsets(%dma_start3A_75 : memref<128xi32, #tpu.memory_space<vmem>>) semaphore(%run_scoped3A_69 : memref<!tpu.dma_semaphore, #tpu.memory_space<semaphore_mem>>) {add = true}
        %dma_wait3A = arith.constant 0 : i32
        %dma_wait3A_79 = arith.constant 0 : i32
        %dma_wait3A_80 = tpu.memref_slice %arg7[%run_scoped3A, %dma_wait3A, %dma_wait3A_79] : memref<10x128x16xf32, #tpu.memory_space<vmem>> -> memref<1x128x16xf32, #tpu.memory_space<vmem>>
        %dma_wait3A_81 = tpu.memref_squeeze %dma_wait3A_80 : memref<1x128x16xf32, #tpu.memory_space<vmem>> -> memref<128x16xf32, #tpu.memory_space<vmem>>
        %dma_wait3A_82 = arith.constant 0 : i32
        %dma_wait3A_83 = tpu.memref_slice %arg6[%add3A_23, %dma_wait3A_82] : memref<250x128xi32, #tpu.memory_space<vmem>> -> memref<1x128xi32, #tpu.memory_space<vmem>>
        %dma_wait3A_84 = tpu.memref_squeeze %dma_wait3A_83 : memref<1x128xi32, #tpu.memory_space<vmem>> -> memref<128xi32, #tpu.memory_space<vmem>>
        %dma_wait3A_85 = arith.constant 0 : i32
        %dma_wait3A_86 = arith.constant 0 : i32
        %dma_wait3A_87 = tpu.memref_slice %arg8[%dma_wait3A_85, %dma_wait3A_86] : memref<32000x16xf32, #tpu.memory_space<vmem_shared>> -> memref<32000x16xf32, #tpu.memory_space<vmem_shared>>
        tpu.wait_indirect_dma semaphore(%run_scoped3A_69 : memref<!tpu.dma_semaphore, #tpu.memory_space<semaphore_mem>>) src(%dma_wait3A_81 : memref<128x16xf32, #tpu.memory_space<vmem>>) dst(%dma_wait3A_87 : memref<32000x16xf32, #tpu.memory_space<vmem_shared>>)
        tpu.yield
      }) : () -> ()
      %mul3A_24 = arith.constant 10 : i32
      %mul3A_25 = arith.muli %scan3A_16, %mul3A_24 : i32
      %add3A_26 = arith.constant 1 : i32
      %add3A_27 = arith.addi %mul3A_25, %add3A_26 : i32
      %run_scoped3A_28 = arith.constant 1 : i32
      "tpu.region"() ({
        %run_scoped3A_69 = tpu.sem_alloc : memref<!tpu.dma_semaphore, #tpu.memory_space<semaphore_mem>>
        %dma_start3A = arith.constant 0 : i32
        %dma_start3A_70 = arith.constant 0 : i32
        %dma_start3A_71 = tpu.memref_slice %arg7[%run_scoped3A_28, %dma_start3A, %dma_start3A_70] : memref<10x128x16xf32, #tpu.memory_space<vmem>> -> memref<1x128x16xf32, #tpu.memory_space<vmem>>
        %dma_start3A_72 = tpu.memref_squeeze %dma_start3A_71 : memref<1x128x16xf32, #tpu.memory_space<vmem>> -> memref<128x16xf32, #tpu.memory_space<vmem>>
        %dma_start3A_73 = arith.constant 0 : i32
        %dma_start3A_74 = tpu.memref_slice %arg6[%add3A_27, %dma_start3A_73] : memref<250x128xi32, #tpu.memory_space<vmem>> -> memref<1x128xi32, #tpu.memory_space<vmem>>
        %dma_start3A_75 = tpu.memref_squeeze %dma_start3A_74 : memref<1x128xi32, #tpu.memory_space<vmem>> -> memref<128xi32, #tpu.memory_space<vmem>>
        %dma_start3A_76 = arith.constant 0 : i32
        %dma_start3A_77 = arith.constant 0 : i32
        %dma_start3A_78 = tpu.memref_slice %arg8[%dma_start3A_76, %dma_start3A_77] : memref<32000x16xf32, #tpu.memory_space<vmem_shared>> -> memref<32000x16xf32, #tpu.memory_space<vmem_shared>>
        tpu.enqueue_indirect_dma source(%dma_start3A_72 : memref<128x16xf32, #tpu.memory_space<vmem>>) target(%dma_start3A_78 : memref<32000x16xf32, #tpu.memory_space<vmem_shared>>) offsets(%dma_start3A_75 : memref<128xi32, #tpu.memory_space<vmem>>) semaphore(%run_scoped3A_69 : memref<!tpu.dma_semaphore, #tpu.memory_space<semaphore_mem>>) {add = true}
        %dma_wait3A = arith.constant 0 : i32
        %dma_wait3A_79 = arith.constant 0 : i32
        %dma_wait3A_80 = tpu.memref_slice %arg7[%run_scoped3A_28, %dma_wait3A, %dma_wait3A_79] : memref<10x128x16xf32, #tpu.memory_space<vmem>> -> memref<1x128x16xf32, #tpu.memory_space<vmem>>
        %dma_wait3A_81 = tpu.memref_squeeze %dma_wait3A_80 : memref<1x128x16xf32, #tpu.memory_space<vmem>> -> memref<128x16xf32, #tpu.memory_space<vmem>>
        %dma_wait3A_82 = arith.constant 0 : i32
        %dma_wait3A_83 = tpu.memref_slice %arg6[%add3A_27, %dma_wait3A_82] : memref<250x128xi32, #tpu.memory_space<vmem>> -> memref<1x128xi32, #tpu.memory_space<vmem>>
        %dma_wait3A_84 = tpu.memref_squeeze %dma_wait3A_83 : memref<1x128xi32, #tpu.memory_space<vmem>> -> memref<128xi32, #tpu.memory_space<vmem>>
        %dma_wait3A_85 = arith.constant 0 : i32
        %dma_wait3A_86 = arith.constant 0 : i32
        %dma_wait3A_87 = tpu.memref_slice %arg8[%dma_wait3A_85, %dma_wait3A_86] : memref<32000x16xf32, #tpu.memory_space<vmem_shared>> -> memref<32000x16xf32, #tpu.memory_space<vmem_shared>>
        tpu.wait_indirect_dma semaphore(%run_scoped3A_69 : memref<!tpu.dma_semaphore, #tpu.memory_space<semaphore_mem>>) src(%dma_wait3A_81 : memref<128x16xf32, #tpu.memory_space<vmem>>) dst(%dma_wait3A_87 : memref<32000x16xf32, #tpu.memory_space<vmem_shared>>)
        tpu.yield
      }) : () -> ()
      %mul3A_29 = arith.constant 10 : i32
      %mul3A_30 = arith.muli %scan3A_16, %mul3A_29 : i32
      %add3A_31 = arith.constant 2 : i32
      %add3A_32 = arith.addi %mul3A_30, %add3A_31 : i32
      %run_scoped3A_33 = arith.constant 2 : i32
      "tpu.region"() ({
        %run_scoped3A_69 = tpu.sem_alloc : memref<!tpu.dma_semaphore, #tpu.memory_space<semaphore_mem>>
        %dma_start3A = arith.constant 0 : i32
        %dma_start3A_70 = arith.constant 0 : i32
        %dma_start3A_71 = tpu.memref_slice %arg7[%run_scoped3A_33, %dma_start3A, %dma_start3A_70] : memref<10x128x16xf32, #tpu.memory_space<vmem>> -> memref<1x128x16xf32, #tpu.memory_space<vmem>>
        %dma_start3A_72 = tpu.memref_squeeze %dma_start3A_71 : memref<1x128x16xf32, #tpu.memory_space<vmem>> -> memref<128x16xf32, #tpu.memory_space<vmem>>
        %dma_start3A_73 = arith.constant 0 : i32
        %dma_start3A_74 = tpu.memref_slice %arg6[%add3A_32, %dma_start3A_73] : memref<250x128xi32, #tpu.memory_space<vmem>> -> memref<1x128xi32, #tpu.memory_space<vmem>>
        %dma_start3A_75 = tpu.memref_squeeze %dma_start3A_74 : memref<1x128xi32, #tpu.memory_space<vmem>> -> memref<128xi32, #tpu.memory_space<vmem>>
        %dma_start3A_76 = arith.constant 0 : i32
        %dma_start3A_77 = arith.constant 0 : i32
        %dma_start3A_78 = tpu.memref_slice %arg8[%dma_start3A_76, %dma_start3A_77] : memref<32000x16xf32, #tpu.memory_space<vmem_shared>> -> memref<32000x16xf32, #tpu.memory_space<vmem_shared>>
        tpu.enqueue_indirect_dma source(%dma_start3A_72 : memref<128x16xf32, #tpu.memory_space<vmem>>) target(%dma_start3A_78 : memref<32000x16xf32, #tpu.memory_space<vmem_shared>>) offsets(%dma_start3A_75 : memref<128xi32, #tpu.memory_space<vmem>>) semaphore(%run_scoped3A_69 : memref<!tpu.dma_semaphore, #tpu.memory_space<semaphore_mem>>) {add = true}
        %dma_wait3A = arith.constant 0 : i32
        %dma_wait3A_79 = arith.constant 0 : i32
        %dma_wait3A_80 = tpu.memref_slice %arg7[%run_scoped3A_33, %dma_wait3A, %dma_wait3A_79] : memref<10x128x16xf32, #tpu.memory_space<vmem>> -> memref<1x128x16xf32, #tpu.memory_space<vmem>>
        %dma_wait3A_81 = tpu.memref_squeeze %dma_wait3A_80 : memref<1x128x16xf32, #tpu.memory_space<vmem>> -> memref<128x16xf32, #tpu.memory_space<vmem>>
        %dma_wait3A_82 = arith.constant 0 : i32
        %dma_wait3A_83 = tpu.memref_slice %arg6[%add3A_32, %dma_wait3A_82] : memref<250x128xi32, #tpu.memory_space<vmem>> -> memref<1x128xi32, #tpu.memory_space<vmem>>
        %dma_wait3A_84 = tpu.memref_squeeze %dma_wait3A_83 : memref<1x128xi32, #tpu.memory_space<vmem>> -> memref<128xi32, #tpu.memory_space<vmem>>
        %dma_wait3A_85 = arith.constant 0 : i32
        %dma_wait3A_86 = arith.constant 0 : i32
        %dma_wait3A_87 = tpu.memref_slice %arg8[%dma_wait3A_85, %dma_wait3A_86] : memref<32000x16xf32, #tpu.memory_space<vmem_shared>> -> memref<32000x16xf32, #tpu.memory_space<vmem_shared>>
        tpu.wait_indirect_dma semaphore(%run_scoped3A_69 : memref<!tpu.dma_semaphore, #tpu.memory_space<semaphore_mem>>) src(%dma_wait3A_81 : memref<128x16xf32, #tpu.memory_space<vmem>>) dst(%dma_wait3A_87 : memref<32000x16xf32, #tpu.memory_space<vmem_shared>>)
        tpu.yield
      }) : () -> ()
      %mul3A_34 = arith.constant 10 : i32
      %mul3A_35 = arith.muli %scan3A_16, %mul3A_34 : i32
      %add3A_36 = arith.constant 3 : i32
      %add3A_37 = arith.addi %mul3A_35, %add3A_36 : i32
      %run_scoped3A_38 = arith.constant 3 : i32
      "tpu.region"() ({
        %run_scoped3A_69 = tpu.sem_alloc : memref<!tpu.dma_semaphore, #tpu.memory_space<semaphore_mem>>
        %dma_start3A = arith.constant 0 : i32
        %dma_start3A_70 = arith.constant 0 : i32
        %dma_start3A_71 = tpu.memref_slice %arg7[%run_scoped3A_38, %dma_start3A, %dma_start3A_70] : memref<10x128x16xf32, #tpu.memory_space<vmem>> -> memref<1x128x16xf32, #tpu.memory_space<vmem>>
        %dma_start3A_72 = tpu.memref_squeeze %dma_start3A_71 : memref<1x128x16xf32, #tpu.memory_space<vmem>> -> memref<128x16xf32, #tpu.memory_space<vmem>>
        %dma_start3A_73 = arith.constant 0 : i32
        %dma_start3A_74 = tpu.memref_slice %arg6[%add3A_37, %dma_start3A_73] : memref<250x128xi32, #tpu.memory_space<vmem>> -> memref<1x128xi32, #tpu.memory_space<vmem>>
        %dma_start3A_75 = tpu.memref_squeeze %dma_start3A_74 : memref<1x128xi32, #tpu.memory_space<vmem>> -> memref<128xi32, #tpu.memory_space<vmem>>
        %dma_start3A_76 = arith.constant 0 : i32
        %dma_start3A_77 = arith.constant 0 : i32
        %dma_start3A_78 = tpu.memref_slice %arg8[%dma_start3A_76, %dma_start3A_77] : memref<32000x16xf32, #tpu.memory_space<vmem_shared>> -> memref<32000x16xf32, #tpu.memory_space<vmem_shared>>
        tpu.enqueue_indirect_dma source(%dma_start3A_72 : memref<128x16xf32, #tpu.memory_space<vmem>>) target(%dma_start3A_78 : memref<32000x16xf32, #tpu.memory_space<vmem_shared>>) offsets(%dma_start3A_75 : memref<128xi32, #tpu.memory_space<vmem>>) semaphore(%run_scoped3A_69 : memref<!tpu.dma_semaphore, #tpu.memory_space<semaphore_mem>>) {add = true}
        %dma_wait3A = arith.constant 0 : i32
        %dma_wait3A_79 = arith.constant 0 : i32
        %dma_wait3A_80 = tpu.memref_slice %arg7[%run_scoped3A_38, %dma_wait3A, %dma_wait3A_79] : memref<10x128x16xf32, #tpu.memory_space<vmem>> -> memref<1x128x16xf32, #tpu.memory_space<vmem>>
        %dma_wait3A_81 = tpu.memref_squeeze %dma_wait3A_80 : memref<1x128x16xf32, #tpu.memory_space<vmem>> -> memref<128x16xf32, #tpu.memory_space<vmem>>
        %dma_wait3A_82 = arith.constant 0 : i32
        %dma_wait3A_83 = tpu.memref_slice %arg6[%add3A_37, %dma_wait3A_82] : memref<250x128xi32, #tpu.memory_space<vmem>> -> memref<1x128xi32, #tpu.memory_space<vmem>>
        %dma_wait3A_84 = tpu.memref_squeeze %dma_wait3A_83 : memref<1x128xi32, #tpu.memory_space<vmem>> -> memref<128xi32, #tpu.memory_space<vmem>>
        %dma_wait3A_85 = arith.constant 0 : i32
        %dma_wait3A_86 = arith.constant 0 : i32
        %dma_wait3A_87 = tpu.memref_slice %arg8[%dma_wait3A_85, %dma_wait3A_86] : memref<32000x16xf32, #tpu.memory_space<vmem_shared>> -> memref<32000x16xf32, #tpu.memory_space<vmem_shared>>
        tpu.wait_indirect_dma semaphore(%run_scoped3A_69 : memref<!tpu.dma_semaphore, #tpu.memory_space<semaphore_mem>>) src(%dma_wait3A_81 : memref<128x16xf32, #tpu.memory_space<vmem>>) dst(%dma_wait3A_87 : memref<32000x16xf32, #tpu.memory_space<vmem_shared>>)
        tpu.yield
      }) : () -> ()
      %mul3A_39 = arith.constant 10 : i32
      %mul3A_40 = arith.muli %scan3A_16, %mul3A_39 : i32
      %add3A_41 = arith.constant 4 : i32
      %add3A_42 = arith.addi %mul3A_40, %add3A_41 : i32
      %run_scoped3A_43 = arith.constant 4 : i32
      "tpu.region"() ({
        %run_scoped3A_69 = tpu.sem_alloc : memref<!tpu.dma_semaphore, #tpu.memory_space<semaphore_mem>>
        %dma_start3A = arith.constant 0 : i32
        %dma_start3A_70 = arith.constant 0 : i32
        %dma_start3A_71 = tpu.memref_slice %arg7[%run_scoped3A_43, %dma_start3A, %dma_start3A_70] : memref<10x128x16xf32, #tpu.memory_space<vmem>> -> memref<1x128x16xf32, #tpu.memory_space<vmem>>
        %dma_start3A_72 = tpu.memref_squeeze %dma_start3A_71 : memref<1x128x16xf32, #tpu.memory_space<vmem>> -> memref<128x16xf32, #tpu.memory_space<vmem>>
        %dma_start3A_73 = arith.constant 0 : i32
        %dma_start3A_74 = tpu.memref_slice %arg6[%add3A_42, %dma_start3A_73] : memref<250x128xi32, #tpu.memory_space<vmem>> -> memref<1x128xi32, #tpu.memory_space<vmem>>
        %dma_start3A_75 = tpu.memref_squeeze %dma_start3A_74 : memref<1x128xi32, #tpu.memory_space<vmem>> -> memref<128xi32, #tpu.memory_space<vmem>>
        %dma_start3A_76 = arith.constant 0 : i32
        %dma_start3A_77 = arith.constant 0 : i32
        %dma_start3A_78 = tpu.memref_slice %arg8[%dma_start3A_76, %dma_start3A_77] : memref<32000x16xf32, #tpu.memory_space<vmem_shared>> -> memref<32000x16xf32, #tpu.memory_space<vmem_shared>>
        tpu.enqueue_indirect_dma source(%dma_start3A_72 : memref<128x16xf32, #tpu.memory_space<vmem>>) target(%dma_start3A_78 : memref<32000x16xf32, #tpu.memory_space<vmem_shared>>) offsets(%dma_start3A_75 : memref<128xi32, #tpu.memory_space<vmem>>) semaphore(%run_scoped3A_69 : memref<!tpu.dma_semaphore, #tpu.memory_space<semaphore_mem>>) {add = true}
        %dma_wait3A = arith.constant 0 : i32
        %dma_wait3A_79 = arith.constant 0 : i32
        %dma_wait3A_80 = tpu.memref_slice %arg7[%run_scoped3A_43, %dma_wait3A, %dma_wait3A_79] : memref<10x128x16xf32, #tpu.memory_space<vmem>> -> memref<1x128x16xf32, #tpu.memory_space<vmem>>
        %dma_wait3A_81 = tpu.memref_squeeze %dma_wait3A_80 : memref<1x128x16xf32, #tpu.memory_space<vmem>> -> memref<128x16xf32, #tpu.memory_space<vmem>>
        %dma_wait3A_82 = arith.constant 0 : i32
        %dma_wait3A_83 = tpu.memref_slice %arg6[%add3A_42, %dma_wait3A_82] : memref<250x128xi32, #tpu.memory_space<vmem>> -> memref<1x128xi32, #tpu.memory_space<vmem>>
        %dma_wait3A_84 = tpu.memref_squeeze %dma_wait3A_83 : memref<1x128xi32, #tpu.memory_space<vmem>> -> memref<128xi32, #tpu.memory_space<vmem>>
        %dma_wait3A_85 = arith.constant 0 : i32
        %dma_wait3A_86 = arith.constant 0 : i32
        %dma_wait3A_87 = tpu.memref_slice %arg8[%dma_wait3A_85, %dma_wait3A_86] : memref<32000x16xf32, #tpu.memory_space<vmem_shared>> -> memref<32000x16xf32, #tpu.memory_space<vmem_shared>>
        tpu.wait_indirect_dma semaphore(%run_scoped3A_69 : memref<!tpu.dma_semaphore, #tpu.memory_space<semaphore_mem>>) src(%dma_wait3A_81 : memref<128x16xf32, #tpu.memory_space<vmem>>) dst(%dma_wait3A_87 : memref<32000x16xf32, #tpu.memory_space<vmem_shared>>)
        tpu.yield
      }) : () -> ()
      %mul3A_44 = arith.constant 10 : i32
      %mul3A_45 = arith.muli %scan3A_16, %mul3A_44 : i32
      %add3A_46 = arith.constant 5 : i32
      %add3A_47 = arith.addi %mul3A_45, %add3A_46 : i32
      %run_scoped3A_48 = arith.constant 5 : i32
      "tpu.region"() ({
        %run_scoped3A_69 = tpu.sem_alloc : memref<!tpu.dma_semaphore, #tpu.memory_space<semaphore_mem>>
        %dma_start3A = arith.constant 0 : i32
        %dma_start3A_70 = arith.constant 0 : i32
        %dma_start3A_71 = tpu.memref_slice %arg7[%run_scoped3A_48, %dma_start3A, %dma_start3A_70] : memref<10x128x16xf32, #tpu.memory_space<vmem>> -> memref<1x128x16xf32, #tpu.memory_space<vmem>>
        %dma_start3A_72 = tpu.memref_squeeze %dma_start3A_71 : memref<1x128x16xf32, #tpu.memory_space<vmem>> -> memref<128x16xf32, #tpu.memory_space<vmem>>
        %dma_start3A_73 = arith.constant 0 : i32
        %dma_start3A_74 = tpu.memref_slice %arg6[%add3A_47, %dma_start3A_73] : memref<250x128xi32, #tpu.memory_space<vmem>> -> memref<1x128xi32, #tpu.memory_space<vmem>>
        %dma_start3A_75 = tpu.memref_squeeze %dma_start3A_74 : memref<1x128xi32, #tpu.memory_space<vmem>> -> memref<128xi32, #tpu.memory_space<vmem>>
        %dma_start3A_76 = arith.constant 0 : i32
        %dma_start3A_77 = arith.constant 0 : i32
        %dma_start3A_78 = tpu.memref_slice %arg8[%dma_start3A_76, %dma_start3A_77] : memref<32000x16xf32, #tpu.memory_space<vmem_shared>> -> memref<32000x16xf32, #tpu.memory_space<vmem_shared>>
        tpu.enqueue_indirect_dma source(%dma_start3A_72 : memref<128x16xf32, #tpu.memory_space<vmem>>) target(%dma_start3A_78 : memref<32000x16xf32, #tpu.memory_space<vmem_shared>>) offsets(%dma_start3A_75 : memref<128xi32, #tpu.memory_space<vmem>>) semaphore(%run_scoped3A_69 : memref<!tpu.dma_semaphore, #tpu.memory_space<semaphore_mem>>) {add = true}
        %dma_wait3A = arith.constant 0 : i32
        %dma_wait3A_79 = arith.constant 0 : i32
        %dma_wait3A_80 = tpu.memref_slice %arg7[%run_scoped3A_48, %dma_wait3A, %dma_wait3A_79] : memref<10x128x16xf32, #tpu.memory_space<vmem>> -> memref<1x128x16xf32, #tpu.memory_space<vmem>>
        %dma_wait3A_81 = tpu.memref_squeeze %dma_wait3A_80 : memref<1x128x16xf32, #tpu.memory_space<vmem>> -> memref<128x16xf32, #tpu.memory_space<vmem>>
        %dma_wait3A_82 = arith.constant 0 : i32
        %dma_wait3A_83 = tpu.memref_slice %arg6[%add3A_47, %dma_wait3A_82] : memref<250x128xi32, #tpu.memory_space<vmem>> -> memref<1x128xi32, #tpu.memory_space<vmem>>
        %dma_wait3A_84 = tpu.memref_squeeze %dma_wait3A_83 : memref<1x128xi32, #tpu.memory_space<vmem>> -> memref<128xi32, #tpu.memory_space<vmem>>
        %dma_wait3A_85 = arith.constant 0 : i32
        %dma_wait3A_86 = arith.constant 0 : i32
        %dma_wait3A_87 = tpu.memref_slice %arg8[%dma_wait3A_85, %dma_wait3A_86] : memref<32000x16xf32, #tpu.memory_space<vmem_shared>> -> memref<32000x16xf32, #tpu.memory_space<vmem_shared>>
        tpu.wait_indirect_dma semaphore(%run_scoped3A_69 : memref<!tpu.dma_semaphore, #tpu.memory_space<semaphore_mem>>) src(%dma_wait3A_81 : memref<128x16xf32, #tpu.memory_space<vmem>>) dst(%dma_wait3A_87 : memref<32000x16xf32, #tpu.memory_space<vmem_shared>>)
        tpu.yield
      }) : () -> ()
      %mul3A_49 = arith.constant 10 : i32
      %mul3A_50 = arith.muli %scan3A_16, %mul3A_49 : i32
      %add3A_51 = arith.constant 6 : i32
      %add3A_52 = arith.addi %mul3A_50, %add3A_51 : i32
      %run_scoped3A_53 = arith.constant 6 : i32
      "tpu.region"() ({
        %run_scoped3A_69 = tpu.sem_alloc : memref<!tpu.dma_semaphore, #tpu.memory_space<semaphore_mem>>
        %dma_start3A = arith.constant 0 : i32
        %dma_start3A_70 = arith.constant 0 : i32
        %dma_start3A_71 = tpu.memref_slice %arg7[%run_scoped3A_53, %dma_start3A, %dma_start3A_70] : memref<10x128x16xf32, #tpu.memory_space<vmem>> -> memref<1x128x16xf32, #tpu.memory_space<vmem>>
        %dma_start3A_72 = tpu.memref_squeeze %dma_start3A_71 : memref<1x128x16xf32, #tpu.memory_space<vmem>> -> memref<128x16xf32, #tpu.memory_space<vmem>>
        %dma_start3A_73 = arith.constant 0 : i32
        %dma_start3A_74 = tpu.memref_slice %arg6[%add3A_52, %dma_start3A_73] : memref<250x128xi32, #tpu.memory_space<vmem>> -> memref<1x128xi32, #tpu.memory_space<vmem>>
        %dma_start3A_75 = tpu.memref_squeeze %dma_start3A_74 : memref<1x128xi32, #tpu.memory_space<vmem>> -> memref<128xi32, #tpu.memory_space<vmem>>
        %dma_start3A_76 = arith.constant 0 : i32
        %dma_start3A_77 = arith.constant 0 : i32
        %dma_start3A_78 = tpu.memref_slice %arg8[%dma_start3A_76, %dma_start3A_77] : memref<32000x16xf32, #tpu.memory_space<vmem_shared>> -> memref<32000x16xf32, #tpu.memory_space<vmem_shared>>
        tpu.enqueue_indirect_dma source(%dma_start3A_72 : memref<128x16xf32, #tpu.memory_space<vmem>>) target(%dma_start3A_78 : memref<32000x16xf32, #tpu.memory_space<vmem_shared>>) offsets(%dma_start3A_75 : memref<128xi32, #tpu.memory_space<vmem>>) semaphore(%run_scoped3A_69 : memref<!tpu.dma_semaphore, #tpu.memory_space<semaphore_mem>>) {add = true}
        %dma_wait3A = arith.constant 0 : i32
        %dma_wait3A_79 = arith.constant 0 : i32
        %dma_wait3A_80 = tpu.memref_slice %arg7[%run_scoped3A_53, %dma_wait3A, %dma_wait3A_79] : memref<10x128x16xf32, #tpu.memory_space<vmem>> -> memref<1x128x16xf32, #tpu.memory_space<vmem>>
        %dma_wait3A_81 = tpu.memref_squeeze %dma_wait3A_80 : memref<1x128x16xf32, #tpu.memory_space<vmem>> -> memref<128x16xf32, #tpu.memory_space<vmem>>
        %dma_wait3A_82 = arith.constant 0 : i32
        %dma_wait3A_83 = tpu.memref_slice %arg6[%add3A_52, %dma_wait3A_82] : memref<250x128xi32, #tpu.memory_space<vmem>> -> memref<1x128xi32, #tpu.memory_space<vmem>>
        %dma_wait3A_84 = tpu.memref_squeeze %dma_wait3A_83 : memref<1x128xi32, #tpu.memory_space<vmem>> -> memref<128xi32, #tpu.memory_space<vmem>>
        %dma_wait3A_85 = arith.constant 0 : i32
        %dma_wait3A_86 = arith.constant 0 : i32
        %dma_wait3A_87 = tpu.memref_slice %arg8[%dma_wait3A_85, %dma_wait3A_86] : memref<32000x16xf32, #tpu.memory_space<vmem_shared>> -> memref<32000x16xf32, #tpu.memory_space<vmem_shared>>
        tpu.wait_indirect_dma semaphore(%run_scoped3A_69 : memref<!tpu.dma_semaphore, #tpu.memory_space<semaphore_mem>>) src(%dma_wait3A_81 : memref<128x16xf32, #tpu.memory_space<vmem>>) dst(%dma_wait3A_87 : memref<32000x16xf32, #tpu.memory_space<vmem_shared>>)
        tpu.yield
      }) : () -> ()
      %mul3A_54 = arith.constant 10 : i32
      %mul3A_55 = arith.muli %scan3A_16, %mul3A_54 : i32
      %add3A_56 = arith.constant 7 : i32
      %add3A_57 = arith.addi %mul3A_55, %add3A_56 : i32
      %run_scoped3A_58 = arith.constant 7 : i32
      "tpu.region"() ({
        %run_scoped3A_69 = tpu.sem_alloc : memref<!tpu.dma_semaphore, #tpu.memory_space<semaphore_mem>>
        %dma_start3A = arith.constant 0 : i32
        %dma_start3A_70 = arith.constant 0 : i32
        %dma_start3A_71 = tpu.memref_slice %arg7[%run_scoped3A_58, %dma_start3A, %dma_start3A_70] : memref<10x128x16xf32, #tpu.memory_space<vmem>> -> memref<1x128x16xf32, #tpu.memory_space<vmem>>
        %dma_start3A_72 = tpu.memref_squeeze %dma_start3A_71 : memref<1x128x16xf32, #tpu.memory_space<vmem>> -> memref<128x16xf32, #tpu.memory_space<vmem>>
        %dma_start3A_73 = arith.constant 0 : i32
        %dma_start3A_74 = tpu.memref_slice %arg6[%add3A_57, %dma_start3A_73] : memref<250x128xi32, #tpu.memory_space<vmem>> -> memref<1x128xi32, #tpu.memory_space<vmem>>
        %dma_start3A_75 = tpu.memref_squeeze %dma_start3A_74 : memref<1x128xi32, #tpu.memory_space<vmem>> -> memref<128xi32, #tpu.memory_space<vmem>>
        %dma_start3A_76 = arith.constant 0 : i32
        %dma_start3A_77 = arith.constant 0 : i32
        %dma_start3A_78 = tpu.memref_slice %arg8[%dma_start3A_76, %dma_start3A_77] : memref<32000x16xf32, #tpu.memory_space<vmem_shared>> -> memref<32000x16xf32, #tpu.memory_space<vmem_shared>>
        tpu.enqueue_indirect_dma source(%dma_start3A_72 : memref<128x16xf32, #tpu.memory_space<vmem>>) target(%dma_start3A_78 : memref<32000x16xf32, #tpu.memory_space<vmem_shared>>) offsets(%dma_start3A_75 : memref<128xi32, #tpu.memory_space<vmem>>) semaphore(%run_scoped3A_69 : memref<!tpu.dma_semaphore, #tpu.memory_space<semaphore_mem>>) {add = true}
        %dma_wait3A = arith.constant 0 : i32
        %dma_wait3A_79 = arith.constant 0 : i32
        %dma_wait3A_80 = tpu.memref_slice %arg7[%run_scoped3A_58, %dma_wait3A, %dma_wait3A_79] : memref<10x128x16xf32, #tpu.memory_space<vmem>> -> memref<1x128x16xf32, #tpu.memory_space<vmem>>
        %dma_wait3A_81 = tpu.memref_squeeze %dma_wait3A_80 : memref<1x128x16xf32, #tpu.memory_space<vmem>> -> memref<128x16xf32, #tpu.memory_space<vmem>>
        %dma_wait3A_82 = arith.constant 0 : i32
        %dma_wait3A_83 = tpu.memref_slice %arg6[%add3A_57, %dma_wait3A_82] : memref<250x128xi32, #tpu.memory_space<vmem>> -> memref<1x128xi32, #tpu.memory_space<vmem>>
        %dma_wait3A_84 = tpu.memref_squeeze %dma_wait3A_83 : memref<1x128xi32, #tpu.memory_space<vmem>> -> memref<128xi32, #tpu.memory_space<vmem>>
        %dma_wait3A_85 = arith.constant 0 : i32
        %dma_wait3A_86 = arith.constant 0 : i32
        %dma_wait3A_87 = tpu.memref_slice %arg8[%dma_wait3A_85, %dma_wait3A_86] : memref<32000x16xf32, #tpu.memory_space<vmem_shared>> -> memref<32000x16xf32, #tpu.memory_space<vmem_shared>>
        tpu.wait_indirect_dma semaphore(%run_scoped3A_69 : memref<!tpu.dma_semaphore, #tpu.memory_space<semaphore_mem>>) src(%dma_wait3A_81 : memref<128x16xf32, #tpu.memory_space<vmem>>) dst(%dma_wait3A_87 : memref<32000x16xf32, #tpu.memory_space<vmem_shared>>)
        tpu.yield
      }) : () -> ()
      %mul3A_59 = arith.constant 10 : i32
      %mul3A_60 = arith.muli %scan3A_16, %mul3A_59 : i32
      %add3A_61 = arith.constant 8 : i32
      %add3A_62 = arith.addi %mul3A_60, %add3A_61 : i32
      %run_scoped3A_63 = arith.constant 8 : i32
      "tpu.region"() ({
        %run_scoped3A_69 = tpu.sem_alloc : memref<!tpu.dma_semaphore, #tpu.memory_space<semaphore_mem>>
        %dma_start3A = arith.constant 0 : i32
        %dma_start3A_70 = arith.constant 0 : i32
        %dma_start3A_71 = tpu.memref_slice %arg7[%run_scoped3A_63, %dma_start3A, %dma_start3A_70] : memref<10x128x16xf32, #tpu.memory_space<vmem>> -> memref<1x128x16xf32, #tpu.memory_space<vmem>>
        %dma_start3A_72 = tpu.memref_squeeze %dma_start3A_71 : memref<1x128x16xf32, #tpu.memory_space<vmem>> -> memref<128x16xf32, #tpu.memory_space<vmem>>
        %dma_start3A_73 = arith.constant 0 : i32
        %dma_start3A_74 = tpu.memref_slice %arg6[%add3A_62, %dma_start3A_73] : memref<250x128xi32, #tpu.memory_space<vmem>> -> memref<1x128xi32, #tpu.memory_space<vmem>>
        %dma_start3A_75 = tpu.memref_squeeze %dma_start3A_74 : memref<1x128xi32, #tpu.memory_space<vmem>> -> memref<128xi32, #tpu.memory_space<vmem>>
        %dma_start3A_76 = arith.constant 0 : i32
        %dma_start3A_77 = arith.constant 0 : i32
        %dma_start3A_78 = tpu.memref_slice %arg8[%dma_start3A_76, %dma_start3A_77] : memref<32000x16xf32, #tpu.memory_space<vmem_shared>> -> memref<32000x16xf32, #tpu.memory_space<vmem_shared>>
        tpu.enqueue_indirect_dma source(%dma_start3A_72 : memref<128x16xf32, #tpu.memory_space<vmem>>) target(%dma_start3A_78 : memref<32000x16xf32, #tpu.memory_space<vmem_shared>>) offsets(%dma_start3A_75 : memref<128xi32, #tpu.memory_space<vmem>>) semaphore(%run_scoped3A_69 : memref<!tpu.dma_semaphore, #tpu.memory_space<semaphore_mem>>) {add = true}
        %dma_wait3A = arith.constant 0 : i32
        %dma_wait3A_79 = arith.constant 0 : i32
        %dma_wait3A_80 = tpu.memref_slice %arg7[%run_scoped3A_63, %dma_wait3A, %dma_wait3A_79] : memref<10x128x16xf32, #tpu.memory_space<vmem>> -> memref<1x128x16xf32, #tpu.memory_space<vmem>>
        %dma_wait3A_81 = tpu.memref_squeeze %dma_wait3A_80 : memref<1x128x16xf32, #tpu.memory_space<vmem>> -> memref<128x16xf32, #tpu.memory_space<vmem>>
        %dma_wait3A_82 = arith.constant 0 : i32
        %dma_wait3A_83 = tpu.memref_slice %arg6[%add3A_62, %dma_wait3A_82] : memref<250x128xi32, #tpu.memory_space<vmem>> -> memref<1x128xi32, #tpu.memory_space<vmem>>
        %dma_wait3A_84 = tpu.memref_squeeze %dma_wait3A_83 : memref<1x128xi32, #tpu.memory_space<vmem>> -> memref<128xi32, #tpu.memory_space<vmem>>
        %dma_wait3A_85 = arith.constant 0 : i32
        %dma_wait3A_86 = arith.constant 0 : i32
        %dma_wait3A_87 = tpu.memref_slice %arg8[%dma_wait3A_85, %dma_wait3A_86] : memref<32000x16xf32, #tpu.memory_space<vmem_shared>> -> memref<32000x16xf32, #tpu.memory_space<vmem_shared>>
        tpu.wait_indirect_dma semaphore(%run_scoped3A_69 : memref<!tpu.dma_semaphore, #tpu.memory_space<semaphore_mem>>) src(%dma_wait3A_81 : memref<128x16xf32, #tpu.memory_space<vmem>>) dst(%dma_wait3A_87 : memref<32000x16xf32, #tpu.memory_space<vmem_shared>>)
        tpu.yield
      }) : () -> ()
      %mul3A_64 = arith.constant 10 : i32
      %mul3A_65 = arith.muli %scan3A_16, %mul3A_64 : i32
      %add3A_66 = arith.constant 9 : i32
      %add3A_67 = arith.addi %mul3A_65, %add3A_66 : i32
      %run_scoped3A_68 = arith.constant 9 : i32
      "tpu.region"() ({
        %run_scoped3A_69 = tpu.sem_alloc : memref<!tpu.dma_semaphore, #tpu.memory_space<semaphore_mem>>
        %dma_start3A = arith.constant 0 : i32
        %dma_start3A_70 = arith.constant 0 : i32
        %dma_start3A_71 = tpu.memref_slice %arg7[%run_scoped3A_68, %dma_start3A, %dma_start3A_70] : memref<10x128x16xf32, #tpu.memory_space<vmem>> -> memref<1x128x16xf32, #tpu.memory_space<vmem>>
        %dma_start3A_72 = tpu.memref_squeeze %dma_start3A_71 : memref<1x128x16xf32, #tpu.memory_space<vmem>> -> memref<128x16xf32, #tpu.memory_space<vmem>>
        %dma_start3A_73 = arith.constant 0 : i32
        %dma_start3A_74 = tpu.memref_slice %arg6[%add3A_67, %dma_start3A_73] : memref<250x128xi32, #tpu.memory_space<vmem>> -> memref<1x128xi32, #tpu.memory_space<vmem>>
        %dma_start3A_75 = tpu.memref_squeeze %dma_start3A_74 : memref<1x128xi32, #tpu.memory_space<vmem>> -> memref<128xi32, #tpu.memory_space<vmem>>
        %dma_start3A_76 = arith.constant 0 : i32
        %dma_start3A_77 = arith.constant 0 : i32
        %dma_start3A_78 = tpu.memref_slice %arg8[%dma_start3A_76, %dma_start3A_77] : memref<32000x16xf32, #tpu.memory_space<vmem_shared>> -> memref<32000x16xf32, #tpu.memory_space<vmem_shared>>
        tpu.enqueue_indirect_dma source(%dma_start3A_72 : memref<128x16xf32, #tpu.memory_space<vmem>>) target(%dma_start3A_78 : memref<32000x16xf32, #tpu.memory_space<vmem_shared>>) offsets(%dma_start3A_75 : memref<128xi32, #tpu.memory_space<vmem>>) semaphore(%run_scoped3A_69 : memref<!tpu.dma_semaphore, #tpu.memory_space<semaphore_mem>>) {add = true}
        %dma_wait3A = arith.constant 0 : i32
        %dma_wait3A_79 = arith.constant 0 : i32
        %dma_wait3A_80 = tpu.memref_slice %arg7[%run_scoped3A_68, %dma_wait3A, %dma_wait3A_79] : memref<10x128x16xf32, #tpu.memory_space<vmem>> -> memref<1x128x16xf32, #tpu.memory_space<vmem>>
        %dma_wait3A_81 = tpu.memref_squeeze %dma_wait3A_80 : memref<1x128x16xf32, #tpu.memory_space<vmem>> -> memref<128x16xf32, #tpu.memory_space<vmem>>
        %dma_wait3A_82 = arith.constant 0 : i32
        %dma_wait3A_83 = tpu.memref_slice %arg6[%add3A_67, %dma_wait3A_82] : memref<250x128xi32, #tpu.memory_space<vmem>> -> memref<1x128xi32, #tpu.memory_space<vmem>>
        %dma_wait3A_84 = tpu.memref_squeeze %dma_wait3A_83 : memref<1x128xi32, #tpu.memory_space<vmem>> -> memref<128xi32, #tpu.memory_space<vmem>>
        %dma_wait3A_85 = arith.constant 0 : i32
        %dma_wait3A_86 = arith.constant 0 : i32
        %dma_wait3A_87 = tpu.memref_slice %arg8[%dma_wait3A_85, %dma_wait3A_86] : memref<32000x16xf32, #tpu.memory_space<vmem_shared>> -> memref<32000x16xf32, #tpu.memory_space<vmem_shared>>
        tpu.wait_indirect_dma semaphore(%run_scoped3A_69 : memref<!tpu.dma_semaphore, #tpu.memory_space<semaphore_mem>>) src(%dma_wait3A_81 : memref<128x16xf32, #tpu.memory_space<vmem>>) dst(%dma_wait3A_87 : memref<32000x16xf32, #tpu.memory_space<vmem_shared>>)
        tpu.yield
      }) : () -> ()
    }
    %scan3A_9 = arith.constant 25 : i32
    %barrier3A_10 = arith.constant 0 : index
    tpu.barrier barrier_id(%barrier3A_10)
    %eq3A_11 = arith.constant 0 : i32
    %eq3A_12 = arith.cmpi eq, %arg1, %eq3A_11 : i32
    %convert_element_type3A_13 = arith.extui %eq3A_12 : i1 to i32
    %cond3A_14 = arith.constant 0 : i32
    %cond3A_15 = arith.cmpi ne, %convert_element_type3A_13, %cond3A_14 : i32
    scf.if %cond3A_15 {
      "tpu.region"() ({
        %run_scoped3A = tpu.sem_alloc : memref<!tpu.dma_semaphore, #tpu.memory_space<semaphore_mem>>
        %dma_start3A = arith.constant 0 : i32
        %dma_start3A_16 = arith.constant 0 : i32
        %dma_start3A_17 = tpu.memref_slice %arg5[%arg0, %dma_start3A, %dma_start3A_16] : memref<2x32000x16xf32, #tpu.memory_space<hbm>> -> memref<1x32000x16xf32, #tpu.memory_space<hbm>>
        %dma_start3A_18 = tpu.memref_squeeze %dma_start3A_17 : memref<1x32000x16xf32, #tpu.memory_space<hbm>> -> memref<32000x16xf32, #tpu.memory_space<hbm>>
        tpu.enqueue_dma source(%arg8 : memref<32000x16xf32, #tpu.memory_space<vmem_shared>>) target(%dma_start3A_18 : memref<32000x16xf32, #tpu.memory_space<hbm>>) target_semaphore(%run_scoped3A : memref<!tpu.dma_semaphore, #tpu.memory_space<semaphore_mem>>)
        %dma_wait3A = arith.constant 0 : i32
        %dma_wait3A_19 = arith.constant 0 : i32
        %dma_wait3A_20 = tpu.memref_slice %arg5[%arg0, %dma_wait3A, %dma_wait3A_19] : memref<2x32000x16xf32, #tpu.memory_space<hbm>> -> memref<1x32000x16xf32, #tpu.memory_space<hbm>>
        %dma_wait3A_21 = tpu.memref_squeeze %dma_wait3A_20 : memref<1x32000x16xf32, #tpu.memory_space<hbm>> -> memref<32000x16xf32, #tpu.memory_space<hbm>>
        tpu.wait_dma2 semaphore(%run_scoped3A : memref<!tpu.dma_semaphore, #tpu.memory_space<semaphore_mem>>) src(%arg8 : memref<32000x16xf32, #tpu.memory_space<vmem_shared>>) dst(%dma_wait3A_21 : memref<32000x16xf32, #tpu.memory_space<hbm>>)
        tpu.yield
      }) : () -> ()
    } else {
    }
    return
  }
}

module attributes {stable_mosaic.version = 14 : i64} {
  func.func @_bounds_body(%arg0: i32, %arg1: memref<3200x1xi32, #tpu.memory_space<vmem>>, %arg2: memref<32x32xf32, #tpu.memory_space<vmem>>, %arg3: memref<1x32xi32, #tpu.memory_space<vmem>>, %arg4: memref<1x32xi32, #tpu.memory_space<vmem>>, %arg5: memref<1x32xf32, #tpu.memory_space<vmem>>) attributes {dimension_semantics = [#tpu.dimension_semantics<arbitrary>], iteration_bounds = array<i64: 10>, scalar_prefetch = 0 : i64, scratch_operands = 1 : i64, tpu.core_type = #tpu.core_type<tc>, window_params = [{transform_indices = @transform_0, window_bounds = array<i64: 3200, 1>}, {pipeline_mode = #tpu.pipeline_mode<synchronous>, transform_indices = @transform_1, window_bounds = array<i64: 32, 32>}, {pipeline_mode = #tpu.pipeline_mode<synchronous>, transform_indices = @transform_2, window_bounds = array<i64: 1, 32>}, {pipeline_mode = #tpu.pipeline_mode<synchronous>, transform_indices = @transform_3, window_bounds = array<i64: 1, 32>}]} {
    %get3A = arith.constant 0 : index
    %get3A_0 = arith.constant 0 : index
    %get3A_1 = vector.load %arg1[%get3A, %get3A_0] : memref<3200x1xi32, #tpu.memory_space<vmem>>, vector<3200x1xi32>
    %iota3A = tpu.iota {dimensions = array<i32: 1>} : vector<3200x32xi32>
    %eq3A = vector.broadcast %get3A_1 : vector<3200x1xi32> to vector<3200x32xi32>
    %eq3A_2 = arith.cmpi eq, %eq3A, %iota3A : vector<3200x32xi32>
    %convert_element_type3A = arith.extui %eq3A_2 : vector<3200x32xi1> to vector<3200x32xi32>
    %convert_element_type3A_3 = arith.sitofp %convert_element_type3A : vector<3200x32xi32> to vector<3200x32xf32>
    %eq3A_4 = arith.constant 0 : i32
    %eq3A_5 = arith.cmpi eq, %arg0, %eq3A_4 : i32
    %convert_element_type3A_6 = arith.extui %eq3A_5 : i1 to i32
    %cond3A = arith.constant 0 : i32
    %cond3A_7 = arith.cmpi ne, %convert_element_type3A_6, %cond3A : i32
    scf.if %cond3A_7 {
      %broadcast_in_dim3A_19 = arith.constant 0.000000e+00 : f32
      %broadcast_in_dim3A_20 = vector.broadcast %broadcast_in_dim3A_19 : f32 to vector<1x32xf32>
      %swap3A_21 = arith.constant 0 : index
      %swap3A_22 = arith.constant 0 : index
      %swap3A_23 = vector.load %arg5[%swap3A_21, %swap3A_22] : memref<1x32xf32, #tpu.memory_space<vmem>>, vector<1x32xf32>
      tpu.vector_store %arg5[%swap3A_21, %swap3A_22], %broadcast_in_dim3A_20 {strides = array<i32>} : memref<1x32xf32, #tpu.memory_space<vmem>>, vector<1x32xf32>,
    } else {
    }
    %get3A_8 = arith.constant 0 : index
    %get3A_9 = arith.constant 0 : index
    %get3A_10 = vector.load %arg5[%get3A_8, %get3A_9] : memref<1x32xf32, #tpu.memory_space<vmem>>, vector<1x32xf32>
    %reduce_sum3A = arith.constant dense<0.000000e+00> : vector<32xf32>
    %reduce_sum3A_11 = vector.multi_reduction <add>, %convert_element_type3A_3, %reduce_sum3A [0] : vector<3200x32xf32> to vector<32xf32>
    %broadcast_in_dim3A = vector.shape_cast %reduce_sum3A_11 : vector<32xf32> to vector<1x32xf32>
    %add3A = arith.addf %get3A_10, %broadcast_in_dim3A : vector<1x32xf32>
    %swap3A = arith.constant 0 : index
    %swap3A_12 = arith.constant 0 : index
    %swap3A_13 = vector.load %arg5[%swap3A, %swap3A_12] : memref<1x32xf32, #tpu.memory_space<vmem>>, vector<1x32xf32>
    tpu.vector_store %arg5[%swap3A, %swap3A_12], %add3A {strides = array<i32>} : memref<1x32xf32, #tpu.memory_space<vmem>>, vector<1x32xf32>,
    %eq3A_14 = arith.constant 9 : i32
    %eq3A_15 = arith.cmpi eq, %arg0, %eq3A_14 : i32
    %convert_element_type3A_16 = arith.extui %eq3A_15 : i1 to i32
    %cond3A_17 = arith.constant 0 : i32
    %cond3A_18 = arith.cmpi ne, %convert_element_type3A_16, %cond3A_17 : i32
    scf.if %cond3A_18 {
      %get3A_19 = arith.constant 0 : index
      %get3A_20 = arith.constant 0 : index
      %get3A_21 = vector.load %arg5[%get3A_19, %get3A_20] : memref<1x32xf32, #tpu.memory_space<vmem>>, vector<1x32xf32>
      %get3A_22 = arith.constant 0 : index
      %get3A_23 = arith.constant 0 : index
      %get3A_24 = vector.load %arg2[%get3A_22, %get3A_23] : memref<32x32xf32, #tpu.memory_space<vmem>>, vector<32x32xf32>
      %dot_general3A = arith.constant dense<0.000000e+00> : vector<1x32xf32>
      %dot_general3A_25 = tpu.matmul %get3A_21, %get3A_24, %dot_general3A {dimension_numbers = #tpu.dot_dimension_numbers<[1], [0], [0], [1], [0, 0, 1, 1], [], []>, transpose_lhs_hint = false} : vector<1x32xf32>, vector<32x32xf32>, vector<1x32xf32> -> vector<1x32xf32>
      %convert_element_type3A_26 = arith.fptosi %dot_general3A_25 : vector<1x32xf32> to vector<1x32xi32>
      %swap3A_27 = arith.constant 0 : index
      %swap3A_28 = arith.constant 0 : index
      %swap3A_29 = vector.load %arg3[%swap3A_27, %swap3A_28] : memref<1x32xi32, #tpu.memory_space<vmem>>, vector<1x32xi32>
      tpu.vector_store %arg3[%swap3A_27, %swap3A_28], %convert_element_type3A_26 {strides = array<i32>} : memref<1x32xi32, #tpu.memory_space<vmem>>, vector<1x32xi32>,
      %add3A_30 = arith.addf %dot_general3A_25, %get3A_21 : vector<1x32xf32>
      %convert_element_type3A_31 = arith.fptosi %add3A_30 : vector<1x32xf32> to vector<1x32xi32>
      %swap3A_32 = arith.constant 0 : index
      %swap3A_33 = arith.constant 0 : index
      %swap3A_34 = vector.load %arg4[%swap3A_32, %swap3A_33] : memref<1x32xi32, #tpu.memory_space<vmem>>, vector<1x32xi32>
      tpu.vector_store %arg4[%swap3A_32, %swap3A_33], %convert_element_type3A_31 {strides = array<i32>} : memref<1x32xi32, #tpu.memory_space<vmem>>, vector<1x32xi32>,
    } else {
    }
    return
  }
  func.func @transform_0(%arg0: i32) -> (i32, i32) {
    %c0_i32 = arith.constant 0 : i32
    %c0_i32_0 = arith.constant 0 : i32
    return %arg0, %c0_i32 : i32, i32
  }
  func.func @transform_1(%arg0: i32) -> (i32, i32) {
    %c0_i32 = arith.constant 0 : i32
    %c0_i32_0 = arith.constant 0 : i32
    %c0_i32_1 = arith.constant 0 : i32
    return %c0_i32, %c0_i32_0 : i32, i32
  }
  func.func @transform_2(%arg0: i32) -> (i32, i32) {
    %c0_i32 = arith.constant 0 : i32
    %c0_i32_0 = arith.constant 0 : i32
    %c0_i32_1 = arith.constant 0 : i32
    return %c0_i32, %c0_i32_0 : i32, i32
  }
  func.func @transform_3(%arg0: i32) -> (i32, i32) {
    %c0_i32 = arith.constant 0 : i32
    %c0_i32_0 = arith.constant 0 : i32
    %c0_i32_1 = arith.constant 0 : i32
    return %c0_i32, %c0_i32_0 : i32, i32
  }
}

module attributes {stable_mosaic.version = 14 : i64} {
  func.func @_uprep_body(%arg0: i32, %arg1: memref<32x32xf32, #tpu.memory_space<vmem>>, %arg2: memref<32x64xf32, #tpu.memory_space<vmem>>, %arg3: memref<256x32xf32, #tpu.memory_space<vmem>>, %arg4: memref<64x512xf32, #tpu.memory_space<vmem>>, %arg5: memref<256x512xf32, #tpu.memory_space<vmem>>, %arg6: memref<1x32xi32, #tpu.memory_space<vmem>>, %arg7: memref<1x32xi32, #tpu.memory_space<vmem>>, %arg8: memref<32x256xf32, #tpu.memory_space<vmem>>, %arg9: memref<256x512xf32, #tpu.memory_space<vmem>>, %arg10: memref<1x256xf32, #tpu.memory_space<vmem>>, %arg11: memref<1x256xf32, #tpu.memory_space<vmem>>) attributes {dimension_semantics = [#tpu.dimension_semantics<arbitrary>], iteration_bounds = array<i64: 1>, scalar_prefetch = 0 : i64, scratch_operands = 0 : i64, tpu.core_type = #tpu.core_type<tc>, window_params = [{pipeline_mode = #tpu.pipeline_mode<synchronous>, transform_indices = @transform_0, window_bounds = array<i64: 32, 32>}, {pipeline_mode = #tpu.pipeline_mode<synchronous>, transform_indices = @transform_1, window_bounds = array<i64: 32, 64>}, {pipeline_mode = #tpu.pipeline_mode<synchronous>, transform_indices = @transform_2, window_bounds = array<i64: 256, 32>}, {pipeline_mode = #tpu.pipeline_mode<synchronous>, transform_indices = @transform_3, window_bounds = array<i64: 64, 512>}, {pipeline_mode = #tpu.pipeline_mode<synchronous>, transform_indices = @transform_4, window_bounds = array<i64: 256, 512>}, {pipeline_mode = #tpu.pipeline_mode<synchronous>, transform_indices = @transform_5, window_bounds = array<i64: 1, 32>}, {pipeline_mode = #tpu.pipeline_mode<synchronous>, transform_indices = @transform_6, window_bounds = array<i64: 1, 32>}, {pipeline_mode = #tpu.pipeline_mode<synchronous>, transform_indices = @transform_7, window_bounds = array<i64: 32, 256>}, {pipeline_mode = #tpu.pipeline_mode<synchronous>, transform_indices = @transform_8, window_bounds = array<i64: 256, 512>}, {pipeline_mode = #tpu.pipeline_mode<synchronous>, transform_indices = @transform_9, window_bounds = array<i64: 1, 256>}, {pipeline_mode = #tpu.pipeline_mode<synchronous>, transform_indices = @transform_10, window_bounds = array<i64: 1, 256>}]} {
    %get3A = arith.constant 0 : index
    %get3A_0 = arith.constant 0 : index
    %get3A_1 = vector.load %arg1[%get3A, %get3A_0] : memref<32x32xf32, #tpu.memory_space<vmem>>, vector<32x32xf32>
    %get3A_2 = arith.constant 0 : index
    %get3A_3 = arith.constant 0 : index
    %get3A_4 = vector.load %arg2[%get3A_2, %get3A_3] : memref<32x64xf32, #tpu.memory_space<vmem>>, vector<32x64xf32>
    %dot_general3A = arith.constant dense<0.000000e+00> : vector<32x64xf32>
    %dot_general3A_5 = tpu.matmul %get3A_1, %get3A_4, %dot_general3A {dimension_numbers = #tpu.dot_dimension_numbers<[1], [0], [0], [1], [0, 0, 1, 1], [], []>, transpose_lhs_hint = false} : vector<32x32xf32>, vector<32x64xf32>, vector<32x64xf32> -> vector<32x64xf32>
    %get3A_6 = arith.constant 0 : index
    %get3A_7 = arith.constant 0 : index
    %get3A_8 = vector.load %arg3[%get3A_6, %get3A_7] : memref<256x32xf32, #tpu.memory_space<vmem>>, vector<256x32xf32>
    %dot_general3A_9 = arith.constant dense<0.000000e+00> : vector<256x64xf32>
    %dot_general3A_10 = tpu.matmul %get3A_8, %dot_general3A_5, %dot_general3A_9 {dimension_numbers = #tpu.dot_dimension_numbers<[1], [0], [0], [1], [0, 0, 1, 1], [], []>, transpose_lhs_hint = false} : vector<256x32xf32>, vector<32x64xf32>, vector<256x64xf32> -> vector<256x64xf32>
    %get3A_11 = arith.constant 0 : index
    %get3A_12 = arith.constant 0 : index
    %get3A_13 = vector.load %arg4[%get3A_11, %get3A_12] : memref<64x512xf32, #tpu.memory_space<vmem>>, vector<64x512xf32>
    %dot_general3A_14 = arith.constant dense<0.000000e+00> : vector<256x512xf32>
    %dot_general3A_15 = tpu.matmul %dot_general3A_10, %get3A_13, %dot_general3A_14 {dimension_numbers = #tpu.dot_dimension_numbers<[1], [0], [0], [1], [0, 0, 1, 1], [], []>, transpose_lhs_hint = false} : vector<256x64xf32>, vector<64x512xf32>, vector<256x512xf32> -> vector<256x512xf32>
    %get3A_16 = arith.constant 0 : index
    %get3A_17 = arith.constant 0 : index
    %get3A_18 = vector.load %arg5[%get3A_16, %get3A_17] : memref<256x512xf32, #tpu.memory_space<vmem>>, vector<256x512xf32>
    %mul3A = arith.mulf %dot_general3A_15, %get3A_18 : vector<256x512xf32>
    %swap3A = arith.constant 0 : index
    %swap3A_19 = arith.constant 0 : index
    %swap3A_20 = vector.load %arg9[%swap3A, %swap3A_19] : memref<256x512xf32, #tpu.memory_space<vmem>>, vector<256x512xf32>
    tpu.vector_store %arg9[%swap3A, %swap3A_19], %mul3A {strides = array<i32>} : memref<256x512xf32, #tpu.memory_space<vmem>>, vector<256x512xf32>,
    %get3A_21 = arith.constant 0 : index
    %get3A_22 = arith.constant 0 : index
    %get3A_23 = vector.load %arg6[%get3A_21, %get3A_22] : memref<1x32xi32, #tpu.memory_space<vmem>>, vector<1x32xi32>
    %convert_element_type3A = arith.sitofp %get3A_23 : vector<1x32xi32> to vector<1x32xf32>
    %get3A_24 = arith.constant 0 : index
    %get3A_25 = arith.constant 0 : index
    %get3A_26 = vector.load %arg8[%get3A_24, %get3A_25] : memref<32x256xf32, #tpu.memory_space<vmem>>, vector<32x256xf32>
    %dot_general3A_27 = arith.constant dense<0.000000e+00> : vector<1x256xf32>
    %dot_general3A_28 = tpu.matmul %convert_element_type3A, %get3A_26, %dot_general3A_27 {dimension_numbers = #tpu.dot_dimension_numbers<[1], [0], [0], [1], [0, 0, 1, 1], [], []>, transpose_lhs_hint = false} : vector<1x32xf32>, vector<32x256xf32>, vector<1x256xf32> -> vector<1x256xf32>
    %swap3A_29 = arith.constant 0 : index
    %swap3A_30 = arith.constant 0 : index
    %swap3A_31 = vector.load %arg10[%swap3A_29, %swap3A_30] : memref<1x256xf32, #tpu.memory_space<vmem>>, vector<1x256xf32>
    tpu.vector_store %arg10[%swap3A_29, %swap3A_30], %dot_general3A_28 {strides = array<i32>} : memref<1x256xf32, #tpu.memory_space<vmem>>, vector<1x256xf32>,
    %get3A_32 = arith.constant 0 : index
    %get3A_33 = arith.constant 0 : index
    %get3A_34 = vector.load %arg7[%get3A_32, %get3A_33] : memref<1x32xi32, #tpu.memory_space<vmem>>, vector<1x32xi32>
    %convert_element_type3A_35 = arith.sitofp %get3A_34 : vector<1x32xi32> to vector<1x32xf32>
    %get3A_36 = arith.constant 0 : index
    %get3A_37 = arith.constant 0 : index
    %get3A_38 = vector.load %arg8[%get3A_36, %get3A_37] : memref<32x256xf32, #tpu.memory_space<vmem>>, vector<32x256xf32>
    %dot_general3A_39 = arith.constant dense<0.000000e+00> : vector<1x256xf32>
    %dot_general3A_40 = tpu.matmul %convert_element_type3A_35, %get3A_38, %dot_general3A_39 {dimension_numbers = #tpu.dot_dimension_numbers<[1], [0], [0], [1], [0, 0, 1, 1], [], []>, transpose_lhs_hint = false} : vector<1x32xf32>, vector<32x256xf32>, vector<1x256xf32> -> vector<1x256xf32>
    %swap3A_41 = arith.constant 0 : index
    %swap3A_42 = arith.constant 0 : index
    %swap3A_43 = vector.load %arg11[%swap3A_41, %swap3A_42] : memref<1x256xf32, #tpu.memory_space<vmem>>, vector<1x256xf32>
    tpu.vector_store %arg11[%swap3A_41, %swap3A_42], %dot_general3A_40 {strides = array<i32>} : memref<1x256xf32, #tpu.memory_space<vmem>>, vector<1x256xf32>,
    return
  }
  func.func @transform_0(%arg0: i32) -> (i32, i32) {
    %c0_i32 = arith.constant 0 : i32
    %c0_i32_0 = arith.constant 0 : i32
    %c0_i32_1 = arith.constant 0 : i32
    return %c0_i32, %c0_i32_0 : i32, i32
  }
  func.func @transform_1(%arg0: i32) -> (i32, i32) {
    %c0_i32 = arith.constant 0 : i32
    %c0_i32_0 = arith.constant 0 : i32
    %c0_i32_1 = arith.constant 0 : i32
    return %c0_i32, %c0_i32_0 : i32, i32
  }
  func.func @transform_2(%arg0: i32) -> (i32, i32) {
    %c0_i32 = arith.constant 0 : i32
    %c0_i32_0 = arith.constant 0 : i32
    %c0_i32_1 = arith.constant 0 : i32
    return %c0_i32, %c0_i32_0 : i32, i32
  }
  func.func @transform_3(%arg0: i32) -> (i32, i32) {
    %c0_i32 = arith.constant 0 : i32
    %c0_i32_0 = arith.constant 0 : i32
    %c0_i32_1 = arith.constant 0 : i32
    return %c0_i32, %c0_i32_0 : i32, i32
  }
  func.func @transform_4(%arg0: i32) -> (i32, i32) {
    %c0_i32 = arith.constant 0 : i32
    %c0_i32_0 = arith.constant 0 : i32
    %c0_i32_1 = arith.constant 0 : i32
    return %c0_i32, %c0_i32_0 : i32, i32
  }
  func.func @transform_5(%arg0: i32) -> (i32, i32) {
    %c0_i32 = arith.constant 0 : i32
    %c0_i32_0 = arith.constant 0 : i32
    %c0_i32_1 = arith.constant 0 : i32
    return %c0_i32, %c0_i32_0 : i32, i32
  }
  func.func @transform_6(%arg0: i32) -> (i32, i32) {
    %c0_i32 = arith.constant 0 : i32
    %c0_i32_0 = arith.constant 0 : i32
    %c0_i32_1 = arith.constant 0 : i32
    return %c0_i32, %c0_i32_0 : i32, i32
  }
  func.func @transform_7(%arg0: i32) -> (i32, i32) {
    %c0_i32 = arith.constant 0 : i32
    %c0_i32_0 = arith.constant 0 : i32
    %c0_i32_1 = arith.constant 0 : i32
    return %c0_i32, %c0_i32_0 : i32, i32
  }
  func.func @transform_8(%arg0: i32) -> (i32, i32) {
    %c0_i32 = arith.constant 0 : i32
    %c0_i32_0 = arith.constant 0 : i32
    %c0_i32_1 = arith.constant 0 : i32
    return %c0_i32, %c0_i32_0 : i32, i32
  }
  func.func @transform_9(%arg0: i32) -> (i32, i32) {
    %c0_i32 = arith.constant 0 : i32
    %c0_i32_0 = arith.constant 0 : i32
    %c0_i32_1 = arith.constant 0 : i32
    return %c0_i32, %c0_i32_0 : i32, i32
  }
  func.func @transform_10(%arg0: i32) -> (i32, i32) {
    %c0_i32 = arith.constant 0 : i32
    %c0_i32_0 = arith.constant 0 : i32
    %c0_i32_1 = arith.constant 0 : i32
    return %c0_i32, %c0_i32_0 : i32, i32
  }
}

module attributes {stable_mosaic.version = 14 : i64} {
  func.func @_edge1_body(%arg0: i32, %arg1: memref<2x1024x128xf32, #tpu.memory_space<vmem>>, %arg2: memref<1024x64xf32, #tpu.memory_space<vmem>>, %arg3: memref<1024x8xf32, #tpu.memory_space<vmem>>, %arg4: memref<256x512xf32, #tpu.memory_space<vmem>>, %arg5: memref<1x256xf32, #tpu.memory_space<vmem>>, %arg6: memref<1x256xf32, #tpu.memory_space<vmem>>, %arg7: memref<8x256xf32, #tpu.memory_space<vmem>>, %arg8: memref<256x512xf32, #tpu.memory_space<vmem>>, %arg9: memref<64x512xf32, #tpu.memory_space<vmem>>, %arg10: memref<1x512xf32, #tpu.memory_space<vmem>>, %arg11: memref<512x128xf32, #tpu.memory_space<vmem>>, %arg12: memref<1x128xf32, #tpu.memory_space<vmem>>, %arg13: memref<1024x128xf32, #tpu.memory_space<vmem>>) attributes {dimension_semantics = [#tpu.dimension_semantics<arbitrary>], iteration_bounds = array<i64: 125>, scalar_prefetch = 0 : i64, scratch_operands = 0 : i64, tpu.core_type = #tpu.core_type<tc>, window_params = [{transform_indices = @transform_0, window_bounds = array<i64: 2, 1024, 128>}, {transform_indices = @transform_1, window_bounds = array<i64: 1024, 64>}, {transform_indices = @transform_2, window_bounds = array<i64: 1024, 8>}, {pipeline_mode = #tpu.pipeline_mode<synchronous>, transform_indices = @transform_3, window_bounds = array<i64: 256, 512>}, {pipeline_mode = #tpu.pipeline_mode<synchronous>, transform_indices = @transform_4, window_bounds = array<i64: 1, 256>}, {pipeline_mode = #tpu.pipeline_mode<synchronous>, transform_indices = @transform_5, window_bounds = array<i64: 1, 256>}, {pipeline_mode = #tpu.pipeline_mode<synchronous>, transform_indices = @transform_6, window_bounds = array<i64: 8, 256>}, {pipeline_mode = #tpu.pipeline_mode<synchronous>, transform_indices = @transform_7, window_bounds = array<i64: 256, 512>}, {pipeline_mode = #tpu.pipeline_mode<synchronous>, transform_indices = @transform_8, window_bounds = array<i64: 64, 512>}, {pipeline_mode = #tpu.pipeline_mode<synchronous>, transform_indices = @transform_9, window_bounds = array<i64: 1, 512>}, {pipeline_mode = #tpu.pipeline_mode<synchronous>, transform_indices = @transform_10, window_bounds = array<i64: 512, 128>}, {pipeline_mode = #tpu.pipeline_mode<synchronous>, transform_indices = @transform_11, window_bounds = array<i64: 1, 128>}, {transform_indices = @transform_12, window_bounds = array<i64: 1024, 128>}]} {
    %get3A = arith.constant 0 : index
    %get3A_0 = arith.constant 0 : index
    %get3A_1 = arith.constant 0 : index
    %get3A_2 = vector.load %arg1[%get3A, %get3A_0, %get3A_1] : memref<2x1024x128xf32, #tpu.memory_space<vmem>>, vector<2x1024x128xf32>
    %slice3A = vector.extract_strided_slice %get3A_2 {offsets = [0, 0, 0], sizes = [1, 1024, 128], strides = [1, 1, 1]} : vector<2x1024x128xf32> to vector<1x1024x128xf32>
    %squeeze3A = vector.shape_cast %slice3A : vector<1x1024x128xf32> to vector<1024x128xf32>
    %slice3A_3 = vector.extract_strided_slice %get3A_2 {offsets = [1, 0, 0], sizes = [1, 1024, 128], strides = [1, 1, 1]} : vector<2x1024x128xf32> to vector<1x1024x128xf32>
    %squeeze3A_4 = vector.shape_cast %slice3A_3 : vector<1x1024x128xf32> to vector<1024x128xf32>
    %concatenate3A = tpu.concatenate %squeeze3A, %squeeze3A_4 in 1 : vector<1024x128xf32>, vector<1024x128xf32> -> vector<1024x256xf32>
    %get3A_5 = arith.constant 0 : index
    %get3A_6 = arith.constant 0 : index
    %get3A_7 = vector.load %arg3[%get3A_5, %get3A_6] : memref<1024x8xf32, #tpu.memory_space<vmem>>, vector<1024x8xf32>
    %get3A_8 = arith.constant 0 : index
    %get3A_9 = arith.constant 0 : index
    %get3A_10 = vector.load %arg7[%get3A_8, %get3A_9] : memref<8x256xf32, #tpu.memory_space<vmem>>, vector<8x256xf32>
    %dot_general3A = arith.constant dense<0.000000e+00> : vector<1024x256xf32>
    %dot_general3A_11 = tpu.matmul %get3A_7, %get3A_10, %dot_general3A {dimension_numbers = #tpu.dot_dimension_numbers<[1], [0], [0], [1], [0, 0, 1, 1], [], []>, transpose_lhs_hint = false} : vector<1024x8xf32>, vector<8x256xf32>, vector<1024x256xf32> -> vector<1024x256xf32>
    %get3A_12 = arith.constant 0 : index
    %get3A_13 = arith.constant 0 : index
    %get3A_14 = vector.load %arg5[%get3A_12, %get3A_13] : memref<1x256xf32, #tpu.memory_space<vmem>>, vector<1x256xf32>
    %ge3A = vector.broadcast %get3A_14 : vector<1x256xf32> to vector<1024x256xf32>
    %ge3A_15 = arith.cmpf oge, %dot_general3A_11, %ge3A : vector<1024x256xf32>
    %get3A_16 = arith.constant 0 : index
    %get3A_17 = arith.constant 0 : index
    %get3A_18 = vector.load %arg6[%get3A_16, %get3A_17] : memref<1x256xf32, #tpu.memory_space<vmem>>, vector<1x256xf32>
    %lt3A = vector.broadcast %get3A_18 : vector<1x256xf32> to vector<1024x256xf32>
    %lt3A_19 = arith.cmpf olt, %dot_general3A_11, %lt3A : vector<1024x256xf32>
    %and3A = arith.andi %ge3A_15, %lt3A_19 : vector<1024x256xi1>
    %convert_element_type3A = arith.extui %and3A : vector<1024x256xi1> to vector<1024x256xi32>
    %convert_element_type3A_20 = arith.sitofp %convert_element_type3A : vector<1024x256xi32> to vector<1024x256xf32>
    %get3A_21 = arith.constant 0 : index
    %get3A_22 = arith.constant 0 : index
    %get3A_23 = vector.load %arg8[%get3A_21, %get3A_22] : memref<256x512xf32, #tpu.memory_space<vmem>>, vector<256x512xf32>
    %dot_general3A_24 = arith.constant dense<0.000000e+00> : vector<1024x512xf32>
    %dot_general3A_25 = tpu.matmul %concatenate3A, %get3A_23, %dot_general3A_24 {dimension_numbers = #tpu.dot_dimension_numbers<[1], [0], [0], [1], [0, 0, 1, 1], [], []>, transpose_lhs_hint = false} : vector<1024x256xf32>, vector<256x512xf32>, vector<1024x512xf32> -> vector<1024x512xf32>
    %get3A_26 = arith.constant 0 : index
    %get3A_27 = arith.constant 0 : index
    %get3A_28 = vector.load %arg2[%get3A_26, %get3A_27] : memref<1024x64xf32, #tpu.memory_space<vmem>>, vector<1024x64xf32>
    %get3A_29 = arith.constant 0 : index
    %get3A_30 = arith.constant 0 : index
    %get3A_31 = vector.load %arg9[%get3A_29, %get3A_30] : memref<64x512xf32, #tpu.memory_space<vmem>>, vector<64x512xf32>
    %dot_general3A_32 = arith.constant dense<0.000000e+00> : vector<1024x512xf32>
    %dot_general3A_33 = tpu.matmul %get3A_28, %get3A_31, %dot_general3A_32 {dimension_numbers = #tpu.dot_dimension_numbers<[1], [0], [0], [1], [0, 0, 1, 1], [], []>, transpose_lhs_hint = false} : vector<1024x64xf32>, vector<64x512xf32>, vector<1024x512xf32> -> vector<1024x512xf32>
    %add3A = arith.addf %dot_general3A_25, %dot_general3A_33 : vector<1024x512xf32>
    %get3A_34 = arith.constant 0 : index
    %get3A_35 = arith.constant 0 : index
    %get3A_36 = vector.load %arg4[%get3A_34, %get3A_35] : memref<256x512xf32, #tpu.memory_space<vmem>>, vector<256x512xf32>
    %dot_general3A_37 = arith.constant dense<0.000000e+00> : vector<1024x512xf32>
    %dot_general3A_38 = tpu.matmul %convert_element_type3A_20, %get3A_36, %dot_general3A_37 {dimension_numbers = #tpu.dot_dimension_numbers<[1], [0], [0], [1], [0, 0, 1, 1], [], []>, transpose_lhs_hint = false} : vector<1024x256xf32>, vector<256x512xf32>, vector<1024x512xf32> -> vector<1024x512xf32>
    %add3A_39 = arith.addf %add3A, %dot_general3A_38 : vector<1024x512xf32>
    %get3A_40 = arith.constant 0 : index
    %get3A_41 = arith.constant 0 : index
    %get3A_42 = vector.load %arg10[%get3A_40, %get3A_41] : memref<1x512xf32, #tpu.memory_space<vmem>>, vector<1x512xf32>
    %add3A_43 = vector.broadcast %get3A_42 : vector<1x512xf32> to vector<1024x512xf32>
    %add3A_44 = arith.addf %add3A_39, %add3A_43 : vector<1024x512xf32>
    %max3A = arith.constant 0.000000e+00 : f32
    %max3A_45 = vector.broadcast %max3A : f32 to vector<1024x512xf32>
    %max3A_46 = arith.maximumf %add3A_44, %max3A_45 : vector<1024x512xf32>
    %get3A_47 = arith.constant 0 : index
    %get3A_48 = arith.constant 0 : index
    %get3A_49 = vector.load %arg11[%get3A_47, %get3A_48] : memref<512x128xf32, #tpu.memory_space<vmem>>, vector<512x128xf32>
    %dot_general3A_50 = arith.constant dense<0.000000e+00> : vector<1024x128xf32>
    %dot_general3A_51 = tpu.matmul %max3A_46, %get3A_49, %dot_general3A_50 {dimension_numbers = #tpu.dot_dimension_numbers<[1], [0], [0], [1], [0, 0, 1, 1], [], []>, transpose_lhs_hint = false} : vector<1024x512xf32>, vector<512x128xf32>, vector<1024x128xf32> -> vector<1024x128xf32>
    %get3A_52 = arith.constant 0 : index
    %get3A_53 = arith.constant 0 : index
    %get3A_54 = vector.load %arg12[%get3A_52, %get3A_53] : memref<1x128xf32, #tpu.memory_space<vmem>>, vector<1x128xf32>
    %add3A_55 = vector.broadcast %get3A_54 : vector<1x128xf32> to vector<1024x128xf32>
    %add3A_56 = arith.addf %dot_general3A_51, %add3A_55 : vector<1024x128xf32>
    %swap3A = arith.constant 0 : index
    %swap3A_57 = arith.constant 0 : index
    %swap3A_58 = vector.load %arg13[%swap3A, %swap3A_57] : memref<1024x128xf32, #tpu.memory_space<vmem>>, vector<1024x128xf32>
    tpu.vector_store %arg13[%swap3A, %swap3A_57], %add3A_56 {strides = array<i32>} : memref<1024x128xf32, #tpu.memory_space<vmem>>, vector<1024x128xf32>,
    return
  }
  func.func @transform_0(%arg0: i32) -> (i32, i32, i32) {
    %c0_i32 = arith.constant 0 : i32
    %c0_i32_0 = arith.constant 0 : i32
    %c0_i32_1 = arith.constant 0 : i32
    return %c0_i32, %arg0, %c0_i32_0 : i32, i32, i32
  }
  func.func @transform_1(%arg0: i32) -> (i32, i32) {
    %c0_i32 = arith.constant 0 : i32
    %c0_i32_0 = arith.constant 0 : i32
    return %arg0, %c0_i32 : i32, i32
  }
  func.func @transform_2(%arg0: i32) -> (i32, i32) {
    %c0_i32 = arith.constant 0 : i32
    %c0_i32_0 = arith.constant 0 : i32
    return %arg0, %c0_i32 : i32, i32
  }
  func.func @transform_3(%arg0: i32) -> (i32, i32) {
    %c0_i32 = arith.constant 0 : i32
    %c0_i32_0 = arith.constant 0 : i32
    %c0_i32_1 = arith.constant 0 : i32
    return %c0_i32, %c0_i32_0 : i32, i32
  }
  func.func @transform_4(%arg0: i32) -> (i32, i32) {
    %c0_i32 = arith.constant 0 : i32
    %c0_i32_0 = arith.constant 0 : i32
    %c0_i32_1 = arith.constant 0 : i32
    return %c0_i32, %c0_i32_0 : i32, i32
  }
  func.func @transform_5(%arg0: i32) -> (i32, i32) {
    %c0_i32 = arith.constant 0 : i32
    %c0_i32_0 = arith.constant 0 : i32
    %c0_i32_1 = arith.constant 0 : i32
    return %c0_i32, %c0_i32_0 : i32, i32
  }
  func.func @transform_6(%arg0: i32) -> (i32, i32) {
    %c0_i32 = arith.constant 0 : i32
    %c0_i32_0 = arith.constant 0 : i32
    %c0_i32_1 = arith.constant 0 : i32
    return %c0_i32, %c0_i32_0 : i32, i32
  }
  func.func @transform_7(%arg0: i32) -> (i32, i32) {
    %c0_i32 = arith.constant 0 : i32
    %c0_i32_0 = arith.constant 0 : i32
    %c0_i32_1 = arith.constant 0 : i32
    return %c0_i32, %c0_i32_0 : i32, i32
  }
  func.func @transform_8(%arg0: i32) -> (i32, i32) {
    %c0_i32 = arith.constant 0 : i32
    %c0_i32_0 = arith.constant 0 : i32
    %c0_i32_1 = arith.constant 0 : i32
    return %c0_i32, %c0_i32_0 : i32, i32
  }
  func.func @transform_9(%arg0: i32) -> (i32, i32) {
    %c0_i32 = arith.constant 0 : i32
    %c0_i32_0 = arith.constant 0 : i32
    %c0_i32_1 = arith.constant 0 : i32
    return %c0_i32, %c0_i32_0 : i32, i32
  }
  func.func @transform_10(%arg0: i32) -> (i32, i32) {
    %c0_i32 = arith.constant 0 : i32
    %c0_i32_0 = arith.constant 0 : i32
    %c0_i32_1 = arith.constant 0 : i32
    return %c0_i32, %c0_i32_0 : i32, i32
  }
  func.func @transform_11(%arg0: i32) -> (i32, i32) {
    %c0_i32 = arith.constant 0 : i32
    %c0_i32_0 = arith.constant 0 : i32
    %c0_i32_1 = arith.constant 0 : i32
    return %c0_i32, %c0_i32_0 : i32, i32
  }
  func.func @transform_12(%arg0: i32) -> (i32, i32) {
    %c0_i32 = arith.constant 0 : i32
    %c0_i32_0 = arith.constant 0 : i32
    return %arg0, %c0_i32 : i32, i32
  }
}

module attributes {stable_mosaic.version = 14 : i64} {
  func.func @_node1_body(%arg0: i32, %arg1: memref<3200x16xf32, #tpu.memory_space<vmem>>, %arg2: memref<2x3200x16xf32, #tpu.memory_space<vmem>>, %arg3: memref<3200x1xi32, #tpu.memory_space<vmem>>, %arg4: memref<8x3200xi32, #tpu.memory_space<vmem>>, %arg5: memref<32x32xf32, #tpu.memory_space<vmem>>, %arg6: memref<16x64xf32, #tpu.memory_space<vmem>>, %arg7: memref<16x64xf32, #tpu.memory_space<vmem>>, %arg8: memref<32x64xf32, #tpu.memory_space<vmem>>, %arg9: memref<1x64xf32, #tpu.memory_space<vmem>>, %arg10: memref<64x16xf32, #tpu.memory_space<vmem>>, %arg11: memref<1x16xf32, #tpu.memory_space<vmem>>, %arg12: memref<32x64xf32, #tpu.memory_space<vmem>>, %arg13: memref<16x64xf32, #tpu.memory_space<vmem>>, %arg14: memref<1x64xf32, #tpu.memory_space<vmem>>, %arg15: memref<64x32xf32, #tpu.memory_space<vmem>>, %arg16: memref<1x32xf32, #tpu.memory_space<vmem>>, %arg17: memref<3200x16xf32, #tpu.memory_space<vmem>>, %arg18: memref<32x32xf32, #tpu.memory_space<vmem>>, %arg19: memref<32x16xf32, #tpu.memory_space<vmem>>, %arg20: memref<32x1xf32, #tpu.memory_space<vmem>>) attributes {dimension_semantics = [#tpu.dimension_semantics<arbitrary>], iteration_bounds = array<i64: 10>, scalar_prefetch = 0 : i64, scratch_operands = 2 : i64, tpu.core_type = #tpu.core_type<tc>, window_params = [{transform_indices = @transform_0, window_bounds = array<i64: 3200, 16>}, {transform_indices = @transform_1, window_bounds = array<i64: 2, 3200, 16>}, {transform_indices = @transform_2, window_bounds = array<i64: 3200, 1>}, {transform_indices = @transform_3, window_bounds = array<i64: 8, 3200>}, {pipeline_mode = #tpu.pipeline_mode<synchronous>, transform_indices = @transform_4, window_bounds = array<i64: 32, 32>}, {pipeline_mode = #tpu.pipeline_mode<synchronous>, transform_indices = @transform_5, window_bounds = array<i64: 16, 64>}, {pipeline_mode = #tpu.pipeline_mode<synchronous>, transform_indices = @transform_6, window_bounds = array<i64: 16, 64>}, {pipeline_mode = #tpu.pipeline_mode<synchronous>, transform_indices = @transform_7, window_bounds = array<i64: 32, 64>}, {pipeline_mode = #tpu.pipeline_mode<synchronous>, transform_indices = @transform_8, window_bounds = array<i64: 1, 64>}, {pipeline_mode = #tpu.pipeline_mode<synchronous>, transform_indices = @transform_9, window_bounds = array<i64: 64, 16>}, {pipeline_mode = #tpu.pipeline_mode<synchronous>, transform_indices = @transform_10, window_bounds = array<i64: 1, 16>}, {pipeline_mode = #tpu.pipeline_mode<synchronous>, transform_indices = @transform_11, window_bounds = array<i64: 32, 64>}, {pipeline_mode = #tpu.pipeline_mode<synchronous>, transform_indices = @transform_12, window_bounds = array<i64: 16, 64>}, {pipeline_mode = #tpu.pipeline_mode<synchronous>, transform_indices = @transform_13, window_bounds = array<i64: 1, 64>}, {pipeline_mode = #tpu.pipeline_mode<synchronous>, transform_indices = @transform_14, window_bounds = array<i64: 64, 32>}, {pipeline_mode = #tpu.pipeline_mode<synchronous>, transform_indices = @transform_15, window_bounds = array<i64: 1, 32>}, {transform_indices = @transform_16, window_bounds = array<i64: 3200, 16>}, {pipeline_mode = #tpu.pipeline_mode<synchronous>, transform_indices = @transform_17, window_bounds = array<i64: 32, 32>}]} {
    %get3A = arith.constant 0 : index
    %get3A_0 = arith.constant 0 : index
    %get3A_1 = arith.constant 0 : index
    %get3A_2 = vector.load %arg2[%get3A, %get3A_0, %get3A_1] : memref<2x3200x16xf32, #tpu.memory_space<vmem>>, vector<2x3200x16xf32>
    %slice3A = vector.extract_strided_slice %get3A_2 {offsets = [0, 0, 0], sizes = [1, 3200, 16], strides = [1, 1, 1]} : vector<2x3200x16xf32> to vector<1x3200x16xf32>
    %squeeze3A = vector.shape_cast %slice3A : vector<1x3200x16xf32> to vector<3200x16xf32>
    %slice3A_3 = vector.extract_strided_slice %get3A_2 {offsets = [1, 0, 0], sizes = [1, 3200, 16], strides = [1, 1, 1]} : vector<2x3200x16xf32> to vector<1x3200x16xf32>
    %squeeze3A_4 = vector.shape_cast %slice3A_3 : vector<1x3200x16xf32> to vector<3200x16xf32>
    %add3A = arith.addf %squeeze3A, %squeeze3A_4 : vector<3200x16xf32>
    %slice3A_5 = vector.extract_strided_slice %add3A {offsets = [0, 8], sizes = [3200, 1], strides = [1, 1]} : vector<3200x16xf32> to vector<3200x1xf32>
    %max3A = arith.constant 1.000000e+00 : f32
    %max3A_6 = vector.broadcast %max3A : f32 to vector<3200x1xf32>
    %max3A_7 = arith.maximumf %slice3A_5, %max3A_6 : vector<3200x1xf32>
    %div3A = vector.broadcast %max3A_7 : vector<3200x1xf32> to vector<3200x16xf32>
    %div3A_8 = arith.divf %add3A, %div3A : vector<3200x16xf32>
    %get3A_9 = arith.constant 0 : index
    %get3A_10 = arith.constant 0 : index
    %get3A_11 = vector.load %arg3[%get3A_9, %get3A_10] : memref<3200x1xi32, #tpu.memory_space<vmem>>, vector<3200x1xi32>
    %iota3A = tpu.iota {dimensions = array<i32: 1>} : vector<3200x32xi32>
    %eq3A = vector.broadcast %get3A_11 : vector<3200x1xi32> to vector<3200x32xi32>
    %eq3A_12 = arith.cmpi eq, %eq3A, %iota3A : vector<3200x32xi32>
    %convert_element_type3A = arith.extui %eq3A_12 : vector<3200x32xi1> to vector<3200x32xi32>
    %convert_element_type3A_13 = arith.sitofp %convert_element_type3A : vector<3200x32xi32> to vector<3200x32xf32>
    %get3A_14 = arith.constant 0 : index
    %get3A_15 = arith.constant 0 : index
    %get3A_16 = vector.load %arg5[%get3A_14, %get3A_15] : memref<32x32xf32, #tpu.memory_space<vmem>>, vector<32x32xf32>
    %get3A_17 = arith.constant 0 : index
    %get3A_18 = arith.constant 0 : index
    %get3A_19 = vector.load %arg8[%get3A_17, %get3A_18] : memref<32x64xf32, #tpu.memory_space<vmem>>, vector<32x64xf32>
    %dot_general3A = arith.constant dense<0.000000e+00> : vector<32x64xf32>
    %dot_general3A_20 = tpu.matmul %get3A_16, %get3A_19, %dot_general3A {dimension_numbers = #tpu.dot_dimension_numbers<[1], [0], [0], [1], [0, 0, 1, 1], [], []>, transpose_lhs_hint = false} : vector<32x32xf32>, vector<32x64xf32>, vector<32x64xf32> -> vector<32x64xf32>
    %get3A_21 = arith.constant 0 : index
    %get3A_22 = arith.constant 0 : index
    %get3A_23 = vector.load %arg1[%get3A_21, %get3A_22] : memref<3200x16xf32, #tpu.memory_space<vmem>>, vector<3200x16xf32>
    %get3A_24 = arith.constant 0 : index
    %get3A_25 = arith.constant 0 : index
    %get3A_26 = vector.load %arg6[%get3A_24, %get3A_25] : memref<16x64xf32, #tpu.memory_space<vmem>>, vector<16x64xf32>
    %dot_general3A_27 = arith.constant dense<0.000000e+00> : vector<3200x64xf32>
    %dot_general3A_28 = tpu.matmul %get3A_23, %get3A_26, %dot_general3A_27 {dimension_numbers = #tpu.dot_dimension_numbers<[1], [0], [0], [1], [0, 0, 1, 1], [], []>, transpose_lhs_hint = false} : vector<3200x16xf32>, vector<16x64xf32>, vector<3200x64xf32> -> vector<3200x64xf32>
    %get3A_29 = arith.constant 0 : index
    %get3A_30 = arith.constant 0 : index
    %get3A_31 = vector.load %arg7[%get3A_29, %get3A_30] : memref<16x64xf32, #tpu.memory_space<vmem>>, vector<16x64xf32>
    %dot_general3A_32 = arith.constant dense<0.000000e+00> : vector<3200x64xf32>
    %dot_general3A_33 = tpu.matmul %div3A_8, %get3A_31, %dot_general3A_32 {dimension_numbers = #tpu.dot_dimension_numbers<[1], [0], [0], [1], [0, 0, 1, 1], [], []>, transpose_lhs_hint = false} : vector<3200x16xf32>, vector<16x64xf32>, vector<3200x64xf32> -> vector<3200x64xf32>
    %add3A_34 = arith.addf %dot_general3A_28, %dot_general3A_33 : vector<3200x64xf32>
    %dot_general3A_35 = arith.constant dense<0.000000e+00> : vector<3200x64xf32>
    %dot_general3A_36 = tpu.matmul %convert_element_type3A_13, %dot_general3A_20, %dot_general3A_35 {dimension_numbers = #tpu.dot_dimension_numbers<[1], [0], [0], [1], [0, 0, 1, 1], [], []>, transpose_lhs_hint = false} : vector<3200x32xf32>, vector<32x64xf32>, vector<3200x64xf32> -> vector<3200x64xf32>
    %add3A_37 = arith.addf %add3A_34, %dot_general3A_36 : vector<3200x64xf32>
    %get3A_38 = arith.constant 0 : index
    %get3A_39 = arith.constant 0 : index
    %get3A_40 = vector.load %arg9[%get3A_38, %get3A_39] : memref<1x64xf32, #tpu.memory_space<vmem>>, vector<1x64xf32>
    %add3A_41 = vector.broadcast %get3A_40 : vector<1x64xf32> to vector<3200x64xf32>
    %add3A_42 = arith.addf %add3A_37, %add3A_41 : vector<3200x64xf32>
    %max3A_43 = arith.constant 0.000000e+00 : f32
    %max3A_44 = vector.broadcast %max3A_43 : f32 to vector<3200x64xf32>
    %max3A_45 = arith.maximumf %add3A_42, %max3A_44 : vector<3200x64xf32>
    %get3A_46 = arith.constant 0 : index
    %get3A_47 = arith.constant 0 : index
    %get3A_48 = vector.load %arg10[%get3A_46, %get3A_47] : memref<64x16xf32, #tpu.memory_space<vmem>>, vector<64x16xf32>
    %dot_general3A_49 = arith.constant dense<0.000000e+00> : vector<3200x16xf32>
    %dot_general3A_50 = tpu.matmul %max3A_45, %get3A_48, %dot_general3A_49 {dimension_numbers = #tpu.dot_dimension_numbers<[1], [0], [0], [1], [0, 0, 1, 1], [], []>, transpose_lhs_hint = false} : vector<3200x64xf32>, vector<64x16xf32>, vector<3200x16xf32> -> vector<3200x16xf32>
    %get3A_51 = arith.constant 0 : index
    %get3A_52 = arith.constant 0 : index
    %get3A_53 = vector.load %arg11[%get3A_51, %get3A_52] : memref<1x16xf32, #tpu.memory_space<vmem>>, vector<1x16xf32>
    %add3A_54 = vector.broadcast %get3A_53 : vector<1x16xf32> to vector<3200x16xf32>
    %add3A_55 = arith.addf %dot_general3A_50, %add3A_54 : vector<3200x16xf32>
    %max3A_56 = arith.constant 0.000000e+00 : f32
    %max3A_57 = vector.broadcast %max3A_56 : f32 to vector<3200x16xf32>
    %max3A_58 = arith.maximumf %add3A_55, %max3A_57 : vector<3200x16xf32>
    %swap3A = arith.constant 0 : index
    %swap3A_59 = arith.constant 0 : index
    %swap3A_60 = vector.load %arg17[%swap3A, %swap3A_59] : memref<3200x16xf32, #tpu.memory_space<vmem>>, vector<3200x16xf32>
    tpu.vector_store %arg17[%swap3A, %swap3A_59], %max3A_58 {strides = array<i32>} : memref<3200x16xf32, #tpu.memory_space<vmem>>, vector<3200x16xf32>,
    %iota3A_61 = tpu.iota {dimensions = array<i32: 0>} : vector<32x3200xi32>
    %get3A_62 = arith.constant 0 : index
    %get3A_63 = arith.constant 0 : index
    %get3A_64 = vector.load %arg4[%get3A_62, %get3A_63] : memref<8x3200xi32, #tpu.memory_space<vmem>>, vector<1x3200xi32>
    %eq3A_65 = vector.broadcast %get3A_64 : vector<1x3200xi32> to vector<32x3200xi32>
    %eq3A_66 = arith.cmpi eq, %iota3A_61, %eq3A_65 : vector<32x3200xi32>
    %convert_element_type3A_67 = arith.extui %eq3A_66 : vector<32x3200xi1> to vector<32x3200xi32>
    %convert_element_type3A_68 = arith.sitofp %convert_element_type3A_67 : vector<32x3200xi32> to vector<32x3200xf32>
    %eq3A_69 = arith.constant 0 : i32
    %eq3A_70 = arith.cmpi eq, %arg0, %eq3A_69 : i32
    %convert_element_type3A_71 = arith.extui %eq3A_70 : i1 to i32
    %cond3A = arith.constant 0 : i32
    %cond3A_72 = arith.cmpi ne, %convert_element_type3A_71, %cond3A : i32
    scf.if %cond3A_72 {
      %broadcast_in_dim3A_95 = arith.constant 0.000000e+00 : f32
      %broadcast_in_dim3A_96 = vector.broadcast %broadcast_in_dim3A_95 : f32 to vector<32x16xf32>
      %swap3A_97 = arith.constant 0 : index
      %swap3A_98 = arith.constant 0 : index
      %swap3A_99 = vector.load %arg19[%swap3A_97, %swap3A_98] : memref<32x16xf32, #tpu.memory_space<vmem>>, vector<32x16xf32>
      tpu.vector_store %arg19[%swap3A_97, %swap3A_98], %broadcast_in_dim3A_96 {strides = array<i32>} : memref<32x16xf32, #tpu.memory_space<vmem>>, vector<32x16xf32>,
      %broadcast_in_dim3A_100 = arith.constant 0.000000e+00 : f32
      %broadcast_in_dim3A_101 = vector.broadcast %broadcast_in_dim3A_100 : f32 to vector<32x1xf32>
      %swap3A_102 = arith.constant 0 : index
      %swap3A_103 = arith.constant 0 : index
      %swap3A_104 = vector.load %arg20[%swap3A_102, %swap3A_103] : memref<32x1xf32, #tpu.memory_space<vmem>>, vector<32x1xf32>
      tpu.vector_store %arg20[%swap3A_102, %swap3A_103], %broadcast_in_dim3A_101 {strides = array<i32>} : memref<32x1xf32, #tpu.memory_space<vmem>>, vector<32x1xf32>,
    } else {
    }
    %get3A_73 = arith.constant 0 : index
    %get3A_74 = arith.constant 0 : index
    %get3A_75 = vector.load %arg19[%get3A_73, %get3A_74] : memref<32x16xf32, #tpu.memory_space<vmem>>, vector<32x16xf32>
    %dot_general3A_76 = arith.constant dense<0.000000e+00> : vector<32x16xf32>
    %dot_general3A_77 = tpu.matmul %convert_element_type3A_68, %add3A_55, %dot_general3A_76 {dimension_numbers = #tpu.dot_dimension_numbers<[1], [0], [0], [1], [0, 0, 1, 1], [], []>, transpose_lhs_hint = false} : vector<32x3200xf32>, vector<3200x16xf32>, vector<32x16xf32> -> vector<32x16xf32>
    %add3A_78 = arith.addf %get3A_75, %dot_general3A_77 : vector<32x16xf32>
    %swap3A_79 = arith.constant 0 : index
    %swap3A_80 = arith.constant 0 : index
    %swap3A_81 = vector.load %arg19[%swap3A_79, %swap3A_80] : memref<32x16xf32, #tpu.memory_space<vmem>>, vector<32x16xf32>
    tpu.vector_store %arg19[%swap3A_79, %swap3A_80], %add3A_78 {strides = array<i32>} : memref<32x16xf32, #tpu.memory_space<vmem>>, vector<32x16xf32>,
    %get3A_82 = arith.constant 0 : index
    %get3A_83 = arith.constant 0 : index
    %get3A_84 = vector.load %arg20[%get3A_82, %get3A_83] : memref<32x1xf32, #tpu.memory_space<vmem>>, vector<32x1xf32>
    %reduce_sum3A = arith.constant dense<0.000000e+00> : vector<32xf32>
    %reduce_sum3A_85 = vector.multi_reduction <add>, %convert_element_type3A_68, %reduce_sum3A [1] : vector<32x3200xf32> to vector<32xf32>
    %broadcast_in_dim3A = vector.shape_cast %reduce_sum3A_85 : vector<32xf32> to vector<32x1xf32>
    %add3A_86 = arith.addf %get3A_84, %broadcast_in_dim3A : vector<32x1xf32>
    %swap3A_87 = arith.constant 0 : index
    %swap3A_88 = arith.constant 0 : index
    %swap3A_89 = vector.load %arg20[%swap3A_87, %swap3A_88] : memref<32x1xf32, #tpu.memory_space<vmem>>, vector<32x1xf32>
    tpu.vector_store %arg20[%swap3A_87, %swap3A_88], %add3A_86 {strides = array<i32>} : memref<32x1xf32, #tpu.memory_space<vmem>>, vector<32x1xf32>,
    %eq3A_90 = arith.constant 9 : i32
    %eq3A_91 = arith.cmpi eq, %arg0, %eq3A_90 : i32
    %convert_element_type3A_92 = arith.extui %eq3A_91 : i1 to i32
    %cond3A_93 = arith.constant 0 : i32
    %cond3A_94 = arith.cmpi ne, %convert_element_type3A_92, %cond3A_93 : i32
    scf.if %cond3A_94 {
      %get3A_95 = arith.constant 0 : index
      %get3A_96 = arith.constant 0 : index
      %get3A_97 = vector.load %arg19[%get3A_95, %get3A_96] : memref<32x16xf32, #tpu.memory_space<vmem>>, vector<32x16xf32>
      %get3A_98 = arith.constant 0 : index
      %get3A_99 = arith.constant 0 : index
      %get3A_100 = vector.load %arg20[%get3A_98, %get3A_99] : memref<32x1xf32, #tpu.memory_space<vmem>>, vector<32x1xf32>
      %max3A_101 = arith.constant 1.000000e+00 : f32
      %max3A_102 = vector.broadcast %max3A_101 : f32 to vector<32x1xf32>
      %max3A_103 = arith.maximumf %get3A_100, %max3A_102 : vector<32x1xf32>
      %div3A_104 = vector.broadcast %max3A_103 : vector<32x1xf32> to vector<32x16xf32>
      %div3A_105 = arith.divf %get3A_97, %div3A_104 : vector<32x16xf32>
      %get3A_106 = arith.constant 0 : index
      %get3A_107 = arith.constant 0 : index
      %get3A_108 = vector.load %arg5[%get3A_106, %get3A_107] : memref<32x32xf32, #tpu.memory_space<vmem>>, vector<32x32xf32>
      %get3A_109 = arith.constant 0 : index
      %get3A_110 = arith.constant 0 : index
      %get3A_111 = vector.load %arg12[%get3A_109, %get3A_110] : memref<32x64xf32, #tpu.memory_space<vmem>>, vector<32x64xf32>
      %dot_general3A_112 = arith.constant dense<0.000000e+00> : vector<32x64xf32>
      %dot_general3A_113 = tpu.matmul %get3A_108, %get3A_111, %dot_general3A_112 {dimension_numbers = #tpu.dot_dimension_numbers<[1], [0], [0], [1], [0, 0, 1, 1], [], []>, transpose_lhs_hint = false} : vector<32x32xf32>, vector<32x64xf32>, vector<32x64xf32> -> vector<32x64xf32>
      %get3A_114 = arith.constant 0 : index
      %get3A_115 = arith.constant 0 : index
      %get3A_116 = vector.load %arg13[%get3A_114, %get3A_115] : memref<16x64xf32, #tpu.memory_space<vmem>>, vector<16x64xf32>
      %dot_general3A_117 = arith.constant dense<0.000000e+00> : vector<32x64xf32>
      %dot_general3A_118 = tpu.matmul %div3A_105, %get3A_116, %dot_general3A_117 {dimension_numbers = #tpu.dot_dimension_numbers<[1], [0], [0], [1], [0, 0, 1, 1], [], []>, transpose_lhs_hint = false} : vector<32x16xf32>, vector<16x64xf32>, vector<32x64xf32> -> vector<32x64xf32>
      %add3A_119 = arith.addf %dot_general3A_113, %dot_general3A_118 : vector<32x64xf32>
      %get3A_120 = arith.constant 0 : index
      %get3A_121 = arith.constant 0 : index
      %get3A_122 = vector.load %arg14[%get3A_120, %get3A_121] : memref<1x64xf32, #tpu.memory_space<vmem>>, vector<1x64xf32>
      %add3A_123 = vector.broadcast %get3A_122 : vector<1x64xf32> to vector<32x64xf32>
      %add3A_124 = arith.addf %add3A_119, %add3A_123 : vector<32x64xf32>
      %max3A_125 = arith.constant 0.000000e+00 : f32
      %max3A_126 = vector.broadcast %max3A_125 : f32 to vector<32x64xf32>
      %max3A_127 = arith.maximumf %add3A_124, %max3A_126 : vector<32x64xf32>
      %get3A_128 = arith.constant 0 : index
      %get3A_129 = arith.constant 0 : index
      %get3A_130 = vector.load %arg15[%get3A_128, %get3A_129] : memref<64x32xf32, #tpu.memory_space<vmem>>, vector<64x32xf32>
      %dot_general3A_131 = arith.constant dense<0.000000e+00> : vector<32x32xf32>
      %dot_general3A_132 = tpu.matmul %max3A_127, %get3A_130, %dot_general3A_131 {dimension_numbers = #tpu.dot_dimension_numbers<[1], [0], [0], [1], [0, 0, 1, 1], [], []>, transpose_lhs_hint = false} : vector<32x64xf32>, vector<64x32xf32>, vector<32x32xf32> -> vector<32x32xf32>
      %get3A_133 = arith.constant 0 : index
      %get3A_134 = arith.constant 0 : index
      %get3A_135 = vector.load %arg16[%get3A_133, %get3A_134] : memref<1x32xf32, #tpu.memory_space<vmem>>, vector<1x32xf32>
      %add3A_136 = vector.broadcast %get3A_135 : vector<1x32xf32> to vector<32x32xf32>
      %add3A_137 = arith.addf %dot_general3A_132, %add3A_136 : vector<32x32xf32>
      %max3A_138 = arith.constant 0.000000e+00 : f32
      %max3A_139 = vector.broadcast %max3A_138 : f32 to vector<32x32xf32>
      %max3A_140 = arith.maximumf %add3A_137, %max3A_139 : vector<32x32xf32>
      %swap3A_141 = arith.constant 0 : index
      %swap3A_142 = arith.constant 0 : index
      %swap3A_143 = vector.load %arg18[%swap3A_141, %swap3A_142] : memref<32x32xf32, #tpu.memory_space<vmem>>, vector<32x32xf32>
      tpu.vector_store %arg18[%swap3A_141, %swap3A_142], %max3A_140 {strides = array<i32>} : memref<32x32xf32, #tpu.memory_space<vmem>>, vector<32x32xf32>,
    } else {
    }
    return
  }
  func.func @transform_0(%arg0: i32) -> (i32, i32) {
    %c0_i32 = arith.constant 0 : i32
    %c0_i32_0 = arith.constant 0 : i32
    return %arg0, %c0_i32 : i32, i32
  }
  func.func @transform_1(%arg0: i32) -> (i32, i32, i32) {
    %c0_i32 = arith.constant 0 : i32
    %c0_i32_0 = arith.constant 0 : i32
    %c0_i32_1 = arith.constant 0 : i32
    return %c0_i32, %arg0, %c0_i32_0 : i32, i32, i32
  }
  func.func @transform_2(%arg0: i32) -> (i32, i32) {
    %c0_i32 = arith.constant 0 : i32
    %c0_i32_0 = arith.constant 0 : i32
    return %arg0, %c0_i32 : i32, i32
  }
  func.func @transform_3(%arg0: i32) -> (i32, i32) {
    %c0_i32 = arith.constant 0 : i32
    %c0_i32_0 = arith.constant 0 : i32
    return %c0_i32, %arg0 : i32, i32
  }
  func.func @transform_4(%arg0: i32) -> (i32, i32) {
    %c0_i32 = arith.constant 0 : i32
    %c0_i32_0 = arith.constant 0 : i32
    %c0_i32_1 = arith.constant 0 : i32
    return %c0_i32, %c0_i32_0 : i32, i32
  }
  func.func @transform_5(%arg0: i32) -> (i32, i32) {
    %c0_i32 = arith.constant 0 : i32
    %c0_i32_0 = arith.constant 0 : i32
    %c0_i32_1 = arith.constant 0 : i32
    return %c0_i32, %c0_i32_0 : i32, i32
  }
  func.func @transform_6(%arg0: i32) -> (i32, i32) {
    %c0_i32 = arith.constant 0 : i32
    %c0_i32_0 = arith.constant 0 : i32
    %c0_i32_1 = arith.constant 0 : i32
    return %c0_i32, %c0_i32_0 : i32, i32
  }
  func.func @transform_7(%arg0: i32) -> (i32, i32) {
    %c0_i32 = arith.constant 0 : i32
    %c0_i32_0 = arith.constant 0 : i32
    %c0_i32_1 = arith.constant 0 : i32
    return %c0_i32, %c0_i32_0 : i32, i32
  }
  func.func @transform_8(%arg0: i32) -> (i32, i32) {
    %c0_i32 = arith.constant 0 : i32
    %c0_i32_0 = arith.constant 0 : i32
    %c0_i32_1 = arith.constant 0 : i32
    return %c0_i32, %c0_i32_0 : i32, i32
  }
  func.func @transform_9(%arg0: i32) -> (i32, i32) {
    %c0_i32 = arith.constant 0 : i32
    %c0_i32_0 = arith.constant 0 : i32
    %c0_i32_1 = arith.constant 0 : i32
    return %c0_i32, %c0_i32_0 : i32, i32
  }
  func.func @transform_10(%arg0: i32) -> (i32, i32) {
    %c0_i32 = arith.constant 0 : i32
    %c0_i32_0 = arith.constant 0 : i32
    %c0_i32_1 = arith.constant 0 : i32
    return %c0_i32, %c0_i32_0 : i32, i32
  }
  func.func @transform_11(%arg0: i32) -> (i32, i32) {
    %c0_i32 = arith.constant 0 : i32
    %c0_i32_0 = arith.constant 0 : i32
    %c0_i32_1 = arith.constant 0 : i32
    return %c0_i32, %c0_i32_0 : i32, i32
  }
  func.func @transform_12(%arg0: i32) -> (i32, i32) {
    %c0_i32 = arith.constant 0 : i32
    %c0_i32_0 = arith.constant 0 : i32
    %c0_i32_1 = arith.constant 0 : i32
    return %c0_i32, %c0_i32_0 : i32, i32
  }
  func.func @transform_13(%arg0: i32) -> (i32, i32) {
    %c0_i32 = arith.constant 0 : i32
    %c0_i32_0 = arith.constant 0 : i32
    %c0_i32_1 = arith.constant 0 : i32
    return %c0_i32, %c0_i32_0 : i32, i32
  }
  func.func @transform_14(%arg0: i32) -> (i32, i32) {
    %c0_i32 = arith.constant 0 : i32
    %c0_i32_0 = arith.constant 0 : i32
    %c0_i32_1 = arith.constant 0 : i32
    return %c0_i32, %c0_i32_0 : i32, i32
  }
  func.func @transform_15(%arg0: i32) -> (i32, i32) {
    %c0_i32 = arith.constant 0 : i32
    %c0_i32_0 = arith.constant 0 : i32
    %c0_i32_1 = arith.constant 0 : i32
    return %c0_i32, %c0_i32_0 : i32, i32
  }
  func.func @transform_16(%arg0: i32) -> (i32, i32) {
    %c0_i32 = arith.constant 0 : i32
    %c0_i32_0 = arith.constant 0 : i32
    return %arg0, %c0_i32 : i32, i32
  }
  func.func @transform_17(%arg0: i32) -> (i32, i32) {
    %c0_i32 = arith.constant 0 : i32
    %c0_i32_0 = arith.constant 0 : i32
    %c0_i32_1 = arith.constant 0 : i32
    return %c0_i32, %c0_i32_0 : i32, i32
  }
}

module attributes {stable_mosaic.version = 14 : i64} {
  func.func @_uprep_body(%arg0: i32, %arg1: memref<32x32xf32, #tpu.memory_space<vmem>>, %arg2: memref<32x128xf32, #tpu.memory_space<vmem>>, %arg3: memref<256x32xf32, #tpu.memory_space<vmem>>, %arg4: memref<128x1024xf32, #tpu.memory_space<vmem>>, %arg5: memref<256x1024xf32, #tpu.memory_space<vmem>>, %arg6: memref<1x32xi32, #tpu.memory_space<vmem>>, %arg7: memref<1x32xi32, #tpu.memory_space<vmem>>, %arg8: memref<32x256xf32, #tpu.memory_space<vmem>>, %arg9: memref<256x1024xf32, #tpu.memory_space<vmem>>, %arg10: memref<1x256xf32, #tpu.memory_space<vmem>>, %arg11: memref<1x256xf32, #tpu.memory_space<vmem>>) attributes {dimension_semantics = [#tpu.dimension_semantics<arbitrary>], iteration_bounds = array<i64: 1>, scalar_prefetch = 0 : i64, scratch_operands = 0 : i64, tpu.core_type = #tpu.core_type<tc>, window_params = [{pipeline_mode = #tpu.pipeline_mode<synchronous>, transform_indices = @transform_0, window_bounds = array<i64: 32, 32>}, {pipeline_mode = #tpu.pipeline_mode<synchronous>, transform_indices = @transform_1, window_bounds = array<i64: 32, 128>}, {pipeline_mode = #tpu.pipeline_mode<synchronous>, transform_indices = @transform_2, window_bounds = array<i64: 256, 32>}, {pipeline_mode = #tpu.pipeline_mode<synchronous>, transform_indices = @transform_3, window_bounds = array<i64: 128, 1024>}, {pipeline_mode = #tpu.pipeline_mode<synchronous>, transform_indices = @transform_4, window_bounds = array<i64: 256, 1024>}, {pipeline_mode = #tpu.pipeline_mode<synchronous>, transform_indices = @transform_5, window_bounds = array<i64: 1, 32>}, {pipeline_mode = #tpu.pipeline_mode<synchronous>, transform_indices = @transform_6, window_bounds = array<i64: 1, 32>}, {pipeline_mode = #tpu.pipeline_mode<synchronous>, transform_indices = @transform_7, window_bounds = array<i64: 32, 256>}, {pipeline_mode = #tpu.pipeline_mode<synchronous>, transform_indices = @transform_8, window_bounds = array<i64: 256, 1024>}, {pipeline_mode = #tpu.pipeline_mode<synchronous>, transform_indices = @transform_9, window_bounds = array<i64: 1, 256>}, {pipeline_mode = #tpu.pipeline_mode<synchronous>, transform_indices = @transform_10, window_bounds = array<i64: 1, 256>}]} {
    %get3A = arith.constant 0 : index
    %get3A_0 = arith.constant 0 : index
    %get3A_1 = vector.load %arg1[%get3A, %get3A_0] : memref<32x32xf32, #tpu.memory_space<vmem>>, vector<32x32xf32>
    %get3A_2 = arith.constant 0 : index
    %get3A_3 = arith.constant 0 : index
    %get3A_4 = vector.load %arg2[%get3A_2, %get3A_3] : memref<32x128xf32, #tpu.memory_space<vmem>>, vector<32x128xf32>
    %dot_general3A = arith.constant dense<0.000000e+00> : vector<32x128xf32>
    %dot_general3A_5 = tpu.matmul %get3A_1, %get3A_4, %dot_general3A {dimension_numbers = #tpu.dot_dimension_numbers<[1], [0], [0], [1], [0, 0, 1, 1], [], []>, transpose_lhs_hint = false} : vector<32x32xf32>, vector<32x128xf32>, vector<32x128xf32> -> vector<32x128xf32>
    %get3A_6 = arith.constant 0 : index
    %get3A_7 = arith.constant 0 : index
    %get3A_8 = vector.load %arg3[%get3A_6, %get3A_7] : memref<256x32xf32, #tpu.memory_space<vmem>>, vector<256x32xf32>
    %dot_general3A_9 = arith.constant dense<0.000000e+00> : vector<256x128xf32>
    %dot_general3A_10 = tpu.matmul %get3A_8, %dot_general3A_5, %dot_general3A_9 {dimension_numbers = #tpu.dot_dimension_numbers<[1], [0], [0], [1], [0, 0, 1, 1], [], []>, transpose_lhs_hint = false} : vector<256x32xf32>, vector<32x128xf32>, vector<256x128xf32> -> vector<256x128xf32>
    %get3A_11 = arith.constant 0 : index
    %get3A_12 = arith.constant 0 : index
    %get3A_13 = vector.load %arg4[%get3A_11, %get3A_12] : memref<128x1024xf32, #tpu.memory_space<vmem>>, vector<128x1024xf32>
    %dot_general3A_14 = arith.constant dense<0.000000e+00> : vector<256x1024xf32>
    %dot_general3A_15 = tpu.matmul %dot_general3A_10, %get3A_13, %dot_general3A_14 {dimension_numbers = #tpu.dot_dimension_numbers<[1], [0], [0], [1], [0, 0, 1, 1], [], []>, transpose_lhs_hint = false} : vector<256x128xf32>, vector<128x1024xf32>, vector<256x1024xf32> -> vector<256x1024xf32>
    %get3A_16 = arith.constant 0 : index
    %get3A_17 = arith.constant 0 : index
    %get3A_18 = vector.load %arg5[%get3A_16, %get3A_17] : memref<256x1024xf32, #tpu.memory_space<vmem>>, vector<256x1024xf32>
    %mul3A = arith.mulf %dot_general3A_15, %get3A_18 : vector<256x1024xf32>
    %swap3A = arith.constant 0 : index
    %swap3A_19 = arith.constant 0 : index
    %swap3A_20 = vector.load %arg9[%swap3A, %swap3A_19] : memref<256x1024xf32, #tpu.memory_space<vmem>>, vector<256x1024xf32>
    tpu.vector_store %arg9[%swap3A, %swap3A_19], %mul3A {strides = array<i32>} : memref<256x1024xf32, #tpu.memory_space<vmem>>, vector<256x1024xf32>,
    %get3A_21 = arith.constant 0 : index
    %get3A_22 = arith.constant 0 : index
    %get3A_23 = vector.load %arg6[%get3A_21, %get3A_22] : memref<1x32xi32, #tpu.memory_space<vmem>>, vector<1x32xi32>
    %convert_element_type3A = arith.sitofp %get3A_23 : vector<1x32xi32> to vector<1x32xf32>
    %get3A_24 = arith.constant 0 : index
    %get3A_25 = arith.constant 0 : index
    %get3A_26 = vector.load %arg8[%get3A_24, %get3A_25] : memref<32x256xf32, #tpu.memory_space<vmem>>, vector<32x256xf32>
    %dot_general3A_27 = arith.constant dense<0.000000e+00> : vector<1x256xf32>
    %dot_general3A_28 = tpu.matmul %convert_element_type3A, %get3A_26, %dot_general3A_27 {dimension_numbers = #tpu.dot_dimension_numbers<[1], [0], [0], [1], [0, 0, 1, 1], [], []>, transpose_lhs_hint = false} : vector<1x32xf32>, vector<32x256xf32>, vector<1x256xf32> -> vector<1x256xf32>
    %swap3A_29 = arith.constant 0 : index
    %swap3A_30 = arith.constant 0 : index
    %swap3A_31 = vector.load %arg10[%swap3A_29, %swap3A_30] : memref<1x256xf32, #tpu.memory_space<vmem>>, vector<1x256xf32>
    tpu.vector_store %arg10[%swap3A_29, %swap3A_30], %dot_general3A_28 {strides = array<i32>} : memref<1x256xf32, #tpu.memory_space<vmem>>, vector<1x256xf32>,
    %get3A_32 = arith.constant 0 : index
    %get3A_33 = arith.constant 0 : index
    %get3A_34 = vector.load %arg7[%get3A_32, %get3A_33] : memref<1x32xi32, #tpu.memory_space<vmem>>, vector<1x32xi32>
    %convert_element_type3A_35 = arith.sitofp %get3A_34 : vector<1x32xi32> to vector<1x32xf32>
    %get3A_36 = arith.constant 0 : index
    %get3A_37 = arith.constant 0 : index
    %get3A_38 = vector.load %arg8[%get3A_36, %get3A_37] : memref<32x256xf32, #tpu.memory_space<vmem>>, vector<32x256xf32>
    %dot_general3A_39 = arith.constant dense<0.000000e+00> : vector<1x256xf32>
    %dot_general3A_40 = tpu.matmul %convert_element_type3A_35, %get3A_38, %dot_general3A_39 {dimension_numbers = #tpu.dot_dimension_numbers<[1], [0], [0], [1], [0, 0, 1, 1], [], []>, transpose_lhs_hint = false} : vector<1x32xf32>, vector<32x256xf32>, vector<1x256xf32> -> vector<1x256xf32>
    %swap3A_41 = arith.constant 0 : index
    %swap3A_42 = arith.constant 0 : index
    %swap3A_43 = vector.load %arg11[%swap3A_41, %swap3A_42] : memref<1x256xf32, #tpu.memory_space<vmem>>, vector<1x256xf32>
    tpu.vector_store %arg11[%swap3A_41, %swap3A_42], %dot_general3A_40 {strides = array<i32>} : memref<1x256xf32, #tpu.memory_space<vmem>>, vector<1x256xf32>,
    return
  }
  func.func @transform_0(%arg0: i32) -> (i32, i32) {
    %c0_i32 = arith.constant 0 : i32
    %c0_i32_0 = arith.constant 0 : i32
    %c0_i32_1 = arith.constant 0 : i32
    return %c0_i32, %c0_i32_0 : i32, i32
  }
  func.func @transform_1(%arg0: i32) -> (i32, i32) {
    %c0_i32 = arith.constant 0 : i32
    %c0_i32_0 = arith.constant 0 : i32
    %c0_i32_1 = arith.constant 0 : i32
    return %c0_i32, %c0_i32_0 : i32, i32
  }
  func.func @transform_2(%arg0: i32) -> (i32, i32) {
    %c0_i32 = arith.constant 0 : i32
    %c0_i32_0 = arith.constant 0 : i32
    %c0_i32_1 = arith.constant 0 : i32
    return %c0_i32, %c0_i32_0 : i32, i32
  }
  func.func @transform_3(%arg0: i32) -> (i32, i32) {
    %c0_i32 = arith.constant 0 : i32
    %c0_i32_0 = arith.constant 0 : i32
    %c0_i32_1 = arith.constant 0 : i32
    return %c0_i32, %c0_i32_0 : i32, i32
  }
  func.func @transform_4(%arg0: i32) -> (i32, i32) {
    %c0_i32 = arith.constant 0 : i32
    %c0_i32_0 = arith.constant 0 : i32
    %c0_i32_1 = arith.constant 0 : i32
    return %c0_i32, %c0_i32_0 : i32, i32
  }
  func.func @transform_5(%arg0: i32) -> (i32, i32) {
    %c0_i32 = arith.constant 0 : i32
    %c0_i32_0 = arith.constant 0 : i32
    %c0_i32_1 = arith.constant 0 : i32
    return %c0_i32, %c0_i32_0 : i32, i32
  }
  func.func @transform_6(%arg0: i32) -> (i32, i32) {
    %c0_i32 = arith.constant 0 : i32
    %c0_i32_0 = arith.constant 0 : i32
    %c0_i32_1 = arith.constant 0 : i32
    return %c0_i32, %c0_i32_0 : i32, i32
  }
  func.func @transform_7(%arg0: i32) -> (i32, i32) {
    %c0_i32 = arith.constant 0 : i32
    %c0_i32_0 = arith.constant 0 : i32
    %c0_i32_1 = arith.constant 0 : i32
    return %c0_i32, %c0_i32_0 : i32, i32
  }
  func.func @transform_8(%arg0: i32) -> (i32, i32) {
    %c0_i32 = arith.constant 0 : i32
    %c0_i32_0 = arith.constant 0 : i32
    %c0_i32_1 = arith.constant 0 : i32
    return %c0_i32, %c0_i32_0 : i32, i32
  }
  func.func @transform_9(%arg0: i32) -> (i32, i32) {
    %c0_i32 = arith.constant 0 : i32
    %c0_i32_0 = arith.constant 0 : i32
    %c0_i32_1 = arith.constant 0 : i32
    return %c0_i32, %c0_i32_0 : i32, i32
  }
  func.func @transform_10(%arg0: i32) -> (i32, i32) {
    %c0_i32 = arith.constant 0 : i32
    %c0_i32_0 = arith.constant 0 : i32
    %c0_i32_1 = arith.constant 0 : i32
    return %c0_i32, %c0_i32_0 : i32, i32
  }
}

module attributes {stable_mosaic.version = 14 : i64} {
  func.func @_edge23_body(%arg0: i32, %arg1: memref<2x1024x128xf32, #tpu.memory_space<vmem>>, %arg2: memref<1024x128xf32, #tpu.memory_space<vmem>>, %arg3: memref<1024x8xf32, #tpu.memory_space<vmem>>, %arg4: memref<256x1024xf32, #tpu.memory_space<vmem>>, %arg5: memref<1x256xf32, #tpu.memory_space<vmem>>, %arg6: memref<1x256xf32, #tpu.memory_space<vmem>>, %arg7: memref<8x256xf32, #tpu.memory_space<vmem>>, %arg8: memref<256x1024xf32, #tpu.memory_space<vmem>>, %arg9: memref<128x1024xf32, #tpu.memory_space<vmem>>, %arg10: memref<1x1024xf32, #tpu.memory_space<vmem>>, %arg11: memref<1024x128xf32, #tpu.memory_space<vmem>>, %arg12: memref<1x128xf32, #tpu.memory_space<vmem>>, %arg13: memref<1024x128xf32, #tpu.memory_space<vmem>>) attributes {dimension_semantics = [#tpu.dimension_semantics<arbitrary>], iteration_bounds = array<i64: 125>, scalar_prefetch = 0 : i64, scratch_operands = 0 : i64, tpu.core_type = #tpu.core_type<tc>, window_params = [{transform_indices = @transform_0, window_bounds = array<i64: 2, 1024, 128>}, {transform_indices = @transform_1, window_bounds = array<i64: 1024, 128>}, {transform_indices = @transform_2, window_bounds = array<i64: 1024, 8>}, {pipeline_mode = #tpu.pipeline_mode<synchronous>, transform_indices = @transform_3, window_bounds = array<i64: 256, 1024>}, {pipeline_mode = #tpu.pipeline_mode<synchronous>, transform_indices = @transform_4, window_bounds = array<i64: 1, 256>}, {pipeline_mode = #tpu.pipeline_mode<synchronous>, transform_indices = @transform_5, window_bounds = array<i64: 1, 256>}, {pipeline_mode = #tpu.pipeline_mode<synchronous>, transform_indices = @transform_6, window_bounds = array<i64: 8, 256>}, {pipeline_mode = #tpu.pipeline_mode<synchronous>, transform_indices = @transform_7, window_bounds = array<i64: 256, 1024>}, {pipeline_mode = #tpu.pipeline_mode<synchronous>, transform_indices = @transform_8, window_bounds = array<i64: 128, 1024>}, {pipeline_mode = #tpu.pipeline_mode<synchronous>, transform_indices = @transform_9, window_bounds = array<i64: 1, 1024>}, {pipeline_mode = #tpu.pipeline_mode<synchronous>, transform_indices = @transform_10, window_bounds = array<i64: 1024, 128>}, {pipeline_mode = #tpu.pipeline_mode<synchronous>, transform_indices = @transform_11, window_bounds = array<i64: 1, 128>}, {transform_indices = @transform_12, window_bounds = array<i64: 1024, 128>}]} {
    %get3A = arith.constant 0 : index
    %get3A_0 = arith.constant 0 : index
    %get3A_1 = arith.constant 0 : index
    %get3A_2 = vector.load %arg1[%get3A, %get3A_0, %get3A_1] : memref<2x1024x128xf32, #tpu.memory_space<vmem>>, vector<2x1024x128xf32>
    %slice3A = vector.extract_strided_slice %get3A_2 {offsets = [0, 0, 0], sizes = [1, 1024, 128], strides = [1, 1, 1]} : vector<2x1024x128xf32> to vector<1x1024x128xf32>
    %squeeze3A = vector.shape_cast %slice3A : vector<1x1024x128xf32> to vector<1024x128xf32>
    %slice3A_3 = vector.extract_strided_slice %get3A_2 {offsets = [1, 0, 0], sizes = [1, 1024, 128], strides = [1, 1, 1]} : vector<2x1024x128xf32> to vector<1x1024x128xf32>
    %squeeze3A_4 = vector.shape_cast %slice3A_3 : vector<1x1024x128xf32> to vector<1024x128xf32>
    %concatenate3A = tpu.concatenate %squeeze3A, %squeeze3A_4 in 1 : vector<1024x128xf32>, vector<1024x128xf32> -> vector<1024x256xf32>
    %get3A_5 = arith.constant 0 : index
    %get3A_6 = arith.constant 0 : index
    %get3A_7 = vector.load %arg3[%get3A_5, %get3A_6] : memref<1024x8xf32, #tpu.memory_space<vmem>>, vector<1024x8xf32>
    %get3A_8 = arith.constant 0 : index
    %get3A_9 = arith.constant 0 : index
    %get3A_10 = vector.load %arg7[%get3A_8, %get3A_9] : memref<8x256xf32, #tpu.memory_space<vmem>>, vector<8x256xf32>
    %dot_general3A = arith.constant dense<0.000000e+00> : vector<1024x256xf32>
    %dot_general3A_11 = tpu.matmul %get3A_7, %get3A_10, %dot_general3A {dimension_numbers = #tpu.dot_dimension_numbers<[1], [0], [0], [1], [0, 0, 1, 1], [], []>, transpose_lhs_hint = false} : vector<1024x8xf32>, vector<8x256xf32>, vector<1024x256xf32> -> vector<1024x256xf32>
    %get3A_12 = arith.constant 0 : index
    %get3A_13 = arith.constant 0 : index
    %get3A_14 = vector.load %arg5[%get3A_12, %get3A_13] : memref<1x256xf32, #tpu.memory_space<vmem>>, vector<1x256xf32>
    %ge3A = vector.broadcast %get3A_14 : vector<1x256xf32> to vector<1024x256xf32>
    %ge3A_15 = arith.cmpf oge, %dot_general3A_11, %ge3A : vector<1024x256xf32>
    %get3A_16 = arith.constant 0 : index
    %get3A_17 = arith.constant 0 : index
    %get3A_18 = vector.load %arg6[%get3A_16, %get3A_17] : memref<1x256xf32, #tpu.memory_space<vmem>>, vector<1x256xf32>
    %lt3A = vector.broadcast %get3A_18 : vector<1x256xf32> to vector<1024x256xf32>
    %lt3A_19 = arith.cmpf olt, %dot_general3A_11, %lt3A : vector<1024x256xf32>
    %and3A = arith.andi %ge3A_15, %lt3A_19 : vector<1024x256xi1>
    %convert_element_type3A = arith.extui %and3A : vector<1024x256xi1> to vector<1024x256xi32>
    %convert_element_type3A_20 = arith.sitofp %convert_element_type3A : vector<1024x256xi32> to vector<1024x256xf32>
    %get3A_21 = arith.constant 0 : index
    %get3A_22 = arith.constant 0 : index
    %get3A_23 = vector.load %arg2[%get3A_21, %get3A_22] : memref<1024x128xf32, #tpu.memory_space<vmem>>, vector<1024x128xf32>
    %max3A = arith.constant 0.000000e+00 : f32
    %max3A_24 = vector.broadcast %max3A : f32 to vector<1024x128xf32>
    %max3A_25 = arith.maximumf %get3A_23, %max3A_24 : vector<1024x128xf32>
    %get3A_26 = arith.constant 0 : index
    %get3A_27 = arith.constant 0 : index
    %get3A_28 = vector.load %arg8[%get3A_26, %get3A_27] : memref<256x1024xf32, #tpu.memory_space<vmem>>, vector<256x1024xf32>
    %dot_general3A_29 = arith.constant dense<0.000000e+00> : vector<1024x1024xf32>
    %dot_general3A_30 = tpu.matmul %concatenate3A, %get3A_28, %dot_general3A_29 {dimension_numbers = #tpu.dot_dimension_numbers<[1], [0], [0], [1], [0, 0, 1, 1], [], []>, transpose_lhs_hint = false} : vector<1024x256xf32>, vector<256x1024xf32>, vector<1024x1024xf32> -> vector<1024x1024xf32>
    %get3A_31 = arith.constant 0 : index
    %get3A_32 = arith.constant 0 : index
    %get3A_33 = vector.load %arg9[%get3A_31, %get3A_32] : memref<128x1024xf32, #tpu.memory_space<vmem>>, vector<128x1024xf32>
    %dot_general3A_34 = arith.constant dense<0.000000e+00> : vector<1024x1024xf32>
    %dot_general3A_35 = tpu.matmul %max3A_25, %get3A_33, %dot_general3A_34 {dimension_numbers = #tpu.dot_dimension_numbers<[1], [0], [0], [1], [0, 0, 1, 1], [], []>, transpose_lhs_hint = false} : vector<1024x128xf32>, vector<128x1024xf32>, vector<1024x1024xf32> -> vector<1024x1024xf32>
    %add3A = arith.addf %dot_general3A_30, %dot_general3A_35 : vector<1024x1024xf32>
    %get3A_36 = arith.constant 0 : index
    %get3A_37 = arith.constant 0 : index
    %get3A_38 = vector.load %arg4[%get3A_36, %get3A_37] : memref<256x1024xf32, #tpu.memory_space<vmem>>, vector<256x1024xf32>
    %dot_general3A_39 = arith.constant dense<0.000000e+00> : vector<1024x1024xf32>
    %dot_general3A_40 = tpu.matmul %convert_element_type3A_20, %get3A_38, %dot_general3A_39 {dimension_numbers = #tpu.dot_dimension_numbers<[1], [0], [0], [1], [0, 0, 1, 1], [], []>, transpose_lhs_hint = false} : vector<1024x256xf32>, vector<256x1024xf32>, vector<1024x1024xf32> -> vector<1024x1024xf32>
    %add3A_41 = arith.addf %add3A, %dot_general3A_40 : vector<1024x1024xf32>
    %get3A_42 = arith.constant 0 : index
    %get3A_43 = arith.constant 0 : index
    %get3A_44 = vector.load %arg10[%get3A_42, %get3A_43] : memref<1x1024xf32, #tpu.memory_space<vmem>>, vector<1x1024xf32>
    %add3A_45 = vector.broadcast %get3A_44 : vector<1x1024xf32> to vector<1024x1024xf32>
    %add3A_46 = arith.addf %add3A_41, %add3A_45 : vector<1024x1024xf32>
    %max3A_47 = arith.constant 0.000000e+00 : f32
    %max3A_48 = vector.broadcast %max3A_47 : f32 to vector<1024x1024xf32>
    %max3A_49 = arith.maximumf %add3A_46, %max3A_48 : vector<1024x1024xf32>
    %get3A_50 = arith.constant 0 : index
    %get3A_51 = arith.constant 0 : index
    %get3A_52 = vector.load %arg11[%get3A_50, %get3A_51] : memref<1024x128xf32, #tpu.memory_space<vmem>>, vector<1024x128xf32>
    %dot_general3A_53 = arith.constant dense<0.000000e+00> : vector<1024x128xf32>
    %dot_general3A_54 = tpu.matmul %max3A_49, %get3A_52, %dot_general3A_53 {dimension_numbers = #tpu.dot_dimension_numbers<[1], [0], [0], [1], [0, 0, 1, 1], [], []>, transpose_lhs_hint = false} : vector<1024x1024xf32>, vector<1024x128xf32>, vector<1024x128xf32> -> vector<1024x128xf32>
    %get3A_55 = arith.constant 0 : index
    %get3A_56 = arith.constant 0 : index
    %get3A_57 = vector.load %arg12[%get3A_55, %get3A_56] : memref<1x128xf32, #tpu.memory_space<vmem>>, vector<1x128xf32>
    %add3A_58 = vector.broadcast %get3A_57 : vector<1x128xf32> to vector<1024x128xf32>
    %add3A_59 = arith.addf %dot_general3A_54, %add3A_58 : vector<1024x128xf32>
    %swap3A = arith.constant 0 : index
    %swap3A_60 = arith.constant 0 : index
    %swap3A_61 = vector.load %arg13[%swap3A, %swap3A_60] : memref<1024x128xf32, #tpu.memory_space<vmem>>, vector<1024x128xf32>
    tpu.vector_store %arg13[%swap3A, %swap3A_60], %add3A_59 {strides = array<i32>} : memref<1024x128xf32, #tpu.memory_space<vmem>>, vector<1024x128xf32>,
    return
  }
  func.func @transform_0(%arg0: i32) -> (i32, i32, i32) {
    %c0_i32 = arith.constant 0 : i32
    %c0_i32_0 = arith.constant 0 : i32
    %c0_i32_1 = arith.constant 0 : i32
    return %c0_i32, %arg0, %c0_i32_0 : i32, i32, i32
  }
  func.func @transform_1(%arg0: i32) -> (i32, i32) {
    %c0_i32 = arith.constant 0 : i32
    %c0_i32_0 = arith.constant 0 : i32
    return %arg0, %c0_i32 : i32, i32
  }
  func.func @transform_2(%arg0: i32) -> (i32, i32) {
    %c0_i32 = arith.constant 0 : i32
    %c0_i32_0 = arith.constant 0 : i32
    return %arg0, %c0_i32 : i32, i32
  }
  func.func @transform_3(%arg0: i32) -> (i32, i32) {
    %c0_i32 = arith.constant 0 : i32
    %c0_i32_0 = arith.constant 0 : i32
    %c0_i32_1 = arith.constant 0 : i32
    return %c0_i32, %c0_i32_0 : i32, i32
  }
  func.func @transform_4(%arg0: i32) -> (i32, i32) {
    %c0_i32 = arith.constant 0 : i32
    %c0_i32_0 = arith.constant 0 : i32
    %c0_i32_1 = arith.constant 0 : i32
    return %c0_i32, %c0_i32_0 : i32, i32
  }
  func.func @transform_5(%arg0: i32) -> (i32, i32) {
    %c0_i32 = arith.constant 0 : i32
    %c0_i32_0 = arith.constant 0 : i32
    %c0_i32_1 = arith.constant 0 : i32
    return %c0_i32, %c0_i32_0 : i32, i32
  }
  func.func @transform_6(%arg0: i32) -> (i32, i32) {
    %c0_i32 = arith.constant 0 : i32
    %c0_i32_0 = arith.constant 0 : i32
    %c0_i32_1 = arith.constant 0 : i32
    return %c0_i32, %c0_i32_0 : i32, i32
  }
  func.func @transform_7(%arg0: i32) -> (i32, i32) {
    %c0_i32 = arith.constant 0 : i32
    %c0_i32_0 = arith.constant 0 : i32
    %c0_i32_1 = arith.constant 0 : i32
    return %c0_i32, %c0_i32_0 : i32, i32
  }
  func.func @transform_8(%arg0: i32) -> (i32, i32) {
    %c0_i32 = arith.constant 0 : i32
    %c0_i32_0 = arith.constant 0 : i32
    %c0_i32_1 = arith.constant 0 : i32
    return %c0_i32, %c0_i32_0 : i32, i32
  }
  func.func @transform_9(%arg0: i32) -> (i32, i32) {
    %c0_i32 = arith.constant 0 : i32
    %c0_i32_0 = arith.constant 0 : i32
    %c0_i32_1 = arith.constant 0 : i32
    return %c0_i32, %c0_i32_0 : i32, i32
  }
  func.func @transform_10(%arg0: i32) -> (i32, i32) {
    %c0_i32 = arith.constant 0 : i32
    %c0_i32_0 = arith.constant 0 : i32
    %c0_i32_1 = arith.constant 0 : i32
    return %c0_i32, %c0_i32_0 : i32, i32
  }
  func.func @transform_11(%arg0: i32) -> (i32, i32) {
    %c0_i32 = arith.constant 0 : i32
    %c0_i32_0 = arith.constant 0 : i32
    %c0_i32_1 = arith.constant 0 : i32
    return %c0_i32, %c0_i32_0 : i32, i32
  }
  func.func @transform_12(%arg0: i32) -> (i32, i32) {
    %c0_i32 = arith.constant 0 : i32
    %c0_i32_0 = arith.constant 0 : i32
    return %arg0, %c0_i32 : i32, i32
  }
}

module attributes {stable_mosaic.version = 14 : i64} {
  func.func @_node23_body(%arg0: i32, %arg1: memref<3200x16xf32, #tpu.memory_space<vmem>>, %arg2: memref<2x3200x16xf32, #tpu.memory_space<vmem>>, %arg3: memref<2x3200x16xf32, #tpu.memory_space<vmem>>, %arg4: memref<3200x1xi32, #tpu.memory_space<vmem>>, %arg5: memref<8x3200xi32, #tpu.memory_space<vmem>>, %arg6: memref<32x32xf32, #tpu.memory_space<vmem>>, %arg7: memref<16x64xf32, #tpu.memory_space<vmem>>, %arg8: memref<16x64xf32, #tpu.memory_space<vmem>>, %arg9: memref<32x64xf32, #tpu.memory_space<vmem>>, %arg10: memref<1x64xf32, #tpu.memory_space<vmem>>, %arg11: memref<64x16xf32, #tpu.memory_space<vmem>>, %arg12: memref<1x16xf32, #tpu.memory_space<vmem>>, %arg13: memref<16x64xf32, #tpu.memory_space<vmem>>, %arg14: memref<16x64xf32, #tpu.memory_space<vmem>>, %arg15: memref<32x64xf32, #tpu.memory_space<vmem>>, %arg16: memref<1x64xf32, #tpu.memory_space<vmem>>, %arg17: memref<64x16xf32, #tpu.memory_space<vmem>>, %arg18: memref<1x16xf32, #tpu.memory_space<vmem>>, %arg19: memref<32x64xf32, #tpu.memory_space<vmem>>, %arg20: memref<16x64xf32, #tpu.memory_space<vmem>>, %arg21: memref<1x64xf32, #tpu.memory_space<vmem>>, %arg22: memref<64x32xf32, #tpu.memory_space<vmem>>, %arg23: memref<1x32xf32, #tpu.memory_space<vmem>>, %arg24: memref<32x64xf32, #tpu.memory_space<vmem>>, %arg25: memref<16x64xf32, #tpu.memory_space<vmem>>, %arg26: memref<1x64xf32, #tpu.memory_space<vmem>>, %arg27: memref<64x32xf32, #tpu.memory_space<vmem>>, %arg28: memref<1x32xf32, #tpu.memory_space<vmem>>, %arg29: memref<32x32xf32, #tpu.memory_space<vmem>>, %arg30: memref<32x32xf32, #tpu.memory_space<vmem>>, %arg31: memref<32x16xf32, #tpu.memory_space<vmem>>, %arg32: memref<32x16xf32, #tpu.memory_space<vmem>>, %arg33: memref<32x1xf32, #tpu.memory_space<vmem>>) attributes {dimension_semantics = [#tpu.dimension_semantics<arbitrary>], iteration_bounds = array<i64: 10>, scalar_prefetch = 0 : i64, scratch_operands = 3 : i64, tpu.core_type = #tpu.core_type<tc>, window_params = [{transform_indices = @transform_0, window_bounds = array<i64: 3200, 16>}, {transform_indices = @transform_1, window_bounds = array<i64: 2, 3200, 16>}, {transform_indices = @transform_2, window_bounds = array<i64: 2, 3200, 16>}, {transform_indices = @transform_3, window_bounds = array<i64: 3200, 1>}, {transform_indices = @transform_4, window_bounds = array<i64: 8, 3200>}, {pipeline_mode = #tpu.pipeline_mode<synchronous>, transform_indices = @transform_5, window_bounds = array<i64: 32, 32>}, {pipeline_mode = #tpu.pipeline_mode<synchronous>, transform_indices = @transform_6, window_bounds = array<i64: 16, 64>}, {pipeline_mode = #tpu.pipeline_mode<synchronous>, transform_indices = @transform_7, window_bounds = array<i64: 16, 64>}, {pipeline_mode = #tpu.pipeline_mode<synchronous>, transform_indices = @transform_8, window_bounds = array<i64: 32, 64>}, {pipeline_mode = #tpu.pipeline_mode<synchronous>, transform_indices = @transform_9, window_bounds = array<i64: 1, 64>}, {pipeline_mode = #tpu.pipeline_mode<synchronous>, transform_indices = @transform_10, window_bounds = array<i64: 64, 16>}, {pipeline_mode = #tpu.pipeline_mode<synchronous>, transform_indices = @transform_11, window_bounds = array<i64: 1, 16>}, {pipeline_mode = #tpu.pipeline_mode<synchronous>, transform_indices = @transform_12, window_bounds = array<i64: 16, 64>}, {pipeline_mode = #tpu.pipeline_mode<synchronous>, transform_indices = @transform_13, window_bounds = array<i64: 16, 64>}, {pipeline_mode = #tpu.pipeline_mode<synchronous>, transform_indices = @transform_14, window_bounds = array<i64: 32, 64>}, {pipeline_mode = #tpu.pipeline_mode<synchronous>, transform_indices = @transform_15, window_bounds = array<i64: 1, 64>}, {pipeline_mode = #tpu.pipeline_mode<synchronous>, transform_indices = @transform_16, window_bounds = array<i64: 64, 16>}, {pipeline_mode = #tpu.pipeline_mode<synchronous>, transform_indices = @transform_17, window_bounds = array<i64: 1, 16>}, {pipeline_mode = #tpu.pipeline_mode<synchronous>, transform_indices = @transform_18, window_bounds = array<i64: 32, 64>}, {pipeline_mode = #tpu.pipeline_mode<synchronous>, transform_indices = @transform_19, window_bounds = array<i64: 16, 64>}, {pipeline_mode = #tpu.pipeline_mode<synchronous>, transform_indices = @transform_20, window_bounds = array<i64: 1, 64>}, {pipeline_mode = #tpu.pipeline_mode<synchronous>, transform_indices = @transform_21, window_bounds = array<i64: 64, 32>}, {pipeline_mode = #tpu.pipeline_mode<synchronous>, transform_indices = @transform_22, window_bounds = array<i64: 1, 32>}, {pipeline_mode = #tpu.pipeline_mode<synchronous>, transform_indices = @transform_23, window_bounds = array<i64: 32, 64>}, {pipeline_mode = #tpu.pipeline_mode<synchronous>, transform_indices = @transform_24, window_bounds = array<i64: 16, 64>}, {pipeline_mode = #tpu.pipeline_mode<synchronous>, transform_indices = @transform_25, window_bounds = array<i64: 1, 64>}, {pipeline_mode = #tpu.pipeline_mode<synchronous>, transform_indices = @transform_26, window_bounds = array<i64: 64, 32>}, {pipeline_mode = #tpu.pipeline_mode<synchronous>, transform_indices = @transform_27, window_bounds = array<i64: 1, 32>}, {pipeline_mode = #tpu.pipeline_mode<synchronous>, transform_indices = @transform_28, window_bounds = array<i64: 32, 32>}, {pipeline_mode = #tpu.pipeline_mode<synchronous>, transform_indices = @transform_29, window_bounds = array<i64: 32, 32>}]} {
    %get3A = arith.constant 0 : index
    %get3A_0 = arith.constant 0 : index
    %get3A_1 = arith.constant 0 : index
    %get3A_2 = vector.load %arg2[%get3A, %get3A_0, %get3A_1] : memref<2x3200x16xf32, #tpu.memory_space<vmem>>, vector<2x3200x16xf32>
    %slice3A = vector.extract_strided_slice %get3A_2 {offsets = [0, 0, 0], sizes = [1, 3200, 16], strides = [1, 1, 1]} : vector<2x3200x16xf32> to vector<1x3200x16xf32>
    %squeeze3A = vector.shape_cast %slice3A : vector<1x3200x16xf32> to vector<3200x16xf32>
    %slice3A_3 = vector.extract_strided_slice %get3A_2 {offsets = [1, 0, 0], sizes = [1, 3200, 16], strides = [1, 1, 1]} : vector<2x3200x16xf32> to vector<1x3200x16xf32>
    %squeeze3A_4 = vector.shape_cast %slice3A_3 : vector<1x3200x16xf32> to vector<3200x16xf32>
    %add3A = arith.addf %squeeze3A, %squeeze3A_4 : vector<3200x16xf32>
    %slice3A_5 = vector.extract_strided_slice %add3A {offsets = [0, 8], sizes = [3200, 1], strides = [1, 1]} : vector<3200x16xf32> to vector<3200x1xf32>
    %max3A = arith.constant 1.000000e+00 : f32
    %max3A_6 = vector.broadcast %max3A : f32 to vector<3200x1xf32>
    %max3A_7 = arith.maximumf %slice3A_5, %max3A_6 : vector<3200x1xf32>
    %get3A_8 = arith.constant 0 : index
    %get3A_9 = arith.constant 0 : index
    %get3A_10 = arith.constant 0 : index
    %get3A_11 = vector.load %arg3[%get3A_8, %get3A_9, %get3A_10] : memref<2x3200x16xf32, #tpu.memory_space<vmem>>, vector<2x3200x16xf32>
    %slice3A_12 = vector.extract_strided_slice %get3A_11 {offsets = [0, 0, 0], sizes = [1, 3200, 16], strides = [1, 1, 1]} : vector<2x3200x16xf32> to vector<1x3200x16xf32>
    %squeeze3A_13 = vector.shape_cast %slice3A_12 : vector<1x3200x16xf32> to vector<3200x16xf32>
    %slice3A_14 = vector.extract_strided_slice %get3A_11 {offsets = [1, 0, 0], sizes = [1, 3200, 16], strides = [1, 1, 1]} : vector<2x3200x16xf32> to vector<1x3200x16xf32>
    %squeeze3A_15 = vector.shape_cast %slice3A_14 : vector<1x3200x16xf32> to vector<3200x16xf32>
    %add3A_16 = arith.addf %squeeze3A_13, %squeeze3A_15 : vector<3200x16xf32>
    %div3A = vector.broadcast %max3A_7 : vector<3200x1xf32> to vector<3200x16xf32>
    %div3A_17 = arith.divf %add3A_16, %div3A : vector<3200x16xf32>
    %get3A_18 = arith.constant 0 : index
    %get3A_19 = arith.constant 0 : index
    %get3A_20 = vector.load %arg4[%get3A_18, %get3A_19] : memref<3200x1xi32, #tpu.memory_space<vmem>>, vector<3200x1xi32>
    %iota3A = tpu.iota {dimensions = array<i32: 1>} : vector<3200x32xi32>
    %eq3A = vector.broadcast %get3A_20 : vector<3200x1xi32> to vector<3200x32xi32>
    %eq3A_21 = arith.cmpi eq, %eq3A, %iota3A : vector<3200x32xi32>
    %convert_element_type3A = arith.extui %eq3A_21 : vector<3200x32xi1> to vector<3200x32xi32>
    %convert_element_type3A_22 = arith.sitofp %convert_element_type3A : vector<3200x32xi32> to vector<3200x32xf32>
    %iota3A_23 = tpu.iota {dimensions = array<i32: 0>} : vector<32x3200xi32>
    %get3A_24 = arith.constant 0 : index
    %get3A_25 = arith.constant 0 : index
    %get3A_26 = vector.load %arg5[%get3A_24, %get3A_25] : memref<8x3200xi32, #tpu.memory_space<vmem>>, vector<1x3200xi32>
    %eq3A_27 = vector.broadcast %get3A_26 : vector<1x3200xi32> to vector<32x3200xi32>
    %eq3A_28 = arith.cmpi eq, %iota3A_23, %eq3A_27 : vector<32x3200xi32>
    %convert_element_type3A_29 = arith.extui %eq3A_28 : vector<32x3200xi1> to vector<32x3200xi32>
    %convert_element_type3A_30 = arith.sitofp %convert_element_type3A_29 : vector<32x3200xi32> to vector<32x3200xf32>
    %get3A_31 = arith.constant 0 : index
    %get3A_32 = arith.constant 0 : index
    %get3A_33 = vector.load %arg1[%get3A_31, %get3A_32] : memref<3200x16xf32, #tpu.memory_space<vmem>>, vector<3200x16xf32>
    %get3A_34 = arith.constant 0 : index
    %get3A_35 = arith.constant 0 : index
    %get3A_36 = vector.load %arg6[%get3A_34, %get3A_35] : memref<32x32xf32, #tpu.memory_space<vmem>>, vector<32x32xf32>
    %get3A_37 = arith.constant 0 : index
    %get3A_38 = arith.constant 0 : index
    %get3A_39 = vector.load %arg9[%get3A_37, %get3A_38] : memref<32x64xf32, #tpu.memory_space<vmem>>, vector<32x64xf32>
    %dot_general3A = arith.constant dense<0.000000e+00> : vector<32x64xf32>
    %dot_general3A_40 = tpu.matmul %get3A_36, %get3A_39, %dot_general3A {dimension_numbers = #tpu.dot_dimension_numbers<[1], [0], [0], [1], [0, 0, 1, 1], [], []>, transpose_lhs_hint = false} : vector<32x32xf32>, vector<32x64xf32>, vector<32x64xf32> -> vector<32x64xf32>
    %get3A_41 = arith.constant 0 : index
    %get3A_42 = arith.constant 0 : index
    %get3A_43 = vector.load %arg7[%get3A_41, %get3A_42] : memref<16x64xf32, #tpu.memory_space<vmem>>, vector<16x64xf32>
    %dot_general3A_44 = arith.constant dense<0.000000e+00> : vector<3200x64xf32>
    %dot_general3A_45 = tpu.matmul %get3A_33, %get3A_43, %dot_general3A_44 {dimension_numbers = #tpu.dot_dimension_numbers<[1], [0], [0], [1], [0, 0, 1, 1], [], []>, transpose_lhs_hint = false} : vector<3200x16xf32>, vector<16x64xf32>, vector<3200x64xf32> -> vector<3200x64xf32>
    %get3A_46 = arith.constant 0 : index
    %get3A_47 = arith.constant 0 : index
    %get3A_48 = vector.load %arg8[%get3A_46, %get3A_47] : memref<16x64xf32, #tpu.memory_space<vmem>>, vector<16x64xf32>
    %dot_general3A_49 = arith.constant dense<0.000000e+00> : vector<3200x64xf32>
    %dot_general3A_50 = tpu.matmul %div3A_17, %get3A_48, %dot_general3A_49 {dimension_numbers = #tpu.dot_dimension_numbers<[1], [0], [0], [1], [0, 0, 1, 1], [], []>, transpose_lhs_hint = false} : vector<3200x16xf32>, vector<16x64xf32>, vector<3200x64xf32> -> vector<3200x64xf32>
    %add3A_51 = arith.addf %dot_general3A_45, %dot_general3A_50 : vector<3200x64xf32>
    %dot_general3A_52 = arith.constant dense<0.000000e+00> : vector<3200x64xf32>
    %dot_general3A_53 = tpu.matmul %convert_element_type3A_22, %dot_general3A_40, %dot_general3A_52 {dimension_numbers = #tpu.dot_dimension_numbers<[1], [0], [0], [1], [0, 0, 1, 1], [], []>, transpose_lhs_hint = false} : vector<3200x32xf32>, vector<32x64xf32>, vector<3200x64xf32> -> vector<3200x64xf32>
    %add3A_54 = arith.addf %add3A_51, %dot_general3A_53 : vector<3200x64xf32>
    %get3A_55 = arith.constant 0 : index
    %get3A_56 = arith.constant 0 : index
    %get3A_57 = vector.load %arg10[%get3A_55, %get3A_56] : memref<1x64xf32, #tpu.memory_space<vmem>>, vector<1x64xf32>
    %add3A_58 = vector.broadcast %get3A_57 : vector<1x64xf32> to vector<3200x64xf32>
    %add3A_59 = arith.addf %add3A_54, %add3A_58 : vector<3200x64xf32>
    %max3A_60 = arith.constant 0.000000e+00 : f32
    %max3A_61 = vector.broadcast %max3A_60 : f32 to vector<3200x64xf32>
    %max3A_62 = arith.maximumf %add3A_59, %max3A_61 : vector<3200x64xf32>
    %get3A_63 = arith.constant 0 : index
    %get3A_64 = arith.constant 0 : index
    %get3A_65 = vector.load %arg11[%get3A_63, %get3A_64] : memref<64x16xf32, #tpu.memory_space<vmem>>, vector<64x16xf32>
    %dot_general3A_66 = arith.constant dense<0.000000e+00> : vector<3200x16xf32>
    %dot_general3A_67 = tpu.matmul %max3A_62, %get3A_65, %dot_general3A_66 {dimension_numbers = #tpu.dot_dimension_numbers<[1], [0], [0], [1], [0, 0, 1, 1], [], []>, transpose_lhs_hint = false} : vector<3200x64xf32>, vector<64x16xf32>, vector<3200x16xf32> -> vector<3200x16xf32>
    %get3A_68 = arith.constant 0 : index
    %get3A_69 = arith.constant 0 : index
    %get3A_70 = vector.load %arg12[%get3A_68, %get3A_69] : memref<1x16xf32, #tpu.memory_space<vmem>>, vector<1x16xf32>
    %add3A_71 = vector.broadcast %get3A_70 : vector<1x16xf32> to vector<3200x16xf32>
    %add3A_72 = arith.addf %dot_general3A_67, %add3A_71 : vector<3200x16xf32>
    %get3A_73 = arith.constant 0 : index
    %get3A_74 = arith.constant 0 : index
    %get3A_75 = vector.load %arg6[%get3A_73, %get3A_74] : memref<32x32xf32, #tpu.memory_space<vmem>>, vector<32x32xf32>
    %get3A_76 = arith.constant 0 : index
    %get3A_77 = arith.constant 0 : index
    %get3A_78 = vector.load %arg15[%get3A_76, %get3A_77] : memref<32x64xf32, #tpu.memory_space<vmem>>, vector<32x64xf32>
    %dot_general3A_79 = arith.constant dense<0.000000e+00> : vector<32x64xf32>
    %dot_general3A_80 = tpu.matmul %get3A_75, %get3A_78, %dot_general3A_79 {dimension_numbers = #tpu.dot_dimension_numbers<[1], [0], [0], [1], [0, 0, 1, 1], [], []>, transpose_lhs_hint = false} : vector<32x32xf32>, vector<32x64xf32>, vector<32x64xf32> -> vector<32x64xf32>
    %get3A_81 = arith.constant 0 : index
    %get3A_82 = arith.constant 0 : index
    %get3A_83 = vector.load %arg13[%get3A_81, %get3A_82] : memref<16x64xf32, #tpu.memory_space<vmem>>, vector<16x64xf32>
    %dot_general3A_84 = arith.constant dense<0.000000e+00> : vector<3200x64xf32>
    %dot_general3A_85 = tpu.matmul %get3A_33, %get3A_83, %dot_general3A_84 {dimension_numbers = #tpu.dot_dimension_numbers<[1], [0], [0], [1], [0, 0, 1, 1], [], []>, transpose_lhs_hint = false} : vector<3200x16xf32>, vector<16x64xf32>, vector<3200x64xf32> -> vector<3200x64xf32>
    %get3A_86 = arith.constant 0 : index
    %get3A_87 = arith.constant 0 : index
    %get3A_88 = vector.load %arg14[%get3A_86, %get3A_87] : memref<16x64xf32, #tpu.memory_space<vmem>>, vector<16x64xf32>
    %dot_general3A_89 = arith.constant dense<0.000000e+00> : vector<3200x64xf32>
    %dot_general3A_90 = tpu.matmul %div3A_17, %get3A_88, %dot_general3A_89 {dimension_numbers = #tpu.dot_dimension_numbers<[1], [0], [0], [1], [0, 0, 1, 1], [], []>, transpose_lhs_hint = false} : vector<3200x16xf32>, vector<16x64xf32>, vector<3200x64xf32> -> vector<3200x64xf32>
    %add3A_91 = arith.addf %dot_general3A_85, %dot_general3A_90 : vector<3200x64xf32>
    %dot_general3A_92 = arith.constant dense<0.000000e+00> : vector<3200x64xf32>
    %dot_general3A_93 = tpu.matmul %convert_element_type3A_22, %dot_general3A_80, %dot_general3A_92 {dimension_numbers = #tpu.dot_dimension_numbers<[1], [0], [0], [1], [0, 0, 1, 1], [], []>, transpose_lhs_hint = false} : vector<3200x32xf32>, vector<32x64xf32>, vector<3200x64xf32> -> vector<3200x64xf32>
    %add3A_94 = arith.addf %add3A_91, %dot_general3A_93 : vector<3200x64xf32>
    %get3A_95 = arith.constant 0 : index
    %get3A_96 = arith.constant 0 : index
    %get3A_97 = vector.load %arg16[%get3A_95, %get3A_96] : memref<1x64xf32, #tpu.memory_space<vmem>>, vector<1x64xf32>
    %add3A_98 = vector.broadcast %get3A_97 : vector<1x64xf32> to vector<3200x64xf32>
    %add3A_99 = arith.addf %add3A_94, %add3A_98 : vector<3200x64xf32>
    %max3A_100 = arith.constant 0.000000e+00 : f32
    %max3A_101 = vector.broadcast %max3A_100 : f32 to vector<3200x64xf32>
    %max3A_102 = arith.maximumf %add3A_99, %max3A_101 : vector<3200x64xf32>
    %get3A_103 = arith.constant 0 : index
    %get3A_104 = arith.constant 0 : index
    %get3A_105 = vector.load %arg17[%get3A_103, %get3A_104] : memref<64x16xf32, #tpu.memory_space<vmem>>, vector<64x16xf32>
    %dot_general3A_106 = arith.constant dense<0.000000e+00> : vector<3200x16xf32>
    %dot_general3A_107 = tpu.matmul %max3A_102, %get3A_105, %dot_general3A_106 {dimension_numbers = #tpu.dot_dimension_numbers<[1], [0], [0], [1], [0, 0, 1, 1], [], []>, transpose_lhs_hint = false} : vector<3200x64xf32>, vector<64x16xf32>, vector<3200x16xf32> -> vector<3200x16xf32>
    %get3A_108 = arith.constant 0 : index
    %get3A_109 = arith.constant 0 : index
    %get3A_110 = vector.load %arg18[%get3A_108, %get3A_109] : memref<1x16xf32, #tpu.memory_space<vmem>>, vector<1x16xf32>
    %add3A_111 = vector.broadcast %get3A_110 : vector<1x16xf32> to vector<3200x16xf32>
    %add3A_112 = arith.addf %dot_general3A_107, %add3A_111 : vector<3200x16xf32>
    %eq3A_113 = arith.constant 0 : i32
    %eq3A_114 = arith.cmpi eq, %arg0, %eq3A_113 : i32
    %convert_element_type3A_115 = arith.extui %eq3A_114 : i1 to i32
    %cond3A = arith.constant 0 : i32
    %cond3A_116 = arith.cmpi ne, %convert_element_type3A_115, %cond3A : i32
    scf.if %cond3A_116 {
      %broadcast_in_dim3A_147 = arith.constant 0.000000e+00 : f32
      %broadcast_in_dim3A_148 = vector.broadcast %broadcast_in_dim3A_147 : f32 to vector<32x16xf32>
      %swap3A_149 = arith.constant 0 : index
      %swap3A_150 = arith.constant 0 : index
      %swap3A_151 = vector.load %arg31[%swap3A_149, %swap3A_150] : memref<32x16xf32, #tpu.memory_space<vmem>>, vector<32x16xf32>
      tpu.vector_store %arg31[%swap3A_149, %swap3A_150], %broadcast_in_dim3A_148 {strides = array<i32>} : memref<32x16xf32, #tpu.memory_space<vmem>>, vector<32x16xf32>,
      %broadcast_in_dim3A_152 = arith.constant 0.000000e+00 : f32
      %broadcast_in_dim3A_153 = vector.broadcast %broadcast_in_dim3A_152 : f32 to vector<32x16xf32>
      %swap3A_154 = arith.constant 0 : index
      %swap3A_155 = arith.constant 0 : index
      %swap3A_156 = vector.load %arg32[%swap3A_154, %swap3A_155] : memref<32x16xf32, #tpu.memory_space<vmem>>, vector<32x16xf32>
      tpu.vector_store %arg32[%swap3A_154, %swap3A_155], %broadcast_in_dim3A_153 {strides = array<i32>} : memref<32x16xf32, #tpu.memory_space<vmem>>, vector<32x16xf32>,
      %broadcast_in_dim3A_157 = arith.constant 0.000000e+00 : f32
      %broadcast_in_dim3A_158 = vector.broadcast %broadcast_in_dim3A_157 : f32 to vector<32x1xf32>
      %swap3A_159 = arith.constant 0 : index
      %swap3A_160 = arith.constant 0 : index
      %swap3A_161 = vector.load %arg33[%swap3A_159, %swap3A_160] : memref<32x1xf32, #tpu.memory_space<vmem>>, vector<32x1xf32>
      tpu.vector_store %arg33[%swap3A_159, %swap3A_160], %broadcast_in_dim3A_158 {strides = array<i32>} : memref<32x1xf32, #tpu.memory_space<vmem>>, vector<32x1xf32>,
    } else {
    }
    %get3A_117 = arith.constant 0 : index
    %get3A_118 = arith.constant 0 : index
    %get3A_119 = vector.load %arg31[%get3A_117, %get3A_118] : memref<32x16xf32, #tpu.memory_space<vmem>>, vector<32x16xf32>
    %dot_general3A_120 = arith.constant dense<0.000000e+00> : vector<32x16xf32>
    %dot_general3A_121 = tpu.matmul %convert_element_type3A_30, %add3A_72, %dot_general3A_120 {dimension_numbers = #tpu.dot_dimension_numbers<[1], [0], [0], [1], [0, 0, 1, 1], [], []>, transpose_lhs_hint = false} : vector<32x3200xf32>, vector<3200x16xf32>, vector<32x16xf32> -> vector<32x16xf32>
    %add3A_122 = arith.addf %get3A_119, %dot_general3A_121 : vector<32x16xf32>
    %swap3A = arith.constant 0 : index
    %swap3A_123 = arith.constant 0 : index
    %swap3A_124 = vector.load %arg31[%swap3A, %swap3A_123] : memref<32x16xf32, #tpu.memory_space<vmem>>, vector<32x16xf32>
    tpu.vector_store %arg31[%swap3A, %swap3A_123], %add3A_122 {strides = array<i32>} : memref<32x16xf32, #tpu.memory_space<vmem>>, vector<32x16xf32>,
    %get3A_125 = arith.constant 0 : index
    %get3A_126 = arith.constant 0 : index
    %get3A_127 = vector.load %arg32[%get3A_125, %get3A_126] : memref<32x16xf32, #tpu.memory_space<vmem>>, vector<32x16xf32>
    %dot_general3A_128 = arith.constant dense<0.000000e+00> : vector<32x16xf32>
    %dot_general3A_129 = tpu.matmul %convert_element_type3A_30, %add3A_112, %dot_general3A_128 {dimension_numbers = #tpu.dot_dimension_numbers<[1], [0], [0], [1], [0, 0, 1, 1], [], []>, transpose_lhs_hint = false} : vector<32x3200xf32>, vector<3200x16xf32>, vector<32x16xf32> -> vector<32x16xf32>
    %add3A_130 = arith.addf %get3A_127, %dot_general3A_129 : vector<32x16xf32>
    %swap3A_131 = arith.constant 0 : index
    %swap3A_132 = arith.constant 0 : index
    %swap3A_133 = vector.load %arg32[%swap3A_131, %swap3A_132] : memref<32x16xf32, #tpu.memory_space<vmem>>, vector<32x16xf32>
    tpu.vector_store %arg32[%swap3A_131, %swap3A_132], %add3A_130 {strides = array<i32>} : memref<32x16xf32, #tpu.memory_space<vmem>>, vector<32x16xf32>,
    %get3A_134 = arith.constant 0 : index
    %get3A_135 = arith.constant 0 : index
    %get3A_136 = vector.load %arg33[%get3A_134, %get3A_135] : memref<32x1xf32, #tpu.memory_space<vmem>>, vector<32x1xf32>
    %reduce_sum3A = arith.constant dense<0.000000e+00> : vector<32xf32>
    %reduce_sum3A_137 = vector.multi_reduction <add>, %convert_element_type3A_30, %reduce_sum3A [1] : vector<32x3200xf32> to vector<32xf32>
    %broadcast_in_dim3A = vector.shape_cast %reduce_sum3A_137 : vector<32xf32> to vector<32x1xf32>
    %add3A_138 = arith.addf %get3A_136, %broadcast_in_dim3A : vector<32x1xf32>
    %swap3A_139 = arith.constant 0 : index
    %swap3A_140 = arith.constant 0 : index
    %swap3A_141 = vector.load %arg33[%swap3A_139, %swap3A_140] : memref<32x1xf32, #tpu.memory_space<vmem>>, vector<32x1xf32>
    tpu.vector_store %arg33[%swap3A_139, %swap3A_140], %add3A_138 {strides = array<i32>} : memref<32x1xf32, #tpu.memory_space<vmem>>, vector<32x1xf32>,
    %eq3A_142 = arith.constant 9 : i32
    %eq3A_143 = arith.cmpi eq, %arg0, %eq3A_142 : i32
    %convert_element_type3A_144 = arith.extui %eq3A_143 : i1 to i32
    %cond3A_145 = arith.constant 0 : i32
    %cond3A_146 = arith.cmpi ne, %convert_element_type3A_144, %cond3A_145 : i32
    scf.if %cond3A_146 {
      %get3A_147 = arith.constant 0 : index
      %get3A_148 = arith.constant 0 : index
      %get3A_149 = vector.load %arg33[%get3A_147, %get3A_148] : memref<32x1xf32, #tpu.memory_space<vmem>>, vector<32x1xf32>
      %max3A_150 = arith.constant 1.000000e+00 : f32
      %max3A_151 = vector.broadcast %max3A_150 : f32 to vector<32x1xf32>
      %max3A_152 = arith.maximumf %get3A_149, %max3A_151 : vector<32x1xf32>
      %get3A_153 = arith.constant 0 : index
      %get3A_154 = arith.constant 0 : index
      %get3A_155 = vector.load %arg31[%get3A_153, %get3A_154] : memref<32x16xf32, #tpu.memory_space<vmem>>, vector<32x16xf32>
      %div3A_156 = vector.broadcast %max3A_152 : vector<32x1xf32> to vector<32x16xf32>
      %div3A_157 = arith.divf %get3A_155, %div3A_156 : vector<32x16xf32>
      %get3A_158 = arith.constant 0 : index
      %get3A_159 = arith.constant 0 : index
      %get3A_160 = vector.load %arg6[%get3A_158, %get3A_159] : memref<32x32xf32, #tpu.memory_space<vmem>>, vector<32x32xf32>
      %get3A_161 = arith.constant 0 : index
      %get3A_162 = arith.constant 0 : index
      %get3A_163 = vector.load %arg19[%get3A_161, %get3A_162] : memref<32x64xf32, #tpu.memory_space<vmem>>, vector<32x64xf32>
      %dot_general3A_164 = arith.constant dense<0.000000e+00> : vector<32x64xf32>
      %dot_general3A_165 = tpu.matmul %get3A_160, %get3A_163, %dot_general3A_164 {dimension_numbers = #tpu.dot_dimension_numbers<[1], [0], [0], [1], [0, 0, 1, 1], [], []>, transpose_lhs_hint = false} : vector<32x32xf32>, vector<32x64xf32>, vector<32x64xf32> -> vector<32x64xf32>
      %get3A_166 = arith.constant 0 : index
      %get3A_167 = arith.constant 0 : index
      %get3A_168 = vector.load %arg20[%get3A_166, %get3A_167] : memref<16x64xf32, #tpu.memory_space<vmem>>, vector<16x64xf32>
      %dot_general3A_169 = arith.constant dense<0.000000e+00> : vector<32x64xf32>
      %dot_general3A_170 = tpu.matmul %div3A_157, %get3A_168, %dot_general3A_169 {dimension_numbers = #tpu.dot_dimension_numbers<[1], [0], [0], [1], [0, 0, 1, 1], [], []>, transpose_lhs_hint = false} : vector<32x16xf32>, vector<16x64xf32>, vector<32x64xf32> -> vector<32x64xf32>
      %add3A_171 = arith.addf %dot_general3A_165, %dot_general3A_170 : vector<32x64xf32>
      %get3A_172 = arith.constant 0 : index
      %get3A_173 = arith.constant 0 : index
      %get3A_174 = vector.load %arg21[%get3A_172, %get3A_173] : memref<1x64xf32, #tpu.memory_space<vmem>>, vector<1x64xf32>
      %add3A_175 = vector.broadcast %get3A_174 : vector<1x64xf32> to vector<32x64xf32>
      %add3A_176 = arith.addf %add3A_171, %add3A_175 : vector<32x64xf32>
      %max3A_177 = arith.constant 0.000000e+00 : f32
      %max3A_178 = vector.broadcast %max3A_177 : f32 to vector<32x64xf32>
      %max3A_179 = arith.maximumf %add3A_176, %max3A_178 : vector<32x64xf32>
      %get3A_180 = arith.constant 0 : index
      %get3A_181 = arith.constant 0 : index
      %get3A_182 = vector.load %arg22[%get3A_180, %get3A_181] : memref<64x32xf32, #tpu.memory_space<vmem>>, vector<64x32xf32>
      %dot_general3A_183 = arith.constant dense<0.000000e+00> : vector<32x32xf32>
      %dot_general3A_184 = tpu.matmul %max3A_179, %get3A_182, %dot_general3A_183 {dimension_numbers = #tpu.dot_dimension_numbers<[1], [0], [0], [1], [0, 0, 1, 1], [], []>, transpose_lhs_hint = false} : vector<32x64xf32>, vector<64x32xf32>, vector<32x32xf32> -> vector<32x32xf32>
      %get3A_185 = arith.constant 0 : index
      %get3A_186 = arith.constant 0 : index
      %get3A_187 = vector.load %arg23[%get3A_185, %get3A_186] : memref<1x32xf32, #tpu.memory_space<vmem>>, vector<1x32xf32>
      %add3A_188 = vector.broadcast %get3A_187 : vector<1x32xf32> to vector<32x32xf32>
      %add3A_189 = arith.addf %dot_general3A_184, %add3A_188 : vector<32x32xf32>
      %swap3A_190 = arith.constant 0 : index
      %swap3A_191 = arith.constant 0 : index
      %swap3A_192 = vector.load %arg29[%swap3A_190, %swap3A_191] : memref<32x32xf32, #tpu.memory_space<vmem>>, vector<32x32xf32>
      tpu.vector_store %arg29[%swap3A_190, %swap3A_191], %add3A_189 {strides = array<i32>} : memref<32x32xf32, #tpu.memory_space<vmem>>, vector<32x32xf32>,
      %get3A_193 = arith.constant 0 : index
      %get3A_194 = arith.constant 0 : index
      %get3A_195 = vector.load %arg32[%get3A_193, %get3A_194] : memref<32x16xf32, #tpu.memory_space<vmem>>, vector<32x16xf32>
      %div3A_196 = vector.broadcast %max3A_152 : vector<32x1xf32> to vector<32x16xf32>
      %div3A_197 = arith.divf %get3A_195, %div3A_196 : vector<32x16xf32>
      %get3A_198 = arith.constant 0 : index
      %get3A_199 = arith.constant 0 : index
      %get3A_200 = vector.load %arg6[%get3A_198, %get3A_199] : memref<32x32xf32, #tpu.memory_space<vmem>>, vector<32x32xf32>
      %get3A_201 = arith.constant 0 : index
      %get3A_202 = arith.constant 0 : index
      %get3A_203 = vector.load %arg24[%get3A_201, %get3A_202] : memref<32x64xf32, #tpu.memory_space<vmem>>, vector<32x64xf32>
      %dot_general3A_204 = arith.constant dense<0.000000e+00> : vector<32x64xf32>
      %dot_general3A_205 = tpu.matmul %get3A_200, %get3A_203, %dot_general3A_204 {dimension_numbers = #tpu.dot_dimension_numbers<[1], [0], [0], [1], [0, 0, 1, 1], [], []>, transpose_lhs_hint = false} : vector<32x32xf32>, vector<32x64xf32>, vector<32x64xf32> -> vector<32x64xf32>
      %get3A_206 = arith.constant 0 : index
      %get3A_207 = arith.constant 0 : index
      %get3A_208 = vector.load %arg25[%get3A_206, %get3A_207] : memref<16x64xf32, #tpu.memory_space<vmem>>, vector<16x64xf32>
      %dot_general3A_209 = arith.constant dense<0.000000e+00> : vector<32x64xf32>
      %dot_general3A_210 = tpu.matmul %div3A_197, %get3A_208, %dot_general3A_209 {dimension_numbers = #tpu.dot_dimension_numbers<[1], [0], [0], [1], [0, 0, 1, 1], [], []>, transpose_lhs_hint = false} : vector<32x16xf32>, vector<16x64xf32>, vector<32x64xf32> -> vector<32x64xf32>
      %add3A_211 = arith.addf %dot_general3A_205, %dot_general3A_210 : vector<32x64xf32>
      %get3A_212 = arith.constant 0 : index
      %get3A_213 = arith.constant 0 : index
      %get3A_214 = vector.load %arg26[%get3A_212, %get3A_213] : memref<1x64xf32, #tpu.memory_space<vmem>>, vector<1x64xf32>
      %add3A_215 = vector.broadcast %get3A_214 : vector<1x64xf32> to vector<32x64xf32>
      %add3A_216 = arith.addf %add3A_211, %add3A_215 : vector<32x64xf32>
      %max3A_217 = arith.constant 0.000000e+00 : f32
      %max3A_218 = vector.broadcast %max3A_217 : f32 to vector<32x64xf32>
      %max3A_219 = arith.maximumf %add3A_216, %max3A_218 : vector<32x64xf32>
      %get3A_220 = arith.constant 0 : index
      %get3A_221 = arith.constant 0 : index
      %get3A_222 = vector.load %arg27[%get3A_220, %get3A_221] : memref<64x32xf32, #tpu.memory_space<vmem>>, vector<64x32xf32>
      %dot_general3A_223 = arith.constant dense<0.000000e+00> : vector<32x32xf32>
      %dot_general3A_224 = tpu.matmul %max3A_219, %get3A_222, %dot_general3A_223 {dimension_numbers = #tpu.dot_dimension_numbers<[1], [0], [0], [1], [0, 0, 1, 1], [], []>, transpose_lhs_hint = false} : vector<32x64xf32>, vector<64x32xf32>, vector<32x32xf32> -> vector<32x32xf32>
      %get3A_225 = arith.constant 0 : index
      %get3A_226 = arith.constant 0 : index
      %get3A_227 = vector.load %arg28[%get3A_225, %get3A_226] : memref<1x32xf32, #tpu.memory_space<vmem>>, vector<1x32xf32>
      %add3A_228 = vector.broadcast %get3A_227 : vector<1x32xf32> to vector<32x32xf32>
      %add3A_229 = arith.addf %dot_general3A_224, %add3A_228 : vector<32x32xf32>
      %swap3A_230 = arith.constant 0 : index
      %swap3A_231 = arith.constant 0 : index
      %swap3A_232 = vector.load %arg30[%swap3A_230, %swap3A_231] : memref<32x32xf32, #tpu.memory_space<vmem>>, vector<32x32xf32>
      tpu.vector_store %arg30[%swap3A_230, %swap3A_231], %add3A_229 {strides = array<i32>} : memref<32x32xf32, #tpu.memory_space<vmem>>, vector<32x32xf32>,
    } else {
    }
    return
  }
  func.func @transform_0(%arg0: i32) -> (i32, i32) {
    %c0_i32 = arith.constant 0 : i32
    %c0_i32_0 = arith.constant 0 : i32
    return %arg0, %c0_i32 : i32, i32
  }
  func.func @transform_1(%arg0: i32) -> (i32, i32, i32) {
    %c0_i32 = arith.constant 0 : i32
    %c0_i32_0 = arith.constant 0 : i32
    %c0_i32_1 = arith.constant 0 : i32
    return %c0_i32, %arg0, %c0_i32_0 : i32, i32, i32
  }
  func.func @transform_2(%arg0: i32) -> (i32, i32, i32) {
    %c0_i32 = arith.constant 0 : i32
    %c0_i32_0 = arith.constant 0 : i32
    %c0_i32_1 = arith.constant 0 : i32
    return %c0_i32, %arg0, %c0_i32_0 : i32, i32, i32
  }
  func.func @transform_3(%arg0: i32) -> (i32, i32) {
    %c0_i32 = arith.constant 0 : i32
    %c0_i32_0 = arith.constant 0 : i32
    return %arg0, %c0_i32 : i32, i32
  }
  func.func @transform_4(%arg0: i32) -> (i32, i32) {
    %c0_i32 = arith.constant 0 : i32
    %c0_i32_0 = arith.constant 0 : i32
    return %c0_i32, %arg0 : i32, i32
  }
  func.func @transform_5(%arg0: i32) -> (i32, i32) {
    %c0_i32 = arith.constant 0 : i32
    %c0_i32_0 = arith.constant 0 : i32
    %c0_i32_1 = arith.constant 0 : i32
    return %c0_i32, %c0_i32_0 : i32, i32
  }
  func.func @transform_6(%arg0: i32) -> (i32, i32) {
    %c0_i32 = arith.constant 0 : i32
    %c0_i32_0 = arith.constant 0 : i32
    %c0_i32_1 = arith.constant 0 : i32
    return %c0_i32, %c0_i32_0 : i32, i32
  }
  func.func @transform_7(%arg0: i32) -> (i32, i32) {
    %c0_i32 = arith.constant 0 : i32
    %c0_i32_0 = arith.constant 0 : i32
    %c0_i32_1 = arith.constant 0 : i32
    return %c0_i32, %c0_i32_0 : i32, i32
  }
  func.func @transform_8(%arg0: i32) -> (i32, i32) {
    %c0_i32 = arith.constant 0 : i32
    %c0_i32_0 = arith.constant 0 : i32
    %c0_i32_1 = arith.constant 0 : i32
    return %c0_i32, %c0_i32_0 : i32, i32
  }
  func.func @transform_9(%arg0: i32) -> (i32, i32) {
    %c0_i32 = arith.constant 0 : i32
    %c0_i32_0 = arith.constant 0 : i32
    %c0_i32_1 = arith.constant 0 : i32
    return %c0_i32, %c0_i32_0 : i32, i32
  }
  func.func @transform_10(%arg0: i32) -> (i32, i32) {
    %c0_i32 = arith.constant 0 : i32
    %c0_i32_0 = arith.constant 0 : i32
    %c0_i32_1 = arith.constant 0 : i32
    return %c0_i32, %c0_i32_0 : i32, i32
  }
  func.func @transform_11(%arg0: i32) -> (i32, i32) {
    %c0_i32 = arith.constant 0 : i32
    %c0_i32_0 = arith.constant 0 : i32
    %c0_i32_1 = arith.constant 0 : i32
    return %c0_i32, %c0_i32_0 : i32, i32
  }
  func.func @transform_12(%arg0: i32) -> (i32, i32) {
    %c0_i32 = arith.constant 0 : i32
    %c0_i32_0 = arith.constant 0 : i32
    %c0_i32_1 = arith.constant 0 : i32
    return %c0_i32, %c0_i32_0 : i32, i32
  }
  func.func @transform_13(%arg0: i32) -> (i32, i32) {
    %c0_i32 = arith.constant 0 : i32
    %c0_i32_0 = arith.constant 0 : i32
    %c0_i32_1 = arith.constant 0 : i32
    return %c0_i32, %c0_i32_0 : i32, i32
  }
  func.func @transform_14(%arg0: i32) -> (i32, i32) {
    %c0_i32 = arith.constant 0 : i32
    %c0_i32_0 = arith.constant 0 : i32
    %c0_i32_1 = arith.constant 0 : i32
    return %c0_i32, %c0_i32_0 : i32, i32
  }
  func.func @transform_15(%arg0: i32) -> (i32, i32) {
    %c0_i32 = arith.constant 0 : i32
    %c0_i32_0 = arith.constant 0 : i32
    %c0_i32_1 = arith.constant 0 : i32
    return %c0_i32, %c0_i32_0 : i32, i32
  }
  func.func @transform_16(%arg0: i32) -> (i32, i32) {
    %c0_i32 = arith.constant 0 : i32
    %c0_i32_0 = arith.constant 0 : i32
    %c0_i32_1 = arith.constant 0 : i32
    return %c0_i32, %c0_i32_0 : i32, i32
  }
  func.func @transform_17(%arg0: i32) -> (i32, i32) {
    %c0_i32 = arith.constant 0 : i32
    %c0_i32_0 = arith.constant 0 : i32
    %c0_i32_1 = arith.constant 0 : i32
    return %c0_i32, %c0_i32_0 : i32, i32
  }
  func.func @transform_18(%arg0: i32) -> (i32, i32) {
    %c0_i32 = arith.constant 0 : i32
    %c0_i32_0 = arith.constant 0 : i32
    %c0_i32_1 = arith.constant 0 : i32
    return %c0_i32, %c0_i32_0 : i32, i32
  }
  func.func @transform_19(%arg0: i32) -> (i32, i32) {
    %c0_i32 = arith.constant 0 : i32
    %c0_i32_0 = arith.constant 0 : i32
    %c0_i32_1 = arith.constant 0 : i32
    return %c0_i32, %c0_i32_0 : i32, i32
  }
  func.func @transform_20(%arg0: i32) -> (i32, i32) {
    %c0_i32 = arith.constant 0 : i32
    %c0_i32_0 = arith.constant 0 : i32
    %c0_i32_1 = arith.constant 0 : i32
    return %c0_i32, %c0_i32_0 : i32, i32
  }
  func.func @transform_21(%arg0: i32) -> (i32, i32) {
    %c0_i32 = arith.constant 0 : i32
    %c0_i32_0 = arith.constant 0 : i32
    %c0_i32_1 = arith.constant 0 : i32
    return %c0_i32, %c0_i32_0 : i32, i32
  }
  func.func @transform_22(%arg0: i32) -> (i32, i32) {
    %c0_i32 = arith.constant 0 : i32
    %c0_i32_0 = arith.constant 0 : i32
    %c0_i32_1 = arith.constant 0 : i32
    return %c0_i32, %c0_i32_0 : i32, i32
  }
  func.func @transform_23(%arg0: i32) -> (i32, i32) {
    %c0_i32 = arith.constant 0 : i32
    %c0_i32_0 = arith.constant 0 : i32
    %c0_i32_1 = arith.constant 0 : i32
    return %c0_i32, %c0_i32_0 : i32, i32
  }
  func.func @transform_24(%arg0: i32) -> (i32, i32) {
    %c0_i32 = arith.constant 0 : i32
    %c0_i32_0 = arith.constant 0 : i32
    %c0_i32_1 = arith.constant 0 : i32
    return %c0_i32, %c0_i32_0 : i32, i32
  }
  func.func @transform_25(%arg0: i32) -> (i32, i32) {
    %c0_i32 = arith.constant 0 : i32
    %c0_i32_0 = arith.constant 0 : i32
    %c0_i32_1 = arith.constant 0 : i32
    return %c0_i32, %c0_i32_0 : i32, i32
  }
  func.func @transform_26(%arg0: i32) -> (i32, i32) {
    %c0_i32 = arith.constant 0 : i32
    %c0_i32_0 = arith.constant 0 : i32
    %c0_i32_1 = arith.constant 0 : i32
    return %c0_i32, %c0_i32_0 : i32, i32
  }
  func.func @transform_27(%arg0: i32) -> (i32, i32) {
    %c0_i32 = arith.constant 0 : i32
    %c0_i32_0 = arith.constant 0 : i32
    %c0_i32_1 = arith.constant 0 : i32
    return %c0_i32, %c0_i32_0 : i32, i32
  }
  func.func @transform_28(%arg0: i32) -> (i32, i32) {
    %c0_i32 = arith.constant 0 : i32
    %c0_i32_0 = arith.constant 0 : i32
    %c0_i32_1 = arith.constant 0 : i32
    return %c0_i32, %c0_i32_0 : i32, i32
  }
  func.func @transform_29(%arg0: i32) -> (i32, i32) {
    %c0_i32 = arith.constant 0 : i32
    %c0_i32_0 = arith.constant 0 : i32
    %c0_i32_1 = arith.constant 0 : i32
    return %c0_i32, %c0_i32_0 : i32, i32
  }
}

module attributes {stable_mosaic.version = 14 : i64} {
  func.func @_dec_body(%arg0: i32, %arg1: memref<32x32xf32, #tpu.memory_space<vmem>>, %arg2: memref<32x32xf32, #tpu.memory_space<vmem>>, %arg3: memref<32x32xf32, #tpu.memory_space<vmem>>, %arg4: memref<32x100xf32, #tpu.memory_space<vmem>>, %arg5: memref<1x100xf32, #tpu.memory_space<vmem>>, %arg6: memref<100x8192xf32, #tpu.memory_space<vmem>>, %arg7: memref<1x8192xf32, #tpu.memory_space<vmem>>, %arg8: memref<32x8192xf32, #tpu.memory_space<vmem>>) attributes {dimension_semantics = [#tpu.dimension_semantics<arbitrary>], iteration_bounds = array<i64: 61>, scalar_prefetch = 0 : i64, scratch_operands = 0 : i64, tpu.core_type = #tpu.core_type<tc>, window_params = [{pipeline_mode = #tpu.pipeline_mode<synchronous>, transform_indices = @transform_0, window_bounds = array<i64: 32, 32>}, {pipeline_mode = #tpu.pipeline_mode<synchronous>, transform_indices = @transform_1, window_bounds = array<i64: 32, 32>}, {pipeline_mode = #tpu.pipeline_mode<synchronous>, transform_indices = @transform_2, window_bounds = array<i64: 32, 32>}, {pipeline_mode = #tpu.pipeline_mode<synchronous>, transform_indices = @transform_3, window_bounds = array<i64: 32, 100>}, {pipeline_mode = #tpu.pipeline_mode<synchronous>, transform_indices = @transform_4, window_bounds = array<i64: 1, 100>}, {transform_indices = @transform_5, window_bounds = array<i64: 100, 8192>}, {transform_indices = @transform_6, window_bounds = array<i64: 1, 8192>}, {transform_indices = @transform_7, window_bounds = array<i64: 32, 8192>}]} {
    %get3A = arith.constant 0 : index
    %get3A_0 = arith.constant 0 : index
    %get3A_1 = vector.load %arg2[%get3A, %get3A_0] : memref<32x32xf32, #tpu.memory_space<vmem>>, vector<32x32xf32>
    %mul3A = arith.constant 5.000000e-01 : f32
    %mul3A_2 = vector.broadcast %mul3A : f32 to vector<32x32xf32>
    %mul3A_3 = arith.mulf %mul3A_2, %get3A_1 : vector<32x32xf32>
    %exp3A = math.exp %mul3A_3 : vector<32x32xf32>
    %get3A_4 = arith.constant 0 : index
    %get3A_5 = arith.constant 0 : index
    %get3A_6 = vector.load %arg1[%get3A_4, %get3A_5] : memref<32x32xf32, #tpu.memory_space<vmem>>, vector<32x32xf32>
    %get3A_7 = arith.constant 0 : index
    %get3A_8 = arith.constant 0 : index
    %get3A_9 = vector.load %arg3[%get3A_7, %get3A_8] : memref<32x32xf32, #tpu.memory_space<vmem>>, vector<32x32xf32>
    %mul3A_10 = arith.mulf %get3A_9, %exp3A : vector<32x32xf32>
    %add3A = arith.addf %get3A_6, %mul3A_10 : vector<32x32xf32>
    %get3A_11 = arith.constant 0 : index
    %get3A_12 = arith.constant 0 : index
    %get3A_13 = vector.load %arg4[%get3A_11, %get3A_12] : memref<32x100xf32, #tpu.memory_space<vmem>>, vector<32x100xf32>
    %dot_general3A = arith.constant dense<0.000000e+00> : vector<32x100xf32>
    %dot_general3A_14 = tpu.matmul %add3A, %get3A_13, %dot_general3A {dimension_numbers = #tpu.dot_dimension_numbers<[1], [0], [0], [1], [0, 0, 1, 1], [], []>, transpose_lhs_hint = false} : vector<32x32xf32>, vector<32x100xf32>, vector<32x100xf32> -> vector<32x100xf32>
    %get3A_15 = arith.constant 0 : index
    %get3A_16 = arith.constant 0 : index
    %get3A_17 = vector.load %arg5[%get3A_15, %get3A_16] : memref<1x100xf32, #tpu.memory_space<vmem>>, vector<1x100xf32>
    %add3A_18 = vector.broadcast %get3A_17 : vector<1x100xf32> to vector<32x100xf32>
    %add3A_19 = arith.addf %dot_general3A_14, %add3A_18 : vector<32x100xf32>
    %max3A = arith.constant 0.000000e+00 : f32
    %max3A_20 = vector.broadcast %max3A : f32 to vector<32x100xf32>
    %max3A_21 = arith.maximumf %add3A_19, %max3A_20 : vector<32x100xf32>
    %get3A_22 = arith.constant 0 : index
    %get3A_23 = arith.constant 0 : index
    %get3A_24 = vector.load %arg6[%get3A_22, %get3A_23] : memref<100x8192xf32, #tpu.memory_space<vmem>>, vector<100x8192xf32>
    %dot_general3A_25 = arith.constant dense<0.000000e+00> : vector<32x8192xf32>
    %dot_general3A_26 = tpu.matmul %max3A_21, %get3A_24, %dot_general3A_25 {dimension_numbers = #tpu.dot_dimension_numbers<[1], [0], [0], [1], [0, 0, 1, 1], [], []>, transpose_lhs_hint = false} : vector<32x100xf32>, vector<100x8192xf32>, vector<32x8192xf32> -> vector<32x8192xf32>
    %get3A_27 = arith.constant 0 : index
    %get3A_28 = arith.constant 0 : index
    %get3A_29 = vector.load %arg7[%get3A_27, %get3A_28] : memref<1x8192xf32, #tpu.memory_space<vmem>>, vector<1x8192xf32>
    %add3A_30 = vector.broadcast %get3A_29 : vector<1x8192xf32> to vector<32x8192xf32>
    %add3A_31 = arith.addf %dot_general3A_26, %add3A_30 : vector<32x8192xf32>
    %logistic3A = arith.negf %add3A_31 : vector<32x8192xf32>
    %logistic3A_32 = math.exp %logistic3A : vector<32x8192xf32>
    %logistic3A_33 = arith.constant 1.000000e+00 : f32
    %logistic3A_34 = vector.broadcast %logistic3A_33 : f32 to vector<32x8192xf32>
    %logistic3A_35 = arith.addf %logistic3A_34, %logistic3A_32 : vector<32x8192xf32>
    %logistic3A_36 = arith.divf %logistic3A_34, %logistic3A_35 : vector<32x8192xf32>
    %swap3A = arith.constant 0 : index
    %swap3A_37 = arith.constant 0 : index
    %swap3A_38 = vector.load %arg8[%swap3A, %swap3A_37] : memref<32x8192xf32, #tpu.memory_space<vmem>>, vector<32x8192xf32>
    tpu.vector_store %arg8[%swap3A, %swap3A_37], %logistic3A_36 {strides = array<i32>} : memref<32x8192xf32, #tpu.memory_space<vmem>>, vector<32x8192xf32>,
    return
  }
  func.func @transform_0(%arg0: i32) -> (i32, i32) {
    %c0_i32 = arith.constant 0 : i32
    %c0_i32_0 = arith.constant 0 : i32
    %c0_i32_1 = arith.constant 0 : i32
    return %c0_i32, %c0_i32_0 : i32, i32
  }
  func.func @transform_1(%arg0: i32) -> (i32, i32) {
    %c0_i32 = arith.constant 0 : i32
    %c0_i32_0 = arith.constant 0 : i32
    %c0_i32_1 = arith.constant 0 : i32
    return %c0_i32, %c0_i32_0 : i32, i32
  }
  func.func @transform_2(%arg0: i32) -> (i32, i32) {
    %c0_i32 = arith.constant 0 : i32
    %c0_i32_0 = arith.constant 0 : i32
    %c0_i32_1 = arith.constant 0 : i32
    return %c0_i32, %c0_i32_0 : i32, i32
  }
  func.func @transform_3(%arg0: i32) -> (i32, i32) {
    %c0_i32 = arith.constant 0 : i32
    %c0_i32_0 = arith.constant 0 : i32
    %c0_i32_1 = arith.constant 0 : i32
    return %c0_i32, %c0_i32_0 : i32, i32
  }
  func.func @transform_4(%arg0: i32) -> (i32, i32) {
    %c0_i32 = arith.constant 0 : i32
    %c0_i32_0 = arith.constant 0 : i32
    %c0_i32_1 = arith.constant 0 : i32
    return %c0_i32, %c0_i32_0 : i32, i32
  }
  func.func @transform_5(%arg0: i32) -> (i32, i32) {
    %c0_i32 = arith.constant 0 : i32
    %c0_i32_0 = arith.constant 0 : i32
    return %c0_i32, %arg0 : i32, i32
  }
  func.func @transform_6(%arg0: i32) -> (i32, i32) {
    %c0_i32 = arith.constant 0 : i32
    %c0_i32_0 = arith.constant 0 : i32
    return %c0_i32, %arg0 : i32, i32
  }
  func.func @transform_7(%arg0: i32) -> (i32, i32) {
    %c0_i32 = arith.constant 0 : i32
    %c0_i32_0 = arith.constant 0 : i32
    return %c0_i32, %arg0 : i32, i32
  }
}

</mosaic_0001>

<sc_bundles>
// kernel: kernel.14.cloned.1.call-start
scs
__scs_entry_jumppad:
0x0: {  	(pc) =	sbr.rel $0x88, $3  }
0x1: {  	(tag) =	ssettag $0x0;
	lr =	simm.s32 $0x1  }
0x2: {  	[smem:$0x3F73] =	sst lr;
	_ =	strace $0xD0000000  }
0x3: {  	_ = 	snop  }
0x4: {  	_ = 	snop  }
0x5: {  	_ = 	snop  }
0x6: {  	_ = 	snop  }
0x7: {  	_ = 	snop  }
__scs_overlays_trampoline_lowered:
0x8: {  	[smem:$0x3F82] =	sst s0  }
0x9: {  	[smem:$0x3F83] =	sst s1  }
0xa: {  	[smem:$0x3F84] =	sst s2  }
0xb: {  	[smem:$0x3F85] =	sst s3  }
0xc: {  	[smem:$0x3F86] =	sst s4  }
0xd: {  	[smem:$0x3F87] =	sst s5  }
0xe: {  	[smem:$0x3F88] =	sst s6  }
0xf: {  	[smem:$0x3F89] =	sst s7  }
0x10: {  	[smem:$0x3F8A] =	sst s8  }
0x11: {  	[smem:$0x3F8B] =	sst s9;
	s0 =	simm.s32 @!p0 $0x0  }
0x12: {  	s1 =	sld [smem:$0x3F71];
	s0 =	simm.s32 @p0 $0x1  }
0x13: {  	[smem:$0x3F8C] =	sst s0;
	s0 =	simm.s32 @!p1 $0x0  }
0x14: {  	s2 =	sld [smem:$0x3F70];
	s0 =	simm.s32 @p1 $0x1  }
0x15: {  	[smem:$0x3F8D] =	sst s0;
	s0 =	simm.s32 @!p2 $0x0  }
0x16: {  	s3 =	sld [smem:$0x3FDB];
	s0 =	simm.s32 @p2 $0x1  }
0x17: {  	s4 =	simm.s32 $0x1BF5;
	[smem:$0x3F8F] =	sst s0  }
0x18: {  	s0 =	sld [smem:$0x3F72];
	_ =	swait.ge [sflag:s4], $0x0  }
0x19: {  	s7 =	sld [smem:$0x3F73]  }
0x1a: {  	s8 =	sadd.s32 $0xFFFFE003, lr  }
0x1b: {  	s9 =	sadd.s32 $0xFFFFFEF7, lr;
	s5 =	simm.s32 $0xFFFFFFFF;
	p2 =	slt.u32 s8, $0xFFFFF086  }
0x1c: {  	p1 =	slt.u32 s9, $0xF7A;
	s5 =	simm.s32 @!p2 $0x0  }
0x1d: {  	s5 =	simm.s32 @p1 $0x1;
	p0 =	seq.s32 s7, s2  }
0x1e: {  	s7 =	smul.u32 @!p0 $0xF7A, s2;
	p2 =	seq.s32 @!p0 s5, $0x0  }
0x1f: {  	s9 =	smul.u32 $0xF7A, s1;
	s8 =	simm.s32 @!p0 $0x1BF5;
	p2 =	por !p2, p0  }
0x20: {  	[sflag:s8] =	ssyncset.s32 @!p0 $0xFFFFF086;
	s6 =	sadd.s32 @!p0 s3, s7;
	s7 =	simm.s32 @!p0 $0x108  }
0x21: {  	s3 =	sadd.s32 s3, s9;
	s6 =	sadd.s32 @!p0 $0x88, s6;
	s7 =	simm.s32 @p2 $0x1082  }
0x22: {  	[simem:s7], [sflag:s8] =	dma.local @!p0 [hbm:s6], $0xF7A  }
0x23: {  	s9 =	sor.u32 $0xD0000000, s2;
	s6 =	simm.s32 $0x108;
	_ =	swait.ge @!p0 [sflag:s8], $0x0  }
0x24: {  	s3 =	sadd.s32 $0x88, s3;
	s6 =	simm.s32 @!p1 $0x1082;
	[sflag:s4] =	ssyncset.s32 $0xFFFFF086  }
0x25: {  	[simem:s6], [sflag:s4] =	dma.local [hbm:s3], $0xF7A  }
0x26: {  	[smem:$0x3F73] =	sst s1;
	(tag) =	ssettag s2;
	_ =	strace s9  }
0x27: {  	s1 =	sld [smem:$0x3F83]  }
0x28: {  	s2 =	sld [smem:$0x3F84]  }
0x29: {  	s4 =	sld [smem:$0x3F86]  }
0x2a: {  	p0 =	seq.s32 s5, $0x0;
	s5 =	sld [smem:$0x3F87]  }
0x2b: {  	s6 =	sld [smem:$0x3F88]  }
0x2c: {  	s7 =	sld [smem:$0x3F89]  }
0x2d: {  	s3 =	simm.s32 $0x108;
	s8 =	sld [smem:$0x3F8A]  }
0x2e: {  	s3 =	simm.s32 @!p0 $0x1082;
	s9 =	sld [smem:$0x3F8B]  }
0x2f: {  	lr =	sadd.s32 s0, s3;
	s0 =	sld [smem:$0x3F82]  }
0x30: {  	s3 =	sld [smem:$0x3F85]  }
0x31: {  	[smem:$0x3F8E] =	sst s10  }
0x32: {  	s10 =	sld [smem:$0x3F8C];
	_ =	sdelay $0x3  }
0x33: {  	p0 =	seq.s32 s10, $0x1;
	s10 =	sld [smem:$0x3F8E];
	_ =	sdelay $0x3  }
0x34: {  	[smem:$0x3F8E] =	sst s10  }
0x35: {  	s10 =	sld [smem:$0x3F8D];
	_ =	sdelay $0x3  }
0x36: {  	p1 =	seq.s32 s10, $0x1;
	s10 =	sld [smem:$0x3F8E];
	_ =	sdelay $0x3  }
0x37: {  	[smem:$0x3F8E] =	sst s10  }
0x38: {  	s10 =	sld [smem:$0x3F8F]  }
0x39: {  	_ = 	snop;
	(pc) =	sbr.ind lr, $3  }
0x3a: {  	_ = 	snop  }
0x3b: {  	_ = 	snop  }
0x3c: {  	p2 =	seq.s32 s10, $0x1;
	s10 =	sld [smem:$0x3F8E]  }
0x3d: {  	_ =	shalt  }
0x3e: {  	_ =	shalt  }
0x3f: {  	_ =	shalt  }
0x40: {  	_ =	shalt  }
0x41: {  	_ =	shalt  }
0x42: {  	_ =	shalt  }
0x43: {  	_ =	shalt  }
0x44: {  	_ =	shalt  }
0x45: {  	_ =	shalt  }
0x46: {  	_ =	shalt  }
0x47: {  	_ =	shalt  }
0x48: {  	_ =	shalt  }
0x49: {  	_ =	shalt  }
0x4a: {  	_ =	shalt  }
0x4b: {  	_ =	shalt  }
0x4c: {  	_ =	shalt  }
0x4d: {  	_ =	shalt  }
0x4e: {  	_ =	shalt  }
0x4f: {  	_ =	shalt  }
0x50: {  	_ =	shalt  }
0x51: {  	_ =	shalt  }
0x52: {  	_ =	shalt  }
0x53: {  	_ =	shalt  }
0x54: {  	_ =	shalt  }
0x55: {  	_ =	shalt  }
0x56: {  	_ =	shalt  }
0x57: {  	_ =	shalt  }
0x58: {  	_ =	shalt  }
0x59: {  	_ =	shalt  }
0x5a: {  	_ =	shalt  }
0x5b: {  	_ =	shalt  }
0x5c: {  	_ =	shalt  }
0x5d: {  	_ =	shalt  }
0x5e: {  	_ =	shalt  }
0x5f: {  	_ =	shalt  }
0x60: {  	_ =	shalt  }
0x61: {  	_ =	shalt  }
0x62: {  	_ =	shalt  }
0x63: {  	_ =	shalt  }
0x64: {  	_ =	shalt  }
0x65: {  	_ =	shalt  }
0x66: {  	_ =	shalt  }
0x67: {  	_ =	shalt  }
0x68: {  	_ =	shalt  }
0x69: {  	_ =	shalt  }
0x6a: {  	_ =	shalt  }
0x6b: {  	_ =	shalt  }
0x6c: {  	_ =	shalt  }
0x6d: {  	_ =	shalt  }
0x6e: {  	_ =	shalt  }
0x6f: {  	_ =	shalt  }
0x70: {  	_ =	shalt  }
0x71: {  	_ =	shalt  }
0x72: {  	_ =	shalt  }
0x73: {  	_ =	shalt  }
0x74: {  	_ =	shalt  }
0x75: {  	_ =	shalt  }
0x76: {  	_ =	shalt  }
0x77: {  	_ =	shalt  }
0x78: {  	_ =	shalt  }
0x79: {  	_ =	shalt  }
0x7a: {  	_ =	shalt  }
0x7b: {  	_ =	shalt  }
0x7c: {  	_ =	shalt  }
0x7d: {  	_ =	shalt  }
0x7e: {  	_ =	shalt  }
0x7f: {  	_ =	shalt  }
0x80: {  	_ =	shalt  }
0x81: {  	_ =	shalt  }
0x82: {  	_ =	shalt  }
0x83: {  	_ =	shalt  }
0x84: {  	_ =	shalt  }
0x85: {  	_ =	shalt  }
0x86: {  	_ =	shalt  }
0x87: {  	_ =	shalt  }
.Lfunc_end0:
.L_simem_size_0:
called_computation_lowered:
.L_overlay_start_0:
0x88: {  	s2 =	sld [smem:$0x3FD9]  }
0x89: {  	s3 =	sld [smem:$0x3FFE];
	_ =	sdelay $0x1  }
0x8a: {  	s1 =	srdreg.scid  }
0x8b: {  	s0 =	sand.u32 $0x1, s1  }
0x8c: {  	s14 =	sshll.u32 s0, $0xA;
	s2 =	sadd.s32 s3, s2  }
0x8d: {  	s2 =	sadd.s32 s2, s14  }
0x8e: {  	[smem:$0x3F9A] =	sst s2  }
0x8f: {  	_ = 	snop  }
0x90: {  	s2 =	sld [smem:$0x3FD0];
	_ =	sdelay $0x2  }
0x91: {  	s15 =	simm.s32 $0xA;
	s4 =	simm.s32 $0x10  }
0x92: {  	[smem:s4], [sflag:s15] =	dma.local [hbm:s2], $0x1  }
0x93: {  	_ =	swait.eq [sflag:s15], $0x1  }
0x94: {  	[sflag:s15] =	ssyncset.done $0x0  }
0x95: {  	[sflag:s15] =	ssyncadd.s32 $0xFFFFFFFF  }
0x96: {  	s16 =	sld [smem:$0x10];
	(tm) =	ssettm $0x1  }
0x97: {  	s17 =	sld [smem:$0x3FFB];
	_ =	sdelay $0x3  }
0x98: {  	_ =	strace s17  }
0x99: {  	s3 =	sld [smem:$0x3FFC];
	_ =	sdelay $0x3  }
0x9a: {  	_ =	strace s3  }
0x9b: {  	s3 =	sld [smem:$0x3FFD];
	_ =	sdelay $0x3  }
0x9c: {  	_ =	strace s3  }
0x9d: {  	_ =	strace $0x8FFFFFFF  }
0x9e: {  	s18 =	sld [smem:$0x3FDB];
	_ =	sdelay $0x1  }
0x9f: {  	s19 =	simm.s32 $_scs_section_size  }
0xa0: {  	s5 =	simm.s32 $_size__tile_overlayer_lowered;
	s6 =	simm.s32 $_tile_overlayer_lowered  }
0xa1: {  	s22 =	simm.s32 $0x1BFF;
	s21 =	sshll.u32 s6, $0x1;
	s3 =	sadd.s32 s19, s18  }
0xa2: {  	s7 =	simm.s32 $0x0;
	s20 =	sshll.u32 s5, $0x1;
	s5 =	sadd.s32 s21, s3  }
0xa3: {  	[timem:s7], [sflag:s22] =	dma.local [hbm:s5], s20  }
0xa4: {  	_ =	swait.ge [sflag:s22], s20  }
0xa5: {  	s4 =	ssub.s32 $0x0, s20;
	[sflag:s22] =	ssyncset.done $0x0  }
0xa6: {  	[sflag:s22] =	ssyncadd.s32 s4;
	_ =	sdelay $0x1  }
0xa7: {  	s23 =	simm.s32 $0x1B8B  }
0xa8: {  	_ =	swait.ge [sflag:s23], $0x1  }
0xa9: {  	[sflag:s23] =	ssyncset.done $0x0  }
0xaa: {  	s25 =	simm.s32 $0x1B8E;
	s24 =	sld [smem:$0x3FFE];
	[sflag:s23] =	ssyncadd.s32 $0xFFFFFFFF  }
0xab: {  	s26 =	simm.s32 $execute0_lowered;
	[smem:$0x3FD2] =	sst s25  }
0xac: {  	s5 =	sshll.u32 s26, $0x1;
	_ =	strace $0x80000046;
	[dreg:$0x1] =	wrdreg $0xFFFFFFFF  }
0xad: {  	s28 =	simm.s32 $_size_execute0_lowered;
	s3 =	sadd.s32 s3, s5;
	[dreg:$0x0] =	wrdreg $0x0  }
0xae: {  	s5 =	sshll.u32 s28, $0x1;
	[dreg:$0x2] =	wrdreg s3  }
0xaf: {  	[dreg:$0x3] =	wrdreg s5  }
0xb0: {  	[dreg:$0x4] =	wrdreg $0xC0  }
0xb1: {  	_ =	task [dreg:s7], $0x5FFFF  }
0xb2: {  	[dreg:$0x1] =	wrdreg $0xFFFFFFFF  }
0xb3: {  	[dreg:$0x0] =	wrdreg $0x60  }
0xb4: {  	[dreg:$0x2] =	wrdreg s16  }
0xb5: {  	[dreg:$0x3] =	wrdreg s24  }
0xb6: {  	[dreg:$0x4] =	wrdreg $0xCD000  }
0xb7: {  	[dreg:$0x5] =	wrdreg $0x9  }
0xb8: {  	_ =	task.clear_ibuf [dreg:s7], $0x6FFFF;
	_ =	strace $0x90000046  }
0xb9: {  	s29 =	simm.s32 $0x9;
	_ =	strace $0x80000048  }
0xba: {  	_ =	swait.ge [sflag:s29], $0x1  }
0xbb: {  	[sflag:s29] =	ssyncadd.s32 $0xFFFFFFFF  }
0xbc: {  	_ =	strace $0x90000048  }
0xbd: {  	_ =	sfence  }
0xbe: {  	s30 =	sld [smem:$0x0];
	_ =	sdelay $0x2  }
0xbf: {  	s31 =	sshll.u32 s1, $0xD;
	s1 =	sshrl.u32 s1, $0x2  }
0xc0: {  	s3 =	sand.u32 $0x4000, s31;
	s1 =	sadd.s32 s1, s30  }
0xc1: {  	s0 =	sor.u32 s3, s0;
	s1 =	sshll.u32 s1, $0x11  }
0xc2: {  	s0 =	sor.u32 s1, s0  }
0xc3: {  	s0 =	sadd.s32 $0x8F2B, s0  }
0xc4: {  	[sflag:s0] =	ssyncadd.remote.s32 $0x1  }
0xc5: {  	_ =	sfence.sel $0xFFFF  }
0xc6: {  	[dreg:$0x0] =	wrdreg $0xFFFFFFFF;
	(pc) =	sbr.abs _section_cstart, $3  }
0xc7: {  	[dreg:$0x1] =	wrdreg $0xFFFFFFFF  }
0xc8: {  	_ =	task.clear_ibuf [dreg:s7], $0x2FFFF;
	_ =	strace $0x9FFFFFFF  }
0xc9: {  	(tm) =	ssettm $0x7FFFFFFF  }
tec
execute0_lowered:
.L_overlay_start_1:
0x0: {  	(tag) =	ssettag $0x1  }
0x1: {  	s1 =	rddreg [dreg:$0x0]  }
0x2: {  	s7 =	rddreg [dreg:$0x1]  }
0x3: {  	s2 =	rddreg [dreg:$0x2]  }
0x4: {  	s0 =	rddreg [dreg:$0x3]  }
0x5: {  	s3 =	srdreg.scid;
	s10 =	stileid.u32  }
0x6: {  	s12 =	simm.s32 $0x80;
	s13 =	simm.s32 $0x7D00;
	s14 =	simm.s32 $0x8500  }
0x7: {  	s15 =	simm.s32 $0x8D00;
	s16 =	simm.s32 $0x9500;
	s17 =	simm.s32 $0x9D00  }
0x8: {  	s18 =	simm.s32 $0xA500;
	s19 =	simm.s32 $0xAD00;
	s20 =	simm.s32 $0xB500  }
0x9: {  	s21 =	simm.s32 $0xBD00;
	s22 =	simm.s32 $0xC500;
	s23 =	simm.s32 $0x1  }
0xa: {  	s24 =	simm.s32 $0x0;
	s4 =	sand.u32 $0x1, s3;
	s5 =	sshll.u32 s10, $0x1  }
0xb: {  	s6 =	smul.u32 $0x1F400, s10;
	s3 =	simm.s32 $0x0;
	p0 =	sne.s32 s10, $0x0  }
0xc: {  	s5 =	sor.u32 s4, s5;
	s8 =	smul.u32 $0xFA00, s4;
	[smem:$0x7FF] =	sst s3  }
0xd: {  	s9 =	ssub.s32 $0x2, s4;
	s10 =	sshrl.u32 @!p0 s2, $0x3;
	s5 =	smul.u32 $0xFA0, s5  }
0xe: {  	_ =	strace $0x80000047;
	s30 =	sshrl.u32 s9, $0x1;
	s4 =	sadd.s32 s8, s6  }
0xf: {  	s9 =	ssub.s32 s9, s30;
	s31 =	sadd.s32 s5, s7;
	s11 =	sadd.s32 s4, s7  }
0x10: {  	s7 =	sadd.s32 $0x2BD800, s7;
	s8 =	smax.u32 s9, $0x1;
	s5 =	sadd.s32 $0x8B000, s31  }
0x11: {  	s6 =	sadd.s32 $0xAA400, s31;
	s9 =	sadd.s32 $0xC9800, s11;
	s11 =	simm.s32 $0x2  }
.LBB2_1:
0x12: {  	s25 =	simm.s32 @!p0 $0x1C02  }
0x13: {  	[spmem:s10], [sflag:s25] =	dma.local @!p0 [hbm:s1], $0xFA00  }
0x14: {  	s25 =	simm.s32 @!p0 $0x2  }
0x15: {  	_ =	swait.ge @!p0 [sflag:s25], $0xFA00  }
0x16: {  	[sflag:s25] =	ssyncset.done @!p0 $0x0  }
0x17: {  	[sflag:s25] =	ssyncadd.s32 @!p0 $0xFFFF0600  }
0x18: {  	[bflag:$0x0] =	sbarrier.arrive $0xFFFF  }
0x19: {  	[tilespmem:s3], [sflag:$0x2] =	stream.linear.gather [hbm4b:s5+s3], $0x7D00, $0x38;
	[tilespmem:$0x14A00] =	vst v63  }
0x1a: {  	_ =	swait.ge [sflag:s11], $0x7D00  }
0x1b: {  	[sflag:s11] =	ssyncset.done $0x0  }
0x1c: {  	s30 =	simm.s32 $0x0;
	[sflag:s11] =	ssyncadd.s32 $0xFFFF8300  }
0x1d: {  	[tilespmem:s13], [sflag:$0x1] =	stream.indirect.gather [spmem:s2], $0x10, s30, s12, $0xb8;
	[tilespmem:$0x14A00] =	vst v63  }
0x1e: {  	s31 =	simm.s32 $0x80  }
0x1f: {  	[tilespmem:s14], [sflag:$0x1] =	stream.indirect.gather [spmem:s2], $0x10, s31, s12, $0xb8;
	[tilespmem:$0x14A00] =	vst v63  }
0x20: {  	s26 =	simm.s32 $0x100  }
0x21: {  	[tilespmem:s15], [sflag:$0x1] =	stream.indirect.gather [spmem:s2], $0x10, s26, s12, $0xb8;
	[tilespmem:$0x14A00] =	vst v63  }
0x22: {  	s28 =	simm.s32 $0x180  }
0x23: {  	[tilespmem:s16], [sflag:$0x1] =	stream.indirect.gather [spmem:s2], $0x10, s28, s12, $0xb8;
	[tilespmem:$0x14A00] =	vst v63  }
0x24: {  	s30 =	simm.s32 $0x200  }
0x25: {  	[tilespmem:s17], [sflag:$0x1] =	stream.indirect.gather [spmem:s2], $0x10, s30, s12, $0xb8;
	[tilespmem:$0x14A00] =	vst v63  }
0x26: {  	s31 =	simm.s32 $0x280  }
0x27: {  	[tilespmem:s18], [sflag:$0x1] =	stream.indirect.gather [spmem:s2], $0x10, s31, s12, $0xb8;
	[tilespmem:$0x14A00] =	vst v63  }
0x28: {  	s26 =	simm.s32 $0x300  }
0x29: {  	[tilespmem:s19], [sflag:$0x1] =	stream.indirect.gather [spmem:s2], $0x10, s26, s12, $0xb8;
	[tilespmem:$0x14A00] =	vst v63  }
0x2a: {  	s28 =	simm.s32 $0x380  }
0x2b: {  	[tilespmem:s20], [sflag:$0x1] =	stream.indirect.gather [spmem:s2], $0x10, s28, s12, $0xb8;
	[tilespmem:$0x14A00] =	vst v63  }
0x2c: {  	s30 =	simm.s32 $0x400  }
0x2d: {  	[tilespmem:s21], [sflag:$0x1] =	stream.indirect.gather [spmem:s2], $0x10, s30, s12, $0xb8;
	[tilespmem:$0x14A00] =	vst v63  }
0x2e: {  	s31 =	simm.s32 $0x480  }
0x2f: {  	[tilespmem:s22], [sflag:$0x1] =	stream.indirect.gather [spmem:s2], $0x10, s31, s12, $0xb8;
	[tilespmem:$0x14A00] =	vst v63  }
0x30: {  	_ =	swait.ge [sflag:s23], $0x800  }
0x31: {  	[sflag:s23] =	ssyncset.done $0x0  }
0x32: {  	[sflag:s23] =	ssyncadd.s32 $0xFFFFF800  }
0x33: {  	_ =	swait.ge [sflag:s23], $0x800  }
0x34: {  	[sflag:s23] =	ssyncset.done $0x0  }
0x35: {  	[sflag:s23] =	ssyncadd.s32 $0xFFFFF800  }
0x36: {  	_ =	swait.ge [sflag:s23], $0x800  }
0x37: {  	[sflag:s23] =	ssyncset.done $0x0  }
0x38: {  	[sflag:s23] =	ssyncadd.s32 $0xFFFFF800  }
0x39: {  	_ =	swait.ge [sflag:s23], $0x800  }
0x3a: {  	[sflag:s23] =	ssyncset.done $0x0  }
0x3b: {  	[sflag:s23] =	ssyncadd.s32 $0xFFFFF800  }
0x3c: {  	_ =	swait.ge [sflag:s23], $0x800  }
0x3d: {  	[sflag:s23] =	ssyncset.done $0x0  }
0x3e: {  	[sflag:s23] =	ssyncadd.s32 $0xFFFFF800  }
0x3f: {  	_ =	swait.ge [sflag:s23], $0x800  }
0x40: {  	[sflag:s23] =	ssyncset.done $0x0  }
0x41: {  	[sflag:s23] =	ssyncadd.s32 $0xFFFFF800  }
0x42: {  	_ =	swait.ge [sflag:s23], $0x800  }
0x43: {  	[sflag:s23] =	ssyncset.done $0x0  }
0x44: {  	[sflag:s23] =	ssyncadd.s32 $0xFFFFF800  }
0x45: {  	_ =	swait.ge [sflag:s23], $0x800  }
0x46: {  	[sflag:s23] =	ssyncset.done $0x0  }
0x47: {  	[sflag:s23] =	ssyncadd.s32 $0xFFFFF800  }
0x48: {  	_ =	swait.ge [sflag:s23], $0x800  }
0x49: {  	[sflag:s23] =	ssyncset.done $0x0  }
0x4a: {  	[sflag:s23] =	ssyncadd.s32 $0xFFFFF800  }
0x4b: {  	_ =	swait.ge [sflag:s23], $0x800  }
0x4c: {  	[sflag:s23] =	ssyncset.done $0x0  }
0x4d: {  	[sflag:s23] =	ssyncadd.s32 $0xFFFFF800  }
0x4e: {  	[hbm4b:s9+s3] =	stream.linear.scatter [tilespmem:s13], [sflag:$0x2], $0x5000, $0x38;
	[tilespmem:$0x14A00] =	vst v63  }
0x4f: {  	s29 =	simm.s32 $0x2800;
	_ =	swait.ge [sflag:s11], $0x5000  }
0x50: {  	s25 =	sadd.s32 $0xA00, s9;
	s26 =	simm.s32 $0x1400;
	[sflag:s11] =	ssyncset.done $0x0  }
.LBB2_2:
0x51: {  	s30 =	sshra.s32 s26, $0x2  }
0x52: {  	[sflag:s11] =	ssyncadd.s32 $0xFFFFB000;
	s26 =	smov.u32 s29;
	s28 =	sadd.s32 $0x1400, s29  }
0x53: {  	[tilespmem:s13], [sflag:$0x1] =	stream.indirect.gather [spmem:s2], $0x10, s30, s12, $0xb8;
	[tilespmem:$0x14A00] =	vst v63  }
0x54: {  	p1 =	sne.s32 s29, $0x1E000;
	s29 =	sadd.s32 $0x80, s30  }
0x55: {  	[tilespmem:s14], [sflag:$0x1] =	stream.indirect.gather [spmem:s2], $0x10, s29, s12, $0xb8;
	[tilespmem:$0x14A00] =	vst v63  }
0x56: {  	s29 =	sadd.s32 $0x100, s30  }
0x57: {  	[tilespmem:s15], [sflag:$0x1] =	stream.indirect.gather [spmem:s2], $0x10, s29, s12, $0xb8;
	[tilespmem:$0x14A00] =	vst v63  }
0x58: {  	s29 =	sadd.s32 $0x180, s30  }
0x59: {  	[tilespmem:s16], [sflag:$0x1] =	stream.indirect.gather [spmem:s2], $0x10, s29, s12, $0xb8;
	[tilespmem:$0x14A00] =	vst v63  }
0x5a: {  	s29 =	sadd.s32 $0x200, s30  }
0x5b: {  	[tilespmem:s17], [sflag:$0x1] =	stream.indirect.gather [spmem:s2], $0x10, s29, s12, $0xb8;
	[tilespmem:$0x14A00] =	vst v63  }
0x5c: {  	s29 =	sadd.s32 $0x280, s30  }
0x5d: {  	[tilespmem:s18], [sflag:$0x1] =	stream.indirect.gather [spmem:s2], $0x10, s29, s12, $0xb8;
	[tilespmem:$0x14A00] =	vst v63  }
0x5e: {  	s29 =	sadd.s32 $0x300, s30  }
0x5f: {  	[tilespmem:s19], [sflag:$0x1] =	stream.indirect.gather [spmem:s2], $0x10, s29, s12, $0xb8;
	[tilespmem:$0x14A00] =	vst v63  }
0x60: {  	s29 =	sadd.s32 $0x380, s30  }
0x61: {  	[tilespmem:s20], [sflag:$0x1] =	stream.indirect.gather [spmem:s2], $0x10, s29, s12, $0xb8;
	[tilespmem:$0x14A00] =	vst v63  }
0x62: {  	s29 =	sadd.s32 $0x400, s30  }
0x63: {  	[tilespmem:s21], [sflag:$0x1] =	stream.indirect.gather [spmem:s2], $0x10, s29, s12, $0xb8;
	[tilespmem:$0x14A00] =	vst v63  }
0x64: {  	s29 =	sadd.s32 $0x480, s30  }
0x65: {  	[tilespmem:s22], [sflag:$0x1] =	stream.indirect.gather [spmem:s2], $0x10, s29, s12, $0xb8;
	[tilespmem:$0x14A00] =	vst v63  }
0x66: {  	_ =	swait.ge [sflag:s23], $0x800  }
0x67: {  	[sflag:s23] =	ssyncset.done $0x0  }
0x68: {  	[sflag:s23] =	ssyncadd.s32 $0xFFFFF800  }
0x69: {  	_ =	swait.ge [sflag:s23], $0x800  }
0x6a: {  	[sflag:s23] =	ssyncset.done $0x0  }
0x6b: {  	[sflag:s23] =	ssyncadd.s32 $0xFFFFF800  }
0x6c: {  	_ =	swait.ge [sflag:s23], $0x800  }
0x6d: {  	[sflag:s23] =	ssyncset.done $0x0  }
0x6e: {  	[sflag:s23] =	ssyncadd.s32 $0xFFFFF800  }
0x6f: {  	_ =	swait.ge [sflag:s23], $0x800  }
0x70: {  	[sflag:s23] =	ssyncset.done $0x0  }
0x71: {  	[sflag:s23] =	ssyncadd.s32 $0xFFFFF800  }
0x72: {  	_ =	swait.ge [sflag:s23], $0x800  }
0x73: {  	[sflag:s23] =	ssyncset.done $0x0  }
0x74: {  	[sflag:s23] =	ssyncadd.s32 $0xFFFFF800  }
0x75: {  	_ =	swait.ge [sflag:s23], $0x800  }
0x76: {  	[sflag:s23] =	ssyncset.done $0x0  }
0x77: {  	[sflag:s23] =	ssyncadd.s32 $0xFFFFF800  }
0x78: {  	_ =	swait.ge [sflag:s23], $0x800  }
0x79: {  	[sflag:s23] =	ssyncset.done $0x0  }
0x7a: {  	[sflag:s23] =	ssyncadd.s32 $0xFFFFF800  }
0x7b: {  	_ =	swait.ge [sflag:s23], $0x800  }
0x7c: {  	[sflag:s23] =	ssyncset.done $0x0  }
0x7d: {  	[sflag:s23] =	ssyncadd.s32 $0xFFFFF800  }
0x7e: {  	_ =	swait.ge [sflag:s23], $0x800  }
0x7f: {  	[sflag:s23] =	ssyncset.done $0x0  }
0x80: {  	[sflag:s23] =	ssyncadd.s32 $0xFFFFF800  }
0x81: {  	_ =	swait.ge [sflag:s23], $0x800  }
.Ltmp0:
0x82: {  	[sflag:s23] =	ssyncset.done $0x0;
	(pc) =	sbr.rel @p1 .LBB2_2-.Ltmp0, $4  }
0x83: {  	[sflag:s23] =	ssyncadd.s32 $0xFFFFF800  }
0x84: {  	[hbm4b:s25+s3] =	stream.linear.scatter [tilespmem:s13], [sflag:$0x2], $0x5000, $0x38;
	[tilespmem:$0x14A00] =	vst v63  }
0x85: {  	_ =	swait.ge [sflag:s11], $0x5000  }
0x86: {  	s29 =	smov.u32 s28;
	s25 =	sadd.s32 $0xA00, s25;
	[sflag:s11] =	ssyncset.done $0x0  }
0x87: {  	s26 =	sshra.s32 s26, $0x2;
	[sflag:s11] =	ssyncadd.s32 $0xFFFFB000  }
0x88: {  	[tilespmem:s13], [sflag:$0x1] =	stream.indirect.gather [spmem:s2], $0x10, s26, s12, $0xb8;
	[tilespmem:$0x14A00] =	vst v63  }
0x89: {  	s28 =	sadd.s32 $0x80, s26  }
0x8a: {  	[tilespmem:s14], [sflag:$0x1] =	stream.indirect.gather [spmem:s2], $0x10, s28, s12, $0xb8;
	[tilespmem:$0x14A00] =	vst v63  }
0x8b: {  	s31 =	sadd.s32 $0x100, s26  }
0x8c: {  	[tilespmem:s15], [sflag:$0x1] =	stream.indirect.gather [spmem:s2], $0x10, s31, s12, $0xb8;
	[tilespmem:$0x14A00] =	vst v63  }
0x8d: {  	s30 =	sadd.s32 $0x180, s26  }
0x8e: {  	[tilespmem:s16], [sflag:$0x1] =	stream.indirect.gather [spmem:s2], $0x10, s30, s12, $0xb8;
	[tilespmem:$0x14A00] =	vst v63  }
0x8f: {  	s31 =	sadd.s32 $0x200, s26  }
0x90: {  	[tilespmem:s17], [sflag:$0x1] =	stream.indirect.gather [spmem:s2], $0x10, s31, s12, $0xb8;
	[tilespmem:$0x14A00] =	vst v63  }
0x91: {  	s30 =	sadd.s32 $0x280, s26  }
0x92: {  	[tilespmem:s18], [sflag:$0x1] =	stream.indirect.gather [spmem:s2], $0x10, s30, s12, $0xb8;
	[tilespmem:$0x14A00] =	vst v63  }
0x93: {  	s31 =	sadd.s32 $0x300, s26  }
0x94: {  	[tilespmem:s19], [sflag:$0x1] =	stream.indirect.gather [spmem:s2], $0x10, s31, s12, $0xb8;
	[tilespmem:$0x14A00] =	vst v63  }
0x95: {  	s30 =	sadd.s32 $0x380, s26  }
0x96: {  	[tilespmem:s20], [sflag:$0x1] =	stream.indirect.gather [spmem:s2], $0x10, s30, s12, $0xb8;
	[tilespmem:$0x14A00] =	vst v63  }
0x97: {  	s31 =	sadd.s32 $0x400, s26  }
0x98: {  	[tilespmem:s21], [sflag:$0x1] =	stream.indirect.gather [spmem:s2], $0x10, s31, s12, $0xb8;
	[tilespmem:$0x14A00] =	vst v63  }
0x99: {  	s26 =	sadd.s32 $0x480, s26  }
0x9a: {  	[tilespmem:s22], [sflag:$0x1] =	stream.indirect.gather [spmem:s2], $0x10, s26, s12, $0xb8;
	[tilespmem:$0x14A00] =	vst v63  }
0x9b: {  	_ =	swait.ge [sflag:s23], $0x800  }
0x9c: {  	[sflag:s23] =	ssyncset.done $0x0  }
0x9d: {  	[sflag:s23] =	ssyncadd.s32 $0xFFFFF800  }
0x9e: {  	_ =	swait.ge [sflag:s23], $0x800  }
0x9f: {  	[sflag:s23] =	ssyncset.done $0x0  }
0xa0: {  	[sflag:s23] =	ssyncadd.s32 $0xFFFFF800  }
0xa1: {  	_ =	swait.ge [sflag:s23], $0x800  }
0xa2: {  	[sflag:s23] =	ssyncset.done $0x0  }
0xa3: {  	[sflag:s23] =	ssyncadd.s32 $0xFFFFF800  }
0xa4: {  	_ =	swait.ge [sflag:s23], $0x800  }
0xa5: {  	[sflag:s23] =	ssyncset.done $0x0  }
0xa6: {  	[sflag:s23] =	ssyncadd.s32 $0xFFFFF800  }
0xa7: {  	_ =	swait.ge [sflag:s23], $0x800  }
0xa8: {  	[sflag:s23] =	ssyncset.done $0x0  }
0xa9: {  	[sflag:s23] =	ssyncadd.s32 $0xFFFFF800  }
0xaa: {  	_ =	swait.ge [sflag:s23], $0x800  }
0xab: {  	[sflag:s23] =	ssyncset.done $0x0  }
0xac: {  	[sflag:s23] =	ssyncadd.s32 $0xFFFFF800  }
0xad: {  	_ =	swait.ge [sflag:s23], $0x800  }
0xae: {  	[sflag:s23] =	ssyncset.done $0x0  }
0xaf: {  	[sflag:s23] =	ssyncadd.s32 $0xFFFFF800  }
0xb0: {  	_ =	swait.ge [sflag:s23], $0x800  }
0xb1: {  	[sflag:s23] =	ssyncset.done $0x0  }
0xb2: {  	[sflag:s23] =	ssyncadd.s32 $0xFFFFF800  }
0xb3: {  	_ =	swait.ge [sflag:s23], $0x800  }
0xb4: {  	[sflag:s23] =	ssyncset.done $0x0  }
0xb5: {  	[sflag:s23] =	ssyncadd.s32 $0xFFFFF800  }
0xb6: {  	_ =	swait.ge [sflag:s23], $0x800  }
0xb7: {  	[sflag:s23] =	ssyncset.done $0x0  }
0xb8: {  	[sflag:s23] =	ssyncadd.s32 $0xFFFFF800  }
0xb9: {  	[hbm4b:s25+s3] =	stream.linear.scatter [tilespmem:s13], [sflag:$0x2], $0x5000, $0x38;
	[tilespmem:$0x14A00] =	vst v63  }
0xba: {  	_ =	swait.ge [sflag:s11], $0x5000  }
0xbb: {  	[sflag:s11] =	ssyncset.done $0x0  }
0xbc: {  	s26 =	simm.s32 $0x0;
	[sflag:s11] =	ssyncadd.s32 $0xFFFFB000  }
0xbd: {  	[tilespmem:s26], [sflag:$0x2] =	stream.linear.gather [hbm4b:s6+s26], $0x7D00, $0x38;
	[tilespmem:$0x14A00] =	vst v63  }
0xbe: {  	_ =	swait.ge [sflag:s11], $0x7D00  }
0xbf: {  	[sflag:s11] =	ssyncset.done $0x0  }
0xc0: {  	s28 =	simm.s32 $0x0;
	[sflag:s11] =	ssyncadd.s32 $0xFFFF8300  }
0xc1: {  	[tilespmem:s13], [sflag:$0x1] =	stream.indirect.gather [spmem:s2], $0x10, s28, s12, $0xb8;
	[tilespmem:$0x14A00] =	vst v63  }
0xc2: {  	s30 =	simm.s32 $0x80  }
0xc3: {  	[tilespmem:s14], [sflag:$0x1] =	stream.indirect.gather [spmem:s2], $0x10, s30, s12, $0xb8;
	[tilespmem:$0x14A00] =	vst v63  }
0xc4: {  	s31 =	simm.s32 $0x100  }
0xc5: {  	[tilespmem:s15], [sflag:$0x1] =	stream.indirect.gather [spmem:s2], $0x10, s31, s12, $0xb8;
	[tilespmem:$0x14A00] =	vst v63  }
0xc6: {  	s26 =	simm.s32 $0x180  }
0xc7: {  	[tilespmem:s16], [sflag:$0x1] =	stream.indirect.gather [spmem:s2], $0x10, s26, s12, $0xb8;
	[tilespmem:$0x14A00] =	vst v63  }
0xc8: {  	s28 =	simm.s32 $0x200  }
0xc9: {  	[tilespmem:s17], [sflag:$0x1] =	stream.indirect.gather [spmem:s2], $0x10, s28, s12, $0xb8;
	[tilespmem:$0x14A00] =	vst v63  }
0xca: {  	s30 =	simm.s32 $0x280  }
0xcb: {  	[tilespmem:s18], [sflag:$0x1] =	stream.indirect.gather [spmem:s2], $0x10, s30, s12, $0xb8;
	[tilespmem:$0x14A00] =	vst v63  }
0xcc: {  	s31 =	simm.s32 $0x300  }
0xcd: {  	[tilespmem:s19], [sflag:$0x1] =	stream.indirect.gather [spmem:s2], $0x10, s31, s12, $0xb8;
	[tilespmem:$0x14A00] =	vst v63  }
0xce: {  	s26 =	simm.s32 $0x380  }
0xcf: {  	[tilespmem:s20], [sflag:$0x1] =	stream.indirect.gather [spmem:s2], $0x10, s26, s12, $0xb8;
	[tilespmem:$0x14A00] =	vst v63  }
0xd0: {  	s28 =	simm.s32 $0x400  }
0xd1: {  	[tilespmem:s21], [sflag:$0x1] =	stream.indirect.gather [spmem:s2], $0x10, s28, s12, $0xb8;
	[tilespmem:$0x14A00] =	vst v63  }
0xd2: {  	s30 =	simm.s32 $0x480  }
0xd3: {  	[tilespmem:s22], [sflag:$0x1] =	stream.indirect.gather [spmem:s2], $0x10, s30, s12, $0xb8;
	[tilespmem:$0x14A00] =	vst v63  }
0xd4: {  	_ =	swait.ge [sflag:s23], $0x800  }
0xd5: {  	[sflag:s23] =	ssyncset.done $0x0  }
0xd6: {  	[sflag:s23] =	ssyncadd.s32 $0xFFFFF800  }
0xd7: {  	_ =	swait.ge [sflag:s23], $0x800  }
0xd8: {  	[sflag:s23] =	ssyncset.done $0x0  }
0xd9: {  	[sflag:s23] =	ssyncadd.s32 $0xFFFFF800  }
0xda: {  	_ =	swait.ge [sflag:s23], $0x800  }
0xdb: {  	[sflag:s23] =	ssyncset.done $0x0  }
0xdc: {  	[sflag:s23] =	ssyncadd.s32 $0xFFFFF800  }
0xdd: {  	_ =	swait.ge [sflag:s23], $0x800  }
0xde: {  	[sflag:s23] =	ssyncset.done $0x0  }
0xdf: {  	[sflag:s23] =	ssyncadd.s32 $0xFFFFF800  }
0xe0: {  	_ =	swait.ge [sflag:s23], $0x800  }
0xe1: {  	[sflag:s23] =	ssyncset.done $0x0  }
0xe2: {  	[sflag:s23] =	ssyncadd.s32 $0xFFFFF800  }
0xe3: {  	_ =	swait.ge [sflag:s23], $0x800  }
0xe4: {  	[sflag:s23] =	ssyncset.done $0x0  }
0xe5: {  	[sflag:s23] =	ssyncadd.s32 $0xFFFFF800  }
0xe6: {  	_ =	swait.ge [sflag:s23], $0x800  }
0xe7: {  	[sflag:s23] =	ssyncset.done $0x0  }
0xe8: {  	[sflag:s23] =	ssyncadd.s32 $0xFFFFF800  }
0xe9: {  	_ =	swait.ge [sflag:s23], $0x800  }
0xea: {  	[sflag:s23] =	ssyncset.done $0x0  }
0xeb: {  	[sflag:s23] =	ssyncadd.s32 $0xFFFFF800  }
0xec: {  	_ =	swait.ge [sflag:s23], $0x800  }
0xed: {  	[sflag:s23] =	ssyncset.done $0x0  }
0xee: {  	[sflag:s23] =	ssyncadd.s32 $0xFFFFF800  }
0xef: {  	_ =	swait.ge [sflag:s23], $0x800  }
0xf0: {  	[sflag:s23] =	ssyncset.done $0x0  }
0xf1: {  	s31 =	sadd.s32 s4, s7;
	[sflag:s23] =	ssyncadd.s32 $0xFFFFF800  }
0xf2: {  	[hbm4b:s31+s3] =	stream.linear.scatter [tilespmem:s13], [sflag:$0x2], $0x5000, $0x38;
	[tilespmem:$0x14A00] =	vst v63  }
0xf3: {  	s29 =	simm.s32 $0x2800;
	_ =	swait.ge [sflag:s11], $0x5000  }
0xf4: {  	s25 =	sadd.s32 $0xA00, s4;
	s26 =	simm.s32 $0x1400;
	[sflag:s11] =	ssyncset.done $0x0  }
.LBB2_4:
0xf5: {  	s30 =	sshra.s32 s26, $0x2  }
0xf6: {  	[sflag:s11] =	ssyncadd.s32 $0xFFFFB000;
	s26 =	smov.u32 s29;
	s28 =	sadd.s32 $0x1400, s29  }
0xf7: {  	[tilespmem:s13], [sflag:$0x1] =	stream.indirect.gather [spmem:s2], $0x10, s30, s12, $0xb8;
	[tilespmem:$0x14A00] =	vst v63  }
0xf8: {  	p1 =	sne.s32 s29, $0x1E000;
	s29 =	sadd.s32 $0x80, s30  }
0xf9: {  	[tilespmem:s14], [sflag:$0x1] =	stream.indirect.gather [spmem:s2], $0x10, s29, s12, $0xb8;
	[tilespmem:$0x14A00] =	vst v63  }
0xfa: {  	s29 =	sadd.s32 $0x100, s30  }
0xfb: {  	[tilespmem:s15], [sflag:$0x1] =	stream.indirect.gather [spmem:s2], $0x10, s29, s12, $0xb8;
	[tilespmem:$0x14A00] =	vst v63  }
0xfc: {  	s29 =	sadd.s32 $0x180, s30  }
0xfd: {  	[tilespmem:s16], [sflag:$0x1] =	stream.indirect.gather [spmem:s2], $0x10, s29, s12, $0xb8;
	[tilespmem:$0x14A00] =	vst v63  }
0xfe: {  	s29 =	sadd.s32 $0x200, s30  }
0xff: {  	[tilespmem:s17], [sflag:$0x1] =	stream.indirect.gather [spmem:s2], $0x10, s29, s12, $0xb8;
	[tilespmem:$0x14A00] =	vst v63  }
0x100: {  	s29 =	sadd.s32 $0x280, s30  }
0x101: {  	[tilespmem:s18], [sflag:$0x1] =	stream.indirect.gather [spmem:s2], $0x10, s29, s12, $0xb8;
	[tilespmem:$0x14A00] =	vst v63  }
0x102: {  	s29 =	sadd.s32 $0x300, s30  }
0x103: {  	[tilespmem:s19], [sflag:$0x1] =	stream.indirect.gather [spmem:s2], $0x10, s29, s12, $0xb8;
	[tilespmem:$0x14A00] =	vst v63  }
0x104: {  	s29 =	sadd.s32 $0x380, s30  }
0x105: {  	[tilespmem:s20], [sflag:$0x1] =	stream.indirect.gather [spmem:s2], $0x10, s29, s12, $0xb8;
	[tilespmem:$0x14A00] =	vst v63  }
0x106: {  	s29 =	sadd.s32 $0x400, s30  }
0x107: {  	[tilespmem:s21], [sflag:$0x1] =	stream.indirect.gather [spmem:s2], $0x10, s29, s12, $0xb8;
	[tilespmem:$0x14A00] =	vst v63  }
0x108: {  	s29 =	sadd.s32 $0x480, s30  }
0x109: {  	[tilespmem:s22], [sflag:$0x1] =	stream.indirect.gather [spmem:s2], $0x10, s29, s12, $0xb8;
	[tilespmem:$0x14A00] =	vst v63  }
0x10a: {  	_ =	swait.ge [sflag:s23], $0x800  }
0x10b: {  	[sflag:s23] =	ssyncset.done $0x0  }
0x10c: {  	[sflag:s23] =	ssyncadd.s32 $0xFFFFF800  }
0x10d: {  	_ =	swait.ge [sflag:s23], $0x800  }
0x10e: {  	[sflag:s23] =	ssyncset.done $0x0  }
0x10f: {  	[sflag:s23] =	ssyncadd.s32 $0xFFFFF800  }
0x110: {  	_ =	swait.ge [sflag:s23], $0x800  }
0x111: {  	[sflag:s23] =	ssyncset.done $0x0  }
0x112: {  	[sflag:s23] =	ssyncadd.s32 $0xFFFFF800  }
0x113: {  	_ =	swait.ge [sflag:s23], $0x800  }
0x114: {  	[sflag:s23] =	ssyncset.done $0x0  }
0x115: {  	[sflag:s23] =	ssyncadd.s32 $0xFFFFF800  }
0x116: {  	_ =	swait.ge [sflag:s23], $0x800  }
0x117: {  	[sflag:s23] =	ssyncset.done $0x0  }
0x118: {  	[sflag:s23] =	ssyncadd.s32 $0xFFFFF800  }
0x119: {  	_ =	swait.ge [sflag:s23], $0x800  }
0x11a: {  	[sflag:s23] =	ssyncset.done $0x0  }
0x11b: {  	[sflag:s23] =	ssyncadd.s32 $0xFFFFF800  }
0x11c: {  	_ =	swait.ge [sflag:s23], $0x800  }
0x11d: {  	[sflag:s23] =	ssyncset.done $0x0  }
0x11e: {  	[sflag:s23] =	ssyncadd.s32 $0xFFFFF800  }
0x11f: {  	_ =	swait.ge [sflag:s23], $0x800  }
0x120: {  	[sflag:s23] =	ssyncset.done $0x0  }
0x121: {  	[sflag:s23] =	ssyncadd.s32 $0xFFFFF800  }
0x122: {  	_ =	swait.ge [sflag:s23], $0x800  }
0x123: {  	[sflag:s23] =	ssyncset.done $0x0  }
0x124: {  	[sflag:s23] =	ssyncadd.s32 $0xFFFFF800  }
0x125: {  	_ =	swait.ge [sflag:s23], $0x800  }
.Ltmp1:
0x126: {  	[sflag:s23] =	ssyncset.done $0x0;
	(pc) =	sbr.rel @p1 .LBB2_4-.Ltmp1, $4  }
0x127: {  	s29 =	sadd.s32 s25, s7;
	[sflag:s23] =	ssyncadd.s32 $0xFFFFF800  }
0x128: {  	[hbm4b:s29+s3] =	stream.linear.scatter [tilespmem:s13], [sflag:$0x2], $0x5000, $0x38;
	[tilespmem:$0x14A00] =	vst v63  }
0x129: {  	_ =	swait.ge [sflag:s11], $0x5000  }
0x12a: {  	s25 =	sadd.s32 $0xA00, s25;
	s29 =	smov.u32 s28;
	[sflag:s11] =	ssyncset.done $0x0  }
0x12b: {  	s26 =	sshra.s32 s26, $0x2;
	[sflag:s11] =	ssyncadd.s32 $0xFFFFB000  }
0x12c: {  	[tilespmem:s13], [sflag:$0x1] =	stream.indirect.gather [spmem:s2], $0x10, s26, s12, $0xb8;
	[tilespmem:$0x14A00] =	vst v63  }
0x12d: {  	s28 =	sadd.s32 $0x80, s26  }
0x12e: {  	[tilespmem:s14], [sflag:$0x1] =	stream.indirect.gather [spmem:s2], $0x10, s28, s12, $0xb8;
	[tilespmem:$0x14A00] =	vst v63  }
0x12f: {  	s31 =	sadd.s32 $0x100, s26  }
0x130: {  	[tilespmem:s15], [sflag:$0x1] =	stream.indirect.gather [spmem:s2], $0x10, s31, s12, $0xb8;
	[tilespmem:$0x14A00] =	vst v63  }
0x131: {  	s29 =	sadd.s32 $0x180, s26  }
0x132: {  	[tilespmem:s16], [sflag:$0x1] =	stream.indirect.gather [spmem:s2], $0x10, s29, s12, $0xb8;
	[tilespmem:$0x14A00] =	vst v63  }
0x133: {  	s30 =	sadd.s32 $0x200, s26  }
0x134: {  	[tilespmem:s17], [sflag:$0x1] =	stream.indirect.gather [spmem:s2], $0x10, s30, s12, $0xb8;
	[tilespmem:$0x14A00] =	vst v63  }
0x135: {  	s31 =	sadd.s32 $0x280, s26  }
0x136: {  	[tilespmem:s18], [sflag:$0x1] =	stream.indirect.gather [spmem:s2], $0x10, s31, s12, $0xb8;
	[tilespmem:$0x14A00] =	vst v63  }
0x137: {  	s29 =	sadd.s32 $0x300, s26  }
0x138: {  	[tilespmem:s19], [sflag:$0x1] =	stream.indirect.gather [spmem:s2], $0x10, s29, s12, $0xb8;
	[tilespmem:$0x14A00] =	vst v63  }
0x139: {  	s30 =	sadd.s32 $0x380, s26  }
0x13a: {  	[tilespmem:s20], [sflag:$0x1] =	stream.indirect.gather [spmem:s2], $0x10, s30, s12, $0xb8;
	[tilespmem:$0x14A00] =	vst v63  }
0x13b: {  	s31 =	sadd.s32 $0x400, s26  }
0x13c: {  	[tilespmem:s21], [sflag:$0x1] =	stream.indirect.gather [spmem:s2], $0x10, s31, s12, $0xb8;
	[tilespmem:$0x14A00] =	vst v63  }
0x13d: {  	s26 =	sadd.s32 $0x480, s26  }
0x13e: {  	[tilespmem:s22], [sflag:$0x1] =	stream.indirect.gather [spmem:s2], $0x10, s26, s12, $0xb8;
	[tilespmem:$0x14A00] =	vst v63  }
0x13f: {  	_ =	swait.ge [sflag:s23], $0x800  }
0x140: {  	[sflag:s23] =	ssyncset.done $0x0  }
0x141: {  	[sflag:s23] =	ssyncadd.s32 $0xFFFFF800  }
0x142: {  	_ =	swait.ge [sflag:s23], $0x800  }
0x143: {  	[sflag:s23] =	ssyncset.done $0x0  }
0x144: {  	[sflag:s23] =	ssyncadd.s32 $0xFFFFF800  }
0x145: {  	_ =	swait.ge [sflag:s23], $0x800  }
0x146: {  	[sflag:s23] =	ssyncset.done $0x0  }
0x147: {  	[sflag:s23] =	ssyncadd.s32 $0xFFFFF800  }
0x148: {  	_ =	swait.ge [sflag:s23], $0x800  }
0x149: {  	[sflag:s23] =	ssyncset.done $0x0  }
0x14a: {  	[sflag:s23] =	ssyncadd.s32 $0xFFFFF800  }
0x14b: {  	_ =	swait.ge [sflag:s23], $0x800  }
0x14c: {  	[sflag:s23] =	ssyncset.done $0x0  }
0x14d: {  	[sflag:s23] =	ssyncadd.s32 $0xFFFFF800  }
0x14e: {  	_ =	swait.ge [sflag:s23], $0x800  }
0x14f: {  	[sflag:s23] =	ssyncset.done $0x0  }
0x150: {  	[sflag:s23] =	ssyncadd.s32 $0xFFFFF800  }
0x151: {  	_ =	swait.ge [sflag:s23], $0x800  }
0x152: {  	[sflag:s23] =	ssyncset.done $0x0  }
0x153: {  	[sflag:s23] =	ssyncadd.s32 $0xFFFFF800  }
0x154: {  	_ =	swait.ge [sflag:s23], $0x800  }
0x155: {  	[sflag:s23] =	ssyncset.done $0x0  }
0x156: {  	[sflag:s23] =	ssyncadd.s32 $0xFFFFF800  }
0x157: {  	_ =	swait.ge [sflag:s23], $0x800  }
0x158: {  	[sflag:s23] =	ssyncset.done $0x0  }
0x159: {  	[sflag:s23] =	ssyncadd.s32 $0xFFFFF800  }
0x15a: {  	s24 =	sadd.s32 $0x1, s24;
	_ =	swait.ge [sflag:s23], $0x800  }
0x15b: {  	p1 =	sne.s32 s24, s8;
	[sflag:s23] =	ssyncset.done $0x0  }
.Ltmp2:
0x15c: {  	s25 =	sadd.s32 s25, s7;
	[sflag:s23] =	ssyncadd.s32 $0xFFFFF800;
	(pc) =	sbr.rel @p1 .LBB2_1-.Ltmp2, $4  }
0x15d: {  	[hbm4b:s25+s3] =	stream.linear.scatter [tilespmem:s13], [sflag:$0x2], $0x5000, $0x38;
	[tilespmem:$0x14A00] =	vst v63  }
0x15e: {  	_ =	swait.ge [sflag:s11], $0x5000  }
0x15f: {  	[sflag:s11] =	ssyncset.done $0x0  }
0x160: {  	[sflag:s11] =	ssyncadd.s32 $0xFFFFB000  }
0x161: {  	_ =	sfence.sel $0x180000  }
0x162: {  	[bflag:$0x0] =	sbarrier.arrive $0xFFFF  }
0x163: {  	_ =	strace $0x90000047  }
0x164: {  	s0 =	sadd.s32 @!p0 $0x100000, s0;
	[bflag:$0x2] =	sbarrier.arrive $0xFFFF  }
0x165: {  	[sflag:s0] =	ssyncadd.tile.s32 @!p0 $0x1;
	_ =	shalt  }
.Lfunc_end2:
_tile_overlayer_lowered:
.L_overlay_start_2:
0x166: {  	(tag) =	ssettag $0x2  }
0x167: {  	s0 =	rddreg [dreg:$0x0];
	s2 =	stileid.u32  }
0x168: {  	s1 =	rddreg [dreg:$0x1];
	p0 =	sne.s32 s2, $0x0  }
0x169: {  	s3 =	rddreg [dreg:$0x2];
	[bflag:$0x3] =	sbarrier.arrive $0xFFFF;
	s2 =	simm.s32 @!p0 $0x1C02  }
0x16a: {  	[timem:s3], [sflag:s2] =	dma.local @!p0 [hbm:s0], s1  }
0x16b: {  	s0 =	simm.s32 @!p0 $0x2  }
0x16c: {  	_ =	swait.ge @!p0 [sflag:s0], s1  }
0x16d: {  	s1 =	ssub.s32 @!p0 $0x0, s1;
	[sflag:s0] =	ssyncset.done @!p0 $0x0  }
0x16e: {  	[sflag:s0] =	ssyncadd.s32 @!p0 s1  }
0x16f: {  	[bflag:$0x3] =	sbarrier.arrive $0xFFFF  }
0x170: {  	_ =	shalt  }

// kernel: kernel.17.cloned.1.call-start
scs
__scs_entry_jumppad:
0x0: {  	(pc) =	sbr.rel $0x88, $3  }
0x1: {  	(tag) =	ssettag $0x0;
	lr =	simm.s32 $0x1  }
0x2: {  	[smem:$0x3F73] =	sst lr;
	_ =	strace $0xD0000000  }
0x3: {  	_ = 	snop  }
0x4: {  	_ = 	snop  }
0x5: {  	_ = 	snop  }
0x6: {  	_ = 	snop  }
0x7: {  	_ = 	snop  }
__scs_overlays_trampoline_lowered:
0x8: {  	[smem:$0x3F82] =	sst s0  }
0x9: {  	[smem:$0x3F83] =	sst s1  }
0xa: {  	[smem:$0x3F84] =	sst s2  }
0xb: {  	[smem:$0x3F85] =	sst s3  }
0xc: {  	[smem:$0x3F86] =	sst s4  }
0xd: {  	[smem:$0x3F87] =	sst s5  }
0xe: {  	[smem:$0x3F88] =	sst s6  }
0xf: {  	[smem:$0x3F89] =	sst s7  }
0x10: {  	[smem:$0x3F8A] =	sst s8  }
0x11: {  	[smem:$0x3F8B] =	sst s9;
	s0 =	simm.s32 @!p0 $0x0  }
0x12: {  	s1 =	sld [smem:$0x3F71];
	s0 =	simm.s32 @p0 $0x1  }
0x13: {  	[smem:$0x3F8C] =	sst s0;
	s0 =	simm.s32 @!p1 $0x0  }
0x14: {  	s2 =	sld [smem:$0x3F70];
	s0 =	simm.s32 @p1 $0x1  }
0x15: {  	[smem:$0x3F8D] =	sst s0;
	s0 =	simm.s32 @!p2 $0x0  }
0x16: {  	s3 =	sld [smem:$0x3FDB];
	s0 =	simm.s32 @p2 $0x1  }
0x17: {  	s4 =	simm.s32 $0x1BF5;
	[smem:$0x3F8F] =	sst s0  }
0x18: {  	s0 =	sld [smem:$0x3F72];
	_ =	swait.ge [sflag:s4], $0x0  }
0x19: {  	s7 =	sld [smem:$0x3F73]  }
0x1a: {  	s8 =	sadd.s32 $0xFFFFE003, lr  }
0x1b: {  	s9 =	sadd.s32 $0xFFFFFEF7, lr;
	s5 =	simm.s32 $0xFFFFFFFF;
	p2 =	slt.u32 s8, $0xFFFFF086  }
0x1c: {  	p1 =	slt.u32 s9, $0xF7A;
	s5 =	simm.s32 @!p2 $0x0  }
0x1d: {  	s5 =	simm.s32 @p1 $0x1;
	p0 =	seq.s32 s7, s2  }
0x1e: {  	s7 =	smul.u32 @!p0 $0xF7A, s2;
	p2 =	seq.s32 @!p0 s5, $0x0  }
0x1f: {  	s9 =	smul.u32 $0xF7A, s1;
	s8 =	simm.s32 @!p0 $0x1BF5;
	p2 =	por !p2, p0  }
0x20: {  	[sflag:s8] =	ssyncset.s32 @!p0 $0xFFFFF086;
	s6 =	sadd.s32 @!p0 s3, s7;
	s7 =	simm.s32 @!p0 $0x108  }
0x21: {  	s3 =	sadd.s32 s3, s9;
	s6 =	sadd.s32 @!p0 $0x88, s6;
	s7 =	simm.s32 @p2 $0x1082  }
0x22: {  	[simem:s7], [sflag:s8] =	dma.local @!p0 [hbm:s6], $0xF7A  }
0x23: {  	s9 =	sor.u32 $0xD0000000, s2;
	s6 =	simm.s32 $0x108;
	_ =	swait.ge @!p0 [sflag:s8], $0x0  }
0x24: {  	s3 =	sadd.s32 $0x88, s3;
	s6 =	simm.s32 @!p1 $0x1082;
	[sflag:s4] =	ssyncset.s32 $0xFFFFF086  }
0x25: {  	[simem:s6], [sflag:s4] =	dma.local [hbm:s3], $0xF7A  }
0x26: {  	[smem:$0x3F73] =	sst s1;
	(tag) =	ssettag s2;
	_ =	strace s9  }
0x27: {  	s1 =	sld [smem:$0x3F83]  }
0x28: {  	s2 =	sld [smem:$0x3F84]  }
0x29: {  	s4 =	sld [smem:$0x3F86]  }
0x2a: {  	p0 =	seq.s32 s5, $0x0;
	s5 =	sld [smem:$0x3F87]  }
0x2b: {  	s6 =	sld [smem:$0x3F88]  }
0x2c: {  	s7 =	sld [smem:$0x3F89]  }
0x2d: {  	s3 =	simm.s32 $0x108;
	s8 =	sld [smem:$0x3F8A]  }
0x2e: {  	s3 =	simm.s32 @!p0 $0x1082;
	s9 =	sld [smem:$0x3F8B]  }
0x2f: {  	lr =	sadd.s32 s0, s3;
	s0 =	sld [smem:$0x3F82]  }
0x30: {  	s3 =	sld [smem:$0x3F85]  }
0x31: {  	[smem:$0x3F8E] =	sst s10  }
0x32: {  	s10 =	sld [smem:$0x3F8C];
	_ =	sdelay $0x3  }
0x33: {  	p0 =	seq.s32 s10, $0x1;
	s10 =	sld [smem:$0x3F8E];
	_ =	sdelay $0x3  }
0x34: {  	[smem:$0x3F8E] =	sst s10  }
0x35: {  	s10 =	sld [smem:$0x3F8D];
	_ =	sdelay $0x3  }
0x36: {  	p1 =	seq.s32 s10, $0x1;
	s10 =	sld [smem:$0x3F8E];
	_ =	sdelay $0x3  }
0x37: {  	[smem:$0x3F8E] =	sst s10  }
0x38: {  	s10 =	sld [smem:$0x3F8F]  }
0x39: {  	_ = 	snop;
	(pc) =	sbr.ind lr, $3  }
0x3a: {  	_ = 	snop  }
0x3b: {  	_ = 	snop  }
0x3c: {  	p2 =	seq.s32 s10, $0x1;
	s10 =	sld [smem:$0x3F8E]  }
0x3d: {  	_ =	shalt  }
0x3e: {  	_ =	shalt  }
0x3f: {  	_ =	shalt  }
0x40: {  	_ =	shalt  }
0x41: {  	_ =	shalt  }
0x42: {  	_ =	shalt  }
0x43: {  	_ =	shalt  }
0x44: {  	_ =	shalt  }
0x45: {  	_ =	shalt  }
0x46: {  	_ =	shalt  }
0x47: {  	_ =	shalt  }
0x48: {  	_ =	shalt  }
0x49: {  	_ =	shalt  }
0x4a: {  	_ =	shalt  }
0x4b: {  	_ =	shalt  }
0x4c: {  	_ =	shalt  }
0x4d: {  	_ =	shalt  }
0x4e: {  	_ =	shalt  }
0x4f: {  	_ =	shalt  }
0x50: {  	_ =	shalt  }
0x51: {  	_ =	shalt  }
0x52: {  	_ =	shalt  }
0x53: {  	_ =	shalt  }
0x54: {  	_ =	shalt  }
0x55: {  	_ =	shalt  }
0x56: {  	_ =	shalt  }
0x57: {  	_ =	shalt  }
0x58: {  	_ =	shalt  }
0x59: {  	_ =	shalt  }
0x5a: {  	_ =	shalt  }
0x5b: {  	_ =	shalt  }
0x5c: {  	_ =	shalt  }
0x5d: {  	_ =	shalt  }
0x5e: {  	_ =	shalt  }
0x5f: {  	_ =	shalt  }
0x60: {  	_ =	shalt  }
0x61: {  	_ =	shalt  }
0x62: {  	_ =	shalt  }
0x63: {  	_ =	shalt  }
0x64: {  	_ =	shalt  }
0x65: {  	_ =	shalt  }
0x66: {  	_ =	shalt  }
0x67: {  	_ =	shalt  }
0x68: {  	_ =	shalt  }
0x69: {  	_ =	shalt  }
0x6a: {  	_ =	shalt  }
0x6b: {  	_ =	shalt  }
0x6c: {  	_ =	shalt  }
0x6d: {  	_ =	shalt  }
0x6e: {  	_ =	shalt  }
0x6f: {  	_ =	shalt  }
0x70: {  	_ =	shalt  }
0x71: {  	_ =	shalt  }
0x72: {  	_ =	shalt  }
0x73: {  	_ =	shalt  }
0x74: {  	_ =	shalt  }
0x75: {  	_ =	shalt  }
0x76: {  	_ =	shalt  }
0x77: {  	_ =	shalt  }
0x78: {  	_ =	shalt  }
0x79: {  	_ =	shalt  }
0x7a: {  	_ =	shalt  }
0x7b: {  	_ =	shalt  }
0x7c: {  	_ =	shalt  }
0x7d: {  	_ =	shalt  }
0x7e: {  	_ =	shalt  }
0x7f: {  	_ =	shalt  }
0x80: {  	_ =	shalt  }
0x81: {  	_ =	shalt  }
0x82: {  	_ =	shalt  }
0x83: {  	_ =	shalt  }
0x84: {  	_ =	shalt  }
0x85: {  	_ =	shalt  }
0x86: {  	_ =	shalt  }
0x87: {  	_ =	shalt  }
.Lfunc_end0:
.L_simem_size_0:
called_computation.1_lowered:
.L_overlay_start_0:
0x88: {  	s2 =	sld [smem:$0x3FD9]  }
0x89: {  	s3 =	sld [smem:$0x3FFE];
	_ =	sdelay $0x1  }
0x8a: {  	s1 =	srdreg.scid  }
0x8b: {  	s0 =	sand.u32 $0x1, s1  }
0x8c: {  	s16 =	sshll.u32 s0, $0xA;
	s2 =	sadd.s32 s3, s2  }
0x8d: {  	s2 =	sadd.s32 s2, s16  }
0x8e: {  	[smem:$0x3F9A] =	sst s2  }
0x8f: {  	_ = 	snop  }
0x90: {  	(tm) =	ssettm $0x1  }
0x91: {  	s17 =	sld [smem:$0x3FFB];
	_ =	sdelay $0x3  }
0x92: {  	_ =	strace s17  }
0x93: {  	s2 =	sld [smem:$0x3FFC];
	_ =	sdelay $0x3  }
0x94: {  	_ =	strace s2  }
0x95: {  	s2 =	sld [smem:$0x3FFD];
	_ =	sdelay $0x3  }
0x96: {  	_ =	strace s2  }
0x97: {  	_ =	strace $0x8FFFFFFF  }
0x98: {  	s18 =	sld [smem:$0x3FDB];
	_ =	sdelay $0x1  }
0x99: {  	s19 =	simm.s32 $_scs_section_size  }
0x9a: {  	s4 =	simm.s32 $_size__tile_overlayer_lowered;
	s5 =	simm.s32 $_tile_overlayer_lowered  }
0x9b: {  	s22 =	simm.s32 $0x1BFF;
	s21 =	sshll.u32 s5, $0x1;
	s2 =	sadd.s32 s19, s18  }
0x9c: {  	s6 =	simm.s32 $0x0;
	s20 =	sshll.u32 s4, $0x1;
	s4 =	sadd.s32 s21, s2  }
0x9d: {  	[timem:s6], [sflag:s22] =	dma.local [hbm:s4], s20  }
0x9e: {  	_ =	swait.ge [sflag:s22], s20  }
0x9f: {  	s3 =	ssub.s32 $0x0, s20;
	[sflag:s22] =	ssyncset.done $0x0  }
0xa0: {  	[sflag:s22] =	ssyncadd.s32 s3;
	_ =	sdelay $0x1  }
0xa1: {  	s23 =	simm.s32 $0x1B8B  }
0xa2: {  	_ =	swait.ge [sflag:s23], $0x1  }
0xa3: {  	[sflag:s23] =	ssyncset.done $0x0  }
0xa4: {  	s25 =	simm.s32 $0x1B8E;
	s24 =	sld [smem:$0x3FFE];
	[sflag:s23] =	ssyncadd.s32 $0xFFFFFFFF  }
0xa5: {  	s26 =	simm.s32 $execute0_lowered;
	[smem:$0x3FD2] =	sst s25  }
0xa6: {  	s4 =	sshll.u32 s26, $0x1;
	_ =	strace $0x80000049;
	[dreg:$0x1] =	wrdreg $0xFFFFFFFF  }
0xa7: {  	s28 =	simm.s32 $_size_execute0_lowered;
	s2 =	sadd.s32 s2, s4;
	[dreg:$0x0] =	wrdreg $0x0  }
0xa8: {  	s4 =	sshll.u32 s28, $0x1;
	[dreg:$0x2] =	wrdreg s2  }
0xa9: {  	[dreg:$0x3] =	wrdreg s4  }
0xaa: {  	[dreg:$0x4] =	wrdreg $0xC0  }
0xab: {  	_ =	task [dreg:s6], $0x5FFFF  }
0xac: {  	[dreg:$0x1] =	wrdreg $0xFFFFFFFF  }
0xad: {  	[dreg:$0x0] =	wrdreg $0x60  }
0xae: {  	[dreg:$0x2] =	wrdreg s24  }
0xaf: {  	[dreg:$0x3] =	wrdreg $0xCD000  }
0xb0: {  	[dreg:$0x4] =	wrdreg $0x9  }
0xb1: {  	_ =	task.clear_ibuf [dreg:s6], $0x5FFFF;
	_ =	strace $0x90000049  }
0xb2: {  	s29 =	simm.s32 $0x9;
	_ =	strace $0x8000004B  }
0xb3: {  	_ =	swait.ge [sflag:s29], $0x1  }
0xb4: {  	[sflag:s29] =	ssyncadd.s32 $0xFFFFFFFF  }
0xb5: {  	_ =	strace $0x9000004B  }
0xb6: {  	_ =	sfence  }
0xb7: {  	s30 =	sld [smem:$0x0];
	_ =	sdelay $0x2  }
0xb8: {  	s31 =	sshll.u32 s1, $0xD;
	s1 =	sshrl.u32 s1, $0x2  }
0xb9: {  	s3 =	sand.u32 $0x4000, s31;
	s1 =	sadd.s32 s1, s30  }
0xba: {  	s0 =	sor.u32 s3, s0;
	s1 =	sshll.u32 s1, $0x11  }
0xbb: {  	s0 =	sor.u32 s1, s0  }
0xbc: {  	s0 =	sadd.s32 $0x8F2B, s0  }
0xbd: {  	[sflag:s0] =	ssyncadd.remote.s32 $0x1  }
0xbe: {  	_ =	sfence.sel $0xFFFF  }
0xbf: {  	[dreg:$0x0] =	wrdreg $0xFFFFFFFF;
	(pc) =	sbr.abs _section_cstart, $3  }
0xc0: {  	[dreg:$0x1] =	wrdreg $0xFFFFFFFF  }
0xc1: {  	_ =	task.clear_ibuf [dreg:s6], $0x2FFFF;
	_ =	strace $0x9FFFFFFF  }
0xc2: {  	(tm) =	ssettm $0x7FFFFFFF  }
0xc3: {  	_ =	shalt  }
tec
execute0_lowered:
.L_overlay_start_1:
0x0: {  	(tag) =	ssettag $0x1  }
0x1: {  	s4 =	rddreg [dreg:$0x0];
	s0 =	srdreg.scid  }
0x2: {  	s7 =	stileid.u32;
	s1 =	rddreg [dreg:$0x1]  }
0x3: {  	s2 =	simm.s32 $0x0;
	s11 =	simm.s32 $0x80;
	s12 =	simm.s32 $0x8500  }
0x4: {  	s13 =	simm.s32 $0x8D00;
	s14 =	simm.s32 $0x9500;
	s15 =	simm.s32 $0x9D00  }
0x5: {  	s16 =	simm.s32 $0xA500;
	s17 =	simm.s32 $0xAD00;
	s18 =	simm.s32 $0xB500  }
0x6: {  	s19 =	simm.s32 $0xBD00;
	s20 =	simm.s32 $0xC500;
	s21 =	simm.s32 $0x0  }
0x7: {  	s5 =	sand.u32 $0x1, s0;
	s3 =	sshll.u32 s7, $0x1;
	s10 =	smul.u32 $0x1F400, s7  }
0x8: {  	s0 =	rddreg [dreg:$0x2];
	s3 =	sor.u32 s5, s3;
	s6 =	smul.u32 $0xFA00, s5  }
0x9: {  	[smem:$0x7FF] =	sst s2;
	s5 =	ssub.s32 $0x2, s5;
	s3 =	smul.u32 $0xFA0, s3  }
0xa: {  	p0 =	sne.s32 s7, $0x0;
	_ =	strace $0x8000004A;
	s29 =	sshrl.u32 s5, $0x1  }
0xb: {  	s9 =	sadd.s32 s6, s4;
	s30 =	ssub.s32 s5, s29;
	s8 =	sadd.s32 s3, s4  }
0xc: {  	s3 =	sadd.s32 $0xC9800, s4;
	s5 =	sadd.s32 $0xD9200, s9;
	s6 =	smax.u32 s30, $0x1  }
0xd: {  	s31 =	sadd.s32 s10, s9;
	s9 =	simm.s32 $0x1;
	s10 =	simm.s32 $0x7D00  }
0xe: {  	s4 =	sadd.s32 $0xAA400, s8;
	s7 =	sadd.s32 $0x724800, s31;
	s8 =	sshrl.u32 @!p0 s1, $0x3  }
.LBB2_1:
0xf: {  	s22 =	simm.s32 @!p0 $0x1C01  }
0x10: {  	[spmem:s8], [sflag:s22] =	dma.local @!p0 [hbm:s3], $0xFA00  }
0x11: {  	s22 =	simm.s32 @!p0 $0x1  }
0x12: {  	_ =	swait.ge @!p0 [sflag:s22], $0xFA00  }
0x13: {  	[sflag:s22] =	ssyncset.done @!p0 $0x0  }
0x14: {  	[sflag:s22] =	ssyncadd.s32 @!p0 $0xFFFF0600  }
0x15: {  	[bflag:$0x0] =	sbarrier.arrive $0xFFFF  }
0x16: {  	[tilespmem:s2], [sflag:$0x1] =	stream.linear.gather [hbm4b:s4+s2], $0x7D00, $0x38;
	[tilespmem:$0x14A00] =	vst v63  }
0x17: {  	_ =	swait.ge [sflag:s9], $0x7D00  }
0x18: {  	[sflag:s9] =	ssyncset.done $0x0  }
0x19: {  	[sflag:s9] =	ssyncadd.s32 $0xFFFF8300  }
0x1a: {  	[tilespmem:s10], [sflag:$0x1] =	stream.linear.gather [hbm4b:s7+s2], $0x5000, $0x38;
	[tilespmem:$0x14A00] =	vst v63  }
0x1b: {  	_ =	swait.ge [sflag:s9], $0x5000  }
0x1c: {  	[sflag:s9] =	ssyncset.done $0x0  }
0x1d: {  	s30 =	simm.s32 $0x0;
	[sflag:s9] =	ssyncadd.s32 $0xFFFFB000  }
0x1e: {  	[spmem:s1] =	stream.indirect.scatter.add.f32 [tilespmem:s10], [sflag:$0x1], $0x10, s30, s11, $0xb8;
	[tilespmem:$0x14A00] =	vst v63  }
0x1f: {  	_ =	swait.ge [sflag:s9], $0x800  }
0x20: {  	[sflag:s9] =	ssyncset.done $0x0  }
0x21: {  	s31 =	simm.s32 $0x80;
	[sflag:s9] =	ssyncadd.s32 $0xFFFFF800  }
0x22: {  	[spmem:s1] =	stream.indirect.scatter.add.f32 [tilespmem:s12], [sflag:$0x1], $0x10, s31, s11, $0xb8;
	[tilespmem:$0x14A00] =	vst v63  }
0x23: {  	_ =	swait.ge [sflag:s9], $0x800  }
0x24: {  	[sflag:s9] =	ssyncset.done $0x0  }
0x25: {  	s23 =	simm.s32 $0x100;
	[sflag:s9] =	ssyncadd.s32 $0xFFFFF800  }
0x26: {  	[spmem:s1] =	stream.indirect.scatter.add.f32 [tilespmem:s13], [sflag:$0x1], $0x10, s23, s11, $0xb8;
	[tilespmem:$0x14A00] =	vst v63  }
0x27: {  	_ =	swait.ge [sflag:s9], $0x800  }
0x28: {  	[sflag:s9] =	ssyncset.done $0x0  }
0x29: {  	s24 =	simm.s32 $0x180;
	[sflag:s9] =	ssyncadd.s32 $0xFFFFF800  }
0x2a: {  	[spmem:s1] =	stream.indirect.scatter.add.f32 [tilespmem:s14], [sflag:$0x1], $0x10, s24, s11, $0xb8;
	[tilespmem:$0x14A00] =	vst v63  }
0x2b: {  	_ =	swait.ge [sflag:s9], $0x800  }
0x2c: {  	[sflag:s9] =	ssyncset.done $0x0  }
0x2d: {  	s25 =	simm.s32 $0x200;
	[sflag:s9] =	ssyncadd.s32 $0xFFFFF800  }
0x2e: {  	[spmem:s1] =	stream.indirect.scatter.add.f32 [tilespmem:s15], [sflag:$0x1], $0x10, s25, s11, $0xb8;
	[tilespmem:$0x14A00] =	vst v63  }
0x2f: {  	_ =	swait.ge [sflag:s9], $0x800  }
0x30: {  	[sflag:s9] =	ssyncset.done $0x0  }
0x31: {  	s26 =	simm.s32 $0x280;
	[sflag:s9] =	ssyncadd.s32 $0xFFFFF800  }
0x32: {  	[spmem:s1] =	stream.indirect.scatter.add.f32 [tilespmem:s16], [sflag:$0x1], $0x10, s26, s11, $0xb8;
	[tilespmem:$0x14A00] =	vst v63  }
0x33: {  	_ =	swait.ge [sflag:s9], $0x800  }
0x34: {  	[sflag:s9] =	ssyncset.done $0x0  }
0x35: {  	s28 =	simm.s32 $0x300;
	[sflag:s9] =	ssyncadd.s32 $0xFFFFF800  }
0x36: {  	[spmem:s1] =	stream.indirect.scatter.add.f32 [tilespmem:s17], [sflag:$0x1], $0x10, s28, s11, $0xb8;
	[tilespmem:$0x14A00] =	vst v63  }
0x37: {  	_ =	swait.ge [sflag:s9], $0x800  }
0x38: {  	[sflag:s9] =	ssyncset.done $0x0  }
0x39: {  	s29 =	simm.s32 $0x380;
	[sflag:s9] =	ssyncadd.s32 $0xFFFFF800  }
0x3a: {  	[spmem:s1] =	stream.indirect.scatter.add.f32 [tilespmem:s18], [sflag:$0x1], $0x10, s29, s11, $0xb8;
	[tilespmem:$0x14A00] =	vst v63  }
0x3b: {  	_ =	swait.ge [sflag:s9], $0x800  }
0x3c: {  	[sflag:s9] =	ssyncset.done $0x0  }
0x3d: {  	s30 =	simm.s32 $0x400;
	[sflag:s9] =	ssyncadd.s32 $0xFFFFF800  }
0x3e: {  	[spmem:s1] =	stream.indirect.scatter.add.f32 [tilespmem:s19], [sflag:$0x1], $0x10, s30, s11, $0xb8;
	[tilespmem:$0x14A00] =	vst v63  }
0x3f: {  	_ =	swait.ge [sflag:s9], $0x800  }
0x40: {  	[sflag:s9] =	ssyncset.done $0x0  }
0x41: {  	s31 =	simm.s32 $0x480;
	[sflag:s9] =	ssyncadd.s32 $0xFFFFF800  }
0x42: {  	[spmem:s1] =	stream.indirect.scatter.add.f32 [tilespmem:s20], [sflag:$0x1], $0x10, s31, s11, $0xb8;
	[tilespmem:$0x14A00] =	vst v63  }
0x43: {  	_ =	swait.ge [sflag:s9], $0x800  }
0x44: {  	s22 =	simm.s32 $0x1400;
	s23 =	smov.u32 s7;
	[sflag:s9] =	ssyncset.done $0x0  }
.LBB2_2:
0x45: {  	p1 =	sne.s32 s22, $0x1E000;
	[sflag:s9] =	ssyncadd.s32 $0xFFFFF800;
	s23 =	sadd.s32 $0xA00, s23  }
0x46: {  	[tilespmem:s10], [sflag:$0x1] =	stream.linear.gather [hbm4b:s23+s2], $0x5000, $0x38;
	[tilespmem:$0x14A00] =	vst v63  }
0x47: {  	s24 =	smov.u32 s22;
	s22 =	sadd.s32 $0x1400, s22;
	_ =	swait.ge [sflag:s9], $0x5000  }
0x48: {  	[sflag:s9] =	ssyncset.done $0x0  }
0x49: {  	s24 =	sshra.s32 s24, $0x2;
	[sflag:s9] =	ssyncadd.s32 $0xFFFFB000  }
0x4a: {  	[spmem:s1] =	stream.indirect.scatter.add.f32 [tilespmem:s10], [sflag:$0x1], $0x10, s24, s11, $0xb8;
	[tilespmem:$0x14A00] =	vst v63  }
0x4b: {  	_ =	swait.ge [sflag:s9], $0x800  }
0x4c: {  	[sflag:s9] =	ssyncset.done $0x0  }
0x4d: {  	s25 =	sadd.s32 $0x80, s24;
	[sflag:s9] =	ssyncadd.s32 $0xFFFFF800  }
0x4e: {  	[spmem:s1] =	stream.indirect.scatter.add.f32 [tilespmem:s12], [sflag:$0x1], $0x10, s25, s11, $0xb8;
	[tilespmem:$0x14A00] =	vst v63  }
0x4f: {  	_ =	swait.ge [sflag:s9], $0x800  }
0x50: {  	[sflag:s9] =	ssyncset.done $0x0  }
0x51: {  	s25 =	sadd.s32 $0x100, s24;
	[sflag:s9] =	ssyncadd.s32 $0xFFFFF800  }
0x52: {  	[spmem:s1] =	stream.indirect.scatter.add.f32 [tilespmem:s13], [sflag:$0x1], $0x10, s25, s11, $0xb8;
	[tilespmem:$0x14A00] =	vst v63  }
0x53: {  	_ =	swait.ge [sflag:s9], $0x800  }
0x54: {  	[sflag:s9] =	ssyncset.done $0x0  }
0x55: {  	s25 =	sadd.s32 $0x180, s24;
	[sflag:s9] =	ssyncadd.s32 $0xFFFFF800  }
0x56: {  	[spmem:s1] =	stream.indirect.scatter.add.f32 [tilespmem:s14], [sflag:$0x1], $0x10, s25, s11, $0xb8;
	[tilespmem:$0x14A00] =	vst v63  }
0x57: {  	_ =	swait.ge [sflag:s9], $0x800  }
0x58: {  	[sflag:s9] =	ssyncset.done $0x0  }
0x59: {  	s25 =	sadd.s32 $0x200, s24;
	[sflag:s9] =	ssyncadd.s32 $0xFFFFF800  }
0x5a: {  	[spmem:s1] =	stream.indirect.scatter.add.f32 [tilespmem:s15], [sflag:$0x1], $0x10, s25, s11, $0xb8;
	[tilespmem:$0x14A00] =	vst v63  }
0x5b: {  	_ =	swait.ge [sflag:s9], $0x800  }
0x5c: {  	[sflag:s9] =	ssyncset.done $0x0  }
0x5d: {  	s25 =	sadd.s32 $0x280, s24;
	[sflag:s9] =	ssyncadd.s32 $0xFFFFF800  }
0x5e: {  	[spmem:s1] =	stream.indirect.scatter.add.f32 [tilespmem:s16], [sflag:$0x1], $0x10, s25, s11, $0xb8;
	[tilespmem:$0x14A00] =	vst v63  }
0x5f: {  	_ =	swait.ge [sflag:s9], $0x800  }
0x60: {  	[sflag:s9] =	ssyncset.done $0x0  }
0x61: {  	s25 =	sadd.s32 $0x300, s24;
	[sflag:s9] =	ssyncadd.s32 $0xFFFFF800  }
0x62: {  	[spmem:s1] =	stream.indirect.scatter.add.f32 [tilespmem:s17], [sflag:$0x1], $0x10, s25, s11, $0xb8;
	[tilespmem:$0x14A00] =	vst v63  }
0x63: {  	_ =	swait.ge [sflag:s9], $0x800  }
0x64: {  	[sflag:s9] =	ssyncset.done $0x0  }
0x65: {  	s25 =	sadd.s32 $0x380, s24;
	[sflag:s9] =	ssyncadd.s32 $0xFFFFF800  }
0x66: {  	[spmem:s1] =	stream.indirect.scatter.add.f32 [tilespmem:s18], [sflag:$0x1], $0x10, s25, s11, $0xb8;
	[tilespmem:$0x14A00] =	vst v63  }
0x67: {  	_ =	swait.ge [sflag:s9], $0x800  }
0x68: {  	[sflag:s9] =	ssyncset.done $0x0  }
0x69: {  	s25 =	sadd.s32 $0x400, s24;
	[sflag:s9] =	ssyncadd.s32 $0xFFFFF800  }
0x6a: {  	[spmem:s1] =	stream.indirect.scatter.add.f32 [tilespmem:s19], [sflag:$0x1], $0x10, s25, s11, $0xb8;
	[tilespmem:$0x14A00] =	vst v63  }
0x6b: {  	_ =	swait.ge [sflag:s9], $0x800  }
.Ltmp0:
0x6c: {  	[sflag:s9] =	ssyncset.done $0x0;
	(pc) =	sbr.rel @p1 .LBB2_2-.Ltmp0, $4  }
0x6d: {  	s24 =	sadd.s32 $0x480, s24;
	[sflag:s9] =	ssyncadd.s32 $0xFFFFF800  }
0x6e: {  	[spmem:s1] =	stream.indirect.scatter.add.f32 [tilespmem:s20], [sflag:$0x1], $0x10, s24, s11, $0xb8;
	[tilespmem:$0x14A00] =	vst v63  }
0x6f: {  	_ =	swait.ge [sflag:s9], $0x800  }
0x70: {  	[sflag:s9] =	ssyncset.done $0x0  }
0x71: {  	[sflag:s9] =	ssyncadd.s32 $0xFFFFF800;
	s21 =	sadd.s32 $0x1, s21  }
0x72: {  	s22 =	simm.s32 @!p0 $0x1C01;
	[bflag:$0x0] =	sbarrier.arrive $0xFFFF;
	p1 =	sne.s32 s21, s6  }
0x73: {  	[hbm:s5], [sflag:s22] =	dma.local @!p0 [spmem:s8], $0xFA00  }
.Ltmp1:
0x74: {  	_ = 	snop;
	(pc) =	sbr.rel @p1 .LBB2_1-.Ltmp1, $4  }
0x75: {  	s22 =	simm.s32 @!p0 $0x1  }
0x76: {  	_ =	swait.ge @!p0 [sflag:s22], $0xFA00  }
0x77: {  	[sflag:s22] =	ssyncset.done @!p0 $0x0  }
0x78: {  	[sflag:s22] =	ssyncadd.s32 @!p0 $0xFFFF0600  }
0x79: {  	_ =	sfence.sel $0x180000  }
0x7a: {  	[bflag:$0x0] =	sbarrier.arrive $0xFFFF  }
0x7b: {  	_ =	strace $0x9000004A  }
0x7c: {  	s0 =	sadd.s32 @!p0 $0x100000, s0;
	[bflag:$0x2] =	sbarrier.arrive $0xFFFF  }
0x7d: {  	[sflag:s0] =	ssyncadd.tile.s32 @!p0 $0x1;
	_ =	shalt  }
.Lfunc_end2:
_tile_overlayer_lowered:
.L_overlay_start_2:
0x7e: {  	(tag) =	ssettag $0x2  }
0x7f: {  	s0 =	rddreg [dreg:$0x0];
	s2 =	stileid.u32  }
0x80: {  	s1 =	rddreg [dreg:$0x1];
	p0 =	sne.s32 s2, $0x0  }
0x81: {  	s3 =	rddreg [dreg:$0x2];
	[bflag:$0x3] =	sbarrier.arrive $0xFFFF;
	s2 =	simm.s32 @!p0 $0x1C01  }
0x82: {  	[timem:s3], [sflag:s2] =	dma.local @!p0 [hbm:s0], s1  }
0x83: {  	s0 =	simm.s32 @!p0 $0x1  }
0x84: {  	_ =	swait.ge @!p0 [sflag:s0], s1  }
0x85: {  	s1 =	ssub.s32 @!p0 $0x0, s1;
	[sflag:s0] =	ssyncset.done @!p0 $0x0  }
0x86: {  	[sflag:s0] =	ssyncadd.s32 @!p0 s1  }
0x87: {  	[bflag:$0x3] =	sbarrier.arrive $0xFFFF  }
0x88: {  	_ =	shalt  }

// kernel: kernel.20.cloned.1.call-start
scs
__scs_entry_jumppad:
0x0: {  	(pc) =	sbr.rel $0x88, $3  }
0x1: {  	(tag) =	ssettag $0x0;
	lr =	simm.s32 $0x1  }
0x2: {  	[smem:$0x3F73] =	sst lr;
	_ =	strace $0xD0000000  }
0x3: {  	_ = 	snop  }
0x4: {  	_ = 	snop  }
0x5: {  	_ = 	snop  }
0x6: {  	_ = 	snop  }
0x7: {  	_ = 	snop  }
__scs_overlays_trampoline_lowered:
0x8: {  	[smem:$0x3F82] =	sst s0  }
0x9: {  	[smem:$0x3F83] =	sst s1  }
0xa: {  	[smem:$0x3F84] =	sst s2  }
0xb: {  	[smem:$0x3F85] =	sst s3  }
0xc: {  	[smem:$0x3F86] =	sst s4  }
0xd: {  	[smem:$0x3F87] =	sst s5  }
0xe: {  	[smem:$0x3F88] =	sst s6  }
0xf: {  	[smem:$0x3F89] =	sst s7  }
0x10: {  	[smem:$0x3F8A] =	sst s8  }
0x11: {  	[smem:$0x3F8B] =	sst s9;
	s0 =	simm.s32 @!p0 $0x0  }
0x12: {  	s1 =	sld [smem:$0x3F71];
	s0 =	simm.s32 @p0 $0x1  }
0x13: {  	[smem:$0x3F8C] =	sst s0;
	s0 =	simm.s32 @!p1 $0x0  }
0x14: {  	s2 =	sld [smem:$0x3F70];
	s0 =	simm.s32 @p1 $0x1  }
0x15: {  	[smem:$0x3F8D] =	sst s0;
	s0 =	simm.s32 @!p2 $0x0  }
0x16: {  	s3 =	sld [smem:$0x3FDB];
	s0 =	simm.s32 @p2 $0x1  }
0x17: {  	s4 =	simm.s32 $0x1BF5;
	[smem:$0x3F8F] =	sst s0  }
0x18: {  	s0 =	sld [smem:$0x3F72];
	_ =	swait.ge [sflag:s4], $0x0  }
0x19: {  	s7 =	sld [smem:$0x3F73]  }
0x1a: {  	s8 =	sadd.s32 $0xFFFFE003, lr  }
0x1b: {  	s9 =	sadd.s32 $0xFFFFFEF7, lr;
	s5 =	simm.s32 $0xFFFFFFFF;
	p2 =	slt.u32 s8, $0xFFFFF086  }
0x1c: {  	p1 =	slt.u32 s9, $0xF7A;
	s5 =	simm.s32 @!p2 $0x0  }
0x1d: {  	s5 =	simm.s32 @p1 $0x1;
	p0 =	seq.s32 s7, s2  }
0x1e: {  	s7 =	smul.u32 @!p0 $0xF7A, s2;
	p2 =	seq.s32 @!p0 s5, $0x0  }
0x1f: {  	s9 =	smul.u32 $0xF7A, s1;
	s8 =	simm.s32 @!p0 $0x1BF5;
	p2 =	por !p2, p0  }
0x20: {  	[sflag:s8] =	ssyncset.s32 @!p0 $0xFFFFF086;
	s6 =	sadd.s32 @!p0 s3, s7;
	s7 =	simm.s32 @!p0 $0x108  }
0x21: {  	s3 =	sadd.s32 s3, s9;
	s6 =	sadd.s32 @!p0 $0x88, s6;
	s7 =	simm.s32 @p2 $0x1082  }
0x22: {  	[simem:s7], [sflag:s8] =	dma.local @!p0 [hbm:s6], $0xF7A  }
0x23: {  	s9 =	sor.u32 $0xD0000000, s2;
	s6 =	simm.s32 $0x108;
	_ =	swait.ge @!p0 [sflag:s8], $0x0  }
0x24: {  	s3 =	sadd.s32 $0x88, s3;
	s6 =	simm.s32 @!p1 $0x1082;
	[sflag:s4] =	ssyncset.s32 $0xFFFFF086  }
0x25: {  	[simem:s6], [sflag:s4] =	dma.local [hbm:s3], $0xF7A  }
0x26: {  	[smem:$0x3F73] =	sst s1;
	(tag) =	ssettag s2;
	_ =	strace s9  }
0x27: {  	s1 =	sld [smem:$0x3F83]  }
0x28: {  	s2 =	sld [smem:$0x3F84]  }
0x29: {  	s4 =	sld [smem:$0x3F86]  }
0x2a: {  	p0 =	seq.s32 s5, $0x0;
	s5 =	sld [smem:$0x3F87]  }
0x2b: {  	s6 =	sld [smem:$0x3F88]  }
0x2c: {  	s7 =	sld [smem:$0x3F89]  }
0x2d: {  	s3 =	simm.s32 $0x108;
	s8 =	sld [smem:$0x3F8A]  }
0x2e: {  	s3 =	simm.s32 @!p0 $0x1082;
	s9 =	sld [smem:$0x3F8B]  }
0x2f: {  	lr =	sadd.s32 s0, s3;
	s0 =	sld [smem:$0x3F82]  }
0x30: {  	s3 =	sld [smem:$0x3F85]  }
0x31: {  	[smem:$0x3F8E] =	sst s10  }
0x32: {  	s10 =	sld [smem:$0x3F8C];
	_ =	sdelay $0x3  }
0x33: {  	p0 =	seq.s32 s10, $0x1;
	s10 =	sld [smem:$0x3F8E];
	_ =	sdelay $0x3  }
0x34: {  	[smem:$0x3F8E] =	sst s10  }
0x35: {  	s10 =	sld [smem:$0x3F8D];
	_ =	sdelay $0x3  }
0x36: {  	p1 =	seq.s32 s10, $0x1;
	s10 =	sld [smem:$0x3F8E];
	_ =	sdelay $0x3  }
0x37: {  	[smem:$0x3F8E] =	sst s10  }
0x38: {  	s10 =	sld [smem:$0x3F8F]  }
0x39: {  	_ = 	snop;
	(pc) =	sbr.ind lr, $3  }
0x3a: {  	_ = 	snop  }
0x3b: {  	_ = 	snop  }
0x3c: {  	p2 =	seq.s32 s10, $0x1;
	s10 =	sld [smem:$0x3F8E]  }
0x3d: {  	_ =	shalt  }
0x3e: {  	_ =	shalt  }
0x3f: {  	_ =	shalt  }
0x40: {  	_ =	shalt  }
0x41: {  	_ =	shalt  }
0x42: {  	_ =	shalt  }
0x43: {  	_ =	shalt  }
0x44: {  	_ =	shalt  }
0x45: {  	_ =	shalt  }
0x46: {  	_ =	shalt  }
0x47: {  	_ =	shalt  }
0x48: {  	_ =	shalt  }
0x49: {  	_ =	shalt  }
0x4a: {  	_ =	shalt  }
0x4b: {  	_ =	shalt  }
0x4c: {  	_ =	shalt  }
0x4d: {  	_ =	shalt  }
0x4e: {  	_ =	shalt  }
0x4f: {  	_ =	shalt  }
0x50: {  	_ =	shalt  }
0x51: {  	_ =	shalt  }
0x52: {  	_ =	shalt  }
0x53: {  	_ =	shalt  }
0x54: {  	_ =	shalt  }
0x55: {  	_ =	shalt  }
0x56: {  	_ =	shalt  }
0x57: {  	_ =	shalt  }
0x58: {  	_ =	shalt  }
0x59: {  	_ =	shalt  }
0x5a: {  	_ =	shalt  }
0x5b: {  	_ =	shalt  }
0x5c: {  	_ =	shalt  }
0x5d: {  	_ =	shalt  }
0x5e: {  	_ =	shalt  }
0x5f: {  	_ =	shalt  }
0x60: {  	_ =	shalt  }
0x61: {  	_ =	shalt  }
0x62: {  	_ =	shalt  }
0x63: {  	_ =	shalt  }
0x64: {  	_ =	shalt  }
0x65: {  	_ =	shalt  }
0x66: {  	_ =	shalt  }
0x67: {  	_ =	shalt  }
0x68: {  	_ =	shalt  }
0x69: {  	_ =	shalt  }
0x6a: {  	_ =	shalt  }
0x6b: {  	_ =	shalt  }
0x6c: {  	_ =	shalt  }
0x6d: {  	_ =	shalt  }
0x6e: {  	_ =	shalt  }
0x6f: {  	_ =	shalt  }
0x70: {  	_ =	shalt  }
0x71: {  	_ =	shalt  }
0x72: {  	_ =	shalt  }
0x73: {  	_ =	shalt  }
0x74: {  	_ =	shalt  }
0x75: {  	_ =	shalt  }
0x76: {  	_ =	shalt  }
0x77: {  	_ =	shalt  }
0x78: {  	_ =	shalt  }
0x79: {  	_ =	shalt  }
0x7a: {  	_ =	shalt  }
0x7b: {  	_ =	shalt  }
0x7c: {  	_ =	shalt  }
0x7d: {  	_ =	shalt  }
0x7e: {  	_ =	shalt  }
0x7f: {  	_ =	shalt  }
0x80: {  	_ =	shalt  }
0x81: {  	_ =	shalt  }
0x82: {  	_ =	shalt  }
0x83: {  	_ =	shalt  }
0x84: {  	_ =	shalt  }
0x85: {  	_ =	shalt  }
0x86: {  	_ =	shalt  }
0x87: {  	_ =	shalt  }
.Lfunc_end0:
.L_simem_size_0:
called_computation.2_lowered:
.L_overlay_start_0:
0x88: {  	s2 =	sld [smem:$0x3FD9]  }
0x89: {  	s3 =	sld [smem:$0x3FFE];
	_ =	sdelay $0x1  }
0x8a: {  	s1 =	srdreg.scid  }
0x8b: {  	s0 =	sand.u32 $0x1, s1  }
0x8c: {  	s16 =	sshll.u32 s0, $0xA;
	s2 =	sadd.s32 s3, s2  }
0x8d: {  	s2 =	sadd.s32 s2, s16  }
0x8e: {  	[smem:$0x3F9A] =	sst s2  }
0x8f: {  	_ = 	snop  }
0x90: {  	(tm) =	ssettm $0x1  }
0x91: {  	s17 =	sld [smem:$0x3FFB];
	_ =	sdelay $0x3  }
0x92: {  	_ =	strace s17  }
0x93: {  	s2 =	sld [smem:$0x3FFC];
	_ =	sdelay $0x3  }
0x94: {  	_ =	strace s2  }
0x95: {  	s2 =	sld [smem:$0x3FFD];
	_ =	sdelay $0x3  }
0x96: {  	_ =	strace s2  }
0x97: {  	_ =	strace $0x8FFFFFFF  }
0x98: {  	s18 =	sld [smem:$0x3FDB];
	_ =	sdelay $0x1  }
0x99: {  	s19 =	simm.s32 $_scs_section_size  }
0x9a: {  	s4 =	simm.s32 $_size__tile_overlayer_lowered;
	s5 =	simm.s32 $_tile_overlayer_lowered  }
0x9b: {  	s22 =	simm.s32 $0x1BFF;
	s21 =	sshll.u32 s5, $0x1;
	s2 =	sadd.s32 s19, s18  }
0x9c: {  	s6 =	simm.s32 $0x0;
	s20 =	sshll.u32 s4, $0x1;
	s4 =	sadd.s32 s21, s2  }
0x9d: {  	[timem:s6], [sflag:s22] =	dma.local [hbm:s4], s20  }
0x9e: {  	_ =	swait.ge [sflag:s22], s20  }
0x9f: {  	s3 =	ssub.s32 $0x0, s20;
	[sflag:s22] =	ssyncset.done $0x0  }
0xa0: {  	[sflag:s22] =	ssyncadd.s32 s3;
	_ =	sdelay $0x1  }
0xa1: {  	s23 =	simm.s32 $0x1B8B  }
0xa2: {  	_ =	swait.ge [sflag:s23], $0x1  }
0xa3: {  	[sflag:s23] =	ssyncset.done $0x0  }
0xa4: {  	s25 =	simm.s32 $0x1B8E;
	s24 =	sld [smem:$0x3FFE];
	[sflag:s23] =	ssyncadd.s32 $0xFFFFFFFF  }
0xa5: {  	s26 =	simm.s32 $execute0_lowered;
	[smem:$0x3FD2] =	sst s25  }
0xa6: {  	s4 =	sshll.u32 s26, $0x1;
	_ =	strace $0x8000004C;
	[dreg:$0x1] =	wrdreg $0xFFFFFFFF  }
0xa7: {  	s28 =	simm.s32 $_size_execute0_lowered;
	s2 =	sadd.s32 s2, s4;
	[dreg:$0x0] =	wrdreg $0x0  }
0xa8: {  	s4 =	sshll.u32 s28, $0x1;
	[dreg:$0x2] =	wrdreg s2  }
0xa9: {  	[dreg:$0x3] =	wrdreg s4  }
0xaa: {  	[dreg:$0x4] =	wrdreg $0xC0  }
0xab: {  	_ =	task [dreg:s6], $0x5FFFF  }
0xac: {  	[dreg:$0x1] =	wrdreg $0xFFFFFFFF  }
0xad: {  	[dreg:$0x0] =	wrdreg $0x60  }
0xae: {  	[dreg:$0x2] =	wrdreg s24  }
0xaf: {  	[dreg:$0x3] =	wrdreg $0xCD000  }
0xb0: {  	[dreg:$0x4] =	wrdreg $0x9  }
0xb1: {  	_ =	task.clear_ibuf [dreg:s6], $0x5FFFF;
	_ =	strace $0x9000004C  }
0xb2: {  	s29 =	simm.s32 $0x9;
	_ =	strace $0x8000004E  }
0xb3: {  	_ =	swait.ge [sflag:s29], $0x1  }
0xb4: {  	[sflag:s29] =	ssyncadd.s32 $0xFFFFFFFF  }
0xb5: {  	_ =	strace $0x9000004E  }
0xb6: {  	_ =	sfence  }
0xb7: {  	s30 =	sld [smem:$0x0];
	_ =	sdelay $0x2  }
0xb8: {  	s31 =	sshll.u32 s1, $0xD;
	s1 =	sshrl.u32 s1, $0x2  }
0xb9: {  	s3 =	sand.u32 $0x4000, s31;
	s1 =	sadd.s32 s1, s30  }
0xba: {  	s0 =	sor.u32 s3, s0;
	s1 =	sshll.u32 s1, $0x11  }
0xbb: {  	s0 =	sor.u32 s1, s0  }
0xbc: {  	s0 =	sadd.s32 $0x8F2B, s0  }
0xbd: {  	[sflag:s0] =	ssyncadd.remote.s32 $0x1  }
0xbe: {  	_ =	sfence.sel $0xFFFF  }
0xbf: {  	[dreg:$0x0] =	wrdreg $0xFFFFFFFF;
	(pc) =	sbr.abs _section_cstart, $3  }
0xc0: {  	[dreg:$0x1] =	wrdreg $0xFFFFFFFF  }
0xc1: {  	_ =	task.clear_ibuf [dreg:s6], $0x2FFFF;
	_ =	strace $0x9FFFFFFF  }
0xc2: {  	(tm) =	ssettm $0x7FFFFFFF  }
0xc3: {  	_ =	shalt  }
tec
execute0_lowered:
.L_overlay_start_1:
0x0: {  	(tag) =	ssettag $0x1  }
0x1: {  	s7 =	rddreg [dreg:$0x0]  }
0x2: {  	s1 =	rddreg [dreg:$0x1]  }
0x3: {  	s0 =	rddreg [dreg:$0x2]  }
0x4: {  	s2 =	simm.s32 $0x0;
	s3 =	srdreg.scid;
	s10 =	stileid.u32  }
0x5: {  	s12 =	simm.s32 $0x80;
	s13 =	simm.s32 $0x7D00;
	s14 =	simm.s32 $0x8500  }
0x6: {  	s15 =	simm.s32 $0x8D00;
	s16 =	simm.s32 $0x9500;
	s17 =	simm.s32 $0x9D00  }
0x7: {  	s18 =	simm.s32 $0xA500;
	s19 =	simm.s32 $0xAD00;
	s20 =	simm.s32 $0xB500  }
0x8: {  	s21 =	simm.s32 $0xBD00;
	s22 =	simm.s32 $0xC500;
	s23 =	simm.s32 $0x1  }
0x9: {  	s24 =	simm.s32 $0x0;
	s3 =	sand.u32 $0x1, s3;
	s4 =	sshll.u32 s10, $0x1  }
0xa: {  	s5 =	smul.u32 $0x1F400, s10;
	[smem:$0x7FF] =	sst s2;
	p0 =	sne.s32 s10, $0x0  }
0xb: {  	s4 =	sor.u32 s3, s4;
	s6 =	smul.u32 $0xFA00, s3;
	_ =	strace $0x8000004D  }
0xc: {  	s9 =	ssub.s32 $0x2, s3;
	s3 =	sadd.s32 $0xE1000, s7;
	s8 =	smul.u32 $0xFA0, s4  }
0xd: {  	s10 =	sshrl.u32 @!p0 s1, $0x3;
	s29 =	sshrl.u32 s9, $0x1;
	s4 =	sadd.s32 s6, s5  }
0xe: {  	s31 =	ssub.s32 s9, s29;
	s30 =	sadd.s32 s8, s7;
	s11 =	sadd.s32 s4, s7  }
0xf: {  	s7 =	sadd.s32 $0xB0C800, s7;
	s8 =	smax.u32 s31, $0x1;
	s5 =	sadd.s32 $0x8B000, s30  }
0x10: {  	s6 =	sadd.s32 $0xAA400, s30;
	s9 =	sadd.s32 $0x918800, s11;
	s11 =	simm.s32 $0x2  }
.LBB2_1:
0x11: {  	s25 =	simm.s32 @!p0 $0x1C02  }
0x12: {  	[spmem:s10], [sflag:s25] =	dma.local @!p0 [hbm:s3], $0xFA00  }
0x13: {  	s25 =	simm.s32 @!p0 $0x2  }
0x14: {  	_ =	swait.ge @!p0 [sflag:s25], $0xFA00  }
0x15: {  	[sflag:s25] =	ssyncset.done @!p0 $0x0  }
0x16: {  	[sflag:s25] =	ssyncadd.s32 @!p0 $0xFFFF0600  }
0x17: {  	[bflag:$0x0] =	sbarrier.arrive $0xFFFF  }
0x18: {  	[tilespmem:s2], [sflag:$0x2] =	stream.linear.gather [hbm4b:s5+s2], $0x7D00, $0x38;
	[tilespmem:$0x14A00] =	vst v63  }
0x19: {  	_ =	swait.ge [sflag:s11], $0x7D00  }
0x1a: {  	[sflag:s11] =	ssyncset.done $0x0  }
0x1b: {  	s30 =	simm.s32 $0x0;
	[sflag:s11] =	ssyncadd.s32 $0xFFFF8300  }
0x1c: {  	[tilespmem:s13], [sflag:$0x1] =	stream.indirect.gather [spmem:s1], $0x10, s30, s12, $0xb8;
	[tilespmem:$0x14A00] =	vst v63  }
0x1d: {  	s31 =	simm.s32 $0x80  }
0x1e: {  	[tilespmem:s14], [sflag:$0x1] =	stream.indirect.gather [spmem:s1], $0x10, s31, s12, $0xb8;
	[tilespmem:$0x14A00] =	vst v63  }
0x1f: {  	s26 =	simm.s32 $0x100  }
0x20: {  	[tilespmem:s15], [sflag:$0x1] =	stream.indirect.gather [spmem:s1], $0x10, s26, s12, $0xb8;
	[tilespmem:$0x14A00] =	vst v63  }
0x21: {  	s28 =	simm.s32 $0x180  }
0x22: {  	[tilespmem:s16], [sflag:$0x1] =	stream.indirect.gather [spmem:s1], $0x10, s28, s12, $0xb8;
	[tilespmem:$0x14A00] =	vst v63  }
0x23: {  	s30 =	simm.s32 $0x200  }
0x24: {  	[tilespmem:s17], [sflag:$0x1] =	stream.indirect.gather [spmem:s1], $0x10, s30, s12, $0xb8;
	[tilespmem:$0x14A00] =	vst v63  }
0x25: {  	s31 =	simm.s32 $0x280  }
0x26: {  	[tilespmem:s18], [sflag:$0x1] =	stream.indirect.gather [spmem:s1], $0x10, s31, s12, $0xb8;
	[tilespmem:$0x14A00] =	vst v63  }
0x27: {  	s26 =	simm.s32 $0x300  }
0x28: {  	[tilespmem:s19], [sflag:$0x1] =	stream.indirect.gather [spmem:s1], $0x10, s26, s12, $0xb8;
	[tilespmem:$0x14A00] =	vst v63  }
0x29: {  	s28 =	simm.s32 $0x380  }
0x2a: {  	[tilespmem:s20], [sflag:$0x1] =	stream.indirect.gather [spmem:s1], $0x10, s28, s12, $0xb8;
	[tilespmem:$0x14A00] =	vst v63  }
0x2b: {  	s30 =	simm.s32 $0x400  }
0x2c: {  	[tilespmem:s21], [sflag:$0x1] =	stream.indirect.gather [spmem:s1], $0x10, s30, s12, $0xb8;
	[tilespmem:$0x14A00] =	vst v63  }
0x2d: {  	s31 =	simm.s32 $0x480  }
0x2e: {  	[tilespmem:s22], [sflag:$0x1] =	stream.indirect.gather [spmem:s1], $0x10, s31, s12, $0xb8;
	[tilespmem:$0x14A00] =	vst v63  }
0x2f: {  	_ =	swait.ge [sflag:s23], $0x800  }
0x30: {  	[sflag:s23] =	ssyncset.done $0x0  }
0x31: {  	[sflag:s23] =	ssyncadd.s32 $0xFFFFF800  }
0x32: {  	_ =	swait.ge [sflag:s23], $0x800  }
0x33: {  	[sflag:s23] =	ssyncset.done $0x0  }
0x34: {  	[sflag:s23] =	ssyncadd.s32 $0xFFFFF800  }
0x35: {  	_ =	swait.ge [sflag:s23], $0x800  }
0x36: {  	[sflag:s23] =	ssyncset.done $0x0  }
0x37: {  	[sflag:s23] =	ssyncadd.s32 $0xFFFFF800  }
0x38: {  	_ =	swait.ge [sflag:s23], $0x800  }
0x39: {  	[sflag:s23] =	ssyncset.done $0x0  }
0x3a: {  	[sflag:s23] =	ssyncadd.s32 $0xFFFFF800  }
0x3b: {  	_ =	swait.ge [sflag:s23], $0x800  }
0x3c: {  	[sflag:s23] =	ssyncset.done $0x0  }
0x3d: {  	[sflag:s23] =	ssyncadd.s32 $0xFFFFF800  }
0x3e: {  	_ =	swait.ge [sflag:s23], $0x800  }
0x3f: {  	[sflag:s23] =	ssyncset.done $0x0  }
0x40: {  	[sflag:s23] =	ssyncadd.s32 $0xFFFFF800  }
0x41: {  	_ =	swait.ge [sflag:s23], $0x800  }
0x42: {  	[sflag:s23] =	ssyncset.done $0x0  }
0x43: {  	[sflag:s23] =	ssyncadd.s32 $0xFFFFF800  }
0x44: {  	_ =	swait.ge [sflag:s23], $0x800  }
0x45: {  	[sflag:s23] =	ssyncset.done $0x0  }
0x46: {  	[sflag:s23] =	ssyncadd.s32 $0xFFFFF800  }
0x47: {  	_ =	swait.ge [sflag:s23], $0x800  }
0x48: {  	[sflag:s23] =	ssyncset.done $0x0  }
0x49: {  	[sflag:s23] =	ssyncadd.s32 $0xFFFFF800  }
0x4a: {  	_ =	swait.ge [sflag:s23], $0x800  }
0x4b: {  	[sflag:s23] =	ssyncset.done $0x0  }
0x4c: {  	[sflag:s23] =	ssyncadd.s32 $0xFFFFF800  }
0x4d: {  	[hbm4b:s9+s2] =	stream.linear.scatter [tilespmem:s13], [sflag:$0x2], $0x5000, $0x38;
	[tilespmem:$0x14A00] =	vst v63  }
0x4e: {  	s29 =	simm.s32 $0x2800;
	_ =	swait.ge [sflag:s11], $0x5000  }
0x4f: {  	s25 =	sadd.s32 $0xA00, s9;
	s26 =	simm.s32 $0x1400;
	[sflag:s11] =	ssyncset.done $0x0  }
.LBB2_2:
0x50: {  	s30 =	sshra.s32 s26, $0x2  }
0x51: {  	[sflag:s11] =	ssyncadd.s32 $0xFFFFB000;
	s26 =	smov.u32 s29;
	s28 =	sadd.s32 $0x1400, s29  }
0x52: {  	[tilespmem:s13], [sflag:$0x1] =	stream.indirect.gather [spmem:s1], $0x10, s30, s12, $0xb8;
	[tilespmem:$0x14A00] =	vst v63  }
0x53: {  	p1 =	sne.s32 s29, $0x1E000;
	s29 =	sadd.s32 $0x80, s30  }
0x54: {  	[tilespmem:s14], [sflag:$0x1] =	stream.indirect.gather [spmem:s1], $0x10, s29, s12, $0xb8;
	[tilespmem:$0x14A00] =	vst v63  }
0x55: {  	s29 =	sadd.s32 $0x100, s30  }
0x56: {  	[tilespmem:s15], [sflag:$0x1] =	stream.indirect.gather [spmem:s1], $0x10, s29, s12, $0xb8;
	[tilespmem:$0x14A00] =	vst v63  }
0x57: {  	s29 =	sadd.s32 $0x180, s30  }
0x58: {  	[tilespmem:s16], [sflag:$0x1] =	stream.indirect.gather [spmem:s1], $0x10, s29, s12, $0xb8;
	[tilespmem:$0x14A00] =	vst v63  }
0x59: {  	s29 =	sadd.s32 $0x200, s30  }
0x5a: {  	[tilespmem:s17], [sflag:$0x1] =	stream.indirect.gather [spmem:s1], $0x10, s29, s12, $0xb8;
	[tilespmem:$0x14A00] =	vst v63  }
0x5b: {  	s29 =	sadd.s32 $0x280, s30  }
0x5c: {  	[tilespmem:s18], [sflag:$0x1] =	stream.indirect.gather [spmem:s1], $0x10, s29, s12, $0xb8;
	[tilespmem:$0x14A00] =	vst v63  }
0x5d: {  	s29 =	sadd.s32 $0x300, s30  }
0x5e: {  	[tilespmem:s19], [sflag:$0x1] =	stream.indirect.gather [spmem:s1], $0x10, s29, s12, $0xb8;
	[tilespmem:$0x14A00] =	vst v63  }
0x5f: {  	s29 =	sadd.s32 $0x380, s30  }
0x60: {  	[tilespmem:s20], [sflag:$0x1] =	stream.indirect.gather [spmem:s1], $0x10, s29, s12, $0xb8;
	[tilespmem:$0x14A00] =	vst v63  }
0x61: {  	s29 =	sadd.s32 $0x400, s30  }
0x62: {  	[tilespmem:s21], [sflag:$0x1] =	stream.indirect.gather [spmem:s1], $0x10, s29, s12, $0xb8;
	[tilespmem:$0x14A00] =	vst v63  }
0x63: {  	s29 =	sadd.s32 $0x480, s30  }
0x64: {  	[tilespmem:s22], [sflag:$0x1] =	stream.indirect.gather [spmem:s1], $0x10, s29, s12, $0xb8;
	[tilespmem:$0x14A00] =	vst v63  }
0x65: {  	_ =	swait.ge [sflag:s23], $0x800  }
0x66: {  	[sflag:s23] =	ssyncset.done $0x0  }
0x67: {  	[sflag:s23] =	ssyncadd.s32 $0xFFFFF800  }
0x68: {  	_ =	swait.ge [sflag:s23], $0x800  }
0x69: {  	[sflag:s23] =	ssyncset.done $0x0  }
0x6a: {  	[sflag:s23] =	ssyncadd.s32 $0xFFFFF800  }
0x6b: {  	_ =	swait.ge [sflag:s23], $0x800  }
0x6c: {  	[sflag:s23] =	ssyncset.done $0x0  }
0x6d: {  	[sflag:s23] =	ssyncadd.s32 $0xFFFFF800  }
0x6e: {  	_ =	swait.ge [sflag:s23], $0x800  }
0x6f: {  	[sflag:s23] =	ssyncset.done $0x0  }
0x70: {  	[sflag:s23] =	ssyncadd.s32 $0xFFFFF800  }
0x71: {  	_ =	swait.ge [sflag:s23], $0x800  }
0x72: {  	[sflag:s23] =	ssyncset.done $0x0  }
0x73: {  	[sflag:s23] =	ssyncadd.s32 $0xFFFFF800  }
0x74: {  	_ =	swait.ge [sflag:s23], $0x800  }
0x75: {  	[sflag:s23] =	ssyncset.done $0x0  }
0x76: {  	[sflag:s23] =	ssyncadd.s32 $0xFFFFF800  }
0x77: {  	_ =	swait.ge [sflag:s23], $0x800  }
0x78: {  	[sflag:s23] =	ssyncset.done $0x0  }
0x79: {  	[sflag:s23] =	ssyncadd.s32 $0xFFFFF800  }
0x7a: {  	_ =	swait.ge [sflag:s23], $0x800  }
0x7b: {  	[sflag:s23] =	ssyncset.done $0x0  }
0x7c: {  	[sflag:s23] =	ssyncadd.s32 $0xFFFFF800  }
0x7d: {  	_ =	swait.ge [sflag:s23], $0x800  }
0x7e: {  	[sflag:s23] =	ssyncset.done $0x0  }
0x7f: {  	[sflag:s23] =	ssyncadd.s32 $0xFFFFF800  }
0x80: {  	_ =	swait.ge [sflag:s23], $0x800  }
.Ltmp0:
0x81: {  	[sflag:s23] =	ssyncset.done $0x0;
	(pc) =	sbr.rel @p1 .LBB2_2-.Ltmp0, $4  }
0x82: {  	[sflag:s23] =	ssyncadd.s32 $0xFFFFF800  }
0x83: {  	[hbm4b:s25+s2] =	stream.linear.scatter [tilespmem:s13], [sflag:$0x2], $0x5000, $0x38;
	[tilespmem:$0x14A00] =	vst v63  }
0x84: {  	_ =	swait.ge [sflag:s11], $0x5000  }
0x85: {  	s29 =	smov.u32 s28;
	s25 =	sadd.s32 $0xA00, s25;
	[sflag:s11] =	ssyncset.done $0x0  }
0x86: {  	s26 =	sshra.s32 s26, $0x2;
	[sflag:s11] =	ssyncadd.s32 $0xFFFFB000  }
0x87: {  	[tilespmem:s13], [sflag:$0x1] =	stream.indirect.gather [spmem:s1], $0x10, s26, s12, $0xb8;
	[tilespmem:$0x14A00] =	vst v63  }
0x88: {  	s28 =	sadd.s32 $0x80, s26  }
0x89: {  	[tilespmem:s14], [sflag:$0x1] =	stream.indirect.gather [spmem:s1], $0x10, s28, s12, $0xb8;
	[tilespmem:$0x14A00] =	vst v63  }
0x8a: {  	s31 =	sadd.s32 $0x100, s26  }
0x8b: {  	[tilespmem:s15], [sflag:$0x1] =	stream.indirect.gather [spmem:s1], $0x10, s31, s12, $0xb8;
	[tilespmem:$0x14A00] =	vst v63  }
0x8c: {  	s30 =	sadd.s32 $0x180, s26  }
0x8d: {  	[tilespmem:s16], [sflag:$0x1] =	stream.indirect.gather [spmem:s1], $0x10, s30, s12, $0xb8;
	[tilespmem:$0x14A00] =	vst v63  }
0x8e: {  	s31 =	sadd.s32 $0x200, s26  }
0x8f: {  	[tilespmem:s17], [sflag:$0x1] =	stream.indirect.gather [spmem:s1], $0x10, s31, s12, $0xb8;
	[tilespmem:$0x14A00] =	vst v63  }
0x90: {  	s30 =	sadd.s32 $0x280, s26  }
0x91: {  	[tilespmem:s18], [sflag:$0x1] =	stream.indirect.gather [spmem:s1], $0x10, s30, s12, $0xb8;
	[tilespmem:$0x14A00] =	vst v63  }
0x92: {  	s31 =	sadd.s32 $0x300, s26  }
0x93: {  	[tilespmem:s19], [sflag:$0x1] =	stream.indirect.gather [spmem:s1], $0x10, s31, s12, $0xb8;
	[tilespmem:$0x14A00] =	vst v63  }
0x94: {  	s30 =	sadd.s32 $0x380, s26  }
0x95: {  	[tilespmem:s20], [sflag:$0x1] =	stream.indirect.gather [spmem:s1], $0x10, s30, s12, $0xb8;
	[tilespmem:$0x14A00] =	vst v63  }
0x96: {  	s31 =	sadd.s32 $0x400, s26  }
0x97: {  	[tilespmem:s21], [sflag:$0x1] =	stream.indirect.gather [spmem:s1], $0x10, s31, s12, $0xb8;
	[tilespmem:$0x14A00] =	vst v63  }
0x98: {  	s26 =	sadd.s32 $0x480, s26  }
0x99: {  	[tilespmem:s22], [sflag:$0x1] =	stream.indirect.gather [spmem:s1], $0x10, s26, s12, $0xb8;
	[tilespmem:$0x14A00] =	vst v63  }
0x9a: {  	_ =	swait.ge [sflag:s23], $0x800  }
0x9b: {  	[sflag:s23] =	ssyncset.done $0x0  }
0x9c: {  	[sflag:s23] =	ssyncadd.s32 $0xFFFFF800  }
0x9d: {  	_ =	swait.ge [sflag:s23], $0x800  }
0x9e: {  	[sflag:s23] =	ssyncset.done $0x0  }
0x9f: {  	[sflag:s23] =	ssyncadd.s32 $0xFFFFF800  }
0xa0: {  	_ =	swait.ge [sflag:s23], $0x800  }
0xa1: {  	[sflag:s23] =	ssyncset.done $0x0  }
0xa2: {  	[sflag:s23] =	ssyncadd.s32 $0xFFFFF800  }
0xa3: {  	_ =	swait.ge [sflag:s23], $0x800  }
0xa4: {  	[sflag:s23] =	ssyncset.done $0x0  }
0xa5: {  	[sflag:s23] =	ssyncadd.s32 $0xFFFFF800  }
0xa6: {  	_ =	swait.ge [sflag:s23], $0x800  }
0xa7: {  	[sflag:s23] =	ssyncset.done $0x0  }
0xa8: {  	[sflag:s23] =	ssyncadd.s32 $0xFFFFF800  }
0xa9: {  	_ =	swait.ge [sflag:s23], $0x800  }
0xaa: {  	[sflag:s23] =	ssyncset.done $0x0  }
0xab: {  	[sflag:s23] =	ssyncadd.s32 $0xFFFFF800  }
0xac: {  	_ =	swait.ge [sflag:s23], $0x800  }
0xad: {  	[sflag:s23] =	ssyncset.done $0x0  }
0xae: {  	[sflag:s23] =	ssyncadd.s32 $0xFFFFF800  }
0xaf: {  	_ =	swait.ge [sflag:s23], $0x800  }
0xb0: {  	[sflag:s23] =	ssyncset.done $0x0  }
0xb1: {  	[sflag:s23] =	ssyncadd.s32 $0xFFFFF800  }
0xb2: {  	_ =	swait.ge [sflag:s23], $0x800  }
0xb3: {  	[sflag:s23] =	ssyncset.done $0x0  }
0xb4: {  	[sflag:s23] =	ssyncadd.s32 $0xFFFFF800  }
0xb5: {  	_ =	swait.ge [sflag:s23], $0x800  }
0xb6: {  	[sflag:s23] =	ssyncset.done $0x0  }
0xb7: {  	[sflag:s23] =	ssyncadd.s32 $0xFFFFF800  }
0xb8: {  	[hbm4b:s25+s2] =	stream.linear.scatter [tilespmem:s13], [sflag:$0x2], $0x5000, $0x38;
	[tilespmem:$0x14A00] =	vst v63  }
0xb9: {  	_ =	swait.ge [sflag:s11], $0x5000  }
0xba: {  	[sflag:s11] =	ssyncset.done $0x0  }
0xbb: {  	s26 =	simm.s32 $0x0;
	[sflag:s11] =	ssyncadd.s32 $0xFFFFB000  }
0xbc: {  	[tilespmem:s26], [sflag:$0x2] =	stream.linear.gather [hbm4b:s6+s26], $0x7D00, $0x38;
	[tilespmem:$0x14A00] =	vst v63  }
0xbd: {  	_ =	swait.ge [sflag:s11], $0x7D00  }
0xbe: {  	[sflag:s11] =	ssyncset.done $0x0  }
0xbf: {  	s28 =	simm.s32 $0x0;
	[sflag:s11] =	ssyncadd.s32 $0xFFFF8300  }
0xc0: {  	[tilespmem:s13], [sflag:$0x1] =	stream.indirect.gather [spmem:s1], $0x10, s28, s12, $0xb8;
	[tilespmem:$0x14A00] =	vst v63  }
0xc1: {  	s30 =	simm.s32 $0x80  }
0xc2: {  	[tilespmem:s14], [sflag:$0x1] =	stream.indirect.gather [spmem:s1], $0x10, s30, s12, $0xb8;
	[tilespmem:$0x14A00] =	vst v63  }
0xc3: {  	s31 =	simm.s32 $0x100  }
0xc4: {  	[tilespmem:s15], [sflag:$0x1] =	stream.indirect.gather [spmem:s1], $0x10, s31, s12, $0xb8;
	[tilespmem:$0x14A00] =	vst v63  }
0xc5: {  	s26 =	simm.s32 $0x180  }
0xc6: {  	[tilespmem:s16], [sflag:$0x1] =	stream.indirect.gather [spmem:s1], $0x10, s26, s12, $0xb8;
	[tilespmem:$0x14A00] =	vst v63  }
0xc7: {  	s28 =	simm.s32 $0x200  }
0xc8: {  	[tilespmem:s17], [sflag:$0x1] =	stream.indirect.gather [spmem:s1], $0x10, s28, s12, $0xb8;
	[tilespmem:$0x14A00] =	vst v63  }
0xc9: {  	s30 =	simm.s32 $0x280  }
0xca: {  	[tilespmem:s18], [sflag:$0x1] =	stream.indirect.gather [spmem:s1], $0x10, s30, s12, $0xb8;
	[tilespmem:$0x14A00] =	vst v63  }
0xcb: {  	s31 =	simm.s32 $0x300  }
0xcc: {  	[tilespmem:s19], [sflag:$0x1] =	stream.indirect.gather [spmem:s1], $0x10, s31, s12, $0xb8;
	[tilespmem:$0x14A00] =	vst v63  }
0xcd: {  	s26 =	simm.s32 $0x380  }
0xce: {  	[tilespmem:s20], [sflag:$0x1] =	stream.indirect.gather [spmem:s1], $0x10, s26, s12, $0xb8;
	[tilespmem:$0x14A00] =	vst v63  }
0xcf: {  	s28 =	simm.s32 $0x400  }
0xd0: {  	[tilespmem:s21], [sflag:$0x1] =	stream.indirect.gather [spmem:s1], $0x10, s28, s12, $0xb8;
	[tilespmem:$0x14A00] =	vst v63  }
0xd1: {  	s30 =	simm.s32 $0x480  }
0xd2: {  	[tilespmem:s22], [sflag:$0x1] =	stream.indirect.gather [spmem:s1], $0x10, s30, s12, $0xb8;
	[tilespmem:$0x14A00] =	vst v63  }
0xd3: {  	_ =	swait.ge [sflag:s23], $0x800  }
0xd4: {  	[sflag:s23] =	ssyncset.done $0x0  }
0xd5: {  	[sflag:s23] =	ssyncadd.s32 $0xFFFFF800  }
0xd6: {  	_ =	swait.ge [sflag:s23], $0x800  }
0xd7: {  	[sflag:s23] =	ssyncset.done $0x0  }
0xd8: {  	[sflag:s23] =	ssyncadd.s32 $0xFFFFF800  }
0xd9: {  	_ =	swait.ge [sflag:s23], $0x800  }
0xda: {  	[sflag:s23] =	ssyncset.done $0x0  }
0xdb: {  	[sflag:s23] =	ssyncadd.s32 $0xFFFFF800  }
0xdc: {  	_ =	swait.ge [sflag:s23], $0x800  }
0xdd: {  	[sflag:s23] =	ssyncset.done $0x0  }
0xde: {  	[sflag:s23] =	ssyncadd.s32 $0xFFFFF800  }
0xdf: {  	_ =	swait.ge [sflag:s23], $0x800  }
0xe0: {  	[sflag:s23] =	ssyncset.done $0x0  }
0xe1: {  	[sflag:s23] =	ssyncadd.s32 $0xFFFFF800  }
0xe2: {  	_ =	swait.ge [sflag:s23], $0x800  }
0xe3: {  	[sflag:s23] =	ssyncset.done $0x0  }
0xe4: {  	[sflag:s23] =	ssyncadd.s32 $0xFFFFF800  }
0xe5: {  	_ =	swait.ge [sflag:s23], $0x800  }
0xe6: {  	[sflag:s23] =	ssyncset.done $0x0  }
0xe7: {  	[sflag:s23] =	ssyncadd.s32 $0xFFFFF800  }
0xe8: {  	_ =	swait.ge [sflag:s23], $0x800  }
0xe9: {  	[sflag:s23] =	ssyncset.done $0x0  }
0xea: {  	[sflag:s23] =	ssyncadd.s32 $0xFFFFF800  }
0xeb: {  	_ =	swait.ge [sflag:s23], $0x800  }
0xec: {  	[sflag:s23] =	ssyncset.done $0x0  }
0xed: {  	[sflag:s23] =	ssyncadd.s32 $0xFFFFF800  }
0xee: {  	_ =	swait.ge [sflag:s23], $0x800  }
0xef: {  	[sflag:s23] =	ssyncset.done $0x0  }
0xf0: {  	s31 =	sadd.s32 s4, s7;
	[sflag:s23] =	ssyncadd.s32 $0xFFFFF800  }
0xf1: {  	[hbm4b:s31+s2] =	stream.linear.scatter [tilespmem:s13], [sflag:$0x2], $0x5000, $0x38;
	[tilespmem:$0x14A00] =	vst v63  }
0xf2: {  	s29 =	simm.s32 $0x2800;
	_ =	swait.ge [sflag:s11], $0x5000  }
0xf3: {  	s25 =	sadd.s32 $0xA00, s4;
	s26 =	simm.s32 $0x1400;
	[sflag:s11] =	ssyncset.done $0x0  }
.LBB2_4:
0xf4: {  	s30 =	sshra.s32 s26, $0x2  }
0xf5: {  	[sflag:s11] =	ssyncadd.s32 $0xFFFFB000;
	s26 =	smov.u32 s29;
	s28 =	sadd.s32 $0x1400, s29  }
0xf6: {  	[tilespmem:s13], [sflag:$0x1] =	stream.indirect.gather [spmem:s1], $0x10, s30, s12, $0xb8;
	[tilespmem:$0x14A00] =	vst v63  }
0xf7: {  	p1 =	sne.s32 s29, $0x1E000;
	s29 =	sadd.s32 $0x80, s30  }
0xf8: {  	[tilespmem:s14], [sflag:$0x1] =	stream.indirect.gather [spmem:s1], $0x10, s29, s12, $0xb8;
	[tilespmem:$0x14A00] =	vst v63  }
0xf9: {  	s29 =	sadd.s32 $0x100, s30  }
0xfa: {  	[tilespmem:s15], [sflag:$0x1] =	stream.indirect.gather [spmem:s1], $0x10, s29, s12, $0xb8;
	[tilespmem:$0x14A00] =	vst v63  }
0xfb: {  	s29 =	sadd.s32 $0x180, s30  }
0xfc: {  	[tilespmem:s16], [sflag:$0x1] =	stream.indirect.gather [spmem:s1], $0x10, s29, s12, $0xb8;
	[tilespmem:$0x14A00] =	vst v63  }
0xfd: {  	s29 =	sadd.s32 $0x200, s30  }
0xfe: {  	[tilespmem:s17], [sflag:$0x1] =	stream.indirect.gather [spmem:s1], $0x10, s29, s12, $0xb8;
	[tilespmem:$0x14A00] =	vst v63  }
0xff: {  	s29 =	sadd.s32 $0x280, s30  }
0x100: {  	[tilespmem:s18], [sflag:$0x1] =	stream.indirect.gather [spmem:s1], $0x10, s29, s12, $0xb8;
	[tilespmem:$0x14A00] =	vst v63  }
0x101: {  	s29 =	sadd.s32 $0x300, s30  }
0x102: {  	[tilespmem:s19], [sflag:$0x1] =	stream.indirect.gather [spmem:s1], $0x10, s29, s12, $0xb8;
	[tilespmem:$0x14A00] =	vst v63  }
0x103: {  	s29 =	sadd.s32 $0x380, s30  }
0x104: {  	[tilespmem:s20], [sflag:$0x1] =	stream.indirect.gather [spmem:s1], $0x10, s29, s12, $0xb8;
	[tilespmem:$0x14A00] =	vst v63  }
0x105: {  	s29 =	sadd.s32 $0x400, s30  }
0x106: {  	[tilespmem:s21], [sflag:$0x1] =	stream.indirect.gather [spmem:s1], $0x10, s29, s12, $0xb8;
	[tilespmem:$0x14A00] =	vst v63  }
0x107: {  	s29 =	sadd.s32 $0x480, s30  }
0x108: {  	[tilespmem:s22], [sflag:$0x1] =	stream.indirect.gather [spmem:s1], $0x10, s29, s12, $0xb8;
	[tilespmem:$0x14A00] =	vst v63  }
0x109: {  	_ =	swait.ge [sflag:s23], $0x800  }
0x10a: {  	[sflag:s23] =	ssyncset.done $0x0  }
0x10b: {  	[sflag:s23] =	ssyncadd.s32 $0xFFFFF800  }
0x10c: {  	_ =	swait.ge [sflag:s23], $0x800  }
0x10d: {  	[sflag:s23] =	ssyncset.done $0x0  }
0x10e: {  	[sflag:s23] =	ssyncadd.s32 $0xFFFFF800  }
0x10f: {  	_ =	swait.ge [sflag:s23], $0x800  }
0x110: {  	[sflag:s23] =	ssyncset.done $0x0  }
0x111: {  	[sflag:s23] =	ssyncadd.s32 $0xFFFFF800  }
0x112: {  	_ =	swait.ge [sflag:s23], $0x800  }
0x113: {  	[sflag:s23] =	ssyncset.done $0x0  }
0x114: {  	[sflag:s23] =	ssyncadd.s32 $0xFFFFF800  }
0x115: {  	_ =	swait.ge [sflag:s23], $0x800  }
0x116: {  	[sflag:s23] =	ssyncset.done $0x0  }
0x117: {  	[sflag:s23] =	ssyncadd.s32 $0xFFFFF800  }
0x118: {  	_ =	swait.ge [sflag:s23], $0x800  }
0x119: {  	[sflag:s23] =	ssyncset.done $0x0  }
0x11a: {  	[sflag:s23] =	ssyncadd.s32 $0xFFFFF800  }
0x11b: {  	_ =	swait.ge [sflag:s23], $0x800  }
0x11c: {  	[sflag:s23] =	ssyncset.done $0x0  }
0x11d: {  	[sflag:s23] =	ssyncadd.s32 $0xFFFFF800  }
0x11e: {  	_ =	swait.ge [sflag:s23], $0x800  }
0x11f: {  	[sflag:s23] =	ssyncset.done $0x0  }
0x120: {  	[sflag:s23] =	ssyncadd.s32 $0xFFFFF800  }
0x121: {  	_ =	swait.ge [sflag:s23], $0x800  }
0x122: {  	[sflag:s23] =	ssyncset.done $0x0  }
0x123: {  	[sflag:s23] =	ssyncadd.s32 $0xFFFFF800  }
0x124: {  	_ =	swait.ge [sflag:s23], $0x800  }
.Ltmp1:
0x125: {  	[sflag:s23] =	ssyncset.done $0x0;
	(pc) =	sbr.rel @p1 .LBB2_4-.Ltmp1, $4  }
0x126: {  	s29 =	sadd.s32 s25, s7;
	[sflag:s23] =	ssyncadd.s32 $0xFFFFF800  }
0x127: {  	[hbm4b:s29+s2] =	stream.linear.scatter [tilespmem:s13], [sflag:$0x2], $0x5000, $0x38;
	[tilespmem:$0x14A00] =	vst v63  }
0x128: {  	_ =	swait.ge [sflag:s11], $0x5000  }
0x129: {  	s25 =	sadd.s32 $0xA00, s25;
	s29 =	smov.u32 s28;
	[sflag:s11] =	ssyncset.done $0x0  }
0x12a: {  	s26 =	sshra.s32 s26, $0x2;
	[sflag:s11] =	ssyncadd.s32 $0xFFFFB000  }
0x12b: {  	[tilespmem:s13], [sflag:$0x1] =	stream.indirect.gather [spmem:s1], $0x10, s26, s12, $0xb8;
	[tilespmem:$0x14A00] =	vst v63  }
0x12c: {  	s28 =	sadd.s32 $0x80, s26  }
0x12d: {  	[tilespmem:s14], [sflag:$0x1] =	stream.indirect.gather [spmem:s1], $0x10, s28, s12, $0xb8;
	[tilespmem:$0x14A00] =	vst v63  }
0x12e: {  	s31 =	sadd.s32 $0x100, s26  }
0x12f: {  	[tilespmem:s15], [sflag:$0x1] =	stream.indirect.gather [spmem:s1], $0x10, s31, s12, $0xb8;
	[tilespmem:$0x14A00] =	vst v63  }
0x130: {  	s29 =	sadd.s32 $0x180, s26  }
0x131: {  	[tilespmem:s16], [sflag:$0x1] =	stream.indirect.gather [spmem:s1], $0x10, s29, s12, $0xb8;
	[tilespmem:$0x14A00] =	vst v63  }
0x132: {  	s30 =	sadd.s32 $0x200, s26  }
0x133: {  	[tilespmem:s17], [sflag:$0x1] =	stream.indirect.gather [spmem:s1], $0x10, s30, s12, $0xb8;
	[tilespmem:$0x14A00] =	vst v63  }
0x134: {  	s31 =	sadd.s32 $0x280, s26  }
0x135: {  	[tilespmem:s18], [sflag:$0x1] =	stream.indirect.gather [spmem:s1], $0x10, s31, s12, $0xb8;
	[tilespmem:$0x14A00] =	vst v63  }
0x136: {  	s29 =	sadd.s32 $0x300, s26  }
0x137: {  	[tilespmem:s19], [sflag:$0x1] =	stream.indirect.gather [spmem:s1], $0x10, s29, s12, $0xb8;
	[tilespmem:$0x14A00] =	vst v63  }
0x138: {  	s30 =	sadd.s32 $0x380, s26  }
0x139: {  	[tilespmem:s20], [sflag:$0x1] =	stream.indirect.gather [spmem:s1], $0x10, s30, s12, $0xb8;
	[tilespmem:$0x14A00] =	vst v63  }
0x13a: {  	s31 =	sadd.s32 $0x400, s26  }
0x13b: {  	[tilespmem:s21], [sflag:$0x1] =	stream.indirect.gather [spmem:s1], $0x10, s31, s12, $0xb8;
	[tilespmem:$0x14A00] =	vst v63  }
0x13c: {  	s26 =	sadd.s32 $0x480, s26  }
0x13d: {  	[tilespmem:s22], [sflag:$0x1] =	stream.indirect.gather [spmem:s1], $0x10, s26, s12, $0xb8;
	[tilespmem:$0x14A00] =	vst v63  }
0x13e: {  	_ =	swait.ge [sflag:s23], $0x800  }
0x13f: {  	[sflag:s23] =	ssyncset.done $0x0  }
0x140: {  	[sflag:s23] =	ssyncadd.s32 $0xFFFFF800  }
0x141: {  	_ =	swait.ge [sflag:s23], $0x800  }
0x142: {  	[sflag:s23] =	ssyncset.done $0x0  }
0x143: {  	[sflag:s23] =	ssyncadd.s32 $0xFFFFF800  }
0x144: {  	_ =	swait.ge [sflag:s23], $0x800  }
0x145: {  	[sflag:s23] =	ssyncset.done $0x0  }
0x146: {  	[sflag:s23] =	ssyncadd.s32 $0xFFFFF800  }
0x147: {  	_ =	swait.ge [sflag:s23], $0x800  }
0x148: {  	[sflag:s23] =	ssyncset.done $0x0  }
0x149: {  	[sflag:s23] =	ssyncadd.s32 $0xFFFFF800  }
0x14a: {  	_ =	swait.ge [sflag:s23], $0x800  }
0x14b: {  	[sflag:s23] =	ssyncset.done $0x0  }
0x14c: {  	[sflag:s23] =	ssyncadd.s32 $0xFFFFF800  }
0x14d: {  	_ =	swait.ge [sflag:s23], $0x800  }
0x14e: {  	[sflag:s23] =	ssyncset.done $0x0  }
0x14f: {  	[sflag:s23] =	ssyncadd.s32 $0xFFFFF800  }
0x150: {  	_ =	swait.ge [sflag:s23], $0x800  }
0x151: {  	[sflag:s23] =	ssyncset.done $0x0  }
0x152: {  	[sflag:s23] =	ssyncadd.s32 $0xFFFFF800  }
0x153: {  	_ =	swait.ge [sflag:s23], $0x800  }
0x154: {  	[sflag:s23] =	ssyncset.done $0x0  }
0x155: {  	[sflag:s23] =	ssyncadd.s32 $0xFFFFF800  }
0x156: {  	_ =	swait.ge [sflag:s23], $0x800  }
0x157: {  	[sflag:s23] =	ssyncset.done $0x0  }
0x158: {  	[sflag:s23] =	ssyncadd.s32 $0xFFFFF800  }
0x159: {  	s24 =	sadd.s32 $0x1, s24;
	_ =	swait.ge [sflag:s23], $0x800  }
0x15a: {  	p1 =	sne.s32 s24, s8;
	[sflag:s23] =	ssyncset.done $0x0  }
.Ltmp2:
0x15b: {  	s25 =	sadd.s32 s25, s7;
	[sflag:s23] =	ssyncadd.s32 $0xFFFFF800;
	(pc) =	sbr.rel @p1 .LBB2_1-.Ltmp2, $4  }
0x15c: {  	[hbm4b:s25+s2] =	stream.linear.scatter [tilespmem:s13], [sflag:$0x2], $0x5000, $0x38;
	[tilespmem:$0x14A00] =	vst v63  }
0x15d: {  	_ =	swait.ge [sflag:s11], $0x5000  }
0x15e: {  	[sflag:s11] =	ssyncset.done $0x0  }
0x15f: {  	[sflag:s11] =	ssyncadd.s32 $0xFFFFB000  }
0x160: {  	_ =	sfence.sel $0x180000  }
0x161: {  	[bflag:$0x0] =	sbarrier.arrive $0xFFFF  }
0x162: {  	_ =	strace $0x9000004D  }
0x163: {  	s0 =	sadd.s32 @!p0 $0x100000, s0;
	[bflag:$0x2] =	sbarrier.arrive $0xFFFF  }
0x164: {  	[sflag:s0] =	ssyncadd.tile.s32 @!p0 $0x1;
	_ =	shalt  }
.Lfunc_end2:
_tile_overlayer_lowered:
.L_overlay_start_2:
0x165: {  	(tag) =	ssettag $0x2  }
0x166: {  	s0 =	rddreg [dreg:$0x0];
	s2 =	stileid.u32  }
0x167: {  	s1 =	rddreg [dreg:$0x1];
	p0 =	sne.s32 s2, $0x0  }
0x168: {  	s3 =	rddreg [dreg:$0x2];
	[bflag:$0x3] =	sbarrier.arrive $0xFFFF;
	s2 =	simm.s32 @!p0 $0x1C02  }
0x169: {  	[timem:s3], [sflag:s2] =	dma.local @!p0 [hbm:s0], s1  }
0x16a: {  	s0 =	simm.s32 @!p0 $0x2  }
0x16b: {  	_ =	swait.ge @!p0 [sflag:s0], s1  }
0x16c: {  	s1 =	ssub.s32 @!p0 $0x0, s1;
	[sflag:s0] =	ssyncset.done @!p0 $0x0  }
0x16d: {  	[sflag:s0] =	ssyncadd.s32 @!p0 s1  }
0x16e: {  	[bflag:$0x3] =	sbarrier.arrive $0xFFFF  }
0x16f: {  	_ =	shalt  }

// kernel: kernel.23.cloned.1.call-start
scs
__scs_entry_jumppad:
0x0: {  	(pc) =	sbr.rel $0x88, $3  }
0x1: {  	(tag) =	ssettag $0x0;
	lr =	simm.s32 $0x1  }
0x2: {  	[smem:$0x3F73] =	sst lr;
	_ =	strace $0xD0000000  }
0x3: {  	_ = 	snop  }
0x4: {  	_ = 	snop  }
0x5: {  	_ = 	snop  }
0x6: {  	_ = 	snop  }
0x7: {  	_ = 	snop  }
__scs_overlays_trampoline_lowered:
0x8: {  	[smem:$0x3F82] =	sst s0  }
0x9: {  	[smem:$0x3F83] =	sst s1  }
0xa: {  	[smem:$0x3F84] =	sst s2  }
0xb: {  	[smem:$0x3F85] =	sst s3  }
0xc: {  	[smem:$0x3F86] =	sst s4  }
0xd: {  	[smem:$0x3F87] =	sst s5  }
0xe: {  	[smem:$0x3F88] =	sst s6  }
0xf: {  	[smem:$0x3F89] =	sst s7  }
0x10: {  	[smem:$0x3F8A] =	sst s8  }
0x11: {  	[smem:$0x3F8B] =	sst s9;
	s0 =	simm.s32 @!p0 $0x0  }
0x12: {  	s1 =	sld [smem:$0x3F71];
	s0 =	simm.s32 @p0 $0x1  }
0x13: {  	[smem:$0x3F8C] =	sst s0;
	s0 =	simm.s32 @!p1 $0x0  }
0x14: {  	s2 =	sld [smem:$0x3F70];
	s0 =	simm.s32 @p1 $0x1  }
0x15: {  	[smem:$0x3F8D] =	sst s0;
	s0 =	simm.s32 @!p2 $0x0  }
0x16: {  	s3 =	sld [smem:$0x3FDB];
	s0 =	simm.s32 @p2 $0x1  }
0x17: {  	s4 =	simm.s32 $0x1BF5;
	[smem:$0x3F8F] =	sst s0  }
0x18: {  	s0 =	sld [smem:$0x3F72];
	_ =	swait.ge [sflag:s4], $0x0  }
0x19: {  	s7 =	sld [smem:$0x3F73]  }
0x1a: {  	s8 =	sadd.s32 $0xFFFFE003, lr  }
0x1b: {  	s9 =	sadd.s32 $0xFFFFFEF7, lr;
	s5 =	simm.s32 $0xFFFFFFFF;
	p2 =	slt.u32 s8, $0xFFFFF086  }
0x1c: {  	p1 =	slt.u32 s9, $0xF7A;
	s5 =	simm.s32 @!p2 $0x0  }
0x1d: {  	s5 =	simm.s32 @p1 $0x1;
	p0 =	seq.s32 s7, s2  }
0x1e: {  	s7 =	smul.u32 @!p0 $0xF7A, s2;
	p2 =	seq.s32 @!p0 s5, $0x0  }
0x1f: {  	s9 =	smul.u32 $0xF7A, s1;
	s8 =	simm.s32 @!p0 $0x1BF5;
	p2 =	por !p2, p0  }
0x20: {  	[sflag:s8] =	ssyncset.s32 @!p0 $0xFFFFF086;
	s6 =	sadd.s32 @!p0 s3, s7;
	s7 =	simm.s32 @!p0 $0x108  }
0x21: {  	s3 =	sadd.s32 s3, s9;
	s6 =	sadd.s32 @!p0 $0x88, s6;
	s7 =	simm.s32 @p2 $0x1082  }
0x22: {  	[simem:s7], [sflag:s8] =	dma.local @!p0 [hbm:s6], $0xF7A  }
0x23: {  	s9 =	sor.u32 $0xD0000000, s2;
	s6 =	simm.s32 $0x108;
	_ =	swait.ge @!p0 [sflag:s8], $0x0  }
0x24: {  	s3 =	sadd.s32 $0x88, s3;
	s6 =	simm.s32 @!p1 $0x1082;
	[sflag:s4] =	ssyncset.s32 $0xFFFFF086  }
0x25: {  	[simem:s6], [sflag:s4] =	dma.local [hbm:s3], $0xF7A  }
0x26: {  	[smem:$0x3F73] =	sst s1;
	(tag) =	ssettag s2;
	_ =	strace s9  }
0x27: {  	s1 =	sld [smem:$0x3F83]  }
0x28: {  	s2 =	sld [smem:$0x3F84]  }
0x29: {  	s4 =	sld [smem:$0x3F86]  }
0x2a: {  	p0 =	seq.s32 s5, $0x0;
	s5 =	sld [smem:$0x3F87]  }
0x2b: {  	s6 =	sld [smem:$0x3F88]  }
0x2c: {  	s7 =	sld [smem:$0x3F89]  }
0x2d: {  	s3 =	simm.s32 $0x108;
	s8 =	sld [smem:$0x3F8A]  }
0x2e: {  	s3 =	simm.s32 @!p0 $0x1082;
	s9 =	sld [smem:$0x3F8B]  }
0x2f: {  	lr =	sadd.s32 s0, s3;
	s0 =	sld [smem:$0x3F82]  }
0x30: {  	s3 =	sld [smem:$0x3F85]  }
0x31: {  	[smem:$0x3F8E] =	sst s10  }
0x32: {  	s10 =	sld [smem:$0x3F8C];
	_ =	sdelay $0x3  }
0x33: {  	p0 =	seq.s32 s10, $0x1;
	s10 =	sld [smem:$0x3F8E];
	_ =	sdelay $0x3  }
0x34: {  	[smem:$0x3F8E] =	sst s10  }
0x35: {  	s10 =	sld [smem:$0x3F8D];
	_ =	sdelay $0x3  }
0x36: {  	p1 =	seq.s32 s10, $0x1;
	s10 =	sld [smem:$0x3F8E];
	_ =	sdelay $0x3  }
0x37: {  	[smem:$0x3F8E] =	sst s10  }
0x38: {  	s10 =	sld [smem:$0x3F8F]  }
0x39: {  	_ = 	snop;
	(pc) =	sbr.ind lr, $3  }
0x3a: {  	_ = 	snop  }
0x3b: {  	_ = 	snop  }
0x3c: {  	p2 =	seq.s32 s10, $0x1;
	s10 =	sld [smem:$0x3F8E]  }
0x3d: {  	_ =	shalt  }
0x3e: {  	_ =	shalt  }
0x3f: {  	_ =	shalt  }
0x40: {  	_ =	shalt  }
0x41: {  	_ =	shalt  }
0x42: {  	_ =	shalt  }
0x43: {  	_ =	shalt  }
0x44: {  	_ =	shalt  }
0x45: {  	_ =	shalt  }
0x46: {  	_ =	shalt  }
0x47: {  	_ =	shalt  }
0x48: {  	_ =	shalt  }
0x49: {  	_ =	shalt  }
0x4a: {  	_ =	shalt  }
0x4b: {  	_ =	shalt  }
0x4c: {  	_ =	shalt  }
0x4d: {  	_ =	shalt  }
0x4e: {  	_ =	shalt  }
0x4f: {  	_ =	shalt  }
0x50: {  	_ =	shalt  }
0x51: {  	_ =	shalt  }
0x52: {  	_ =	shalt  }
0x53: {  	_ =	shalt  }
0x54: {  	_ =	shalt  }
0x55: {  	_ =	shalt  }
0x56: {  	_ =	shalt  }
0x57: {  	_ =	shalt  }
0x58: {  	_ =	shalt  }
0x59: {  	_ =	shalt  }
0x5a: {  	_ =	shalt  }
0x5b: {  	_ =	shalt  }
0x5c: {  	_ =	shalt  }
0x5d: {  	_ =	shalt  }
0x5e: {  	_ =	shalt  }
0x5f: {  	_ =	shalt  }
0x60: {  	_ =	shalt  }
0x61: {  	_ =	shalt  }
0x62: {  	_ =	shalt  }
0x63: {  	_ =	shalt  }
0x64: {  	_ =	shalt  }
0x65: {  	_ =	shalt  }
0x66: {  	_ =	shalt  }
0x67: {  	_ =	shalt  }
0x68: {  	_ =	shalt  }
0x69: {  	_ =	shalt  }
0x6a: {  	_ =	shalt  }
0x6b: {  	_ =	shalt  }
0x6c: {  	_ =	shalt  }
0x6d: {  	_ =	shalt  }
0x6e: {  	_ =	shalt  }
0x6f: {  	_ =	shalt  }
0x70: {  	_ =	shalt  }
0x71: {  	_ =	shalt  }
0x72: {  	_ =	shalt  }
0x73: {  	_ =	shalt  }
0x74: {  	_ =	shalt  }
0x75: {  	_ =	shalt  }
0x76: {  	_ =	shalt  }
0x77: {  	_ =	shalt  }
0x78: {  	_ =	shalt  }
0x79: {  	_ =	shalt  }
0x7a: {  	_ =	shalt  }
0x7b: {  	_ =	shalt  }
0x7c: {  	_ =	shalt  }
0x7d: {  	_ =	shalt  }
0x7e: {  	_ =	shalt  }
0x7f: {  	_ =	shalt  }
0x80: {  	_ =	shalt  }
0x81: {  	_ =	shalt  }
0x82: {  	_ =	shalt  }
0x83: {  	_ =	shalt  }
0x84: {  	_ =	shalt  }
0x85: {  	_ =	shalt  }
0x86: {  	_ =	shalt  }
0x87: {  	_ =	shalt  }
.Lfunc_end0:
.L_simem_size_0:
called_computation.3_lowered:
.L_overlay_start_0:
0x88: {  	s2 =	sld [smem:$0x3FD9]  }
0x89: {  	s3 =	sld [smem:$0x3FFE];
	_ =	sdelay $0x1  }
0x8a: {  	s1 =	srdreg.scid  }
0x8b: {  	s0 =	sand.u32 $0x1, s1  }
0x8c: {  	s16 =	sshll.u32 s0, $0xA;
	s2 =	sadd.s32 s3, s2  }
0x8d: {  	s2 =	sadd.s32 s2, s16  }
0x8e: {  	[smem:$0x3F9A] =	sst s2  }
0x8f: {  	_ = 	snop  }
0x90: {  	(tm) =	ssettm $0x1  }
0x91: {  	s17 =	sld [smem:$0x3FFB];
	_ =	sdelay $0x3  }
0x92: {  	_ =	strace s17  }
0x93: {  	s2 =	sld [smem:$0x3FFC];
	_ =	sdelay $0x3  }
0x94: {  	_ =	strace s2  }
0x95: {  	s2 =	sld [smem:$0x3FFD];
	_ =	sdelay $0x3  }
0x96: {  	_ =	strace s2  }
0x97: {  	_ =	strace $0x8FFFFFFF  }
0x98: {  	s18 =	sld [smem:$0x3FDB];
	_ =	sdelay $0x1  }
0x99: {  	s19 =	simm.s32 $_scs_section_size  }
0x9a: {  	s4 =	simm.s32 $_size__tile_overlayer_lowered;
	s5 =	simm.s32 $_tile_overlayer_lowered  }
0x9b: {  	s22 =	simm.s32 $0x1BFF;
	s21 =	sshll.u32 s5, $0x1;
	s2 =	sadd.s32 s19, s18  }
0x9c: {  	s6 =	simm.s32 $0x0;
	s20 =	sshll.u32 s4, $0x1;
	s4 =	sadd.s32 s21, s2  }
0x9d: {  	[timem:s6], [sflag:s22] =	dma.local [hbm:s4], s20  }
0x9e: {  	_ =	swait.ge [sflag:s22], s20  }
0x9f: {  	s3 =	ssub.s32 $0x0, s20;
	[sflag:s22] =	ssyncset.done $0x0  }
0xa0: {  	[sflag:s22] =	ssyncadd.s32 s3;
	_ =	sdelay $0x1  }
0xa1: {  	s23 =	simm.s32 $0x1B8B  }
0xa2: {  	_ =	swait.ge [sflag:s23], $0x1  }
0xa3: {  	[sflag:s23] =	ssyncset.done $0x0  }
0xa4: {  	s25 =	simm.s32 $0x1B8E;
	s24 =	sld [smem:$0x3FFE];
	[sflag:s23] =	ssyncadd.s32 $0xFFFFFFFF  }
0xa5: {  	s26 =	simm.s32 $execute0_lowered;
	[smem:$0x3FD2] =	sst s25  }
0xa6: {  	s4 =	sshll.u32 s26, $0x1;
	_ =	strace $0x8000004F;
	[dreg:$0x1] =	wrdreg $0xFFFFFFFF  }
0xa7: {  	s28 =	simm.s32 $_size_execute0_lowered;
	s2 =	sadd.s32 s2, s4;
	[dreg:$0x0] =	wrdreg $0x0  }
0xa8: {  	s4 =	sshll.u32 s28, $0x1;
	[dreg:$0x2] =	wrdreg s2  }
0xa9: {  	[dreg:$0x3] =	wrdreg s4  }
0xaa: {  	[dreg:$0x4] =	wrdreg $0xC0  }
0xab: {  	_ =	task [dreg:s6], $0x5FFFF  }
0xac: {  	[dreg:$0x1] =	wrdreg $0xFFFFFFFF  }
0xad: {  	[dreg:$0x0] =	wrdreg $0x60  }
0xae: {  	[dreg:$0x2] =	wrdreg s24  }
0xaf: {  	[dreg:$0x3] =	wrdreg $0xCD000  }
0xb0: {  	[dreg:$0x4] =	wrdreg $0x9  }
0xb1: {  	_ =	task.clear_ibuf [dreg:s6], $0x5FFFF;
	_ =	strace $0x9000004F  }
0xb2: {  	s29 =	simm.s32 $0x9;
	_ =	strace $0x80000051  }
0xb3: {  	_ =	swait.ge [sflag:s29], $0x1  }
0xb4: {  	[sflag:s29] =	ssyncadd.s32 $0xFFFFFFFF  }
0xb5: {  	_ =	strace $0x90000051  }
0xb6: {  	_ =	sfence  }
0xb7: {  	s30 =	sld [smem:$0x0];
	_ =	sdelay $0x2  }
0xb8: {  	s31 =	sshll.u32 s1, $0xD;
	s1 =	sshrl.u32 s1, $0x2  }
0xb9: {  	s3 =	sand.u32 $0x4000, s31;
	s1 =	sadd.s32 s1, s30  }
0xba: {  	s0 =	sor.u32 s3, s0;
	s1 =	sshll.u32 s1, $0x11  }
0xbb: {  	s0 =	sor.u32 s1, s0  }
0xbc: {  	s0 =	sadd.s32 $0x8F2B, s0  }
0xbd: {  	[sflag:s0] =	ssyncadd.remote.s32 $0x1  }
0xbe: {  	_ =	sfence.sel $0xFFFF  }
0xbf: {  	[dreg:$0x0] =	wrdreg $0xFFFFFFFF;
	(pc) =	sbr.abs _section_cstart, $3  }
0xc0: {  	[dreg:$0x1] =	wrdreg $0xFFFFFFFF  }
0xc1: {  	_ =	task.clear_ibuf [dreg:s6], $0x2FFFF;
	_ =	strace $0x9FFFFFFF  }
0xc2: {  	(tm) =	ssettm $0x7FFFFFFF  }
0xc3: {  	_ =	shalt  }
tec
execute0_lowered:
.L_overlay_start_1:
0x0: {  	(tag) =	ssettag $0x1  }
0x1: {  	s4 =	rddreg [dreg:$0x0];
	s0 =	srdreg.scid  }
0x2: {  	s7 =	stileid.u32;
	s1 =	rddreg [dreg:$0x1]  }
0x3: {  	s2 =	simm.s32 $0x0;
	s11 =	simm.s32 $0x80;
	s12 =	simm.s32 $0x8500  }
0x4: {  	s13 =	simm.s32 $0x8D00;
	s14 =	simm.s32 $0x9500;
	s15 =	simm.s32 $0x9D00  }
0x5: {  	s16 =	simm.s32 $0xA500;
	s17 =	simm.s32 $0xAD00;
	s18 =	simm.s32 $0xB500  }
0x6: {  	s19 =	simm.s32 $0xBD00;
	s20 =	simm.s32 $0xC500;
	s21 =	simm.s32 $0x0  }
0x7: {  	s5 =	sand.u32 $0x1, s0;
	s3 =	sshll.u32 s7, $0x1;
	s10 =	smul.u32 $0x1F400, s7  }
0x8: {  	s0 =	rddreg [dreg:$0x2];
	s3 =	sor.u32 s5, s3;
	s6 =	smul.u32 $0xFA00, s5  }
0x9: {  	[smem:$0x7FF] =	sst s2;
	s5 =	ssub.s32 $0x2, s5;
	s3 =	smul.u32 $0xFA0, s3  }
0xa: {  	p0 =	sne.s32 s7, $0x0;
	_ =	strace $0x80000050;
	s29 =	sshrl.u32 s5, $0x1  }
0xb: {  	s9 =	sadd.s32 s6, s4;
	s30 =	ssub.s32 s5, s29;
	s8 =	sadd.s32 s3, s4  }
0xc: {  	s3 =	sadd.s32 $0xC9800, s4;
	s5 =	sadd.s32 $0x8B000, s9;
	s6 =	smax.u32 s30, $0x1  }
0xd: {  	s31 =	sadd.s32 s10, s9;
	s9 =	simm.s32 $0x1;
	s10 =	simm.s32 $0x7D00  }
0xe: {  	s4 =	sadd.s32 $0xAA400, s8;
	s7 =	sadd.s32 $0xE1000, s31;
	s8 =	sshrl.u32 @!p0 s1, $0x3  }
.LBB2_1:
0xf: {  	s22 =	simm.s32 @!p0 $0x1C01  }
0x10: {  	[spmem:s8], [sflag:s22] =	dma.local @!p0 [hbm:s3], $0xFA00  }
0x11: {  	s22 =	simm.s32 @!p0 $0x1  }
0x12: {  	_ =	swait.ge @!p0 [sflag:s22], $0xFA00  }
0x13: {  	[sflag:s22] =	ssyncset.done @!p0 $0x0  }
0x14: {  	[sflag:s22] =	ssyncadd.s32 @!p0 $0xFFFF0600  }
0x15: {  	[bflag:$0x0] =	sbarrier.arrive $0xFFFF  }
0x16: {  	[tilespmem:s2], [sflag:$0x1] =	stream.linear.gather [hbm4b:s4+s2], $0x7D00, $0x38;
	[tilespmem:$0x14A00] =	vst v63  }
0x17: {  	_ =	swait.ge [sflag:s9], $0x7D00  }
0x18: {  	[sflag:s9] =	ssyncset.done $0x0  }
0x19: {  	[sflag:s9] =	ssyncadd.s32 $0xFFFF8300  }
0x1a: {  	[tilespmem:s10], [sflag:$0x1] =	stream.linear.gather [hbm4b:s7+s2], $0x5000, $0x38;
	[tilespmem:$0x14A00] =	vst v63  }
0x1b: {  	_ =	swait.ge [sflag:s9], $0x5000  }
0x1c: {  	[sflag:s9] =	ssyncset.done $0x0  }
0x1d: {  	s30 =	simm.s32 $0x0;
	[sflag:s9] =	ssyncadd.s32 $0xFFFFB000  }
0x1e: {  	[spmem:s1] =	stream.indirect.scatter.add.f32 [tilespmem:s10], [sflag:$0x1], $0x10, s30, s11, $0xb8;
	[tilespmem:$0x14A00] =	vst v63  }
0x1f: {  	_ =	swait.ge [sflag:s9], $0x800  }
0x20: {  	[sflag:s9] =	ssyncset.done $0x0  }
0x21: {  	s31 =	simm.s32 $0x80;
	[sflag:s9] =	ssyncadd.s32 $0xFFFFF800  }
0x22: {  	[spmem:s1] =	stream.indirect.scatter.add.f32 [tilespmem:s12], [sflag:$0x1], $0x10, s31, s11, $0xb8;
	[tilespmem:$0x14A00] =	vst v63  }
0x23: {  	_ =	swait.ge [sflag:s9], $0x800  }
0x24: {  	[sflag:s9] =	ssyncset.done $0x0  }
0x25: {  	s23 =	simm.s32 $0x100;
	[sflag:s9] =	ssyncadd.s32 $0xFFFFF800  }
0x26: {  	[spmem:s1] =	stream.indirect.scatter.add.f32 [tilespmem:s13], [sflag:$0x1], $0x10, s23, s11, $0xb8;
	[tilespmem:$0x14A00] =	vst v63  }
0x27: {  	_ =	swait.ge [sflag:s9], $0x800  }
0x28: {  	[sflag:s9] =	ssyncset.done $0x0  }
0x29: {  	s24 =	simm.s32 $0x180;
	[sflag:s9] =	ssyncadd.s32 $0xFFFFF800  }
0x2a: {  	[spmem:s1] =	stream.indirect.scatter.add.f32 [tilespmem:s14], [sflag:$0x1], $0x10, s24, s11, $0xb8;
	[tilespmem:$0x14A00] =	vst v63  }
0x2b: {  	_ =	swait.ge [sflag:s9], $0x800  }
0x2c: {  	[sflag:s9] =	ssyncset.done $0x0  }
0x2d: {  	s25 =	simm.s32 $0x200;
	[sflag:s9] =	ssyncadd.s32 $0xFFFFF800  }
0x2e: {  	[spmem:s1] =	stream.indirect.scatter.add.f32 [tilespmem:s15], [sflag:$0x1], $0x10, s25, s11, $0xb8;
	[tilespmem:$0x14A00] =	vst v63  }
0x2f: {  	_ =	swait.ge [sflag:s9], $0x800  }
0x30: {  	[sflag:s9] =	ssyncset.done $0x0  }
0x31: {  	s26 =	simm.s32 $0x280;
	[sflag:s9] =	ssyncadd.s32 $0xFFFFF800  }
0x32: {  	[spmem:s1] =	stream.indirect.scatter.add.f32 [tilespmem:s16], [sflag:$0x1], $0x10, s26, s11, $0xb8;
	[tilespmem:$0x14A00] =	vst v63  }
0x33: {  	_ =	swait.ge [sflag:s9], $0x800  }
0x34: {  	[sflag:s9] =	ssyncset.done $0x0  }
0x35: {  	s28 =	simm.s32 $0x300;
	[sflag:s9] =	ssyncadd.s32 $0xFFFFF800  }
0x36: {  	[spmem:s1] =	stream.indirect.scatter.add.f32 [tilespmem:s17], [sflag:$0x1], $0x10, s28, s11, $0xb8;
	[tilespmem:$0x14A00] =	vst v63  }
0x37: {  	_ =	swait.ge [sflag:s9], $0x800  }
0x38: {  	[sflag:s9] =	ssyncset.done $0x0  }
0x39: {  	s29 =	simm.s32 $0x380;
	[sflag:s9] =	ssyncadd.s32 $0xFFFFF800  }
0x3a: {  	[spmem:s1] =	stream.indirect.scatter.add.f32 [tilespmem:s18], [sflag:$0x1], $0x10, s29, s11, $0xb8;
	[tilespmem:$0x14A00] =	vst v63  }
0x3b: {  	_ =	swait.ge [sflag:s9], $0x800  }
0x3c: {  	[sflag:s9] =	ssyncset.done $0x0  }
0x3d: {  	s30 =	simm.s32 $0x400;
	[sflag:s9] =	ssyncadd.s32 $0xFFFFF800  }
0x3e: {  	[spmem:s1] =	stream.indirect.scatter.add.f32 [tilespmem:s19], [sflag:$0x1], $0x10, s30, s11, $0xb8;
	[tilespmem:$0x14A00] =	vst v63  }
0x3f: {  	_ =	swait.ge [sflag:s9], $0x800  }
0x40: {  	[sflag:s9] =	ssyncset.done $0x0  }
0x41: {  	s31 =	simm.s32 $0x480;
	[sflag:s9] =	ssyncadd.s32 $0xFFFFF800  }
0x42: {  	[spmem:s1] =	stream.indirect.scatter.add.f32 [tilespmem:s20], [sflag:$0x1], $0x10, s31, s11, $0xb8;
	[tilespmem:$0x14A00] =	vst v63  }
0x43: {  	_ =	swait.ge [sflag:s9], $0x800  }
0x44: {  	s22 =	simm.s32 $0x1400;
	s23 =	smov.u32 s7;
	[sflag:s9] =	ssyncset.done $0x0  }
.LBB2_2:
0x45: {  	p1 =	sne.s32 s22, $0x1E000;
	[sflag:s9] =	ssyncadd.s32 $0xFFFFF800;
	s23 =	sadd.s32 $0xA00, s23  }
0x46: {  	[tilespmem:s10], [sflag:$0x1] =	stream.linear.gather [hbm4b:s23+s2], $0x5000, $0x38;
	[tilespmem:$0x14A00] =	vst v63  }
0x47: {  	s24 =	smov.u32 s22;
	s22 =	sadd.s32 $0x1400, s22;
	_ =	swait.ge [sflag:s9], $0x5000  }
0x48: {  	[sflag:s9] =	ssyncset.done $0x0  }
0x49: {  	s24 =	sshra.s32 s24, $0x2;
	[sflag:s9] =	ssyncadd.s32 $0xFFFFB000  }
0x4a: {  	[spmem:s1] =	stream.indirect.scatter.add.f32 [tilespmem:s10], [sflag:$0x1], $0x10, s24, s11, $0xb8;
	[tilespmem:$0x14A00] =	vst v63  }
0x4b: {  	_ =	swait.ge [sflag:s9], $0x800  }
0x4c: {  	[sflag:s9] =	ssyncset.done $0x0  }
0x4d: {  	s25 =	sadd.s32 $0x80, s24;
	[sflag:s9] =	ssyncadd.s32 $0xFFFFF800  }
0x4e: {  	[spmem:s1] =	stream.indirect.scatter.add.f32 [tilespmem:s12], [sflag:$0x1], $0x10, s25, s11, $0xb8;
	[tilespmem:$0x14A00] =	vst v63  }
0x4f: {  	_ =	swait.ge [sflag:s9], $0x800  }
0x50: {  	[sflag:s9] =	ssyncset.done $0x0  }
0x51: {  	s25 =	sadd.s32 $0x100, s24;
	[sflag:s9] =	ssyncadd.s32 $0xFFFFF800  }
0x52: {  	[spmem:s1] =	stream.indirect.scatter.add.f32 [tilespmem:s13], [sflag:$0x1], $0x10, s25, s11, $0xb8;
	[tilespmem:$0x14A00] =	vst v63  }
0x53: {  	_ =	swait.ge [sflag:s9], $0x800  }
0x54: {  	[sflag:s9] =	ssyncset.done $0x0  }
0x55: {  	s25 =	sadd.s32 $0x180, s24;
	[sflag:s9] =	ssyncadd.s32 $0xFFFFF800  }
0x56: {  	[spmem:s1] =	stream.indirect.scatter.add.f32 [tilespmem:s14], [sflag:$0x1], $0x10, s25, s11, $0xb8;
	[tilespmem:$0x14A00] =	vst v63  }
0x57: {  	_ =	swait.ge [sflag:s9], $0x800  }
0x58: {  	[sflag:s9] =	ssyncset.done $0x0  }
0x59: {  	s25 =	sadd.s32 $0x200, s24;
	[sflag:s9] =	ssyncadd.s32 $0xFFFFF800  }
0x5a: {  	[spmem:s1] =	stream.indirect.scatter.add.f32 [tilespmem:s15], [sflag:$0x1], $0x10, s25, s11, $0xb8;
	[tilespmem:$0x14A00] =	vst v63  }
0x5b: {  	_ =	swait.ge [sflag:s9], $0x800  }
0x5c: {  	[sflag:s9] =	ssyncset.done $0x0  }
0x5d: {  	s25 =	sadd.s32 $0x280, s24;
	[sflag:s9] =	ssyncadd.s32 $0xFFFFF800  }
0x5e: {  	[spmem:s1] =	stream.indirect.scatter.add.f32 [tilespmem:s16], [sflag:$0x1], $0x10, s25, s11, $0xb8;
	[tilespmem:$0x14A00] =	vst v63  }
0x5f: {  	_ =	swait.ge [sflag:s9], $0x800  }
0x60: {  	[sflag:s9] =	ssyncset.done $0x0  }
0x61: {  	s25 =	sadd.s32 $0x300, s24;
	[sflag:s9] =	ssyncadd.s32 $0xFFFFF800  }
0x62: {  	[spmem:s1] =	stream.indirect.scatter.add.f32 [tilespmem:s17], [sflag:$0x1], $0x10, s25, s11, $0xb8;
	[tilespmem:$0x14A00] =	vst v63  }
0x63: {  	_ =	swait.ge [sflag:s9], $0x800  }
0x64: {  	[sflag:s9] =	ssyncset.done $0x0  }
0x65: {  	s25 =	sadd.s32 $0x380, s24;
	[sflag:s9] =	ssyncadd.s32 $0xFFFFF800  }
0x66: {  	[spmem:s1] =	stream.indirect.scatter.add.f32 [tilespmem:s18], [sflag:$0x1], $0x10, s25, s11, $0xb8;
	[tilespmem:$0x14A00] =	vst v63  }
0x67: {  	_ =	swait.ge [sflag:s9], $0x800  }
0x68: {  	[sflag:s9] =	ssyncset.done $0x0  }
0x69: {  	s25 =	sadd.s32 $0x400, s24;
	[sflag:s9] =	ssyncadd.s32 $0xFFFFF800  }
0x6a: {  	[spmem:s1] =	stream.indirect.scatter.add.f32 [tilespmem:s19], [sflag:$0x1], $0x10, s25, s11, $0xb8;
	[tilespmem:$0x14A00] =	vst v63  }
0x6b: {  	_ =	swait.ge [sflag:s9], $0x800  }
.Ltmp0:
0x6c: {  	[sflag:s9] =	ssyncset.done $0x0;
	(pc) =	sbr.rel @p1 .LBB2_2-.Ltmp0, $4  }
0x6d: {  	s24 =	sadd.s32 $0x480, s24;
	[sflag:s9] =	ssyncadd.s32 $0xFFFFF800  }
0x6e: {  	[spmem:s1] =	stream.indirect.scatter.add.f32 [tilespmem:s20], [sflag:$0x1], $0x10, s24, s11, $0xb8;
	[tilespmem:$0x14A00] =	vst v63  }
0x6f: {  	_ =	swait.ge [sflag:s9], $0x800  }
0x70: {  	[sflag:s9] =	ssyncset.done $0x0  }
0x71: {  	[sflag:s9] =	ssyncadd.s32 $0xFFFFF800;
	s21 =	sadd.s32 $0x1, s21  }
0x72: {  	s22 =	simm.s32 @!p0 $0x1C01;
	[bflag:$0x0] =	sbarrier.arrive $0xFFFF;
	p1 =	sne.s32 s21, s6  }
0x73: {  	[hbm:s5], [sflag:s22] =	dma.local @!p0 [spmem:s8], $0xFA00  }
.Ltmp1:
0x74: {  	_ = 	snop;
	(pc) =	sbr.rel @p1 .LBB2_1-.Ltmp1, $4  }
0x75: {  	s22 =	simm.s32 @!p0 $0x1  }
0x76: {  	_ =	swait.ge @!p0 [sflag:s22], $0xFA00  }
0x77: {  	[sflag:s22] =	ssyncset.done @!p0 $0x0  }
0x78: {  	[sflag:s22] =	ssyncadd.s32 @!p0 $0xFFFF0600  }
0x79: {  	_ =	sfence.sel $0x180000  }
0x7a: {  	[bflag:$0x0] =	sbarrier.arrive $0xFFFF  }
0x7b: {  	_ =	strace $0x90000050  }
0x7c: {  	s0 =	sadd.s32 @!p0 $0x100000, s0;
	[bflag:$0x2] =	sbarrier.arrive $0xFFFF  }
0x7d: {  	[sflag:s0] =	ssyncadd.tile.s32 @!p0 $0x1;
	_ =	shalt  }
.Lfunc_end2:
_tile_overlayer_lowered:
.L_overlay_start_2:
0x7e: {  	(tag) =	ssettag $0x2  }
0x7f: {  	s0 =	rddreg [dreg:$0x0];
	s2 =	stileid.u32  }
0x80: {  	s1 =	rddreg [dreg:$0x1];
	p0 =	sne.s32 s2, $0x0  }
0x81: {  	s3 =	rddreg [dreg:$0x2];
	[bflag:$0x3] =	sbarrier.arrive $0xFFFF;
	s2 =	simm.s32 @!p0 $0x1C01  }
0x82: {  	[timem:s3], [sflag:s2] =	dma.local @!p0 [hbm:s0], s1  }
0x83: {  	s0 =	simm.s32 @!p0 $0x1  }
0x84: {  	_ =	swait.ge @!p0 [sflag:s0], s1  }
0x85: {  	s1 =	ssub.s32 @!p0 $0x0, s1;
	[sflag:s0] =	ssyncset.done @!p0 $0x0  }
0x86: {  	[sflag:s0] =	ssyncadd.s32 @!p0 s1  }
0x87: {  	[bflag:$0x3] =	sbarrier.arrive $0xFFFF  }
0x88: {  	_ =	shalt  }

</sc_bundles>
